<compile_context>
chip_gen: v7x
topology: tpu7x:2x2x1
jax: 0.10.2.dev20260603
libtpu: 0.0.44.dev20260713+nightly
codegen_flags: <defaults>
</compile_context>

<pallas_src>
import functools

import jax
import jax.numpy as jnp
from jax import lax
from jax.experimental import pallas as pl
from jax.experimental.pallas import tpu as pltpu
from jax.experimental.pallas import tpu_sc as plsc

E = 8
EP = 128
T = 2048
D = 1024
C = 640
OVB = 640
V2 = 6
R = E * C + V2 * OVB
NC, NS = 2, 16
NW = NC * NS
CH = T // NW
TRI = 512


def _router_body(x_ref, gwt_ref, route_ref, cnt_ref, xb_ref,
                 w0b_ref, w1b_ref):
    x = x_ref[...]
    logits = lax.dot_general(
        x.astype(jnp.bfloat16), gwt_ref[...].astype(jnp.bfloat16),
        (((1,), (0,)), ((), ())), preferred_element_type=jnp.float32)
    col = lax.broadcasted_iota(jnp.int32, (T, EP), 1)
    logits = jnp.where(col < E, logits, jnp.float32(-1e30))
    m = jnp.max(logits, axis=1, keepdims=True)
    ex = jnp.exp(logits - m)
    scores = ex / jnp.sum(ex, axis=1, keepdims=True)
    s1 = jnp.max(scores, axis=1, keepdims=True)
    i1 = jnp.min(jnp.where(scores == s1, col, EP), axis=1, keepdims=True)
    oh1 = col == i1
    s2 = jnp.max(jnp.where(oh1, jnp.float32(-1.0), scores), axis=1,
                 keepdims=True)
    i2 = jnp.min(jnp.where((scores == s2) & (~oh1), col, EP), axis=1,
                 keepdims=True)
    oh2 = col == i2

    ri = lax.broadcasted_iota(jnp.int32, (TRI, TRI), 0)
    ci = lax.broadcasted_iota(jnp.int32, (TRI, TRI), 1)
    ltri = (ci < ri).astype(jnp.bfloat16)
    running = jnp.zeros((1, EP), jnp.float32)
    parts = []
    for oh in (oh1, oh2):
        ohf = oh.astype(jnp.float32)
        for blk in range(T // TRI):
            ohb = ohf[blk * TRI:(blk + 1) * TRI, :]
            within = lax.dot_general(
                ltri, ohb.astype(jnp.bfloat16), (((1,), (0,)), ((), ())),
                preferred_element_type=jnp.float32)
            ranks_blk = within + running
            parts.append(jnp.sum(ranks_blk * ohb, axis=1, keepdims=True))
            running = running + jnp.sum(ohb, axis=0, keepdims=True)
    r1 = jnp.concatenate(parts[:4], axis=0)
    r2 = jnp.concatenate(parts[4:], axis=0)
    cnt = running

    ri2 = lax.broadcasted_iota(jnp.int32, (EP, EP), 0)
    ci2 = lax.broadcasted_iota(jnp.int32, (EP, EP), 1)
    mlt = (ri2 < ci2).astype(jnp.float32)
    excl = functools.partial(
        lax.dot_general, dimension_numbers=(((1,), (0,)), ((), ())),
        precision=lax.Precision.HIGHEST, preferred_element_type=jnp.float32)
    off = excl(cnt, mlt)
    ov = jnp.maximum(cnt - C, 0.0)
    ovpad = jnp.floor((ov + (OVB - 1)) / OVB) * OVB
    p2o = excl(ovpad, mlt)

    ohf1 = oh1.astype(jnp.float32)
    ohf2 = oh2.astype(jnp.float32)
    def slot_for(ohf, idx, rk):
        base = jnp.sum(off * ohf, axis=1, keepdims=True)
        p2 = jnp.sum(p2o * ohf, axis=1, keepdims=True)
        ef = idx.astype(jnp.float32)
        return jnp.where(rk < C, ef * C + rk, E * C + p2 + (rk - C))
    slot0 = slot_for(ohf1, i1, r1)
    slot1 = slot_for(ohf2, i2, r2)
    w0 = s1
    w1 = s2

    g = (jnp.where(col == 0, slot0, 0.0) + jnp.where(col == 1, slot1, 0.0)
         + jnp.where(col == 2, w0, 0.0) + jnp.where(col == 3, w1, 0.0))
    route_ref[...] = lax.transpose(g, (1, 0))
    cnt_ref[...] = cnt
    xb_ref[...] = x.astype(jnp.bfloat16)
    w0b_ref[...] = jnp.broadcast_to(w0, (T, 16))
    w1b_ref[...] = jnp.broadcast_to(w1, (T, 16))


def _make_dispatch():
    mesh = plsc.VectorSubcoreMesh(core_axis_name="c", subcore_axis_name="s")

    @functools.partial(
        pl.kernel, mesh=mesh,
        out_type=jax.ShapeDtypeStruct((R, D), jnp.float32),
        scratch_types=[
            pltpu.VMEM((CH, D), jnp.float32),
            pltpu.VMEM((CH,), jnp.float32),
            pltpu.VMEM((CH,), jnp.int32),
            pltpu.VMEM((CH,), jnp.int32),
            pltpu.SemaphoreType.DMA,
            pltpu.SemaphoreType.DMA,
        ],
    )
    def dispatch(x_hbm, route_hbm, xd_hbm, rows_v, sf_v, idx0_v, idx1_v,
                 sem0, sem1):
        wid = lax.axis_index("s") * NC + lax.axis_index("c")
        base = wid * CH
        pltpu.sync_copy(x_hbm.at[pl.ds(base, CH)], rows_v)
        for k, (idx_v, sem) in enumerate(((idx0_v, sem0), (idx1_v, sem1))):
            pltpu.sync_copy(route_hbm.at[k, pl.ds(base, CH)], sf_v)
            for c in range(CH // 16):
                idx_v[pl.ds(c * 16, 16)] = (
                    sf_v[pl.ds(c * 16, 16)].astype(jnp.int32))
        h0 = pltpu.async_copy(rows_v, xd_hbm.at[idx0_v], sem0)
        h1 = pltpu.async_copy(rows_v, xd_hbm.at[idx1_v], sem1)
        h0.wait()
        h1.wait()

    return dispatch


def _pass1_body(m_ref, x_ref, wg_ref, wu_ref, wd_ref, y_ref, xb_scr):
    g = pl.program_id(0)
    f = pl.program_id(1)
    na = m_ref[V2]

    @pl.when(g < E + na)
    def _():
        @pl.when(f == 0)
        def _():
            xb_scr[...] = x_ref[...].astype(jnp.bfloat16)
            y_ref[...] = jnp.zeros_like(y_ref)

        xb = xb_scr[...]
        wg = wg_ref[0].astype(jnp.bfloat16)
        wu = wu_ref[0].astype(jnp.bfloat16)
        wd = wd_ref[0].astype(jnp.bfloat16)
        nt = (((1,), (1,)), ((), ()))
        a = lax.dot_general(xb, wg, nt, preferred_element_type=jnp.float32)
        bb = lax.dot_general(xb, wu, nt, preferred_element_type=jnp.float32)
        h = (a * jax.nn.sigmoid(a) * bb).astype(jnp.bfloat16)
        y_ref[...] += lax.dot_general(h, wd, nt,
                                      preferred_element_type=jnp.float32)


def _shared_body(xb_ref, wg_ref, wu_ref, wd_ref, out_ref):
    f = pl.program_id(0)

    @pl.when(f == 0)
    def _():
        out_ref[...] = jnp.zeros_like(out_ref)

    xb = xb_ref[...]
    wg = wg_ref[...].astype(jnp.bfloat16)
    wu = wu_ref[...].astype(jnp.bfloat16)
    wd = wd_ref[...].astype(jnp.bfloat16)
    nt = (((1,), (1,)), ((), ()))
    a = lax.dot_general(xb, wg, nt, preferred_element_type=jnp.float32)
    b = lax.dot_general(xb, wu, nt, preferred_element_type=jnp.float32)
    h = (a * jax.nn.sigmoid(a) * b).astype(jnp.bfloat16)
    out_ref[...] += lax.dot_general(h, wd, nt,
                                    preferred_element_type=jnp.float32)


def _make_combine():
    mesh = plsc.VectorSubcoreMesh(core_axis_name="c", subcore_axis_name="s")
    chunks = CH // 16

    nbuf = 2

    @functools.partial(
        pl.kernel, mesh=mesh,
        out_type=jax.ShapeDtypeStruct((T, D), jnp.float32),
        scratch_types=(
            [pltpu.VMEM((16, D), jnp.float32)] * (3 * nbuf)
            + [pltpu.VMEM((16,), jnp.float32)] * nbuf
            + [pltpu.VMEM((16,), jnp.int32)] * (2 * nbuf)
            + [pltpu.VMEM((16, 16), jnp.float32)] * (2 * nbuf)
            + [pltpu.SemaphoreType.DMA] * (3 * nbuf)
        ),
    )
    def combine(y_hbm, sh_hbm, route_hbm, w0b_hbm, w1b_hbm, out_hbm, *scr):
        y0b = scr[0:2]
        y1b = scr[2:4]
        shb = scr[4:6]
        sfb = scr[6:8]
        idx0b = scr[8:10]
        idx1b = scr[10:12]
        w0bv = scr[12:14]
        w1bv = scr[14:16]
        sems = scr[16:22]
        wid = lax.axis_index("s") * NC + lax.axis_index("c")
        base = wid * CH

        def issue(ci, bs):
            tb = base + ci * 16
            pltpu.sync_copy(route_hbm.at[0, pl.ds(tb, 16)], sfb[bs])
            idx0b[bs][...] = sfb[bs][...].astype(jnp.int32)
            pltpu.sync_copy(route_hbm.at[1, pl.ds(tb, 16)], sfb[bs])
            idx1b[bs][...] = sfb[bs][...].astype(jnp.int32)
            pltpu.sync_copy(w0b_hbm.at[pl.ds(tb, 16)], w0bv[bs])
            pltpu.sync_copy(w1b_hbm.at[pl.ds(tb, 16)], w1bv[bs])
            return (
                pltpu.async_copy(y_hbm.at[idx0b[bs]], y0b[bs], sems[3 * bs]),
                pltpu.async_copy(y_hbm.at[idx1b[bs]], y1b[bs],
                                 sems[3 * bs + 1]),
                pltpu.async_copy(sh_hbm.at[pl.ds(tb, 16)], shb[bs],
                                 sems[3 * bs + 2]),
            )

        def crunch(ci, bs, handles):
            for h in handles:
                h.wait()
            sh_v, y0_v, y1_v = shb[bs], y0b[bs], y1b[bs]
            w0_v, w1_v = w0bv[bs], w1bv[bs]

            def dbody(dd, _):
                sl = pl.ds(dd * 16, 16)
                for r in range(16):
                    sh_v[r, sl] = (sh_v[r, sl] + w0_v[r] * y0_v[r, sl]
                                   + w1_v[r] * y1_v[r, sl])
                return 0

            lax.fori_loop(0, D // 16, dbody, 0)
            pltpu.sync_copy(sh_v, out_hbm.at[pl.ds(base + ci * 16, 16)])

        pending = issue(0, 0)
        for ci in range(chunks):
            nxt = None
            if ci + 1 < chunks:
                nxt = issue(ci + 1, (ci + 1) % nbuf)
            crunch(ci, ci % nbuf, pending)
            pending = nxt

    return combine


def _dispatch_op(x, route):
    return _make_dispatch()(x, route)


def _combine_op(y, shared, route, w0b, w1b):
    return _make_combine()(y, shared, route, w0b, w1b)


def kernel(hidden_states, gate_weight, w_gate, w_up, w_down,
           sw_gate, sw_up, sw_down):
    b, s, d = hidden_states.shape
    ff = w_gate.shape[1]
    sff = sw_gate.shape[0]
    x = hidden_states.reshape(T, D)
    gwt = jnp.pad(gate_weight.T, ((0, 0), (0, EP - E)))

    route, cnt, xb, w0b, w1b = pl.pallas_call(
        _router_body,
        out_shape=(
            jax.ShapeDtypeStruct((EP, T), jnp.float32),
            jax.ShapeDtypeStruct((1, EP), jnp.float32),
            jax.ShapeDtypeStruct((T, D), jnp.bfloat16),
            jax.ShapeDtypeStruct((T, 16), jnp.float32),
            jax.ShapeDtypeStruct((T, 16), jnp.float32),
        ),
    )(x, gwt)

    cnt_i = cnt[0, :E].astype(jnp.int32)
    nblk = (jnp.maximum(cnt_i - C, 0) + OVB - 1) // OVB
    cumn = jnp.cumsum(nblk)
    na = cumn[-1]
    varange = jnp.arange(V2)
    vexp = jnp.minimum(
        jnp.sum((cumn[None, :] <= varange[:, None]).astype(jnp.int32), axis=1),
        E - 1)
    meta = jnp.concatenate([vexp, na[None]]).astype(jnp.int32)

    xd = _dispatch_op(x, route)

    tf = 512
    nf = ff // tf

    def xmap(g, f, m):
        nact = m[V2]
        return (jnp.where(g < E + nact, g, E + jnp.maximum(nact - 1, 0)), 0)

    def _wexpert(g, m):
        nact = m[V2]
        act = g < E + nact
        e_act = jnp.where(g < E, g, m[jnp.clip(g - E, 0, V2 - 1)])
        return jnp.where(act, e_act, m[jnp.maximum(nact - 1, 0)]), act

    def wmap(g, f, m):
        e, act = _wexpert(g, m)
        return (e, jnp.where(act, f, 0), 0)

    def wdmap(g, f, m):
        e, act = _wexpert(g, m)
        return (e, 0, jnp.where(act, f, 0))

    y = pl.pallas_call(
        _pass1_body,
        grid_spec=pltpu.PrefetchScalarGridSpec(
            num_scalar_prefetch=1,
            grid=(E + V2, nf),
            in_specs=[
                pl.BlockSpec((C, D), xmap),
                pl.BlockSpec((1, tf, D), wmap),
                pl.BlockSpec((1, tf, D), wmap),
                pl.BlockSpec((1, D, tf), wdmap),
            ],
            out_specs=pl.BlockSpec((C, D), xmap),
            scratch_shapes=[pltpu.VMEM((C, D), jnp.bfloat16)],
        ),
        out_shape=jax.ShapeDtypeStruct((R, D), jnp.float32),
    )(meta, xd, w_gate, w_up, w_down)

    tfs = 256
    nfs = sff // tfs
    shared = pl.pallas_call(
        _shared_body,
        grid=(nfs,),
        in_specs=[
            pl.BlockSpec((T, D), lambda fi: (0, 0)),
            pl.BlockSpec((tfs, D), lambda fi: (fi, 0)),
            pl.BlockSpec((tfs, D), lambda fi: (fi, 0)),
            pl.BlockSpec((D, tfs), lambda fi: (0, fi)),
        ],
        out_specs=pl.BlockSpec((T, D), lambda fi: (0, 0)),
        out_shape=jax.ShapeDtypeStruct((T, D), jnp.float32),
    )(xb, sw_gate, sw_up, sw_down)

    out = _combine_op(y, shared, route, w0b, w1b)
    return out.reshape(b, s, d)

# --- scband reference (transcript-rebuilt; emitter-appended) ---
"""Pipeline reference for scband-sparse-moe-block-85487029059974 (READ-ONLY COPY).

The authoritative reference and input builder live on the scoring server;
editing this copy changes nothing except your own understanding.
"""

import jax, jax.numpy as jnp
import numpy as np

E = 8
TOP_K = 2
D = 1024
FF = 4096
SFF = 2048
B = 1
S = 2048


def _silu(x):
    return x * jax.nn.sigmoid(x)


def setup_inputs(seed: int = 0) -> dict:
    key = jax.random.key(seed)
    ks = jax.random.split(key, 9)
    scale = 0.02
    return {
        "hidden_states": jax.random.normal(ks[0], (B, S, D), dtype=jnp.float32),
        "gate_weight": jax.random.normal(ks[1], (E, D), dtype=jnp.float32) * scale,
        "w_gate": jax.random.normal(ks[2], (E, FF, D), dtype=jnp.float32) * scale,
        "w_up": jax.random.normal(ks[3], (E, FF, D), dtype=jnp.float32) * scale,
        "w_down": jax.random.normal(ks[4], (E, D, FF), dtype=jnp.float32) * scale,
        "sw_gate": jax.random.normal(ks[5], (SFF, D), dtype=jnp.float32) * scale,
        "sw_up": jax.random.normal(ks[6], (SFF, D), dtype=jnp.float32) * scale,
        "sw_down": jax.random.normal(ks[7], (D, SFF), dtype=jnp.float32) * scale,
    }


def reference(hidden_states, gate_weight, w_gate, w_up, w_down, sw_gate, sw_up, sw_down):
    b, s, d = hidden_states.shape
    x = hidden_states.reshape(-1, d)
    # MoEGate: linear -> softmax -> top-k (norm_topk_prob=False, eval mode: no aux loss)
    logits = x @ gate_weight.T
    scores = jax.nn.softmax(logits, axis=-1)
    topk_weight, topk_idx = jax.lax.top_k(scores, TOP_K)
    # combine weights per expert: [T, E]
    combine = jnp.sum(jax.nn.one_hot(topk_idx, E, dtype=x.dtype) * topk_weight[..., None], axis=1)
    # routed experts (SwiGLU MLPs), weighted combine
    out = jnp.zeros_like(x)
    for e in range(E):
        h = _silu(x @ w_gate[e].T) * (x @ w_up[e].T)
        out = out + combine[:, e:e + 1] * (h @ w_down[e].T)
    # shared experts applied to identity
    shared = (_silu(x @ sw_gate.T) * (x @ sw_up.T)) @ sw_down.T
    out = out + shared
    return out.reshape(b, s, d)

if __name__ == "__main__":
    import jax
    _d = setup_inputs()
    print(jax.jit(kernel)(*tuple(_d.values())))

</pallas_src>

<mosaic_0001>
#map = affine_map<(d0, d1) -> (0, 0)>
module attributes {stable_mosaic.version = 14 : i64} {
  func.func @dispatch(%arg0: i32, %arg1: i32, %arg2: memref<2048x1024xf32, #tpu.memory_space<hbm>>, %arg3: memref<128x2048xf32, #tpu.memory_space<hbm>>, %arg4: memref<8960x1024xf32, #tpu.memory_space<hbm>>, %arg5: memref<64x1024xf32, #tpu.memory_space<vmem>>, %arg6: memref<64xf32, #tpu.memory_space<vmem>>, %arg7: memref<64xi32, #tpu.memory_space<vmem>>, %arg8: memref<64xi32, #tpu.memory_space<vmem>>, %arg9: memref<!tpu.dma_semaphore, #tpu.memory_space<semaphore_mem>>, %arg10: memref<!tpu.dma_semaphore, #tpu.memory_space<semaphore_mem>>) attributes {dimension_semantics = [#tpu.dimension_semantics<core_parallel>, #tpu.dimension_semantics<subcore_parallel>], iteration_bounds = array<i64: 2, 16>, scalar_prefetch = 0 : i64, scratch_operands = 6 : i64, tpu.core_type = #tpu.core_type<sc_vector_subcore>, window_params = [{transform_indices = #map}, {transform_indices = #map}, {transform_indices = #map}]} {
    %mul3A = arith.constant 2 : i32
    %mul3A_0 = arith.muli %arg1, %mul3A : i32
    %add3A = arith.addi %mul3A_0, %arg0 : i32
    %mul3A_1 = arith.constant 64 : i32
    %mul3A_2 = arith.muli %add3A, %mul3A_1 : i32
    "tpu.region"() ({
      %run_scoped3A_75 = tpu.sem_alloc : memref<!tpu.dma_semaphore, #tpu.memory_space<semaphore_mem>>
      %dma_start3A_76 = arith.constant 0 : i32
      %dma_start3A_77 = tpu.memref_slice %arg2[%mul3A_2, %dma_start3A_76] : memref<2048x1024xf32, #tpu.memory_space<hbm>> -> memref<64x1024xf32, #tpu.memory_space<hbm>>
      %dma_start3A_78 = arith.constant 0 : i32
      %dma_start3A_79 = tpu.memref_slice %arg2[%mul3A_2, %dma_start3A_78] : memref<2048x1024xf32, #tpu.memory_space<hbm>> -> memref<64x1024xf32, #tpu.memory_space<hbm>>
      tpu.enqueue_dma source(%dma_start3A_79 : memref<64x1024xf32, #tpu.memory_space<hbm>>) target(%arg5 : memref<64x1024xf32, #tpu.memory_space<vmem>>) target_semaphore(%run_scoped3A_75 : memref<!tpu.dma_semaphore, #tpu.memory_space<semaphore_mem>>)
      %dma_wait3A_80 = arith.constant 0 : i32
      %dma_wait3A_81 = tpu.memref_slice %arg2[%mul3A_2, %dma_wait3A_80] : memref<2048x1024xf32, #tpu.memory_space<hbm>> -> memref<64x1024xf32, #tpu.memory_space<hbm>>
      %dma_wait3A_82 = arith.constant 0 : i32
      %dma_wait3A_83 = tpu.memref_slice %arg2[%mul3A_2, %dma_wait3A_82] : memref<2048x1024xf32, #tpu.memory_space<hbm>> -> memref<64x1024xf32, #tpu.memory_space<hbm>>
      tpu.wait_dma2 semaphore(%run_scoped3A_75 : memref<!tpu.dma_semaphore, #tpu.memory_space<semaphore_mem>>) src(%dma_wait3A_83 : memref<64x1024xf32, #tpu.memory_space<hbm>>) dst(%arg5 : memref<64x1024xf32, #tpu.memory_space<vmem>>)
      tpu.yield
    }) : () -> ()
    %run_scoped3A = arith.constant 0 : i32
    "tpu.region"() ({
      %run_scoped3A_75 = tpu.sem_alloc : memref<!tpu.dma_semaphore, #tpu.memory_space<semaphore_mem>>
      %dma_start3A_76 = tpu.memref_slice %arg3[%run_scoped3A, %mul3A_2] : memref<128x2048xf32, #tpu.memory_space<hbm>> -> memref<1x64xf32, #tpu.memory_space<hbm>>
      %dma_start3A_77 = tpu.memref_squeeze %dma_start3A_76 : memref<1x64xf32, #tpu.memory_space<hbm>> -> memref<64xf32, #tpu.memory_space<hbm>>
      %dma_start3A_78 = tpu.memref_slice %arg3[%run_scoped3A, %mul3A_2] : memref<128x2048xf32, #tpu.memory_space<hbm>> -> memref<1x64xf32, #tpu.memory_space<hbm>>
      %dma_start3A_79 = tpu.memref_squeeze %dma_start3A_78 : memref<1x64xf32, #tpu.memory_space<hbm>> -> memref<64xf32, #tpu.memory_space<hbm>>
      tpu.enqueue_dma source(%dma_start3A_79 : memref<64xf32, #tpu.memory_space<hbm>>) target(%arg6 : memref<64xf32, #tpu.memory_space<vmem>>) target_semaphore(%run_scoped3A_75 : memref<!tpu.dma_semaphore, #tpu.memory_space<semaphore_mem>>)
      %dma_wait3A_80 = tpu.memref_slice %arg3[%run_scoped3A, %mul3A_2] : memref<128x2048xf32, #tpu.memory_space<hbm>> -> memref<1x64xf32, #tpu.memory_space<hbm>>
      %dma_wait3A_81 = tpu.memref_squeeze %dma_wait3A_80 : memref<1x64xf32, #tpu.memory_space<hbm>> -> memref<64xf32, #tpu.memory_space<hbm>>
      %dma_wait3A_82 = tpu.memref_slice %arg3[%run_scoped3A, %mul3A_2] : memref<128x2048xf32, #tpu.memory_space<hbm>> -> memref<1x64xf32, #tpu.memory_space<hbm>>
      %dma_wait3A_83 = tpu.memref_squeeze %dma_wait3A_82 : memref<1x64xf32, #tpu.memory_space<hbm>> -> memref<64xf32, #tpu.memory_space<hbm>>
      tpu.wait_dma2 semaphore(%run_scoped3A_75 : memref<!tpu.dma_semaphore, #tpu.memory_space<semaphore_mem>>) src(%dma_wait3A_83 : memref<64xf32, #tpu.memory_space<hbm>>) dst(%arg6 : memref<64xf32, #tpu.memory_space<vmem>>)
      tpu.yield
    }) : () -> ()
    %get3A = arith.constant 0 : index
    %get3A_3 = tpu.vector_load %arg6[%get3A] {strides = array<i32>} : memref<64xf32, #tpu.memory_space<vmem>>, vector<16xf32>,
    %get3A_4 = vector.shape_cast %get3A_3 : vector<16xf32> to vector<16xf32>
    %convert_element_type3A = arith.fptosi %get3A_4 : vector<16xf32> to vector<16xi32>
    %swap3A = arith.constant 0 : index
    %swap3A_5 = tpu.vector_load %arg7[%swap3A] {strides = array<i32>} : memref<64xi32, #tpu.memory_space<vmem>>, vector<16xi32>,
    %swap3A_6 = vector.shape_cast %swap3A_5 : vector<16xi32> to vector<16xi32>
    %swap3A_7 = vector.shape_cast %convert_element_type3A : vector<16xi32> to vector<16xi32>
    tpu.vector_store %arg7[%swap3A], %swap3A_7 {strides = array<i32>} : memref<64xi32, #tpu.memory_space<vmem>>, vector<16xi32>,
    %get3A_8 = arith.constant 16 : index
    %get3A_9 = tpu.vector_load %arg6[%get3A_8] {strides = array<i32>} : memref<64xf32, #tpu.memory_space<vmem>>, vector<16xf32>,
    %get3A_10 = vector.shape_cast %get3A_9 : vector<16xf32> to vector<16xf32>
    %convert_element_type3A_11 = arith.fptosi %get3A_10 : vector<16xf32> to vector<16xi32>
    %swap3A_12 = arith.constant 16 : index
    %swap3A_13 = tpu.vector_load %arg7[%swap3A_12] {strides = array<i32>} : memref<64xi32, #tpu.memory_space<vmem>>, vector<16xi32>,
    %swap3A_14 = vector.shape_cast %swap3A_13 : vector<16xi32> to vector<16xi32>
    %swap3A_15 = vector.shape_cast %convert_element_type3A_11 : vector<16xi32> to vector<16xi32>
    tpu.vector_store %arg7[%swap3A_12], %swap3A_15 {strides = array<i32>} : memref<64xi32, #tpu.memory_space<vmem>>, vector<16xi32>,
    %get3A_16 = arith.constant 32 : index
    %get3A_17 = tpu.vector_load %arg6[%get3A_16] {strides = array<i32>} : memref<64xf32, #tpu.memory_space<vmem>>, vector<16xf32>,
    %get3A_18 = vector.shape_cast %get3A_17 : vector<16xf32> to vector<16xf32>
    %convert_element_type3A_19 = arith.fptosi %get3A_18 : vector<16xf32> to vector<16xi32>
    %swap3A_20 = arith.constant 32 : index
    %swap3A_21 = tpu.vector_load %arg7[%swap3A_20] {strides = array<i32>} : memref<64xi32, #tpu.memory_space<vmem>>, vector<16xi32>,
    %swap3A_22 = vector.shape_cast %swap3A_21 : vector<16xi32> to vector<16xi32>
    %swap3A_23 = vector.shape_cast %convert_element_type3A_19 : vector<16xi32> to vector<16xi32>
    tpu.vector_store %arg7[%swap3A_20], %swap3A_23 {strides = array<i32>} : memref<64xi32, #tpu.memory_space<vmem>>, vector<16xi32>,
    %get3A_24 = arith.constant 48 : index
    %get3A_25 = tpu.vector_load %arg6[%get3A_24] {strides = array<i32>} : memref<64xf32, #tpu.memory_space<vmem>>, vector<16xf32>,
    %get3A_26 = vector.shape_cast %get3A_25 : vector<16xf32> to vector<16xf32>
    %convert_element_type3A_27 = arith.fptosi %get3A_26 : vector<16xf32> to vector<16xi32>
    %swap3A_28 = arith.constant 48 : index
    %swap3A_29 = tpu.vector_load %arg7[%swap3A_28] {strides = array<i32>} : memref<64xi32, #tpu.memory_space<vmem>>, vector<16xi32>,
    %swap3A_30 = vector.shape_cast %swap3A_29 : vector<16xi32> to vector<16xi32>
    %swap3A_31 = vector.shape_cast %convert_element_type3A_27 : vector<16xi32> to vector<16xi32>
    tpu.vector_store %arg7[%swap3A_28], %swap3A_31 {strides = array<i32>} : memref<64xi32, #tpu.memory_space<vmem>>, vector<16xi32>,
    %run_scoped3A_32 = arith.constant 1 : i32
    "tpu.region"() ({
      %run_scoped3A_75 = tpu.sem_alloc : memref<!tpu.dma_semaphore, #tpu.memory_space<semaphore_mem>>
      %dma_start3A_76 = tpu.memref_slice %arg3[%run_scoped3A_32, %mul3A_2] : memref<128x2048xf32, #tpu.memory_space<hbm>> -> memref<1x64xf32, #tpu.memory_space<hbm>>
      %dma_start3A_77 = tpu.memref_squeeze %dma_start3A_76 : memref<1x64xf32, #tpu.memory_space<hbm>> -> memref<64xf32, #tpu.memory_space<hbm>>
      %dma_start3A_78 = tpu.memref_slice %arg3[%run_scoped3A_32, %mul3A_2] : memref<128x2048xf32, #tpu.memory_space<hbm>> -> memref<1x64xf32, #tpu.memory_space<hbm>>
      %dma_start3A_79 = tpu.memref_squeeze %dma_start3A_78 : memref<1x64xf32, #tpu.memory_space<hbm>> -> memref<64xf32, #tpu.memory_space<hbm>>
      tpu.enqueue_dma source(%dma_start3A_79 : memref<64xf32, #tpu.memory_space<hbm>>) target(%arg6 : memref<64xf32, #tpu.memory_space<vmem>>) target_semaphore(%run_scoped3A_75 : memref<!tpu.dma_semaphore, #tpu.memory_space<semaphore_mem>>)
      %dma_wait3A_80 = tpu.memref_slice %arg3[%run_scoped3A_32, %mul3A_2] : memref<128x2048xf32, #tpu.memory_space<hbm>> -> memref<1x64xf32, #tpu.memory_space<hbm>>
      %dma_wait3A_81 = tpu.memref_squeeze %dma_wait3A_80 : memref<1x64xf32, #tpu.memory_space<hbm>> -> memref<64xf32, #tpu.memory_space<hbm>>
      %dma_wait3A_82 = tpu.memref_slice %arg3[%run_scoped3A_32, %mul3A_2] : memref<128x2048xf32, #tpu.memory_space<hbm>> -> memref<1x64xf32, #tpu.memory_space<hbm>>
      %dma_wait3A_83 = tpu.memref_squeeze %dma_wait3A_82 : memref<1x64xf32, #tpu.memory_space<hbm>> -> memref<64xf32, #tpu.memory_space<hbm>>
      tpu.wait_dma2 semaphore(%run_scoped3A_75 : memref<!tpu.dma_semaphore, #tpu.memory_space<semaphore_mem>>) src(%dma_wait3A_83 : memref<64xf32, #tpu.memory_space<hbm>>) dst(%arg6 : memref<64xf32, #tpu.memory_space<vmem>>)
      tpu.yield
    }) : () -> ()
    %get3A_33 = arith.constant 0 : index
    %get3A_34 = tpu.vector_load %arg6[%get3A_33] {strides = array<i32>} : memref<64xf32, #tpu.memory_space<vmem>>, vector<16xf32>,
    %get3A_35 = vector.shape_cast %get3A_34 : vector<16xf32> to vector<16xf32>
    %convert_element_type3A_36 = arith.fptosi %get3A_35 : vector<16xf32> to vector<16xi32>
    %swap3A_37 = arith.constant 0 : index
    %swap3A_38 = tpu.vector_load %arg8[%swap3A_37] {strides = array<i32>} : memref<64xi32, #tpu.memory_space<vmem>>, vector<16xi32>,
    %swap3A_39 = vector.shape_cast %swap3A_38 : vector<16xi32> to vector<16xi32>
    %swap3A_40 = vector.shape_cast %convert_element_type3A_36 : vector<16xi32> to vector<16xi32>
    tpu.vector_store %arg8[%swap3A_37], %swap3A_40 {strides = array<i32>} : memref<64xi32, #tpu.memory_space<vmem>>, vector<16xi32>,
    %get3A_41 = arith.constant 16 : index
    %get3A_42 = tpu.vector_load %arg6[%get3A_41] {strides = array<i32>} : memref<64xf32, #tpu.memory_space<vmem>>, vector<16xf32>,
    %get3A_43 = vector.shape_cast %get3A_42 : vector<16xf32> to vector<16xf32>
    %convert_element_type3A_44 = arith.fptosi %get3A_43 : vector<16xf32> to vector<16xi32>
    %swap3A_45 = arith.constant 16 : index
    %swap3A_46 = tpu.vector_load %arg8[%swap3A_45] {strides = array<i32>} : memref<64xi32, #tpu.memory_space<vmem>>, vector<16xi32>,
    %swap3A_47 = vector.shape_cast %swap3A_46 : vector<16xi32> to vector<16xi32>
    %swap3A_48 = vector.shape_cast %convert_element_type3A_44 : vector<16xi32> to vector<16xi32>
    tpu.vector_store %arg8[%swap3A_45], %swap3A_48 {strides = array<i32>} : memref<64xi32, #tpu.memory_space<vmem>>, vector<16xi32>,
    %get3A_49 = arith.constant 32 : index
    %get3A_50 = tpu.vector_load %arg6[%get3A_49] {strides = array<i32>} : memref<64xf32, #tpu.memory_space<vmem>>, vector<16xf32>,
    %get3A_51 = vector.shape_cast %get3A_50 : vector<16xf32> to vector<16xf32>
    %convert_element_type3A_52 = arith.fptosi %get3A_51 : vector<16xf32> to vector<16xi32>
    %swap3A_53 = arith.constant 32 : index
    %swap3A_54 = tpu.vector_load %arg8[%swap3A_53] {strides = array<i32>} : memref<64xi32, #tpu.memory_space<vmem>>, vector<16xi32>,
    %swap3A_55 = vector.shape_cast %swap3A_54 : vector<16xi32> to vector<16xi32>
    %swap3A_56 = vector.shape_cast %convert_element_type3A_52 : vector<16xi32> to vector<16xi32>
    tpu.vector_store %arg8[%swap3A_53], %swap3A_56 {strides = array<i32>} : memref<64xi32, #tpu.memory_space<vmem>>, vector<16xi32>,
    %get3A_57 = arith.constant 48 : index
    %get3A_58 = tpu.vector_load %arg6[%get3A_57] {strides = array<i32>} : memref<64xf32, #tpu.memory_space<vmem>>, vector<16xf32>,
    %get3A_59 = vector.shape_cast %get3A_58 : vector<16xf32> to vector<16xf32>
    %convert_element_type3A_60 = arith.fptosi %get3A_59 : vector<16xf32> to vector<16xi32>
    %swap3A_61 = arith.constant 48 : index
    %swap3A_62 = tpu.vector_load %arg8[%swap3A_61] {strides = array<i32>} : memref<64xi32, #tpu.memory_space<vmem>>, vector<16xi32>,
    %swap3A_63 = vector.shape_cast %swap3A_62 : vector<16xi32> to vector<16xi32>
    %swap3A_64 = vector.shape_cast %convert_element_type3A_60 : vector<16xi32> to vector<16xi32>
    tpu.vector_store %arg8[%swap3A_61], %swap3A_64 {strides = array<i32>} : memref<64xi32, #tpu.memory_space<vmem>>, vector<16xi32>,
    %dma_start3A = arith.constant 0 : i32
    %dma_start3A_65 = arith.constant 0 : i32
    %dma_start3A_66 = tpu.memref_slice %arg4[%dma_start3A, %dma_start3A_65] : memref<8960x1024xf32, #tpu.memory_space<hbm>> -> memref<8960x1024xf32, #tpu.memory_space<hbm>>
    tpu.enqueue_indirect_dma source(%arg5 : memref<64x1024xf32, #tpu.memory_space<vmem>>) target(%dma_start3A_66 : memref<8960x1024xf32, #tpu.memory_space<hbm>>) offsets(%arg7 : memref<64xi32, #tpu.memory_space<vmem>>) semaphore(%arg9 : memref<!tpu.dma_semaphore, #tpu.memory_space<semaphore_mem>>)
    %dma_start3A_67 = arith.constant 0 : i32
    %dma_start3A_68 = arith.constant 0 : i32
    %dma_start3A_69 = tpu.memref_slice %arg4[%dma_start3A_67, %dma_start3A_68] : memref<8960x1024xf32, #tpu.memory_space<hbm>> -> memref<8960x1024xf32, #tpu.memory_space<hbm>>
    tpu.enqueue_indirect_dma source(%arg5 : memref<64x1024xf32, #tpu.memory_space<vmem>>) target(%dma_start3A_69 : memref<8960x1024xf32, #tpu.memory_space<hbm>>) offsets(%arg8 : memref<64xi32, #tpu.memory_space<vmem>>) semaphore(%arg10 : memref<!tpu.dma_semaphore, #tpu.memory_space<semaphore_mem>>)
    %dma_wait3A = arith.constant 0 : i32
    %dma_wait3A_70 = arith.constant 0 : i32
    %dma_wait3A_71 = tpu.memref_slice %arg4[%dma_wait3A, %dma_wait3A_70] : memref<8960x1024xf32, #tpu.memory_space<hbm>> -> memref<8960x1024xf32, #tpu.memory_space<hbm>>
    tpu.wait_indirect_dma semaphore(%arg9 : memref<!tpu.dma_semaphore, #tpu.memory_space<semaphore_mem>>) src(%arg5 : memref<64x1024xf32, #tpu.memory_space<vmem>>) dst(%dma_wait3A_71 : memref<8960x1024xf32, #tpu.memory_space<hbm>>)
    %dma_wait3A_72 = arith.constant 0 : i32
    %dma_wait3A_73 = arith.constant 0 : i32
    %dma_wait3A_74 = tpu.memref_slice %arg4[%dma_wait3A_72, %dma_wait3A_73] : memref<8960x1024xf32, #tpu.memory_space<hbm>> -> memref<8960x1024xf32, #tpu.memory_space<hbm>>
    tpu.wait_indirect_dma semaphore(%arg10 : memref<!tpu.dma_semaphore, #tpu.memory_space<semaphore_mem>>) src(%arg5 : memref<64x1024xf32, #tpu.memory_space<vmem>>) dst(%dma_wait3A_74 : memref<8960x1024xf32, #tpu.memory_space<hbm>>)
    return
  }
}

#map = affine_map<(d0, d1) -> (0, 0)>
module attributes {stable_mosaic.version = 14 : i64} {
  func.func @combine(%arg0: i32, %arg1: i32, %arg2: memref<8960x1024xf32, #tpu.memory_space<hbm>>, %arg3: memref<2048x1024xf32, #tpu.memory_space<hbm>>, %arg4: memref<128x2048xf32, #tpu.memory_space<hbm>>, %arg5: memref<2048x16xf32, #tpu.memory_space<hbm>>, %arg6: memref<2048x16xf32, #tpu.memory_space<hbm>>, %arg7: memref<2048x1024xf32, #tpu.memory_space<hbm>>, %arg8: memref<16x1024xf32, #tpu.memory_space<vmem>>, %arg9: memref<16x1024xf32, #tpu.memory_space<vmem>>, %arg10: memref<16x1024xf32, #tpu.memory_space<vmem>>, %arg11: memref<16x1024xf32, #tpu.memory_space<vmem>>, %arg12: memref<16x1024xf32, #tpu.memory_space<vmem>>, %arg13: memref<16x1024xf32, #tpu.memory_space<vmem>>, %arg14: memref<16xf32, #tpu.memory_space<vmem>>, %arg15: memref<16xf32, #tpu.memory_space<vmem>>, %arg16: memref<16xi32, #tpu.memory_space<vmem>>, %arg17: memref<16xi32, #tpu.memory_space<vmem>>, %arg18: memref<16xi32, #tpu.memory_space<vmem>>, %arg19: memref<16xi32, #tpu.memory_space<vmem>>, %arg20: memref<16x16xf32, #tpu.memory_space<vmem>>, %arg21: memref<16x16xf32, #tpu.memory_space<vmem>>, %arg22: memref<16x16xf32, #tpu.memory_space<vmem>>, %arg23: memref<16x16xf32, #tpu.memory_space<vmem>>, %arg24: memref<!tpu.dma_semaphore, #tpu.memory_space<semaphore_mem>>, %arg25: memref<!tpu.dma_semaphore, #tpu.memory_space<semaphore_mem>>, %arg26: memref<!tpu.dma_semaphore, #tpu.memory_space<semaphore_mem>>, %arg27: memref<!tpu.dma_semaphore, #tpu.memory_space<semaphore_mem>>, %arg28: memref<!tpu.dma_semaphore, #tpu.memory_space<semaphore_mem>>, %arg29: memref<!tpu.dma_semaphore, #tpu.memory_space<semaphore_mem>>) attributes {dimension_semantics = [#tpu.dimension_semantics<core_parallel>, #tpu.dimension_semantics<subcore_parallel>], iteration_bounds = array<i64: 2, 16>, scalar_prefetch = 0 : i64, scratch_operands = 22 : i64, tpu.core_type = #tpu.core_type<sc_vector_subcore>, window_params = [{transform_indices = #map}, {transform_indices = #map}, {transform_indices = #map}, {transform_indices = #map}, {transform_indices = #map}, {transform_indices = #map}]} {
    %mul3A = arith.constant 2 : i32
    %mul3A_0 = arith.muli %arg1, %mul3A : i32
    %add3A = arith.addi %mul3A_0, %arg0 : i32
    %mul3A_1 = arith.constant 64 : i32
    %mul3A_2 = arith.muli %add3A, %mul3A_1 : i32
    %add3A_3 = arith.constant 0 : i32
    %add3A_4 = arith.addi %mul3A_2, %add3A_3 : i32
    %run_scoped3A = arith.constant 0 : i32
    "tpu.region"() ({
      %run_scoped3A_192 = tpu.sem_alloc : memref<!tpu.dma_semaphore, #tpu.memory_space<semaphore_mem>>
      %dma_start3A_193 = tpu.memref_slice %arg4[%run_scoped3A, %add3A_4] : memref<128x2048xf32, #tpu.memory_space<hbm>> -> memref<1x16xf32, #tpu.memory_space<hbm>>
      %dma_start3A_194 = tpu.memref_squeeze %dma_start3A_193 : memref<1x16xf32, #tpu.memory_space<hbm>> -> memref<16xf32, #tpu.memory_space<hbm>>
      %dma_start3A_195 = tpu.memref_slice %arg4[%run_scoped3A, %add3A_4] : memref<128x2048xf32, #tpu.memory_space<hbm>> -> memref<1x16xf32, #tpu.memory_space<hbm>>
      %dma_start3A_196 = tpu.memref_squeeze %dma_start3A_195 : memref<1x16xf32, #tpu.memory_space<hbm>> -> memref<16xf32, #tpu.memory_space<hbm>>
      tpu.enqueue_dma source(%dma_start3A_196 : memref<16xf32, #tpu.memory_space<hbm>>) target(%arg14 : memref<16xf32, #tpu.memory_space<vmem>>) target_semaphore(%run_scoped3A_192 : memref<!tpu.dma_semaphore, #tpu.memory_space<semaphore_mem>>)
      %dma_wait3A_197 = tpu.memref_slice %arg4[%run_scoped3A, %add3A_4] : memref<128x2048xf32, #tpu.memory_space<hbm>> -> memref<1x16xf32, #tpu.memory_space<hbm>>
      %dma_wait3A_198 = tpu.memref_squeeze %dma_wait3A_197 : memref<1x16xf32, #tpu.memory_space<hbm>> -> memref<16xf32, #tpu.memory_space<hbm>>
      %dma_wait3A_199 = tpu.memref_slice %arg4[%run_scoped3A, %add3A_4] : memref<128x2048xf32, #tpu.memory_space<hbm>> -> memref<1x16xf32, #tpu.memory_space<hbm>>
      %dma_wait3A_200 = tpu.memref_squeeze %dma_wait3A_199 : memref<1x16xf32, #tpu.memory_space<hbm>> -> memref<16xf32, #tpu.memory_space<hbm>>
      tpu.wait_dma2 semaphore(%run_scoped3A_192 : memref<!tpu.dma_semaphore, #tpu.memory_space<semaphore_mem>>) src(%dma_wait3A_200 : memref<16xf32, #tpu.memory_space<hbm>>) dst(%arg14 : memref<16xf32, #tpu.memory_space<vmem>>)
      tpu.yield
    }) : () -> ()
    %get3A = arith.constant 0 : index
    %get3A_5 = tpu.vector_load %arg14[%get3A] {strides = array<i32>} : memref<16xf32, #tpu.memory_space<vmem>>, vector<16xf32>,
    %get3A_6 = vector.shape_cast %get3A_5 : vector<16xf32> to vector<16xf32>
    %convert_element_type3A = arith.fptosi %get3A_6 : vector<16xf32> to vector<16xi32>
    %swap3A = arith.constant 0 : index
    %swap3A_7 = tpu.vector_load %arg16[%swap3A] {strides = array<i32>} : memref<16xi32, #tpu.memory_space<vmem>>, vector<16xi32>,
    %swap3A_8 = vector.shape_cast %swap3A_7 : vector<16xi32> to vector<16xi32>
    %swap3A_9 = vector.shape_cast %convert_element_type3A : vector<16xi32> to vector<16xi32>
    tpu.vector_store %arg16[%swap3A], %swap3A_9 {strides = array<i32>} : memref<16xi32, #tpu.memory_space<vmem>>, vector<16xi32>,
    %run_scoped3A_10 = arith.constant 1 : i32
    "tpu.region"() ({
      %run_scoped3A_192 = tpu.sem_alloc : memref<!tpu.dma_semaphore, #tpu.memory_space<semaphore_mem>>
      %dma_start3A_193 = tpu.memref_slice %arg4[%run_scoped3A_10, %add3A_4] : memref<128x2048xf32, #tpu.memory_space<hbm>> -> memref<1x16xf32, #tpu.memory_space<hbm>>
      %dma_start3A_194 = tpu.memref_squeeze %dma_start3A_193 : memref<1x16xf32, #tpu.memory_space<hbm>> -> memref<16xf32, #tpu.memory_space<hbm>>
      %dma_start3A_195 = tpu.memref_slice %arg4[%run_scoped3A_10, %add3A_4] : memref<128x2048xf32, #tpu.memory_space<hbm>> -> memref<1x16xf32, #tpu.memory_space<hbm>>
      %dma_start3A_196 = tpu.memref_squeeze %dma_start3A_195 : memref<1x16xf32, #tpu.memory_space<hbm>> -> memref<16xf32, #tpu.memory_space<hbm>>
      tpu.enqueue_dma source(%dma_start3A_196 : memref<16xf32, #tpu.memory_space<hbm>>) target(%arg14 : memref<16xf32, #tpu.memory_space<vmem>>) target_semaphore(%run_scoped3A_192 : memref<!tpu.dma_semaphore, #tpu.memory_space<semaphore_mem>>)
      %dma_wait3A_197 = tpu.memref_slice %arg4[%run_scoped3A_10, %add3A_4] : memref<128x2048xf32, #tpu.memory_space<hbm>> -> memref<1x16xf32, #tpu.memory_space<hbm>>
      %dma_wait3A_198 = tpu.memref_squeeze %dma_wait3A_197 : memref<1x16xf32, #tpu.memory_space<hbm>> -> memref<16xf32, #tpu.memory_space<hbm>>
      %dma_wait3A_199 = tpu.memref_slice %arg4[%run_scoped3A_10, %add3A_4] : memref<128x2048xf32, #tpu.memory_space<hbm>> -> memref<1x16xf32, #tpu.memory_space<hbm>>
      %dma_wait3A_200 = tpu.memref_squeeze %dma_wait3A_199 : memref<1x16xf32, #tpu.memory_space<hbm>> -> memref<16xf32, #tpu.memory_space<hbm>>
      tpu.wait_dma2 semaphore(%run_scoped3A_192 : memref<!tpu.dma_semaphore, #tpu.memory_space<semaphore_mem>>) src(%dma_wait3A_200 : memref<16xf32, #tpu.memory_space<hbm>>) dst(%arg14 : memref<16xf32, #tpu.memory_space<vmem>>)
      tpu.yield
    }) : () -> ()
    %get3A_11 = arith.constant 0 : index
    %get3A_12 = tpu.vector_load %arg14[%get3A_11] {strides = array<i32>} : memref<16xf32, #tpu.memory_space<vmem>>, vector<16xf32>,
    %get3A_13 = vector.shape_cast %get3A_12 : vector<16xf32> to vector<16xf32>
    %convert_element_type3A_14 = arith.fptosi %get3A_13 : vector<16xf32> to vector<16xi32>
    %swap3A_15 = arith.constant 0 : index
    %swap3A_16 = tpu.vector_load %arg18[%swap3A_15] {strides = array<i32>} : memref<16xi32, #tpu.memory_space<vmem>>, vector<16xi32>,
    %swap3A_17 = vector.shape_cast %swap3A_16 : vector<16xi32> to vector<16xi32>
    %swap3A_18 = vector.shape_cast %convert_element_type3A_14 : vector<16xi32> to vector<16xi32>
    tpu.vector_store %arg18[%swap3A_15], %swap3A_18 {strides = array<i32>} : memref<16xi32, #tpu.memory_space<vmem>>, vector<16xi32>,
    "tpu.region"() ({
      %run_scoped3A_192 = tpu.sem_alloc : memref<!tpu.dma_semaphore, #tpu.memory_space<semaphore_mem>>
      %dma_start3A_193 = arith.constant 0 : i32
      %dma_start3A_194 = tpu.memref_slice %arg5[%add3A_4, %dma_start3A_193] : memref<2048x16xf32, #tpu.memory_space<hbm>> -> memref<16x16xf32, #tpu.memory_space<hbm>>
      %dma_start3A_195 = arith.constant 0 : i32
      %dma_start3A_196 = tpu.memref_slice %arg5[%add3A_4, %dma_start3A_195] : memref<2048x16xf32, #tpu.memory_space<hbm>> -> memref<16x16xf32, #tpu.memory_space<hbm>>
      tpu.enqueue_dma source(%dma_start3A_196 : memref<16x16xf32, #tpu.memory_space<hbm>>) target(%arg20 : memref<16x16xf32, #tpu.memory_space<vmem>>) target_semaphore(%run_scoped3A_192 : memref<!tpu.dma_semaphore, #tpu.memory_space<semaphore_mem>>)
      %dma_wait3A_197 = arith.constant 0 : i32
      %dma_wait3A_198 = tpu.memref_slice %arg5[%add3A_4, %dma_wait3A_197] : memref<2048x16xf32, #tpu.memory_space<hbm>> -> memref<16x16xf32, #tpu.memory_space<hbm>>
      %dma_wait3A_199 = arith.constant 0 : i32
      %dma_wait3A_200 = tpu.memref_slice %arg5[%add3A_4, %dma_wait3A_199] : memref<2048x16xf32, #tpu.memory_space<hbm>> -> memref<16x16xf32, #tpu.memory_space<hbm>>
      tpu.wait_dma2 semaphore(%run_scoped3A_192 : memref<!tpu.dma_semaphore, #tpu.memory_space<semaphore_mem>>) src(%dma_wait3A_200 : memref<16x16xf32, #tpu.memory_space<hbm>>) dst(%arg20 : memref<16x16xf32, #tpu.memory_space<vmem>>)
      tpu.yield
    }) : () -> ()
    "tpu.region"() ({
      %run_scoped3A_192 = tpu.sem_alloc : memref<!tpu.dma_semaphore, #tpu.memory_space<semaphore_mem>>
      %dma_start3A_193 = arith.constant 0 : i32
      %dma_start3A_194 = tpu.memref_slice %arg6[%add3A_4, %dma_start3A_193] : memref<2048x16xf32, #tpu.memory_space<hbm>> -> memref<16x16xf32, #tpu.memory_space<hbm>>
      %dma_start3A_195 = arith.constant 0 : i32
      %dma_start3A_196 = tpu.memref_slice %arg6[%add3A_4, %dma_start3A_195] : memref<2048x16xf32, #tpu.memory_space<hbm>> -> memref<16x16xf32, #tpu.memory_space<hbm>>
      tpu.enqueue_dma source(%dma_start3A_196 : memref<16x16xf32, #tpu.memory_space<hbm>>) target(%arg22 : memref<16x16xf32, #tpu.memory_space<vmem>>) target_semaphore(%run_scoped3A_192 : memref<!tpu.dma_semaphore, #tpu.memory_space<semaphore_mem>>)
      %dma_wait3A_197 = arith.constant 0 : i32
      %dma_wait3A_198 = tpu.memref_slice %arg6[%add3A_4, %dma_wait3A_197] : memref<2048x16xf32, #tpu.memory_space<hbm>> -> memref<16x16xf32, #tpu.memory_space<hbm>>
      %dma_wait3A_199 = arith.constant 0 : i32
      %dma_wait3A_200 = tpu.memref_slice %arg6[%add3A_4, %dma_wait3A_199] : memref<2048x16xf32, #tpu.memory_space<hbm>> -> memref<16x16xf32, #tpu.memory_space<hbm>>
      tpu.wait_dma2 semaphore(%run_scoped3A_192 : memref<!tpu.dma_semaphore, #tpu.memory_space<semaphore_mem>>) src(%dma_wait3A_200 : memref<16x16xf32, #tpu.memory_space<hbm>>) dst(%arg22 : memref<16x16xf32, #tpu.memory_space<vmem>>)
      tpu.yield
    }) : () -> ()
    %dma_start3A = arith.constant 0 : i32
    %dma_start3A_19 = arith.constant 0 : i32
    %dma_start3A_20 = tpu.memref_slice %arg2[%dma_start3A, %dma_start3A_19] : memref<8960x1024xf32, #tpu.memory_space<hbm>> -> memref<8960x1024xf32, #tpu.memory_space<hbm>>
    tpu.enqueue_indirect_dma source(%dma_start3A_20 : memref<8960x1024xf32, #tpu.memory_space<hbm>>) target(%arg8 : memref<16x1024xf32, #tpu.memory_space<vmem>>) offsets(%arg16 : memref<16xi32, #tpu.memory_space<vmem>>) semaphore(%arg24 : memref<!tpu.dma_semaphore, #tpu.memory_space<semaphore_mem>>)
    %dma_start3A_21 = arith.constant 0 : i32
    %dma_start3A_22 = arith.constant 0 : i32
    %dma_start3A_23 = tpu.memref_slice %arg2[%dma_start3A_21, %dma_start3A_22] : memref<8960x1024xf32, #tpu.memory_space<hbm>> -> memref<8960x1024xf32, #tpu.memory_space<hbm>>
    tpu.enqueue_indirect_dma source(%dma_start3A_23 : memref<8960x1024xf32, #tpu.memory_space<hbm>>) target(%arg10 : memref<16x1024xf32, #tpu.memory_space<vmem>>) offsets(%arg18 : memref<16xi32, #tpu.memory_space<vmem>>) semaphore(%arg25 : memref<!tpu.dma_semaphore, #tpu.memory_space<semaphore_mem>>)
    %dma_start3A_24 = arith.constant 0 : i32
    %dma_start3A_25 = tpu.memref_slice %arg3[%add3A_4, %dma_start3A_24] : memref<2048x1024xf32, #tpu.memory_space<hbm>> -> memref<16x1024xf32, #tpu.memory_space<hbm>>
    %dma_start3A_26 = arith.constant 0 : i32
    %dma_start3A_27 = tpu.memref_slice %arg3[%add3A_4, %dma_start3A_26] : memref<2048x1024xf32, #tpu.memory_space<hbm>> -> memref<16x1024xf32, #tpu.memory_space<hbm>>
    tpu.enqueue_dma source(%dma_start3A_27 : memref<16x1024xf32, #tpu.memory_space<hbm>>) target(%arg12 : memref<16x1024xf32, #tpu.memory_space<vmem>>) target_semaphore(%arg26 : memref<!tpu.dma_semaphore, #tpu.memory_space<semaphore_mem>>)
    %add3A_28 = arith.constant 16 : i32
    %add3A_29 = arith.addi %mul3A_2, %add3A_28 : i32
    %run_scoped3A_30 = arith.constant 0 : i32
    "tpu.region"() ({
      %run_scoped3A_192 = tpu.sem_alloc : memref<!tpu.dma_semaphore, #tpu.memory_space<semaphore_mem>>
      %dma_start3A_193 = tpu.memref_slice %arg4[%run_scoped3A_30, %add3A_29] : memref<128x2048xf32, #tpu.memory_space<hbm>> -> memref<1x16xf32, #tpu.memory_space<hbm>>
      %dma_start3A_194 = tpu.memref_squeeze %dma_start3A_193 : memref<1x16xf32, #tpu.memory_space<hbm>> -> memref<16xf32, #tpu.memory_space<hbm>>
      %dma_start3A_195 = tpu.memref_slice %arg4[%run_scoped3A_30, %add3A_29] : memref<128x2048xf32, #tpu.memory_space<hbm>> -> memref<1x16xf32, #tpu.memory_space<hbm>>
      %dma_start3A_196 = tpu.memref_squeeze %dma_start3A_195 : memref<1x16xf32, #tpu.memory_space<hbm>> -> memref<16xf32, #tpu.memory_space<hbm>>
      tpu.enqueue_dma source(%dma_start3A_196 : memref<16xf32, #tpu.memory_space<hbm>>) target(%arg15 : memref<16xf32, #tpu.memory_space<vmem>>) target_semaphore(%run_scoped3A_192 : memref<!tpu.dma_semaphore, #tpu.memory_space<semaphore_mem>>)
      %dma_wait3A_197 = tpu.memref_slice %arg4[%run_scoped3A_30, %add3A_29] : memref<128x2048xf32, #tpu.memory_space<hbm>> -> memref<1x16xf32, #tpu.memory_space<hbm>>
      %dma_wait3A_198 = tpu.memref_squeeze %dma_wait3A_197 : memref<1x16xf32, #tpu.memory_space<hbm>> -> memref<16xf32, #tpu.memory_space<hbm>>
      %dma_wait3A_199 = tpu.memref_slice %arg4[%run_scoped3A_30, %add3A_29] : memref<128x2048xf32, #tpu.memory_space<hbm>> -> memref<1x16xf32, #tpu.memory_space<hbm>>
      %dma_wait3A_200 = tpu.memref_squeeze %dma_wait3A_199 : memref<1x16xf32, #tpu.memory_space<hbm>> -> memref<16xf32, #tpu.memory_space<hbm>>
      tpu.wait_dma2 semaphore(%run_scoped3A_192 : memref<!tpu.dma_semaphore, #tpu.memory_space<semaphore_mem>>) src(%dma_wait3A_200 : memref<16xf32, #tpu.memory_space<hbm>>) dst(%arg15 : memref<16xf32, #tpu.memory_space<vmem>>)
      tpu.yield
    }) : () -> ()
    %get3A_31 = arith.constant 0 : index
    %get3A_32 = tpu.vector_load %arg15[%get3A_31] {strides = array<i32>} : memref<16xf32, #tpu.memory_space<vmem>>, vector<16xf32>,
    %get3A_33 = vector.shape_cast %get3A_32 : vector<16xf32> to vector<16xf32>
    %convert_element_type3A_34 = arith.fptosi %get3A_33 : vector<16xf32> to vector<16xi32>
    %swap3A_35 = arith.constant 0 : index
    %swap3A_36 = tpu.vector_load %arg17[%swap3A_35] {strides = array<i32>} : memref<16xi32, #tpu.memory_space<vmem>>, vector<16xi32>,
    %swap3A_37 = vector.shape_cast %swap3A_36 : vector<16xi32> to vector<16xi32>
    %swap3A_38 = vector.shape_cast %convert_element_type3A_34 : vector<16xi32> to vector<16xi32>
    tpu.vector_store %arg17[%swap3A_35], %swap3A_38 {strides = array<i32>} : memref<16xi32, #tpu.memory_space<vmem>>, vector<16xi32>,
    %run_scoped3A_39 = arith.constant 1 : i32
    "tpu.region"() ({
      %run_scoped3A_192 = tpu.sem_alloc : memref<!tpu.dma_semaphore, #tpu.memory_space<semaphore_mem>>
      %dma_start3A_193 = tpu.memref_slice %arg4[%run_scoped3A_39, %add3A_29] : memref<128x2048xf32, #tpu.memory_space<hbm>> -> memref<1x16xf32, #tpu.memory_space<hbm>>
      %dma_start3A_194 = tpu.memref_squeeze %dma_start3A_193 : memref<1x16xf32, #tpu.memory_space<hbm>> -> memref<16xf32, #tpu.memory_space<hbm>>
      %dma_start3A_195 = tpu.memref_slice %arg4[%run_scoped3A_39, %add3A_29] : memref<128x2048xf32, #tpu.memory_space<hbm>> -> memref<1x16xf32, #tpu.memory_space<hbm>>
      %dma_start3A_196 = tpu.memref_squeeze %dma_start3A_195 : memref<1x16xf32, #tpu.memory_space<hbm>> -> memref<16xf32, #tpu.memory_space<hbm>>
      tpu.enqueue_dma source(%dma_start3A_196 : memref<16xf32, #tpu.memory_space<hbm>>) target(%arg15 : memref<16xf32, #tpu.memory_space<vmem>>) target_semaphore(%run_scoped3A_192 : memref<!tpu.dma_semaphore, #tpu.memory_space<semaphore_mem>>)
      %dma_wait3A_197 = tpu.memref_slice %arg4[%run_scoped3A_39, %add3A_29] : memref<128x2048xf32, #tpu.memory_space<hbm>> -> memref<1x16xf32, #tpu.memory_space<hbm>>
      %dma_wait3A_198 = tpu.memref_squeeze %dma_wait3A_197 : memref<1x16xf32, #tpu.memory_space<hbm>> -> memref<16xf32, #tpu.memory_space<hbm>>
      %dma_wait3A_199 = tpu.memref_slice %arg4[%run_scoped3A_39, %add3A_29] : memref<128x2048xf32, #tpu.memory_space<hbm>> -> memref<1x16xf32, #tpu.memory_space<hbm>>
      %dma_wait3A_200 = tpu.memref_squeeze %dma_wait3A_199 : memref<1x16xf32, #tpu.memory_space<hbm>> -> memref<16xf32, #tpu.memory_space<hbm>>
      tpu.wait_dma2 semaphore(%run_scoped3A_192 : memref<!tpu.dma_semaphore, #tpu.memory_space<semaphore_mem>>) src(%dma_wait3A_200 : memref<16xf32, #tpu.memory_space<hbm>>) dst(%arg15 : memref<16xf32, #tpu.memory_space<vmem>>)
      tpu.yield
    }) : () -> ()
    %get3A_40 = arith.constant 0 : index
    %get3A_41 = tpu.vector_load %arg15[%get3A_40] {strides = array<i32>} : memref<16xf32, #tpu.memory_space<vmem>>, vector<16xf32>,
    %get3A_42 = vector.shape_cast %get3A_41 : vector<16xf32> to vector<16xf32>
    %convert_element_type3A_43 = arith.fptosi %get3A_42 : vector<16xf32> to vector<16xi32>
    %swap3A_44 = arith.constant 0 : index
    %swap3A_45 = tpu.vector_load %arg19[%swap3A_44] {strides = array<i32>} : memref<16xi32, #tpu.memory_space<vmem>>, vector<16xi32>,
    %swap3A_46 = vector.shape_cast %swap3A_45 : vector<16xi32> to vector<16xi32>
    %swap3A_47 = vector.shape_cast %convert_element_type3A_43 : vector<16xi32> to vector<16xi32>
    tpu.vector_store %arg19[%swap3A_44], %swap3A_47 {strides = array<i32>} : memref<16xi32, #tpu.memory_space<vmem>>, vector<16xi32>,
    "tpu.region"() ({
      %run_scoped3A_192 = tpu.sem_alloc : memref<!tpu.dma_semaphore, #tpu.memory_space<semaphore_mem>>
      %dma_start3A_193 = arith.constant 0 : i32
      %dma_start3A_194 = tpu.memref_slice %arg5[%add3A_29, %dma_start3A_193] : memref<2048x16xf32, #tpu.memory_space<hbm>> -> memref<16x16xf32, #tpu.memory_space<hbm>>
      %dma_start3A_195 = arith.constant 0 : i32
      %dma_start3A_196 = tpu.memref_slice %arg5[%add3A_29, %dma_start3A_195] : memref<2048x16xf32, #tpu.memory_space<hbm>> -> memref<16x16xf32, #tpu.memory_space<hbm>>
      tpu.enqueue_dma source(%dma_start3A_196 : memref<16x16xf32, #tpu.memory_space<hbm>>) target(%arg21 : memref<16x16xf32, #tpu.memory_space<vmem>>) target_semaphore(%run_scoped3A_192 : memref<!tpu.dma_semaphore, #tpu.memory_space<semaphore_mem>>)
      %dma_wait3A_197 = arith.constant 0 : i32
      %dma_wait3A_198 = tpu.memref_slice %arg5[%add3A_29, %dma_wait3A_197] : memref<2048x16xf32, #tpu.memory_space<hbm>> -> memref<16x16xf32, #tpu.memory_space<hbm>>
      %dma_wait3A_199 = arith.constant 0 : i32
      %dma_wait3A_200 = tpu.memref_slice %arg5[%add3A_29, %dma_wait3A_199] : memref<2048x16xf32, #tpu.memory_space<hbm>> -> memref<16x16xf32, #tpu.memory_space<hbm>>
      tpu.wait_dma2 semaphore(%run_scoped3A_192 : memref<!tpu.dma_semaphore, #tpu.memory_space<semaphore_mem>>) src(%dma_wait3A_200 : memref<16x16xf32, #tpu.memory_space<hbm>>) dst(%arg21 : memref<16x16xf32, #tpu.memory_space<vmem>>)
      tpu.yield
    }) : () -> ()
    "tpu.region"() ({
      %run_scoped3A_192 = tpu.sem_alloc : memref<!tpu.dma_semaphore, #tpu.memory_space<semaphore_mem>>
      %dma_start3A_193 = arith.constant 0 : i32
      %dma_start3A_194 = tpu.memref_slice %arg6[%add3A_29, %dma_start3A_193] : memref<2048x16xf32, #tpu.memory_space<hbm>> -> memref<16x16xf32, #tpu.memory_space<hbm>>
      %dma_start3A_195 = arith.constant 0 : i32
      %dma_start3A_196 = tpu.memref_slice %arg6[%add3A_29, %dma_start3A_195] : memref<2048x16xf32, #tpu.memory_space<hbm>> -> memref<16x16xf32, #tpu.memory_space<hbm>>
      tpu.enqueue_dma source(%dma_start3A_196 : memref<16x16xf32, #tpu.memory_space<hbm>>) target(%arg23 : memref<16x16xf32, #tpu.memory_space<vmem>>) target_semaphore(%run_scoped3A_192 : memref<!tpu.dma_semaphore, #tpu.memory_space<semaphore_mem>>)
      %dma_wait3A_197 = arith.constant 0 : i32
      %dma_wait3A_198 = tpu.memref_slice %arg6[%add3A_29, %dma_wait3A_197] : memref<2048x16xf32, #tpu.memory_space<hbm>> -> memref<16x16xf32, #tpu.memory_space<hbm>>
      %dma_wait3A_199 = arith.constant 0 : i32
      %dma_wait3A_200 = tpu.memref_slice %arg6[%add3A_29, %dma_wait3A_199] : memref<2048x16xf32, #tpu.memory_space<hbm>> -> memref<16x16xf32, #tpu.memory_space<hbm>>
      tpu.wait_dma2 semaphore(%run_scoped3A_192 : memref<!tpu.dma_semaphore, #tpu.memory_space<semaphore_mem>>) src(%dma_wait3A_200 : memref<16x16xf32, #tpu.memory_space<hbm>>) dst(%arg23 : memref<16x16xf32, #tpu.memory_space<vmem>>)
      tpu.yield
    }) : () -> ()
    %dma_start3A_48 = arith.constant 0 : i32
    %dma_start3A_49 = arith.constant 0 : i32
    %dma_start3A_50 = tpu.memref_slice %arg2[%dma_start3A_48, %dma_start3A_49] : memref<8960x1024xf32, #tpu.memory_space<hbm>> -> memref<8960x1024xf32, #tpu.memory_space<hbm>>
    tpu.enqueue_indirect_dma source(%dma_start3A_50 : memref<8960x1024xf32, #tpu.memory_space<hbm>>) target(%arg9 : memref<16x1024xf32, #tpu.memory_space<vmem>>) offsets(%arg17 : memref<16xi32, #tpu.memory_space<vmem>>) semaphore(%arg27 : memref<!tpu.dma_semaphore, #tpu.memory_space<semaphore_mem>>)
    %dma_start3A_51 = arith.constant 0 : i32
    %dma_start3A_52 = arith.constant 0 : i32
    %dma_start3A_53 = tpu.memref_slice %arg2[%dma_start3A_51, %dma_start3A_52] : memref<8960x1024xf32, #tpu.memory_space<hbm>> -> memref<8960x1024xf32, #tpu.memory_space<hbm>>
    tpu.enqueue_indirect_dma source(%dma_start3A_53 : memref<8960x1024xf32, #tpu.memory_space<hbm>>) target(%arg11 : memref<16x1024xf32, #tpu.memory_space<vmem>>) offsets(%arg19 : memref<16xi32, #tpu.memory_space<vmem>>) semaphore(%arg28 : memref<!tpu.dma_semaphore, #tpu.memory_space<semaphore_mem>>)
    %dma_start3A_54 = arith.constant 0 : i32
    %dma_start3A_55 = tpu.memref_slice %arg3[%add3A_29, %dma_start3A_54] : memref<2048x1024xf32, #tpu.memory_space<hbm>> -> memref<16x1024xf32, #tpu.memory_space<hbm>>
    %dma_start3A_56 = arith.constant 0 : i32
    %dma_start3A_57 = tpu.memref_slice %arg3[%add3A_29, %dma_start3A_56] : memref<2048x1024xf32, #tpu.memory_space<hbm>> -> memref<16x1024xf32, #tpu.memory_space<hbm>>
    tpu.enqueue_dma source(%dma_start3A_57 : memref<16x1024xf32, #tpu.memory_space<hbm>>) target(%arg13 : memref<16x1024xf32, #tpu.memory_space<vmem>>) target_semaphore(%arg29 : memref<!tpu.dma_semaphore, #tpu.memory_space<semaphore_mem>>)
    %dma_wait3A = arith.constant 0 : i32
    %dma_wait3A_58 = arith.constant 0 : i32
    %dma_wait3A_59 = tpu.memref_slice %arg2[%dma_wait3A, %dma_wait3A_58] : memref<8960x1024xf32, #tpu.memory_space<hbm>> -> memref<8960x1024xf32, #tpu.memory_space<hbm>>
    tpu.wait_indirect_dma semaphore(%arg24 : memref<!tpu.dma_semaphore, #tpu.memory_space<semaphore_mem>>) src(%dma_wait3A_59 : memref<8960x1024xf32, #tpu.memory_space<hbm>>) dst(%arg8 : memref<16x1024xf32, #tpu.memory_space<vmem>>)
    %dma_wait3A_60 = arith.constant 0 : i32
    %dma_wait3A_61 = arith.constant 0 : i32
    %dma_wait3A_62 = tpu.memref_slice %arg2[%dma_wait3A_60, %dma_wait3A_61] : memref<8960x1024xf32, #tpu.memory_space<hbm>> -> memref<8960x1024xf32, #tpu.memory_space<hbm>>
    tpu.wait_indirect_dma semaphore(%arg25 : memref<!tpu.dma_semaphore, #tpu.memory_space<semaphore_mem>>) src(%dma_wait3A_62 : memref<8960x1024xf32, #tpu.memory_space<hbm>>) dst(%arg10 : memref<16x1024xf32, #tpu.memory_space<vmem>>)
    %dma_wait3A_63 = arith.constant 0 : i32
    %dma_wait3A_64 = tpu.memref_slice %arg3[%add3A_4, %dma_wait3A_63] : memref<2048x1024xf32, #tpu.memory_space<hbm>> -> memref<16x1024xf32, #tpu.memory_space<hbm>>
    %dma_wait3A_65 = arith.constant 0 : i32
    %dma_wait3A_66 = tpu.memref_slice %arg3[%add3A_4, %dma_wait3A_65] : memref<2048x1024xf32, #tpu.memory_space<hbm>> -> memref<16x1024xf32, #tpu.memory_space<hbm>>
    tpu.wait_dma2 semaphore(%arg26 : memref<!tpu.dma_semaphore, #tpu.memory_space<semaphore_mem>>) src(%dma_wait3A_66 : memref<16x1024xf32, #tpu.memory_space<hbm>>) dst(%arg12 : memref<16x1024xf32, #tpu.memory_space<vmem>>)
    %scan3A = arith.constant 0 : i32
    %scan3A_67 = arith.constant 0 : i32
    %scan3A_68 = arith.constant 64 : i32
    %scan3A_69 = arith.addi %scan3A_67, %scan3A_68 : i32
    %scan3A_70 = arith.constant 1 : i32
    %scan3A_71 = scf.for %scan3A_192 = %scan3A_67 to %scan3A_69 step %scan3A_70 iter_args(%scan3A_193 = %scan3A) -> (i32)  : i32 {
      %mul3A_194 = arith.constant 16 : i32
      %mul3A_195 = arith.muli %scan3A_192, %mul3A_194 : i32
      %get3A_196 = arith.constant 0 : i32
      %get3A_197 = arith.index_cast %get3A_196 : i32 to index
      %get3A_198 = arith.index_cast %mul3A_195 : i32 to index
      %get3A_199 = tpu.vector_load %arg12[%get3A_197, %get3A_198] {strides = array<i32>} : memref<16x1024xf32, #tpu.memory_space<vmem>>, vector<1x16xf32>,
      %get3A_200 = vector.shape_cast %get3A_199 : vector<1x16xf32> to vector<16xf32>
      %get3A_201 = arith.constant 0 : i32
      %get3A_202 = arith.index_cast %get3A_201 : i32 to index
      %get3A_203 = arith.constant 0 : index
      %get3A_204 = tpu.vector_load %arg20[%get3A_202, %get3A_203] {strides = array<i32>} : memref<16x16xf32, #tpu.memory_space<vmem>>, vector<1x16xf32>,
      %get3A_205 = vector.shape_cast %get3A_204 : vector<1x16xf32> to vector<16xf32>
      %get3A_206 = arith.constant 0 : i32
      %get3A_207 = arith.index_cast %get3A_206 : i32 to index
      %get3A_208 = arith.index_cast %mul3A_195 : i32 to index
      %get3A_209 = tpu.vector_load %arg8[%get3A_207, %get3A_208] {strides = array<i32>} : memref<16x1024xf32, #tpu.memory_space<vmem>>, vector<1x16xf32>,
      %get3A_210 = vector.shape_cast %get3A_209 : vector<1x16xf32> to vector<16xf32>
      %mul3A_211 = arith.mulf %get3A_205, %get3A_210 : vector<16xf32>
      %add3A_212 = arith.addf %get3A_200, %mul3A_211 : vector<16xf32>
      %get3A_213 = arith.constant 0 : i32
      %get3A_214 = arith.index_cast %get3A_213 : i32 to index
      %get3A_215 = arith.constant 0 : index
      %get3A_216 = tpu.vector_load %arg22[%get3A_214, %get3A_215] {strides = array<i32>} : memref<16x16xf32, #tpu.memory_space<vmem>>, vector<1x16xf32>,
      %get3A_217 = vector.shape_cast %get3A_216 : vector<1x16xf32> to vector<16xf32>
      %get3A_218 = arith.constant 0 : i32
      %get3A_219 = arith.index_cast %get3A_218 : i32 to index
      %get3A_220 = arith.index_cast %mul3A_195 : i32 to index
      %get3A_221 = tpu.vector_load %arg10[%get3A_219, %get3A_220] {strides = array<i32>} : memref<16x1024xf32, #tpu.memory_space<vmem>>, vector<1x16xf32>,
      %get3A_222 = vector.shape_cast %get3A_221 : vector<1x16xf32> to vector<16xf32>
      %mul3A_223 = arith.mulf %get3A_217, %get3A_222 : vector<16xf32>
      %add3A_224 = arith.addf %add3A_212, %mul3A_223 : vector<16xf32>
      %swap3A_225 = arith.constant 0 : i32
      %swap3A_226 = arith.index_cast %swap3A_225 : i32 to index
      %swap3A_227 = arith.index_cast %mul3A_195 : i32 to index
      %swap3A_228 = tpu.vector_load %arg12[%swap3A_226, %swap3A_227] {strides = array<i32>} : memref<16x1024xf32, #tpu.memory_space<vmem>>, vector<1x16xf32>,
      %swap3A_229 = vector.shape_cast %swap3A_228 : vector<1x16xf32> to vector<16xf32>
      %swap3A_230 = vector.shape_cast %add3A_224 : vector<16xf32> to vector<1x16xf32>
      tpu.vector_store %arg12[%swap3A_226, %swap3A_227], %swap3A_230 {strides = array<i32>} : memref<16x1024xf32, #tpu.memory_space<vmem>>, vector<1x16xf32>,
      %get3A_231 = arith.constant 1 : i32
      %get3A_232 = arith.index_cast %get3A_231 : i32 to index
      %get3A_233 = arith.index_cast %mul3A_195 : i32 to index
      %get3A_234 = tpu.vector_load %arg12[%get3A_232, %get3A_233] {strides = array<i32>} : memref<16x1024xf32, #tpu.memory_space<vmem>>, vector<1x16xf32>,
      %get3A_235 = vector.shape_cast %get3A_234 : vector<1x16xf32> to vector<16xf32>
      %get3A_236 = arith.constant 1 : i32
      %get3A_237 = arith.index_cast %get3A_236 : i32 to index
      %get3A_238 = arith.constant 0 : index
      %get3A_239 = tpu.vector_load %arg20[%get3A_237, %get3A_238] {strides = array<i32>} : memref<16x16xf32, #tpu.memory_space<vmem>>, vector<1x16xf32>,
      %get3A_240 = vector.shape_cast %get3A_239 : vector<1x16xf32> to vector<16xf32>
      %get3A_241 = arith.constant 1 : i32
      %get3A_242 = arith.index_cast %get3A_241 : i32 to index
      %get3A_243 = arith.index_cast %mul3A_195 : i32 to index
      %get3A_244 = tpu.vector_load %arg8[%get3A_242, %get3A_243] {strides = array<i32>} : memref<16x1024xf32, #tpu.memory_space<vmem>>, vector<1x16xf32>,
      %get3A_245 = vector.shape_cast %get3A_244 : vector<1x16xf32> to vector<16xf32>
      %mul3A_246 = arith.mulf %get3A_240, %get3A_245 : vector<16xf32>
      %add3A_247 = arith.addf %get3A_235, %mul3A_246 : vector<16xf32>
      %get3A_248 = arith.constant 1 : i32
      %get3A_249 = arith.index_cast %get3A_248 : i32 to index
      %get3A_250 = arith.constant 0 : index
      %get3A_251 = tpu.vector_load %arg22[%get3A_249, %get3A_250] {strides = array<i32>} : memref<16x16xf32, #tpu.memory_space<vmem>>, vector<1x16xf32>,
      %get3A_252 = vector.shape_cast %get3A_251 : vector<1x16xf32> to vector<16xf32>
      %get3A_253 = arith.constant 1 : i32
      %get3A_254 = arith.index_cast %get3A_253 : i32 to index
      %get3A_255 = arith.index_cast %mul3A_195 : i32 to index
      %get3A_256 = tpu.vector_load %arg10[%get3A_254, %get3A_255] {strides = array<i32>} : memref<16x1024xf32, #tpu.memory_space<vmem>>, vector<1x16xf32>,
      %get3A_257 = vector.shape_cast %get3A_256 : vector<1x16xf32> to vector<16xf32>
      %mul3A_258 = arith.mulf %get3A_252, %get3A_257 : vector<16xf32>
      %add3A_259 = arith.addf %add3A_247, %mul3A_258 : vector<16xf32>
      %swap3A_260 = arith.constant 1 : i32
      %swap3A_261 = arith.index_cast %swap3A_260 : i32 to index
      %swap3A_262 = arith.index_cast %mul3A_195 : i32 to index
      %swap3A_263 = tpu.vector_load %arg12[%swap3A_261, %swap3A_262] {strides = array<i32>} : memref<16x1024xf32, #tpu.memory_space<vmem>>, vector<1x16xf32>,
      %swap3A_264 = vector.shape_cast %swap3A_263 : vector<1x16xf32> to vector<16xf32>
      %swap3A_265 = vector.shape_cast %add3A_259 : vector<16xf32> to vector<1x16xf32>
      tpu.vector_store %arg12[%swap3A_261, %swap3A_262], %swap3A_265 {strides = array<i32>} : memref<16x1024xf32, #tpu.memory_space<vmem>>, vector<1x16xf32>,
      %get3A_266 = arith.constant 2 : i32
      %get3A_267 = arith.index_cast %get3A_266 : i32 to index
      %get3A_268 = arith.index_cast %mul3A_195 : i32 to index
      %get3A_269 = tpu.vector_load %arg12[%get3A_267, %get3A_268] {strides = array<i32>} : memref<16x1024xf32, #tpu.memory_space<vmem>>, vector<1x16xf32>,
      %get3A_270 = vector.shape_cast %get3A_269 : vector<1x16xf32> to vector<16xf32>
      %get3A_271 = arith.constant 2 : i32
      %get3A_272 = arith.index_cast %get3A_271 : i32 to index
      %get3A_273 = arith.constant 0 : index
      %get3A_274 = tpu.vector_load %arg20[%get3A_272, %get3A_273] {strides = array<i32>} : memref<16x16xf32, #tpu.memory_space<vmem>>, vector<1x16xf32>,
      %get3A_275 = vector.shape_cast %get3A_274 : vector<1x16xf32> to vector<16xf32>
      %get3A_276 = arith.constant 2 : i32
      %get3A_277 = arith.index_cast %get3A_276 : i32 to index
      %get3A_278 = arith.index_cast %mul3A_195 : i32 to index
      %get3A_279 = tpu.vector_load %arg8[%get3A_277, %get3A_278] {strides = array<i32>} : memref<16x1024xf32, #tpu.memory_space<vmem>>, vector<1x16xf32>,
      %get3A_280 = vector.shape_cast %get3A_279 : vector<1x16xf32> to vector<16xf32>
      %mul3A_281 = arith.mulf %get3A_275, %get3A_280 : vector<16xf32>
      %add3A_282 = arith.addf %get3A_270, %mul3A_281 : vector<16xf32>
      %get3A_283 = arith.constant 2 : i32
      %get3A_284 = arith.index_cast %get3A_283 : i32 to index
      %get3A_285 = arith.constant 0 : index
      %get3A_286 = tpu.vector_load %arg22[%get3A_284, %get3A_285] {strides = array<i32>} : memref<16x16xf32, #tpu.memory_space<vmem>>, vector<1x16xf32>,
      %get3A_287 = vector.shape_cast %get3A_286 : vector<1x16xf32> to vector<16xf32>
      %get3A_288 = arith.constant 2 : i32
      %get3A_289 = arith.index_cast %get3A_288 : i32 to index
      %get3A_290 = arith.index_cast %mul3A_195 : i32 to index
      %get3A_291 = tpu.vector_load %arg10[%get3A_289, %get3A_290] {strides = array<i32>} : memref<16x1024xf32, #tpu.memory_space<vmem>>, vector<1x16xf32>,
      %get3A_292 = vector.shape_cast %get3A_291 : vector<1x16xf32> to vector<16xf32>
      %mul3A_293 = arith.mulf %get3A_287, %get3A_292 : vector<16xf32>
      %add3A_294 = arith.addf %add3A_282, %mul3A_293 : vector<16xf32>
      %swap3A_295 = arith.constant 2 : i32
      %swap3A_296 = arith.index_cast %swap3A_295 : i32 to index
      %swap3A_297 = arith.index_cast %mul3A_195 : i32 to index
      %swap3A_298 = tpu.vector_load %arg12[%swap3A_296, %swap3A_297] {strides = array<i32>} : memref<16x1024xf32, #tpu.memory_space<vmem>>, vector<1x16xf32>,
      %swap3A_299 = vector.shape_cast %swap3A_298 : vector<1x16xf32> to vector<16xf32>
      %swap3A_300 = vector.shape_cast %add3A_294 : vector<16xf32> to vector<1x16xf32>
      tpu.vector_store %arg12[%swap3A_296, %swap3A_297], %swap3A_300 {strides = array<i32>} : memref<16x1024xf32, #tpu.memory_space<vmem>>, vector<1x16xf32>,
      %get3A_301 = arith.constant 3 : i32
      %get3A_302 = arith.index_cast %get3A_301 : i32 to index
      %get3A_303 = arith.index_cast %mul3A_195 : i32 to index
      %get3A_304 = tpu.vector_load %arg12[%get3A_302, %get3A_303] {strides = array<i32>} : memref<16x1024xf32, #tpu.memory_space<vmem>>, vector<1x16xf32>,
      %get3A_305 = vector.shape_cast %get3A_304 : vector<1x16xf32> to vector<16xf32>
      %get3A_306 = arith.constant 3 : i32
      %get3A_307 = arith.index_cast %get3A_306 : i32 to index
      %get3A_308 = arith.constant 0 : index
      %get3A_309 = tpu.vector_load %arg20[%get3A_307, %get3A_308] {strides = array<i32>} : memref<16x16xf32, #tpu.memory_space<vmem>>, vector<1x16xf32>,
      %get3A_310 = vector.shape_cast %get3A_309 : vector<1x16xf32> to vector<16xf32>
      %get3A_311 = arith.constant 3 : i32
      %get3A_312 = arith.index_cast %get3A_311 : i32 to index
      %get3A_313 = arith.index_cast %mul3A_195 : i32 to index
      %get3A_314 = tpu.vector_load %arg8[%get3A_312, %get3A_313] {strides = array<i32>} : memref<16x1024xf32, #tpu.memory_space<vmem>>, vector<1x16xf32>,
      %get3A_315 = vector.shape_cast %get3A_314 : vector<1x16xf32> to vector<16xf32>
      %mul3A_316 = arith.mulf %get3A_310, %get3A_315 : vector<16xf32>
      %add3A_317 = arith.addf %get3A_305, %mul3A_316 : vector<16xf32>
      %get3A_318 = arith.constant 3 : i32
      %get3A_319 = arith.index_cast %get3A_318 : i32 to index
      %get3A_320 = arith.constant 0 : index
      %get3A_321 = tpu.vector_load %arg22[%get3A_319, %get3A_320] {strides = array<i32>} : memref<16x16xf32, #tpu.memory_space<vmem>>, vector<1x16xf32>,
      %get3A_322 = vector.shape_cast %get3A_321 : vector<1x16xf32> to vector<16xf32>
      %get3A_323 = arith.constant 3 : i32
      %get3A_324 = arith.index_cast %get3A_323 : i32 to index
      %get3A_325 = arith.index_cast %mul3A_195 : i32 to index
      %get3A_326 = tpu.vector_load %arg10[%get3A_324, %get3A_325] {strides = array<i32>} : memref<16x1024xf32, #tpu.memory_space<vmem>>, vector<1x16xf32>,
      %get3A_327 = vector.shape_cast %get3A_326 : vector<1x16xf32> to vector<16xf32>
      %mul3A_328 = arith.mulf %get3A_322, %get3A_327 : vector<16xf32>
      %add3A_329 = arith.addf %add3A_317, %mul3A_328 : vector<16xf32>
      %swap3A_330 = arith.constant 3 : i32
      %swap3A_331 = arith.index_cast %swap3A_330 : i32 to index
      %swap3A_332 = arith.index_cast %mul3A_195 : i32 to index
      %swap3A_333 = tpu.vector_load %arg12[%swap3A_331, %swap3A_332] {strides = array<i32>} : memref<16x1024xf32, #tpu.memory_space<vmem>>, vector<1x16xf32>,
      %swap3A_334 = vector.shape_cast %swap3A_333 : vector<1x16xf32> to vector<16xf32>
      %swap3A_335 = vector.shape_cast %add3A_329 : vector<16xf32> to vector<1x16xf32>
      tpu.vector_store %arg12[%swap3A_331, %swap3A_332], %swap3A_335 {strides = array<i32>} : memref<16x1024xf32, #tpu.memory_space<vmem>>, vector<1x16xf32>,
      %get3A_336 = arith.constant 4 : i32
      %get3A_337 = arith.index_cast %get3A_336 : i32 to index
      %get3A_338 = arith.index_cast %mul3A_195 : i32 to index
      %get3A_339 = tpu.vector_load %arg12[%get3A_337, %get3A_338] {strides = array<i32>} : memref<16x1024xf32, #tpu.memory_space<vmem>>, vector<1x16xf32>,
      %get3A_340 = vector.shape_cast %get3A_339 : vector<1x16xf32> to vector<16xf32>
      %get3A_341 = arith.constant 4 : i32
      %get3A_342 = arith.index_cast %get3A_341 : i32 to index
      %get3A_343 = arith.constant 0 : index
      %get3A_344 = tpu.vector_load %arg20[%get3A_342, %get3A_343] {strides = array<i32>} : memref<16x16xf32, #tpu.memory_space<vmem>>, vector<1x16xf32>,
      %get3A_345 = vector.shape_cast %get3A_344 : vector<1x16xf32> to vector<16xf32>
      %get3A_346 = arith.constant 4 : i32
      %get3A_347 = arith.index_cast %get3A_346 : i32 to index
      %get3A_348 = arith.index_cast %mul3A_195 : i32 to index
      %get3A_349 = tpu.vector_load %arg8[%get3A_347, %get3A_348] {strides = array<i32>} : memref<16x1024xf32, #tpu.memory_space<vmem>>, vector<1x16xf32>,
      %get3A_350 = vector.shape_cast %get3A_349 : vector<1x16xf32> to vector<16xf32>
      %mul3A_351 = arith.mulf %get3A_345, %get3A_350 : vector<16xf32>
      %add3A_352 = arith.addf %get3A_340, %mul3A_351 : vector<16xf32>
      %get3A_353 = arith.constant 4 : i32
      %get3A_354 = arith.index_cast %get3A_353 : i32 to index
      %get3A_355 = arith.constant 0 : index
      %get3A_356 = tpu.vector_load %arg22[%get3A_354, %get3A_355] {strides = array<i32>} : memref<16x16xf32, #tpu.memory_space<vmem>>, vector<1x16xf32>,
      %get3A_357 = vector.shape_cast %get3A_356 : vector<1x16xf32> to vector<16xf32>
      %get3A_358 = arith.constant 4 : i32
      %get3A_359 = arith.index_cast %get3A_358 : i32 to index
      %get3A_360 = arith.index_cast %mul3A_195 : i32 to index
      %get3A_361 = tpu.vector_load %arg10[%get3A_359, %get3A_360] {strides = array<i32>} : memref<16x1024xf32, #tpu.memory_space<vmem>>, vector<1x16xf32>,
      %get3A_362 = vector.shape_cast %get3A_361 : vector<1x16xf32> to vector<16xf32>
      %mul3A_363 = arith.mulf %get3A_357, %get3A_362 : vector<16xf32>
      %add3A_364 = arith.addf %add3A_352, %mul3A_363 : vector<16xf32>
      %swap3A_365 = arith.constant 4 : i32
      %swap3A_366 = arith.index_cast %swap3A_365 : i32 to index
      %swap3A_367 = arith.index_cast %mul3A_195 : i32 to index
      %swap3A_368 = tpu.vector_load %arg12[%swap3A_366, %swap3A_367] {strides = array<i32>} : memref<16x1024xf32, #tpu.memory_space<vmem>>, vector<1x16xf32>,
      %swap3A_369 = vector.shape_cast %swap3A_368 : vector<1x16xf32> to vector<16xf32>
      %swap3A_370 = vector.shape_cast %add3A_364 : vector<16xf32> to vector<1x16xf32>
      tpu.vector_store %arg12[%swap3A_366, %swap3A_367], %swap3A_370 {strides = array<i32>} : memref<16x1024xf32, #tpu.memory_space<vmem>>, vector<1x16xf32>,
      %get3A_371 = arith.constant 5 : i32
      %get3A_372 = arith.index_cast %get3A_371 : i32 to index
      %get3A_373 = arith.index_cast %mul3A_195 : i32 to index
      %get3A_374 = tpu.vector_load %arg12[%get3A_372, %get3A_373] {strides = array<i32>} : memref<16x1024xf32, #tpu.memory_space<vmem>>, vector<1x16xf32>,
      %get3A_375 = vector.shape_cast %get3A_374 : vector<1x16xf32> to vector<16xf32>
      %get3A_376 = arith.constant 5 : i32
      %get3A_377 = arith.index_cast %get3A_376 : i32 to index
      %get3A_378 = arith.constant 0 : index
      %get3A_379 = tpu.vector_load %arg20[%get3A_377, %get3A_378] {strides = array<i32>} : memref<16x16xf32, #tpu.memory_space<vmem>>, vector<1x16xf32>,
      %get3A_380 = vector.shape_cast %get3A_379 : vector<1x16xf32> to vector<16xf32>
      %get3A_381 = arith.constant 5 : i32
      %get3A_382 = arith.index_cast %get3A_381 : i32 to index
      %get3A_383 = arith.index_cast %mul3A_195 : i32 to index
      %get3A_384 = tpu.vector_load %arg8[%get3A_382, %get3A_383] {strides = array<i32>} : memref<16x1024xf32, #tpu.memory_space<vmem>>, vector<1x16xf32>,
      %get3A_385 = vector.shape_cast %get3A_384 : vector<1x16xf32> to vector<16xf32>
      %mul3A_386 = arith.mulf %get3A_380, %get3A_385 : vector<16xf32>
      %add3A_387 = arith.addf %get3A_375, %mul3A_386 : vector<16xf32>
      %get3A_388 = arith.constant 5 : i32
      %get3A_389 = arith.index_cast %get3A_388 : i32 to index
      %get3A_390 = arith.constant 0 : index
      %get3A_391 = tpu.vector_load %arg22[%get3A_389, %get3A_390] {strides = array<i32>} : memref<16x16xf32, #tpu.memory_space<vmem>>, vector<1x16xf32>,
      %get3A_392 = vector.shape_cast %get3A_391 : vector<1x16xf32> to vector<16xf32>
      %get3A_393 = arith.constant 5 : i32
      %get3A_394 = arith.index_cast %get3A_393 : i32 to index
      %get3A_395 = arith.index_cast %mul3A_195 : i32 to index
      %get3A_396 = tpu.vector_load %arg10[%get3A_394, %get3A_395] {strides = array<i32>} : memref<16x1024xf32, #tpu.memory_space<vmem>>, vector<1x16xf32>,
      %get3A_397 = vector.shape_cast %get3A_396 : vector<1x16xf32> to vector<16xf32>
      %mul3A_398 = arith.mulf %get3A_392, %get3A_397 : vector<16xf32>
      %add3A_399 = arith.addf %add3A_387, %mul3A_398 : vector<16xf32>
      %swap3A_400 = arith.constant 5 : i32
      %swap3A_401 = arith.index_cast %swap3A_400 : i32 to index
      %swap3A_402 = arith.index_cast %mul3A_195 : i32 to index
      %swap3A_403 = tpu.vector_load %arg12[%swap3A_401, %swap3A_402] {strides = array<i32>} : memref<16x1024xf32, #tpu.memory_space<vmem>>, vector<1x16xf32>,
      %swap3A_404 = vector.shape_cast %swap3A_403 : vector<1x16xf32> to vector<16xf32>
      %swap3A_405 = vector.shape_cast %add3A_399 : vector<16xf32> to vector<1x16xf32>
      tpu.vector_store %arg12[%swap3A_401, %swap3A_402], %swap3A_405 {strides = array<i32>} : memref<16x1024xf32, #tpu.memory_space<vmem>>, vector<1x16xf32>,
      %get3A_406 = arith.constant 6 : i32
      %get3A_407 = arith.index_cast %get3A_406 : i32 to index
      %get3A_408 = arith.index_cast %mul3A_195 : i32 to index
      %get3A_409 = tpu.vector_load %arg12[%get3A_407, %get3A_408] {strides = array<i32>} : memref<16x1024xf32, #tpu.memory_space<vmem>>, vector<1x16xf32>,
      %get3A_410 = vector.shape_cast %get3A_409 : vector<1x16xf32> to vector<16xf32>
      %get3A_411 = arith.constant 6 : i32
      %get3A_412 = arith.index_cast %get3A_411 : i32 to index
      %get3A_413 = arith.constant 0 : index
      %get3A_414 = tpu.vector_load %arg20[%get3A_412, %get3A_413] {strides = array<i32>} : memref<16x16xf32, #tpu.memory_space<vmem>>, vector<1x16xf32>,
      %get3A_415 = vector.shape_cast %get3A_414 : vector<1x16xf32> to vector<16xf32>
      %get3A_416 = arith.constant 6 : i32
      %get3A_417 = arith.index_cast %get3A_416 : i32 to index
      %get3A_418 = arith.index_cast %mul3A_195 : i32 to index
      %get3A_419 = tpu.vector_load %arg8[%get3A_417, %get3A_418] {strides = array<i32>} : memref<16x1024xf32, #tpu.memory_space<vmem>>, vector<1x16xf32>,
      %get3A_420 = vector.shape_cast %get3A_419 : vector<1x16xf32> to vector<16xf32>
      %mul3A_421 = arith.mulf %get3A_415, %get3A_420 : vector<16xf32>
      %add3A_422 = arith.addf %get3A_410, %mul3A_421 : vector<16xf32>
      %get3A_423 = arith.constant 6 : i32
      %get3A_424 = arith.index_cast %get3A_423 : i32 to index
      %get3A_425 = arith.constant 0 : index
      %get3A_426 = tpu.vector_load %arg22[%get3A_424, %get3A_425] {strides = array<i32>} : memref<16x16xf32, #tpu.memory_space<vmem>>, vector<1x16xf32>,
      %get3A_427 = vector.shape_cast %get3A_426 : vector<1x16xf32> to vector<16xf32>
      %get3A_428 = arith.constant 6 : i32
      %get3A_429 = arith.index_cast %get3A_428 : i32 to index
      %get3A_430 = arith.index_cast %mul3A_195 : i32 to index
      %get3A_431 = tpu.vector_load %arg10[%get3A_429, %get3A_430] {strides = array<i32>} : memref<16x1024xf32, #tpu.memory_space<vmem>>, vector<1x16xf32>,
      %get3A_432 = vector.shape_cast %get3A_431 : vector<1x16xf32> to vector<16xf32>
      %mul3A_433 = arith.mulf %get3A_427, %get3A_432 : vector<16xf32>
      %add3A_434 = arith.addf %add3A_422, %mul3A_433 : vector<16xf32>
      %swap3A_435 = arith.constant 6 : i32
      %swap3A_436 = arith.index_cast %swap3A_435 : i32 to index
      %swap3A_437 = arith.index_cast %mul3A_195 : i32 to index
      %swap3A_438 = tpu.vector_load %arg12[%swap3A_436, %swap3A_437] {strides = array<i32>} : memref<16x1024xf32, #tpu.memory_space<vmem>>, vector<1x16xf32>,
      %swap3A_439 = vector.shape_cast %swap3A_438 : vector<1x16xf32> to vector<16xf32>
      %swap3A_440 = vector.shape_cast %add3A_434 : vector<16xf32> to vector<1x16xf32>
      tpu.vector_store %arg12[%swap3A_436, %swap3A_437], %swap3A_440 {strides = array<i32>} : memref<16x1024xf32, #tpu.memory_space<vmem>>, vector<1x16xf32>,
      %get3A_441 = arith.constant 7 : i32
      %get3A_442 = arith.index_cast %get3A_441 : i32 to index
      %get3A_443 = arith.index_cast %mul3A_195 : i32 to index
      %get3A_444 = tpu.vector_load %arg12[%get3A_442, %get3A_443] {strides = array<i32>} : memref<16x1024xf32, #tpu.memory_space<vmem>>, vector<1x16xf32>,
      %get3A_445 = vector.shape_cast %get3A_444 : vector<1x16xf32> to vector<16xf32>
      %get3A_446 = arith.constant 7 : i32
      %get3A_447 = arith.index_cast %get3A_446 : i32 to index
      %get3A_448 = arith.constant 0 : index
      %get3A_449 = tpu.vector_load %arg20[%get3A_447, %get3A_448] {strides = array<i32>} : memref<16x16xf32, #tpu.memory_space<vmem>>, vector<1x16xf32>,
      %get3A_450 = vector.shape_cast %get3A_449 : vector<1x16xf32> to vector<16xf32>
      %get3A_451 = arith.constant 7 : i32
      %get3A_452 = arith.index_cast %get3A_451 : i32 to index
      %get3A_453 = arith.index_cast %mul3A_195 : i32 to index
      %get3A_454 = tpu.vector_load %arg8[%get3A_452, %get3A_453] {strides = array<i32>} : memref<16x1024xf32, #tpu.memory_space<vmem>>, vector<1x16xf32>,
      %get3A_455 = vector.shape_cast %get3A_454 : vector<1x16xf32> to vector<16xf32>
      %mul3A_456 = arith.mulf %get3A_450, %get3A_455 : vector<16xf32>
      %add3A_457 = arith.addf %get3A_445, %mul3A_456 : vector<16xf32>
      %get3A_458 = arith.constant 7 : i32
      %get3A_459 = arith.index_cast %get3A_458 : i32 to index
      %get3A_460 = arith.constant 0 : index
      %get3A_461 = tpu.vector_load %arg22[%get3A_459, %get3A_460] {strides = array<i32>} : memref<16x16xf32, #tpu.memory_space<vmem>>, vector<1x16xf32>,
      %get3A_462 = vector.shape_cast %get3A_461 : vector<1x16xf32> to vector<16xf32>
      %get3A_463 = arith.constant 7 : i32
      %get3A_464 = arith.index_cast %get3A_463 : i32 to index
      %get3A_465 = arith.index_cast %mul3A_195 : i32 to index
      %get3A_466 = tpu.vector_load %arg10[%get3A_464, %get3A_465] {strides = array<i32>} : memref<16x1024xf32, #tpu.memory_space<vmem>>, vector<1x16xf32>,
      %get3A_467 = vector.shape_cast %get3A_466 : vector<1x16xf32> to vector<16xf32>
      %mul3A_468 = arith.mulf %get3A_462, %get3A_467 : vector<16xf32>
      %add3A_469 = arith.addf %add3A_457, %mul3A_468 : vector<16xf32>
      %swap3A_470 = arith.constant 7 : i32
      %swap3A_471 = arith.index_cast %swap3A_470 : i32 to index
      %swap3A_472 = arith.index_cast %mul3A_195 : i32 to index
      %swap3A_473 = tpu.vector_load %arg12[%swap3A_471, %swap3A_472] {strides = array<i32>} : memref<16x1024xf32, #tpu.memory_space<vmem>>, vector<1x16xf32>,
      %swap3A_474 = vector.shape_cast %swap3A_473 : vector<1x16xf32> to vector<16xf32>
      %swap3A_475 = vector.shape_cast %add3A_469 : vector<16xf32> to vector<1x16xf32>
      tpu.vector_store %arg12[%swap3A_471, %swap3A_472], %swap3A_475 {strides = array<i32>} : memref<16x1024xf32, #tpu.memory_space<vmem>>, vector<1x16xf32>,
      %get3A_476 = arith.constant 8 : i32
      %get3A_477 = arith.index_cast %get3A_476 : i32 to index
      %get3A_478 = arith.index_cast %mul3A_195 : i32 to index
      %get3A_479 = tpu.vector_load %arg12[%get3A_477, %get3A_478] {strides = array<i32>} : memref<16x1024xf32, #tpu.memory_space<vmem>>, vector<1x16xf32>,
      %get3A_480 = vector.shape_cast %get3A_479 : vector<1x16xf32> to vector<16xf32>
      %get3A_481 = arith.constant 8 : i32
      %get3A_482 = arith.index_cast %get3A_481 : i32 to index
      %get3A_483 = arith.constant 0 : index
      %get3A_484 = tpu.vector_load %arg20[%get3A_482, %get3A_483] {strides = array<i32>} : memref<16x16xf32, #tpu.memory_space<vmem>>, vector<1x16xf32>,
      %get3A_485 = vector.shape_cast %get3A_484 : vector<1x16xf32> to vector<16xf32>
      %get3A_486 = arith.constant 8 : i32
      %get3A_487 = arith.index_cast %get3A_486 : i32 to index
      %get3A_488 = arith.index_cast %mul3A_195 : i32 to index
      %get3A_489 = tpu.vector_load %arg8[%get3A_487, %get3A_488] {strides = array<i32>} : memref<16x1024xf32, #tpu.memory_space<vmem>>, vector<1x16xf32>,
      %get3A_490 = vector.shape_cast %get3A_489 : vector<1x16xf32> to vector<16xf32>
      %mul3A_491 = arith.mulf %get3A_485, %get3A_490 : vector<16xf32>
      %add3A_492 = arith.addf %get3A_480, %mul3A_491 : vector<16xf32>
      %get3A_493 = arith.constant 8 : i32
      %get3A_494 = arith.index_cast %get3A_493 : i32 to index
      %get3A_495 = arith.constant 0 : index
      %get3A_496 = tpu.vector_load %arg22[%get3A_494, %get3A_495] {strides = array<i32>} : memref<16x16xf32, #tpu.memory_space<vmem>>, vector<1x16xf32>,
      %get3A_497 = vector.shape_cast %get3A_496 : vector<1x16xf32> to vector<16xf32>
      %get3A_498 = arith.constant 8 : i32
      %get3A_499 = arith.index_cast %get3A_498 : i32 to index
      %get3A_500 = arith.index_cast %mul3A_195 : i32 to index
      %get3A_501 = tpu.vector_load %arg10[%get3A_499, %get3A_500] {strides = array<i32>} : memref<16x1024xf32, #tpu.memory_space<vmem>>, vector<1x16xf32>,
      %get3A_502 = vector.shape_cast %get3A_501 : vector<1x16xf32> to vector<16xf32>
      %mul3A_503 = arith.mulf %get3A_497, %get3A_502 : vector<16xf32>
      %add3A_504 = arith.addf %add3A_492, %mul3A_503 : vector<16xf32>
      %swap3A_505 = arith.constant 8 : i32
      %swap3A_506 = arith.index_cast %swap3A_505 : i32 to index
      %swap3A_507 = arith.index_cast %mul3A_195 : i32 to index
      %swap3A_508 = tpu.vector_load %arg12[%swap3A_506, %swap3A_507] {strides = array<i32>} : memref<16x1024xf32, #tpu.memory_space<vmem>>, vector<1x16xf32>,
      %swap3A_509 = vector.shape_cast %swap3A_508 : vector<1x16xf32> to vector<16xf32>
      %swap3A_510 = vector.shape_cast %add3A_504 : vector<16xf32> to vector<1x16xf32>
      tpu.vector_store %arg12[%swap3A_506, %swap3A_507], %swap3A_510 {strides = array<i32>} : memref<16x1024xf32, #tpu.memory_space<vmem>>, vector<1x16xf32>,
      %get3A_511 = arith.constant 9 : i32
      %get3A_512 = arith.index_cast %get3A_511 : i32 to index
      %get3A_513 = arith.index_cast %mul3A_195 : i32 to index
      %get3A_514 = tpu.vector_load %arg12[%get3A_512, %get3A_513] {strides = array<i32>} : memref<16x1024xf32, #tpu.memory_space<vmem>>, vector<1x16xf32>,
      %get3A_515 = vector.shape_cast %get3A_514 : vector<1x16xf32> to vector<16xf32>
      %get3A_516 = arith.constant 9 : i32
      %get3A_517 = arith.index_cast %get3A_516 : i32 to index
      %get3A_518 = arith.constant 0 : index
      %get3A_519 = tpu.vector_load %arg20[%get3A_517, %get3A_518] {strides = array<i32>} : memref<16x16xf32, #tpu.memory_space<vmem>>, vector<1x16xf32>,
      %get3A_520 = vector.shape_cast %get3A_519 : vector<1x16xf32> to vector<16xf32>
      %get3A_521 = arith.constant 9 : i32
      %get3A_522 = arith.index_cast %get3A_521 : i32 to index
      %get3A_523 = arith.index_cast %mul3A_195 : i32 to index
      %get3A_524 = tpu.vector_load %arg8[%get3A_522, %get3A_523] {strides = array<i32>} : memref<16x1024xf32, #tpu.memory_space<vmem>>, vector<1x16xf32>,
      %get3A_525 = vector.shape_cast %get3A_524 : vector<1x16xf32> to vector<16xf32>
      %mul3A_526 = arith.mulf %get3A_520, %get3A_525 : vector<16xf32>
      %add3A_527 = arith.addf %get3A_515, %mul3A_526 : vector<16xf32>
      %get3A_528 = arith.constant 9 : i32
      %get3A_529 = arith.index_cast %get3A_528 : i32 to index
      %get3A_530 = arith.constant 0 : index
      %get3A_531 = tpu.vector_load %arg22[%get3A_529, %get3A_530] {strides = array<i32>} : memref<16x16xf32, #tpu.memory_space<vmem>>, vector<1x16xf32>,
      %get3A_532 = vector.shape_cast %get3A_531 : vector<1x16xf32> to vector<16xf32>
      %get3A_533 = arith.constant 9 : i32
      %get3A_534 = arith.index_cast %get3A_533 : i32 to index
      %get3A_535 = arith.index_cast %mul3A_195 : i32 to index
      %get3A_536 = tpu.vector_load %arg10[%get3A_534, %get3A_535] {strides = array<i32>} : memref<16x1024xf32, #tpu.memory_space<vmem>>, vector<1x16xf32>,
      %get3A_537 = vector.shape_cast %get3A_536 : vector<1x16xf32> to vector<16xf32>
      %mul3A_538 = arith.mulf %get3A_532, %get3A_537 : vector<16xf32>
      %add3A_539 = arith.addf %add3A_527, %mul3A_538 : vector<16xf32>
      %swap3A_540 = arith.constant 9 : i32
      %swap3A_541 = arith.index_cast %swap3A_540 : i32 to index
      %swap3A_542 = arith.index_cast %mul3A_195 : i32 to index
      %swap3A_543 = tpu.vector_load %arg12[%swap3A_541, %swap3A_542] {strides = array<i32>} : memref<16x1024xf32, #tpu.memory_space<vmem>>, vector<1x16xf32>,
      %swap3A_544 = vector.shape_cast %swap3A_543 : vector<1x16xf32> to vector<16xf32>
      %swap3A_545 = vector.shape_cast %add3A_539 : vector<16xf32> to vector<1x16xf32>
      tpu.vector_store %arg12[%swap3A_541, %swap3A_542], %swap3A_545 {strides = array<i32>} : memref<16x1024xf32, #tpu.memory_space<vmem>>, vector<1x16xf32>,
      %get3A_546 = arith.constant 10 : i32
      %get3A_547 = arith.index_cast %get3A_546 : i32 to index
      %get3A_548 = arith.index_cast %mul3A_195 : i32 to index
      %get3A_549 = tpu.vector_load %arg12[%get3A_547, %get3A_548] {strides = array<i32>} : memref<16x1024xf32, #tpu.memory_space<vmem>>, vector<1x16xf32>,
      %get3A_550 = vector.shape_cast %get3A_549 : vector<1x16xf32> to vector<16xf32>
      %get3A_551 = arith.constant 10 : i32
      %get3A_552 = arith.index_cast %get3A_551 : i32 to index
      %get3A_553 = arith.constant 0 : index
      %get3A_554 = tpu.vector_load %arg20[%get3A_552, %get3A_553] {strides = array<i32>} : memref<16x16xf32, #tpu.memory_space<vmem>>, vector<1x16xf32>,
      %get3A_555 = vector.shape_cast %get3A_554 : vector<1x16xf32> to vector<16xf32>
      %get3A_556 = arith.constant 10 : i32
      %get3A_557 = arith.index_cast %get3A_556 : i32 to index
      %get3A_558 = arith.index_cast %mul3A_195 : i32 to index
      %get3A_559 = tpu.vector_load %arg8[%get3A_557, %get3A_558] {strides = array<i32>} : memref<16x1024xf32, #tpu.memory_space<vmem>>, vector<1x16xf32>,
      %get3A_560 = vector.shape_cast %get3A_559 : vector<1x16xf32> to vector<16xf32>
      %mul3A_561 = arith.mulf %get3A_555, %get3A_560 : vector<16xf32>
      %add3A_562 = arith.addf %get3A_550, %mul3A_561 : vector<16xf32>
      %get3A_563 = arith.constant 10 : i32
      %get3A_564 = arith.index_cast %get3A_563 : i32 to index
      %get3A_565 = arith.constant 0 : index
      %get3A_566 = tpu.vector_load %arg22[%get3A_564, %get3A_565] {strides = array<i32>} : memref<16x16xf32, #tpu.memory_space<vmem>>, vector<1x16xf32>,
      %get3A_567 = vector.shape_cast %get3A_566 : vector<1x16xf32> to vector<16xf32>
      %get3A_568 = arith.constant 10 : i32
      %get3A_569 = arith.index_cast %get3A_568 : i32 to index
      %get3A_570 = arith.index_cast %mul3A_195 : i32 to index
      %get3A_571 = tpu.vector_load %arg10[%get3A_569, %get3A_570] {strides = array<i32>} : memref<16x1024xf32, #tpu.memory_space<vmem>>, vector<1x16xf32>,
      %get3A_572 = vector.shape_cast %get3A_571 : vector<1x16xf32> to vector<16xf32>
      %mul3A_573 = arith.mulf %get3A_567, %get3A_572 : vector<16xf32>
      %add3A_574 = arith.addf %add3A_562, %mul3A_573 : vector<16xf32>
      %swap3A_575 = arith.constant 10 : i32
      %swap3A_576 = arith.index_cast %swap3A_575 : i32 to index
      %swap3A_577 = arith.index_cast %mul3A_195 : i32 to index
      %swap3A_578 = tpu.vector_load %arg12[%swap3A_576, %swap3A_577] {strides = array<i32>} : memref<16x1024xf32, #tpu.memory_space<vmem>>, vector<1x16xf32>,
      %swap3A_579 = vector.shape_cast %swap3A_578 : vector<1x16xf32> to vector<16xf32>
      %swap3A_580 = vector.shape_cast %add3A_574 : vector<16xf32> to vector<1x16xf32>
      tpu.vector_store %arg12[%swap3A_576, %swap3A_577], %swap3A_580 {strides = array<i32>} : memref<16x1024xf32, #tpu.memory_space<vmem>>, vector<1x16xf32>,
      %get3A_581 = arith.constant 11 : i32
      %get3A_582 = arith.index_cast %get3A_581 : i32 to index
      %get3A_583 = arith.index_cast %mul3A_195 : i32 to index
      %get3A_584 = tpu.vector_load %arg12[%get3A_582, %get3A_583] {strides = array<i32>} : memref<16x1024xf32, #tpu.memory_space<vmem>>, vector<1x16xf32>,
      %get3A_585 = vector.shape_cast %get3A_584 : vector<1x16xf32> to vector<16xf32>
      %get3A_586 = arith.constant 11 : i32
      %get3A_587 = arith.index_cast %get3A_586 : i32 to index
      %get3A_588 = arith.constant 0 : index
      %get3A_589 = tpu.vector_load %arg20[%get3A_587, %get3A_588] {strides = array<i32>} : memref<16x16xf32, #tpu.memory_space<vmem>>, vector<1x16xf32>,
      %get3A_590 = vector.shape_cast %get3A_589 : vector<1x16xf32> to vector<16xf32>
      %get3A_591 = arith.constant 11 : i32
      %get3A_592 = arith.index_cast %get3A_591 : i32 to index
      %get3A_593 = arith.index_cast %mul3A_195 : i32 to index
      %get3A_594 = tpu.vector_load %arg8[%get3A_592, %get3A_593] {strides = array<i32>} : memref<16x1024xf32, #tpu.memory_space<vmem>>, vector<1x16xf32>,
      %get3A_595 = vector.shape_cast %get3A_594 : vector<1x16xf32> to vector<16xf32>
      %mul3A_596 = arith.mulf %get3A_590, %get3A_595 : vector<16xf32>
      %add3A_597 = arith.addf %get3A_585, %mul3A_596 : vector<16xf32>
      %get3A_598 = arith.constant 11 : i32
      %get3A_599 = arith.index_cast %get3A_598 : i32 to index
      %get3A_600 = arith.constant 0 : index
      %get3A_601 = tpu.vector_load %arg22[%get3A_599, %get3A_600] {strides = array<i32>} : memref<16x16xf32, #tpu.memory_space<vmem>>, vector<1x16xf32>,
      %get3A_602 = vector.shape_cast %get3A_601 : vector<1x16xf32> to vector<16xf32>
      %get3A_603 = arith.constant 11 : i32
      %get3A_604 = arith.index_cast %get3A_603 : i32 to index
      %get3A_605 = arith.index_cast %mul3A_195 : i32 to index
      %get3A_606 = tpu.vector_load %arg10[%get3A_604, %get3A_605] {strides = array<i32>} : memref<16x1024xf32, #tpu.memory_space<vmem>>, vector<1x16xf32>,
      %get3A_607 = vector.shape_cast %get3A_606 : vector<1x16xf32> to vector<16xf32>
      %mul3A_608 = arith.mulf %get3A_602, %get3A_607 : vector<16xf32>
      %add3A_609 = arith.addf %add3A_597, %mul3A_608 : vector<16xf32>
      %swap3A_610 = arith.constant 11 : i32
      %swap3A_611 = arith.index_cast %swap3A_610 : i32 to index
      %swap3A_612 = arith.index_cast %mul3A_195 : i32 to index
      %swap3A_613 = tpu.vector_load %arg12[%swap3A_611, %swap3A_612] {strides = array<i32>} : memref<16x1024xf32, #tpu.memory_space<vmem>>, vector<1x16xf32>,
      %swap3A_614 = vector.shape_cast %swap3A_613 : vector<1x16xf32> to vector<16xf32>
      %swap3A_615 = vector.shape_cast %add3A_609 : vector<16xf32> to vector<1x16xf32>
      tpu.vector_store %arg12[%swap3A_611, %swap3A_612], %swap3A_615 {strides = array<i32>} : memref<16x1024xf32, #tpu.memory_space<vmem>>, vector<1x16xf32>,
      %get3A_616 = arith.constant 12 : i32
      %get3A_617 = arith.index_cast %get3A_616 : i32 to index
      %get3A_618 = arith.index_cast %mul3A_195 : i32 to index
      %get3A_619 = tpu.vector_load %arg12[%get3A_617, %get3A_618] {strides = array<i32>} : memref<16x1024xf32, #tpu.memory_space<vmem>>, vector<1x16xf32>,
      %get3A_620 = vector.shape_cast %get3A_619 : vector<1x16xf32> to vector<16xf32>
      %get3A_621 = arith.constant 12 : i32
      %get3A_622 = arith.index_cast %get3A_621 : i32 to index
      %get3A_623 = arith.constant 0 : index
      %get3A_624 = tpu.vector_load %arg20[%get3A_622, %get3A_623] {strides = array<i32>} : memref<16x16xf32, #tpu.memory_space<vmem>>, vector<1x16xf32>,
      %get3A_625 = vector.shape_cast %get3A_624 : vector<1x16xf32> to vector<16xf32>
      %get3A_626 = arith.constant 12 : i32
      %get3A_627 = arith.index_cast %get3A_626 : i32 to index
      %get3A_628 = arith.index_cast %mul3A_195 : i32 to index
      %get3A_629 = tpu.vector_load %arg8[%get3A_627, %get3A_628] {strides = array<i32>} : memref<16x1024xf32, #tpu.memory_space<vmem>>, vector<1x16xf32>,
      %get3A_630 = vector.shape_cast %get3A_629 : vector<1x16xf32> to vector<16xf32>
      %mul3A_631 = arith.mulf %get3A_625, %get3A_630 : vector<16xf32>
      %add3A_632 = arith.addf %get3A_620, %mul3A_631 : vector<16xf32>
      %get3A_633 = arith.constant 12 : i32
      %get3A_634 = arith.index_cast %get3A_633 : i32 to index
      %get3A_635 = arith.constant 0 : index
      %get3A_636 = tpu.vector_load %arg22[%get3A_634, %get3A_635] {strides = array<i32>} : memref<16x16xf32, #tpu.memory_space<vmem>>, vector<1x16xf32>,
      %get3A_637 = vector.shape_cast %get3A_636 : vector<1x16xf32> to vector<16xf32>
      %get3A_638 = arith.constant 12 : i32
      %get3A_639 = arith.index_cast %get3A_638 : i32 to index
      %get3A_640 = arith.index_cast %mul3A_195 : i32 to index
      %get3A_641 = tpu.vector_load %arg10[%get3A_639, %get3A_640] {strides = array<i32>} : memref<16x1024xf32, #tpu.memory_space<vmem>>, vector<1x16xf32>,
      %get3A_642 = vector.shape_cast %get3A_641 : vector<1x16xf32> to vector<16xf32>
      %mul3A_643 = arith.mulf %get3A_637, %get3A_642 : vector<16xf32>
      %add3A_644 = arith.addf %add3A_632, %mul3A_643 : vector<16xf32>
      %swap3A_645 = arith.constant 12 : i32
      %swap3A_646 = arith.index_cast %swap3A_645 : i32 to index
      %swap3A_647 = arith.index_cast %mul3A_195 : i32 to index
      %swap3A_648 = tpu.vector_load %arg12[%swap3A_646, %swap3A_647] {strides = array<i32>} : memref<16x1024xf32, #tpu.memory_space<vmem>>, vector<1x16xf32>,
      %swap3A_649 = vector.shape_cast %swap3A_648 : vector<1x16xf32> to vector<16xf32>
      %swap3A_650 = vector.shape_cast %add3A_644 : vector<16xf32> to vector<1x16xf32>
      tpu.vector_store %arg12[%swap3A_646, %swap3A_647], %swap3A_650 {strides = array<i32>} : memref<16x1024xf32, #tpu.memory_space<vmem>>, vector<1x16xf32>,
      %get3A_651 = arith.constant 13 : i32
      %get3A_652 = arith.index_cast %get3A_651 : i32 to index
      %get3A_653 = arith.index_cast %mul3A_195 : i32 to index
      %get3A_654 = tpu.vector_load %arg12[%get3A_652, %get3A_653] {strides = array<i32>} : memref<16x1024xf32, #tpu.memory_space<vmem>>, vector<1x16xf32>,
      %get3A_655 = vector.shape_cast %get3A_654 : vector<1x16xf32> to vector<16xf32>
      %get3A_656 = arith.constant 13 : i32
      %get3A_657 = arith.index_cast %get3A_656 : i32 to index
      %get3A_658 = arith.constant 0 : index
      %get3A_659 = tpu.vector_load %arg20[%get3A_657, %get3A_658] {strides = array<i32>} : memref<16x16xf32, #tpu.memory_space<vmem>>, vector<1x16xf32>,
      %get3A_660 = vector.shape_cast %get3A_659 : vector<1x16xf32> to vector<16xf32>
      %get3A_661 = arith.constant 13 : i32
      %get3A_662 = arith.index_cast %get3A_661 : i32 to index
      %get3A_663 = arith.index_cast %mul3A_195 : i32 to index
      %get3A_664 = tpu.vector_load %arg8[%get3A_662, %get3A_663] {strides = array<i32>} : memref<16x1024xf32, #tpu.memory_space<vmem>>, vector<1x16xf32>,
      %get3A_665 = vector.shape_cast %get3A_664 : vector<1x16xf32> to vector<16xf32>
      %mul3A_666 = arith.mulf %get3A_660, %get3A_665 : vector<16xf32>
      %add3A_667 = arith.addf %get3A_655, %mul3A_666 : vector<16xf32>
      %get3A_668 = arith.constant 13 : i32
      %get3A_669 = arith.index_cast %get3A_668 : i32 to index
      %get3A_670 = arith.constant 0 : index
      %get3A_671 = tpu.vector_load %arg22[%get3A_669, %get3A_670] {strides = array<i32>} : memref<16x16xf32, #tpu.memory_space<vmem>>, vector<1x16xf32>,
      %get3A_672 = vector.shape_cast %get3A_671 : vector<1x16xf32> to vector<16xf32>
      %get3A_673 = arith.constant 13 : i32
      %get3A_674 = arith.index_cast %get3A_673 : i32 to index
      %get3A_675 = arith.index_cast %mul3A_195 : i32 to index
      %get3A_676 = tpu.vector_load %arg10[%get3A_674, %get3A_675] {strides = array<i32>} : memref<16x1024xf32, #tpu.memory_space<vmem>>, vector<1x16xf32>,
      %get3A_677 = vector.shape_cast %get3A_676 : vector<1x16xf32> to vector<16xf32>
      %mul3A_678 = arith.mulf %get3A_672, %get3A_677 : vector<16xf32>
      %add3A_679 = arith.addf %add3A_667, %mul3A_678 : vector<16xf32>
      %swap3A_680 = arith.constant 13 : i32
      %swap3A_681 = arith.index_cast %swap3A_680 : i32 to index
      %swap3A_682 = arith.index_cast %mul3A_195 : i32 to index
      %swap3A_683 = tpu.vector_load %arg12[%swap3A_681, %swap3A_682] {strides = array<i32>} : memref<16x1024xf32, #tpu.memory_space<vmem>>, vector<1x16xf32>,
      %swap3A_684 = vector.shape_cast %swap3A_683 : vector<1x16xf32> to vector<16xf32>
      %swap3A_685 = vector.shape_cast %add3A_679 : vector<16xf32> to vector<1x16xf32>
      tpu.vector_store %arg12[%swap3A_681, %swap3A_682], %swap3A_685 {strides = array<i32>} : memref<16x1024xf32, #tpu.memory_space<vmem>>, vector<1x16xf32>,
      %get3A_686 = arith.constant 14 : i32
      %get3A_687 = arith.index_cast %get3A_686 : i32 to index
      %get3A_688 = arith.index_cast %mul3A_195 : i32 to index
      %get3A_689 = tpu.vector_load %arg12[%get3A_687, %get3A_688] {strides = array<i32>} : memref<16x1024xf32, #tpu.memory_space<vmem>>, vector<1x16xf32>,
      %get3A_690 = vector.shape_cast %get3A_689 : vector<1x16xf32> to vector<16xf32>
      %get3A_691 = arith.constant 14 : i32
      %get3A_692 = arith.index_cast %get3A_691 : i32 to index
      %get3A_693 = arith.constant 0 : index
      %get3A_694 = tpu.vector_load %arg20[%get3A_692, %get3A_693] {strides = array<i32>} : memref<16x16xf32, #tpu.memory_space<vmem>>, vector<1x16xf32>,
      %get3A_695 = vector.shape_cast %get3A_694 : vector<1x16xf32> to vector<16xf32>
      %get3A_696 = arith.constant 14 : i32
      %get3A_697 = arith.index_cast %get3A_696 : i32 to index
      %get3A_698 = arith.index_cast %mul3A_195 : i32 to index
      %get3A_699 = tpu.vector_load %arg8[%get3A_697, %get3A_698] {strides = array<i32>} : memref<16x1024xf32, #tpu.memory_space<vmem>>, vector<1x16xf32>,
      %get3A_700 = vector.shape_cast %get3A_699 : vector<1x16xf32> to vector<16xf32>
      %mul3A_701 = arith.mulf %get3A_695, %get3A_700 : vector<16xf32>
      %add3A_702 = arith.addf %get3A_690, %mul3A_701 : vector<16xf32>
      %get3A_703 = arith.constant 14 : i32
      %get3A_704 = arith.index_cast %get3A_703 : i32 to index
      %get3A_705 = arith.constant 0 : index
      %get3A_706 = tpu.vector_load %arg22[%get3A_704, %get3A_705] {strides = array<i32>} : memref<16x16xf32, #tpu.memory_space<vmem>>, vector<1x16xf32>,
      %get3A_707 = vector.shape_cast %get3A_706 : vector<1x16xf32> to vector<16xf32>
      %get3A_708 = arith.constant 14 : i32
      %get3A_709 = arith.index_cast %get3A_708 : i32 to index
      %get3A_710 = arith.index_cast %mul3A_195 : i32 to index
      %get3A_711 = tpu.vector_load %arg10[%get3A_709, %get3A_710] {strides = array<i32>} : memref<16x1024xf32, #tpu.memory_space<vmem>>, vector<1x16xf32>,
      %get3A_712 = vector.shape_cast %get3A_711 : vector<1x16xf32> to vector<16xf32>
      %mul3A_713 = arith.mulf %get3A_707, %get3A_712 : vector<16xf32>
      %add3A_714 = arith.addf %add3A_702, %mul3A_713 : vector<16xf32>
      %swap3A_715 = arith.constant 14 : i32
      %swap3A_716 = arith.index_cast %swap3A_715 : i32 to index
      %swap3A_717 = arith.index_cast %mul3A_195 : i32 to index
      %swap3A_718 = tpu.vector_load %arg12[%swap3A_716, %swap3A_717] {strides = array<i32>} : memref<16x1024xf32, #tpu.memory_space<vmem>>, vector<1x16xf32>,
      %swap3A_719 = vector.shape_cast %swap3A_718 : vector<1x16xf32> to vector<16xf32>
      %swap3A_720 = vector.shape_cast %add3A_714 : vector<16xf32> to vector<1x16xf32>
      tpu.vector_store %arg12[%swap3A_716, %swap3A_717], %swap3A_720 {strides = array<i32>} : memref<16x1024xf32, #tpu.memory_space<vmem>>, vector<1x16xf32>,
      %get3A_721 = arith.constant 15 : i32
      %get3A_722 = arith.index_cast %get3A_721 : i32 to index
      %get3A_723 = arith.index_cast %mul3A_195 : i32 to index
      %get3A_724 = tpu.vector_load %arg12[%get3A_722, %get3A_723] {strides = array<i32>} : memref<16x1024xf32, #tpu.memory_space<vmem>>, vector<1x16xf32>,
      %get3A_725 = vector.shape_cast %get3A_724 : vector<1x16xf32> to vector<16xf32>
      %get3A_726 = arith.constant 15 : i32
      %get3A_727 = arith.index_cast %get3A_726 : i32 to index
      %get3A_728 = arith.constant 0 : index
      %get3A_729 = tpu.vector_load %arg20[%get3A_727, %get3A_728] {strides = array<i32>} : memref<16x16xf32, #tpu.memory_space<vmem>>, vector<1x16xf32>,
      %get3A_730 = vector.shape_cast %get3A_729 : vector<1x16xf32> to vector<16xf32>
      %get3A_731 = arith.constant 15 : i32
      %get3A_732 = arith.index_cast %get3A_731 : i32 to index
      %get3A_733 = arith.index_cast %mul3A_195 : i32 to index
      %get3A_734 = tpu.vector_load %arg8[%get3A_732, %get3A_733] {strides = array<i32>} : memref<16x1024xf32, #tpu.memory_space<vmem>>, vector<1x16xf32>,
      %get3A_735 = vector.shape_cast %get3A_734 : vector<1x16xf32> to vector<16xf32>
      %mul3A_736 = arith.mulf %get3A_730, %get3A_735 : vector<16xf32>
      %add3A_737 = arith.addf %get3A_725, %mul3A_736 : vector<16xf32>
      %get3A_738 = arith.constant 15 : i32
      %get3A_739 = arith.index_cast %get3A_738 : i32 to index
      %get3A_740 = arith.constant 0 : index
      %get3A_741 = tpu.vector_load %arg22[%get3A_739, %get3A_740] {strides = array<i32>} : memref<16x16xf32, #tpu.memory_space<vmem>>, vector<1x16xf32>,
      %get3A_742 = vector.shape_cast %get3A_741 : vector<1x16xf32> to vector<16xf32>
      %get3A_743 = arith.constant 15 : i32
      %get3A_744 = arith.index_cast %get3A_743 : i32 to index
      %get3A_745 = arith.index_cast %mul3A_195 : i32 to index
      %get3A_746 = tpu.vector_load %arg10[%get3A_744, %get3A_745] {strides = array<i32>} : memref<16x1024xf32, #tpu.memory_space<vmem>>, vector<1x16xf32>,
      %get3A_747 = vector.shape_cast %get3A_746 : vector<1x16xf32> to vector<16xf32>
      %mul3A_748 = arith.mulf %get3A_742, %get3A_747 : vector<16xf32>
      %add3A_749 = arith.addf %add3A_737, %mul3A_748 : vector<16xf32>
      %swap3A_750 = arith.constant 15 : i32
      %swap3A_751 = arith.index_cast %swap3A_750 : i32 to index
      %swap3A_752 = arith.index_cast %mul3A_195 : i32 to index
      %swap3A_753 = tpu.vector_load %arg12[%swap3A_751, %swap3A_752] {strides = array<i32>} : memref<16x1024xf32, #tpu.memory_space<vmem>>, vector<1x16xf32>,
      %swap3A_754 = vector.shape_cast %swap3A_753 : vector<1x16xf32> to vector<16xf32>
      %swap3A_755 = vector.shape_cast %add3A_749 : vector<16xf32> to vector<1x16xf32>
      tpu.vector_store %arg12[%swap3A_751, %swap3A_752], %swap3A_755 {strides = array<i32>} : memref<16x1024xf32, #tpu.memory_space<vmem>>, vector<1x16xf32>,
      %scan3A_756 = arith.constant 0 : i32
      scf.yield %scan3A_756 : i32
    }
    %scan3A_72 = arith.constant 64 : i32
    %add3A_73 = arith.constant 0 : i32
    %add3A_74 = arith.addi %mul3A_2, %add3A_73 : i32
    "tpu.region"() ({
      %run_scoped3A_192 = tpu.sem_alloc : memref<!tpu.dma_semaphore, #tpu.memory_space<semaphore_mem>>
      %dma_start3A_193 = arith.constant 0 : i32
      %dma_start3A_194 = tpu.memref_slice %arg7[%add3A_74, %dma_start3A_193] : memref<2048x1024xf32, #tpu.memory_space<hbm>> -> memref<16x1024xf32, #tpu.memory_space<hbm>>
      %dma_start3A_195 = arith.constant 0 : i32
      %dma_start3A_196 = tpu.memref_slice %arg7[%add3A_74, %dma_start3A_195] : memref<2048x1024xf32, #tpu.memory_space<hbm>> -> memref<16x1024xf32, #tpu.memory_space<hbm>>
      tpu.enqueue_dma source(%arg12 : memref<16x1024xf32, #tpu.memory_space<vmem>>) target(%dma_start3A_196 : memref<16x1024xf32, #tpu.memory_space<hbm>>) target_semaphore(%run_scoped3A_192 : memref<!tpu.dma_semaphore, #tpu.memory_space<semaphore_mem>>)
      %dma_wait3A_197 = arith.constant 0 : i32
      %dma_wait3A_198 = tpu.memref_slice %arg7[%add3A_74, %dma_wait3A_197] : memref<2048x1024xf32, #tpu.memory_space<hbm>> -> memref<16x1024xf32, #tpu.memory_space<hbm>>
      %dma_wait3A_199 = arith.constant 0 : i32
      %dma_wait3A_200 = tpu.memref_slice %arg7[%add3A_74, %dma_wait3A_199] : memref<2048x1024xf32, #tpu.memory_space<hbm>> -> memref<16x1024xf32, #tpu.memory_space<hbm>>
      tpu.wait_dma2 semaphore(%run_scoped3A_192 : memref<!tpu.dma_semaphore, #tpu.memory_space<semaphore_mem>>) src(%arg12 : memref<16x1024xf32, #tpu.memory_space<vmem>>) dst(%dma_wait3A_200 : memref<16x1024xf32, #tpu.memory_space<hbm>>)
      tpu.yield
    }) : () -> ()
    %add3A_75 = arith.constant 32 : i32
    %add3A_76 = arith.addi %mul3A_2, %add3A_75 : i32
    %run_scoped3A_77 = arith.constant 0 : i32
    "tpu.region"() ({
      %run_scoped3A_192 = tpu.sem_alloc : memref<!tpu.dma_semaphore, #tpu.memory_space<semaphore_mem>>
      %dma_start3A_193 = tpu.memref_slice %arg4[%run_scoped3A_77, %add3A_76] : memref<128x2048xf32, #tpu.memory_space<hbm>> -> memref<1x16xf32, #tpu.memory_space<hbm>>
      %dma_start3A_194 = tpu.memref_squeeze %dma_start3A_193 : memref<1x16xf32, #tpu.memory_space<hbm>> -> memref<16xf32, #tpu.memory_space<hbm>>
      %dma_start3A_195 = tpu.memref_slice %arg4[%run_scoped3A_77, %add3A_76] : memref<128x2048xf32, #tpu.memory_space<hbm>> -> memref<1x16xf32, #tpu.memory_space<hbm>>
      %dma_start3A_196 = tpu.memref_squeeze %dma_start3A_195 : memref<1x16xf32, #tpu.memory_space<hbm>> -> memref<16xf32, #tpu.memory_space<hbm>>
      tpu.enqueue_dma source(%dma_start3A_196 : memref<16xf32, #tpu.memory_space<hbm>>) target(%arg14 : memref<16xf32, #tpu.memory_space<vmem>>) target_semaphore(%run_scoped3A_192 : memref<!tpu.dma_semaphore, #tpu.memory_space<semaphore_mem>>)
      %dma_wait3A_197 = tpu.memref_slice %arg4[%run_scoped3A_77, %add3A_76] : memref<128x2048xf32, #tpu.memory_space<hbm>> -> memref<1x16xf32, #tpu.memory_space<hbm>>
      %dma_wait3A_198 = tpu.memref_squeeze %dma_wait3A_197 : memref<1x16xf32, #tpu.memory_space<hbm>> -> memref<16xf32, #tpu.memory_space<hbm>>
      %dma_wait3A_199 = tpu.memref_slice %arg4[%run_scoped3A_77, %add3A_76] : memref<128x2048xf32, #tpu.memory_space<hbm>> -> memref<1x16xf32, #tpu.memory_space<hbm>>
      %dma_wait3A_200 = tpu.memref_squeeze %dma_wait3A_199 : memref<1x16xf32, #tpu.memory_space<hbm>> -> memref<16xf32, #tpu.memory_space<hbm>>
      tpu.wait_dma2 semaphore(%run_scoped3A_192 : memref<!tpu.dma_semaphore, #tpu.memory_space<semaphore_mem>>) src(%dma_wait3A_200 : memref<16xf32, #tpu.memory_space<hbm>>) dst(%arg14 : memref<16xf32, #tpu.memory_space<vmem>>)
      tpu.yield
    }) : () -> ()
    %get3A_78 = arith.constant 0 : index
    %get3A_79 = tpu.vector_load %arg14[%get3A_78] {strides = array<i32>} : memref<16xf32, #tpu.memory_space<vmem>>, vector<16xf32>,
    %get3A_80 = vector.shape_cast %get3A_79 : vector<16xf32> to vector<16xf32>
    %convert_element_type3A_81 = arith.fptosi %get3A_80 : vector<16xf32> to vector<16xi32>
    %swap3A_82 = arith.constant 0 : index
    %swap3A_83 = tpu.vector_load %arg16[%swap3A_82] {strides = array<i32>} : memref<16xi32, #tpu.memory_space<vmem>>, vector<16xi32>,
    %swap3A_84 = vector.shape_cast %swap3A_83 : vector<16xi32> to vector<16xi32>
    %swap3A_85 = vector.shape_cast %convert_element_type3A_81 : vector<16xi32> to vector<16xi32>
    tpu.vector_store %arg16[%swap3A_82], %swap3A_85 {strides = array<i32>} : memref<16xi32, #tpu.memory_space<vmem>>, vector<16xi32>,
    %run_scoped3A_86 = arith.constant 1 : i32
    "tpu.region"() ({
      %run_scoped3A_192 = tpu.sem_alloc : memref<!tpu.dma_semaphore, #tpu.memory_space<semaphore_mem>>
      %dma_start3A_193 = tpu.memref_slice %arg4[%run_scoped3A_86, %add3A_76] : memref<128x2048xf32, #tpu.memory_space<hbm>> -> memref<1x16xf32, #tpu.memory_space<hbm>>
      %dma_start3A_194 = tpu.memref_squeeze %dma_start3A_193 : memref<1x16xf32, #tpu.memory_space<hbm>> -> memref<16xf32, #tpu.memory_space<hbm>>
      %dma_start3A_195 = tpu.memref_slice %arg4[%run_scoped3A_86, %add3A_76] : memref<128x2048xf32, #tpu.memory_space<hbm>> -> memref<1x16xf32, #tpu.memory_space<hbm>>
      %dma_start3A_196 = tpu.memref_squeeze %dma_start3A_195 : memref<1x16xf32, #tpu.memory_space<hbm>> -> memref<16xf32, #tpu.memory_space<hbm>>
      tpu.enqueue_dma source(%dma_start3A_196 : memref<16xf32, #tpu.memory_space<hbm>>) target(%arg14 : memref<16xf32, #tpu.memory_space<vmem>>) target_semaphore(%run_scoped3A_192 : memref<!tpu.dma_semaphore, #tpu.memory_space<semaphore_mem>>)
      %dma_wait3A_197 = tpu.memref_slice %arg4[%run_scoped3A_86, %add3A_76] : memref<128x2048xf32, #tpu.memory_space<hbm>> -> memref<1x16xf32, #tpu.memory_space<hbm>>
      %dma_wait3A_198 = tpu.memref_squeeze %dma_wait3A_197 : memref<1x16xf32, #tpu.memory_space<hbm>> -> memref<16xf32, #tpu.memory_space<hbm>>
      %dma_wait3A_199 = tpu.memref_slice %arg4[%run_scoped3A_86, %add3A_76] : memref<128x2048xf32, #tpu.memory_space<hbm>> -> memref<1x16xf32, #tpu.memory_space<hbm>>
      %dma_wait3A_200 = tpu.memref_squeeze %dma_wait3A_199 : memref<1x16xf32, #tpu.memory_space<hbm>> -> memref<16xf32, #tpu.memory_space<hbm>>
      tpu.wait_dma2 semaphore(%run_scoped3A_192 : memref<!tpu.dma_semaphore, #tpu.memory_space<semaphore_mem>>) src(%dma_wait3A_200 : memref<16xf32, #tpu.memory_space<hbm>>) dst(%arg14 : memref<16xf32, #tpu.memory_space<vmem>>)
      tpu.yield
    }) : () -> ()
    %get3A_87 = arith.constant 0 : index
    %get3A_88 = tpu.vector_load %arg14[%get3A_87] {strides = array<i32>} : memref<16xf32, #tpu.memory_space<vmem>>, vector<16xf32>,
    %get3A_89 = vector.shape_cast %get3A_88 : vector<16xf32> to vector<16xf32>
    %convert_element_type3A_90 = arith.fptosi %get3A_89 : vector<16xf32> to vector<16xi32>
    %swap3A_91 = arith.constant 0 : index
    %swap3A_92 = tpu.vector_load %arg18[%swap3A_91] {strides = array<i32>} : memref<16xi32, #tpu.memory_space<vmem>>, vector<16xi32>,
    %swap3A_93 = vector.shape_cast %swap3A_92 : vector<16xi32> to vector<16xi32>
    %swap3A_94 = vector.shape_cast %convert_element_type3A_90 : vector<16xi32> to vector<16xi32>
    tpu.vector_store %arg18[%swap3A_91], %swap3A_94 {strides = array<i32>} : memref<16xi32, #tpu.memory_space<vmem>>, vector<16xi32>,
    "tpu.region"() ({
      %run_scoped3A_192 = tpu.sem_alloc : memref<!tpu.dma_semaphore, #tpu.memory_space<semaphore_mem>>
      %dma_start3A_193 = arith.constant 0 : i32
      %dma_start3A_194 = tpu.memref_slice %arg5[%add3A_76, %dma_start3A_193] : memref<2048x16xf32, #tpu.memory_space<hbm>> -> memref<16x16xf32, #tpu.memory_space<hbm>>
      %dma_start3A_195 = arith.constant 0 : i32
      %dma_start3A_196 = tpu.memref_slice %arg5[%add3A_76, %dma_start3A_195] : memref<2048x16xf32, #tpu.memory_space<hbm>> -> memref<16x16xf32, #tpu.memory_space<hbm>>
      tpu.enqueue_dma source(%dma_start3A_196 : memref<16x16xf32, #tpu.memory_space<hbm>>) target(%arg20 : memref<16x16xf32, #tpu.memory_space<vmem>>) target_semaphore(%run_scoped3A_192 : memref<!tpu.dma_semaphore, #tpu.memory_space<semaphore_mem>>)
      %dma_wait3A_197 = arith.constant 0 : i32
      %dma_wait3A_198 = tpu.memref_slice %arg5[%add3A_76, %dma_wait3A_197] : memref<2048x16xf32, #tpu.memory_space<hbm>> -> memref<16x16xf32, #tpu.memory_space<hbm>>
      %dma_wait3A_199 = arith.constant 0 : i32
      %dma_wait3A_200 = tpu.memref_slice %arg5[%add3A_76, %dma_wait3A_199] : memref<2048x16xf32, #tpu.memory_space<hbm>> -> memref<16x16xf32, #tpu.memory_space<hbm>>
      tpu.wait_dma2 semaphore(%run_scoped3A_192 : memref<!tpu.dma_semaphore, #tpu.memory_space<semaphore_mem>>) src(%dma_wait3A_200 : memref<16x16xf32, #tpu.memory_space<hbm>>) dst(%arg20 : memref<16x16xf32, #tpu.memory_space<vmem>>)
      tpu.yield
    }) : () -> ()
    "tpu.region"() ({
      %run_scoped3A_192 = tpu.sem_alloc : memref<!tpu.dma_semaphore, #tpu.memory_space<semaphore_mem>>
      %dma_start3A_193 = arith.constant 0 : i32
      %dma_start3A_194 = tpu.memref_slice %arg6[%add3A_76, %dma_start3A_193] : memref<2048x16xf32, #tpu.memory_space<hbm>> -> memref<16x16xf32, #tpu.memory_space<hbm>>
      %dma_start3A_195 = arith.constant 0 : i32
      %dma_start3A_196 = tpu.memref_slice %arg6[%add3A_76, %dma_start3A_195] : memref<2048x16xf32, #tpu.memory_space<hbm>> -> memref<16x16xf32, #tpu.memory_space<hbm>>
      tpu.enqueue_dma source(%dma_start3A_196 : memref<16x16xf32, #tpu.memory_space<hbm>>) target(%arg22 : memref<16x16xf32, #tpu.memory_space<vmem>>) target_semaphore(%run_scoped3A_192 : memref<!tpu.dma_semaphore, #tpu.memory_space<semaphore_mem>>)
      %dma_wait3A_197 = arith.constant 0 : i32
      %dma_wait3A_198 = tpu.memref_slice %arg6[%add3A_76, %dma_wait3A_197] : memref<2048x16xf32, #tpu.memory_space<hbm>> -> memref<16x16xf32, #tpu.memory_space<hbm>>
      %dma_wait3A_199 = arith.constant 0 : i32
      %dma_wait3A_200 = tpu.memref_slice %arg6[%add3A_76, %dma_wait3A_199] : memref<2048x16xf32, #tpu.memory_space<hbm>> -> memref<16x16xf32, #tpu.memory_space<hbm>>
      tpu.wait_dma2 semaphore(%run_scoped3A_192 : memref<!tpu.dma_semaphore, #tpu.memory_space<semaphore_mem>>) src(%dma_wait3A_200 : memref<16x16xf32, #tpu.memory_space<hbm>>) dst(%arg22 : memref<16x16xf32, #tpu.memory_space<vmem>>)
      tpu.yield
    }) : () -> ()
    %dma_start3A_95 = arith.constant 0 : i32
    %dma_start3A_96 = arith.constant 0 : i32
    %dma_start3A_97 = tpu.memref_slice %arg2[%dma_start3A_95, %dma_start3A_96] : memref<8960x1024xf32, #tpu.memory_space<hbm>> -> memref<8960x1024xf32, #tpu.memory_space<hbm>>
    tpu.enqueue_indirect_dma source(%dma_start3A_97 : memref<8960x1024xf32, #tpu.memory_space<hbm>>) target(%arg8 : memref<16x1024xf32, #tpu.memory_space<vmem>>) offsets(%arg16 : memref<16xi32, #tpu.memory_space<vmem>>) semaphore(%arg24 : memref<!tpu.dma_semaphore, #tpu.memory_space<semaphore_mem>>)
    %dma_start3A_98 = arith.constant 0 : i32
    %dma_start3A_99 = arith.constant 0 : i32
    %dma_start3A_100 = tpu.memref_slice %arg2[%dma_start3A_98, %dma_start3A_99] : memref<8960x1024xf32, #tpu.memory_space<hbm>> -> memref<8960x1024xf32, #tpu.memory_space<hbm>>
    tpu.enqueue_indirect_dma source(%dma_start3A_100 : memref<8960x1024xf32, #tpu.memory_space<hbm>>) target(%arg10 : memref<16x1024xf32, #tpu.memory_space<vmem>>) offsets(%arg18 : memref<16xi32, #tpu.memory_space<vmem>>) semaphore(%arg25 : memref<!tpu.dma_semaphore, #tpu.memory_space<semaphore_mem>>)
    %dma_start3A_101 = arith.constant 0 : i32
    %dma_start3A_102 = tpu.memref_slice %arg3[%add3A_76, %dma_start3A_101] : memref<2048x1024xf32, #tpu.memory_space<hbm>> -> memref<16x1024xf32, #tpu.memory_space<hbm>>
    %dma_start3A_103 = arith.constant 0 : i32
    %dma_start3A_104 = tpu.memref_slice %arg3[%add3A_76, %dma_start3A_103] : memref<2048x1024xf32, #tpu.memory_space<hbm>> -> memref<16x1024xf32, #tpu.memory_space<hbm>>
    tpu.enqueue_dma source(%dma_start3A_104 : memref<16x1024xf32, #tpu.memory_space<hbm>>) target(%arg12 : memref<16x1024xf32, #tpu.memory_space<vmem>>) target_semaphore(%arg26 : memref<!tpu.dma_semaphore, #tpu.memory_space<semaphore_mem>>)
    %dma_wait3A_105 = arith.constant 0 : i32
    %dma_wait3A_106 = arith.constant 0 : i32
    %dma_wait3A_107 = tpu.memref_slice %arg2[%dma_wait3A_105, %dma_wait3A_106] : memref<8960x1024xf32, #tpu.memory_space<hbm>> -> memref<8960x1024xf32, #tpu.memory_space<hbm>>
    tpu.wait_indirect_dma semaphore(%arg27 : memref<!tpu.dma_semaphore, #tpu.memory_space<semaphore_mem>>) src(%dma_wait3A_107 : memref<8960x1024xf32, #tpu.memory_space<hbm>>) dst(%arg9 : memref<16x1024xf32, #tpu.memory_space<vmem>>)
    %dma_wait3A_108 = arith.constant 0 : i32
    %dma_wait3A_109 = arith.constant 0 : i32
    %dma_wait3A_110 = tpu.memref_slice %arg2[%dma_wait3A_108, %dma_wait3A_109] : memref<8960x1024xf32, #tpu.memory_space<hbm>> -> memref<8960x1024xf32, #tpu.memory_space<hbm>>
    tpu.wait_indirect_dma semaphore(%arg28 : memref<!tpu.dma_semaphore, #tpu.memory_space<semaphore_mem>>) src(%dma_wait3A_110 : memref<8960x1024xf32, #tpu.memory_space<hbm>>) dst(%arg11 : memref<16x1024xf32, #tpu.memory_space<vmem>>)
    %dma_wait3A_111 = arith.constant 0 : i32
    %dma_wait3A_112 = tpu.memref_slice %arg3[%add3A_29, %dma_wait3A_111] : memref<2048x1024xf32, #tpu.memory_space<hbm>> -> memref<16x1024xf32, #tpu.memory_space<hbm>>
    %dma_wait3A_113 = arith.constant 0 : i32
    %dma_wait3A_114 = tpu.memref_slice %arg3[%add3A_29, %dma_wait3A_113] : memref<2048x1024xf32, #tpu.memory_space<hbm>> -> memref<16x1024xf32, #tpu.memory_space<hbm>>
    tpu.wait_dma2 semaphore(%arg29 : memref<!tpu.dma_semaphore, #tpu.memory_space<semaphore_mem>>) src(%dma_wait3A_114 : memref<16x1024xf32, #tpu.memory_space<hbm>>) dst(%arg13 : memref<16x1024xf32, #tpu.memory_space<vmem>>)
    %scan3A_115 = arith.constant 0 : i32
    %scan3A_116 = arith.constant 0 : i32
    %scan3A_117 = arith.constant 64 : i32
    %scan3A_118 = arith.addi %scan3A_116, %scan3A_117 : i32
    %scan3A_119 = arith.constant 1 : i32
    %scan3A_120 = scf.for %scan3A_192 = %scan3A_116 to %scan3A_118 step %scan3A_119 iter_args(%scan3A_193 = %scan3A_115) -> (i32)  : i32 {
      %mul3A_194 = arith.constant 16 : i32
      %mul3A_195 = arith.muli %scan3A_192, %mul3A_194 : i32
      %get3A_196 = arith.constant 0 : i32
      %get3A_197 = arith.index_cast %get3A_196 : i32 to index
      %get3A_198 = arith.index_cast %mul3A_195 : i32 to index
      %get3A_199 = tpu.vector_load %arg13[%get3A_197, %get3A_198] {strides = array<i32>} : memref<16x1024xf32, #tpu.memory_space<vmem>>, vector<1x16xf32>,
      %get3A_200 = vector.shape_cast %get3A_199 : vector<1x16xf32> to vector<16xf32>
      %get3A_201 = arith.constant 0 : i32
      %get3A_202 = arith.index_cast %get3A_201 : i32 to index
      %get3A_203 = arith.constant 0 : index
      %get3A_204 = tpu.vector_load %arg21[%get3A_202, %get3A_203] {strides = array<i32>} : memref<16x16xf32, #tpu.memory_space<vmem>>, vector<1x16xf32>,
      %get3A_205 = vector.shape_cast %get3A_204 : vector<1x16xf32> to vector<16xf32>
      %get3A_206 = arith.constant 0 : i32
      %get3A_207 = arith.index_cast %get3A_206 : i32 to index
      %get3A_208 = arith.index_cast %mul3A_195 : i32 to index
      %get3A_209 = tpu.vector_load %arg9[%get3A_207, %get3A_208] {strides = array<i32>} : memref<16x1024xf32, #tpu.memory_space<vmem>>, vector<1x16xf32>,
      %get3A_210 = vector.shape_cast %get3A_209 : vector<1x16xf32> to vector<16xf32>
      %mul3A_211 = arith.mulf %get3A_205, %get3A_210 : vector<16xf32>
      %add3A_212 = arith.addf %get3A_200, %mul3A_211 : vector<16xf32>
      %get3A_213 = arith.constant 0 : i32
      %get3A_214 = arith.index_cast %get3A_213 : i32 to index
      %get3A_215 = arith.constant 0 : index
      %get3A_216 = tpu.vector_load %arg23[%get3A_214, %get3A_215] {strides = array<i32>} : memref<16x16xf32, #tpu.memory_space<vmem>>, vector<1x16xf32>,
      %get3A_217 = vector.shape_cast %get3A_216 : vector<1x16xf32> to vector<16xf32>
      %get3A_218 = arith.constant 0 : i32
      %get3A_219 = arith.index_cast %get3A_218 : i32 to index
      %get3A_220 = arith.index_cast %mul3A_195 : i32 to index
      %get3A_221 = tpu.vector_load %arg11[%get3A_219, %get3A_220] {strides = array<i32>} : memref<16x1024xf32, #tpu.memory_space<vmem>>, vector<1x16xf32>,
      %get3A_222 = vector.shape_cast %get3A_221 : vector<1x16xf32> to vector<16xf32>
      %mul3A_223 = arith.mulf %get3A_217, %get3A_222 : vector<16xf32>
      %add3A_224 = arith.addf %add3A_212, %mul3A_223 : vector<16xf32>
      %swap3A_225 = arith.constant 0 : i32
      %swap3A_226 = arith.index_cast %swap3A_225 : i32 to index
      %swap3A_227 = arith.index_cast %mul3A_195 : i32 to index
      %swap3A_228 = tpu.vector_load %arg13[%swap3A_226, %swap3A_227] {strides = array<i32>} : memref<16x1024xf32, #tpu.memory_space<vmem>>, vector<1x16xf32>,
      %swap3A_229 = vector.shape_cast %swap3A_228 : vector<1x16xf32> to vector<16xf32>
      %swap3A_230 = vector.shape_cast %add3A_224 : vector<16xf32> to vector<1x16xf32>
      tpu.vector_store %arg13[%swap3A_226, %swap3A_227], %swap3A_230 {strides = array<i32>} : memref<16x1024xf32, #tpu.memory_space<vmem>>, vector<1x16xf32>,
      %get3A_231 = arith.constant 1 : i32
      %get3A_232 = arith.index_cast %get3A_231 : i32 to index
      %get3A_233 = arith.index_cast %mul3A_195 : i32 to index
      %get3A_234 = tpu.vector_load %arg13[%get3A_232, %get3A_233] {strides = array<i32>} : memref<16x1024xf32, #tpu.memory_space<vmem>>, vector<1x16xf32>,
      %get3A_235 = vector.shape_cast %get3A_234 : vector<1x16xf32> to vector<16xf32>
      %get3A_236 = arith.constant 1 : i32
      %get3A_237 = arith.index_cast %get3A_236 : i32 to index
      %get3A_238 = arith.constant 0 : index
      %get3A_239 = tpu.vector_load %arg21[%get3A_237, %get3A_238] {strides = array<i32>} : memref<16x16xf32, #tpu.memory_space<vmem>>, vector<1x16xf32>,
      %get3A_240 = vector.shape_cast %get3A_239 : vector<1x16xf32> to vector<16xf32>
      %get3A_241 = arith.constant 1 : i32
      %get3A_242 = arith.index_cast %get3A_241 : i32 to index
      %get3A_243 = arith.index_cast %mul3A_195 : i32 to index
      %get3A_244 = tpu.vector_load %arg9[%get3A_242, %get3A_243] {strides = array<i32>} : memref<16x1024xf32, #tpu.memory_space<vmem>>, vector<1x16xf32>,
      %get3A_245 = vector.shape_cast %get3A_244 : vector<1x16xf32> to vector<16xf32>
      %mul3A_246 = arith.mulf %get3A_240, %get3A_245 : vector<16xf32>
      %add3A_247 = arith.addf %get3A_235, %mul3A_246 : vector<16xf32>
      %get3A_248 = arith.constant 1 : i32
      %get3A_249 = arith.index_cast %get3A_248 : i32 to index
      %get3A_250 = arith.constant 0 : index
      %get3A_251 = tpu.vector_load %arg23[%get3A_249, %get3A_250] {strides = array<i32>} : memref<16x16xf32, #tpu.memory_space<vmem>>, vector<1x16xf32>,
      %get3A_252 = vector.shape_cast %get3A_251 : vector<1x16xf32> to vector<16xf32>
      %get3A_253 = arith.constant 1 : i32
      %get3A_254 = arith.index_cast %get3A_253 : i32 to index
      %get3A_255 = arith.index_cast %mul3A_195 : i32 to index
      %get3A_256 = tpu.vector_load %arg11[%get3A_254, %get3A_255] {strides = array<i32>} : memref<16x1024xf32, #tpu.memory_space<vmem>>, vector<1x16xf32>,
      %get3A_257 = vector.shape_cast %get3A_256 : vector<1x16xf32> to vector<16xf32>
      %mul3A_258 = arith.mulf %get3A_252, %get3A_257 : vector<16xf32>
      %add3A_259 = arith.addf %add3A_247, %mul3A_258 : vector<16xf32>
      %swap3A_260 = arith.constant 1 : i32
      %swap3A_261 = arith.index_cast %swap3A_260 : i32 to index
      %swap3A_262 = arith.index_cast %mul3A_195 : i32 to index
      %swap3A_263 = tpu.vector_load %arg13[%swap3A_261, %swap3A_262] {strides = array<i32>} : memref<16x1024xf32, #tpu.memory_space<vmem>>, vector<1x16xf32>,
      %swap3A_264 = vector.shape_cast %swap3A_263 : vector<1x16xf32> to vector<16xf32>
      %swap3A_265 = vector.shape_cast %add3A_259 : vector<16xf32> to vector<1x16xf32>
      tpu.vector_store %arg13[%swap3A_261, %swap3A_262], %swap3A_265 {strides = array<i32>} : memref<16x1024xf32, #tpu.memory_space<vmem>>, vector<1x16xf32>,
      %get3A_266 = arith.constant 2 : i32
      %get3A_267 = arith.index_cast %get3A_266 : i32 to index
      %get3A_268 = arith.index_cast %mul3A_195 : i32 to index
      %get3A_269 = tpu.vector_load %arg13[%get3A_267, %get3A_268] {strides = array<i32>} : memref<16x1024xf32, #tpu.memory_space<vmem>>, vector<1x16xf32>,
      %get3A_270 = vector.shape_cast %get3A_269 : vector<1x16xf32> to vector<16xf32>
      %get3A_271 = arith.constant 2 : i32
      %get3A_272 = arith.index_cast %get3A_271 : i32 to index
      %get3A_273 = arith.constant 0 : index
      %get3A_274 = tpu.vector_load %arg21[%get3A_272, %get3A_273] {strides = array<i32>} : memref<16x16xf32, #tpu.memory_space<vmem>>, vector<1x16xf32>,
      %get3A_275 = vector.shape_cast %get3A_274 : vector<1x16xf32> to vector<16xf32>
      %get3A_276 = arith.constant 2 : i32
      %get3A_277 = arith.index_cast %get3A_276 : i32 to index
      %get3A_278 = arith.index_cast %mul3A_195 : i32 to index
      %get3A_279 = tpu.vector_load %arg9[%get3A_277, %get3A_278] {strides = array<i32>} : memref<16x1024xf32, #tpu.memory_space<vmem>>, vector<1x16xf32>,
      %get3A_280 = vector.shape_cast %get3A_279 : vector<1x16xf32> to vector<16xf32>
      %mul3A_281 = arith.mulf %get3A_275, %get3A_280 : vector<16xf32>
      %add3A_282 = arith.addf %get3A_270, %mul3A_281 : vector<16xf32>
      %get3A_283 = arith.constant 2 : i32
      %get3A_284 = arith.index_cast %get3A_283 : i32 to index
      %get3A_285 = arith.constant 0 : index
      %get3A_286 = tpu.vector_load %arg23[%get3A_284, %get3A_285] {strides = array<i32>} : memref<16x16xf32, #tpu.memory_space<vmem>>, vector<1x16xf32>,
      %get3A_287 = vector.shape_cast %get3A_286 : vector<1x16xf32> to vector<16xf32>
      %get3A_288 = arith.constant 2 : i32
      %get3A_289 = arith.index_cast %get3A_288 : i32 to index
      %get3A_290 = arith.index_cast %mul3A_195 : i32 to index
      %get3A_291 = tpu.vector_load %arg11[%get3A_289, %get3A_290] {strides = array<i32>} : memref<16x1024xf32, #tpu.memory_space<vmem>>, vector<1x16xf32>,
      %get3A_292 = vector.shape_cast %get3A_291 : vector<1x16xf32> to vector<16xf32>
      %mul3A_293 = arith.mulf %get3A_287, %get3A_292 : vector<16xf32>
      %add3A_294 = arith.addf %add3A_282, %mul3A_293 : vector<16xf32>
      %swap3A_295 = arith.constant 2 : i32
      %swap3A_296 = arith.index_cast %swap3A_295 : i32 to index
      %swap3A_297 = arith.index_cast %mul3A_195 : i32 to index
      %swap3A_298 = tpu.vector_load %arg13[%swap3A_296, %swap3A_297] {strides = array<i32>} : memref<16x1024xf32, #tpu.memory_space<vmem>>, vector<1x16xf32>,
      %swap3A_299 = vector.shape_cast %swap3A_298 : vector<1x16xf32> to vector<16xf32>
      %swap3A_300 = vector.shape_cast %add3A_294 : vector<16xf32> to vector<1x16xf32>
      tpu.vector_store %arg13[%swap3A_296, %swap3A_297], %swap3A_300 {strides = array<i32>} : memref<16x1024xf32, #tpu.memory_space<vmem>>, vector<1x16xf32>,
      %get3A_301 = arith.constant 3 : i32
      %get3A_302 = arith.index_cast %get3A_301 : i32 to index
      %get3A_303 = arith.index_cast %mul3A_195 : i32 to index
      %get3A_304 = tpu.vector_load %arg13[%get3A_302, %get3A_303] {strides = array<i32>} : memref<16x1024xf32, #tpu.memory_space<vmem>>, vector<1x16xf32>,
      %get3A_305 = vector.shape_cast %get3A_304 : vector<1x16xf32> to vector<16xf32>
      %get3A_306 = arith.constant 3 : i32
      %get3A_307 = arith.index_cast %get3A_306 : i32 to index
      %get3A_308 = arith.constant 0 : index
      %get3A_309 = tpu.vector_load %arg21[%get3A_307, %get3A_308] {strides = array<i32>} : memref<16x16xf32, #tpu.memory_space<vmem>>, vector<1x16xf32>,
      %get3A_310 = vector.shape_cast %get3A_309 : vector<1x16xf32> to vector<16xf32>
      %get3A_311 = arith.constant 3 : i32
      %get3A_312 = arith.index_cast %get3A_311 : i32 to index
      %get3A_313 = arith.index_cast %mul3A_195 : i32 to index
      %get3A_314 = tpu.vector_load %arg9[%get3A_312, %get3A_313] {strides = array<i32>} : memref<16x1024xf32, #tpu.memory_space<vmem>>, vector<1x16xf32>,
      %get3A_315 = vector.shape_cast %get3A_314 : vector<1x16xf32> to vector<16xf32>
      %mul3A_316 = arith.mulf %get3A_310, %get3A_315 : vector<16xf32>
      %add3A_317 = arith.addf %get3A_305, %mul3A_316 : vector<16xf32>
      %get3A_318 = arith.constant 3 : i32
      %get3A_319 = arith.index_cast %get3A_318 : i32 to index
      %get3A_320 = arith.constant 0 : index
      %get3A_321 = tpu.vector_load %arg23[%get3A_319, %get3A_320] {strides = array<i32>} : memref<16x16xf32, #tpu.memory_space<vmem>>, vector<1x16xf32>,
      %get3A_322 = vector.shape_cast %get3A_321 : vector<1x16xf32> to vector<16xf32>
      %get3A_323 = arith.constant 3 : i32
      %get3A_324 = arith.index_cast %get3A_323 : i32 to index
      %get3A_325 = arith.index_cast %mul3A_195 : i32 to index
      %get3A_326 = tpu.vector_load %arg11[%get3A_324, %get3A_325] {strides = array<i32>} : memref<16x1024xf32, #tpu.memory_space<vmem>>, vector<1x16xf32>,
      %get3A_327 = vector.shape_cast %get3A_326 : vector<1x16xf32> to vector<16xf32>
      %mul3A_328 = arith.mulf %get3A_322, %get3A_327 : vector<16xf32>
      %add3A_329 = arith.addf %add3A_317, %mul3A_328 : vector<16xf32>
      %swap3A_330 = arith.constant 3 : i32
      %swap3A_331 = arith.index_cast %swap3A_330 : i32 to index
      %swap3A_332 = arith.index_cast %mul3A_195 : i32 to index
      %swap3A_333 = tpu.vector_load %arg13[%swap3A_331, %swap3A_332] {strides = array<i32>} : memref<16x1024xf32, #tpu.memory_space<vmem>>, vector<1x16xf32>,
      %swap3A_334 = vector.shape_cast %swap3A_333 : vector<1x16xf32> to vector<16xf32>
      %swap3A_335 = vector.shape_cast %add3A_329 : vector<16xf32> to vector<1x16xf32>
      tpu.vector_store %arg13[%swap3A_331, %swap3A_332], %swap3A_335 {strides = array<i32>} : memref<16x1024xf32, #tpu.memory_space<vmem>>, vector<1x16xf32>,
      %get3A_336 = arith.constant 4 : i32
      %get3A_337 = arith.index_cast %get3A_336 : i32 to index
      %get3A_338 = arith.index_cast %mul3A_195 : i32 to index
      %get3A_339 = tpu.vector_load %arg13[%get3A_337, %get3A_338] {strides = array<i32>} : memref<16x1024xf32, #tpu.memory_space<vmem>>, vector<1x16xf32>,
      %get3A_340 = vector.shape_cast %get3A_339 : vector<1x16xf32> to vector<16xf32>
      %get3A_341 = arith.constant 4 : i32
      %get3A_342 = arith.index_cast %get3A_341 : i32 to index
      %get3A_343 = arith.constant 0 : index
      %get3A_344 = tpu.vector_load %arg21[%get3A_342, %get3A_343] {strides = array<i32>} : memref<16x16xf32, #tpu.memory_space<vmem>>, vector<1x16xf32>,
      %get3A_345 = vector.shape_cast %get3A_344 : vector<1x16xf32> to vector<16xf32>
      %get3A_346 = arith.constant 4 : i32
      %get3A_347 = arith.index_cast %get3A_346 : i32 to index
      %get3A_348 = arith.index_cast %mul3A_195 : i32 to index
      %get3A_349 = tpu.vector_load %arg9[%get3A_347, %get3A_348] {strides = array<i32>} : memref<16x1024xf32, #tpu.memory_space<vmem>>, vector<1x16xf32>,
      %get3A_350 = vector.shape_cast %get3A_349 : vector<1x16xf32> to vector<16xf32>
      %mul3A_351 = arith.mulf %get3A_345, %get3A_350 : vector<16xf32>
      %add3A_352 = arith.addf %get3A_340, %mul3A_351 : vector<16xf32>
      %get3A_353 = arith.constant 4 : i32
      %get3A_354 = arith.index_cast %get3A_353 : i32 to index
      %get3A_355 = arith.constant 0 : index
      %get3A_356 = tpu.vector_load %arg23[%get3A_354, %get3A_355] {strides = array<i32>} : memref<16x16xf32, #tpu.memory_space<vmem>>, vector<1x16xf32>,
      %get3A_357 = vector.shape_cast %get3A_356 : vector<1x16xf32> to vector<16xf32>
      %get3A_358 = arith.constant 4 : i32
      %get3A_359 = arith.index_cast %get3A_358 : i32 to index
      %get3A_360 = arith.index_cast %mul3A_195 : i32 to index
      %get3A_361 = tpu.vector_load %arg11[%get3A_359, %get3A_360] {strides = array<i32>} : memref<16x1024xf32, #tpu.memory_space<vmem>>, vector<1x16xf32>,
      %get3A_362 = vector.shape_cast %get3A_361 : vector<1x16xf32> to vector<16xf32>
      %mul3A_363 = arith.mulf %get3A_357, %get3A_362 : vector<16xf32>
      %add3A_364 = arith.addf %add3A_352, %mul3A_363 : vector<16xf32>
      %swap3A_365 = arith.constant 4 : i32
      %swap3A_366 = arith.index_cast %swap3A_365 : i32 to index
      %swap3A_367 = arith.index_cast %mul3A_195 : i32 to index
      %swap3A_368 = tpu.vector_load %arg13[%swap3A_366, %swap3A_367] {strides = array<i32>} : memref<16x1024xf32, #tpu.memory_space<vmem>>, vector<1x16xf32>,
      %swap3A_369 = vector.shape_cast %swap3A_368 : vector<1x16xf32> to vector<16xf32>
      %swap3A_370 = vector.shape_cast %add3A_364 : vector<16xf32> to vector<1x16xf32>
      tpu.vector_store %arg13[%swap3A_366, %swap3A_367], %swap3A_370 {strides = array<i32>} : memref<16x1024xf32, #tpu.memory_space<vmem>>, vector<1x16xf32>,
      %get3A_371 = arith.constant 5 : i32
      %get3A_372 = arith.index_cast %get3A_371 : i32 to index
      %get3A_373 = arith.index_cast %mul3A_195 : i32 to index
      %get3A_374 = tpu.vector_load %arg13[%get3A_372, %get3A_373] {strides = array<i32>} : memref<16x1024xf32, #tpu.memory_space<vmem>>, vector<1x16xf32>,
      %get3A_375 = vector.shape_cast %get3A_374 : vector<1x16xf32> to vector<16xf32>
      %get3A_376 = arith.constant 5 : i32
      %get3A_377 = arith.index_cast %get3A_376 : i32 to index
      %get3A_378 = arith.constant 0 : index
      %get3A_379 = tpu.vector_load %arg21[%get3A_377, %get3A_378] {strides = array<i32>} : memref<16x16xf32, #tpu.memory_space<vmem>>, vector<1x16xf32>,
      %get3A_380 = vector.shape_cast %get3A_379 : vector<1x16xf32> to vector<16xf32>
      %get3A_381 = arith.constant 5 : i32
      %get3A_382 = arith.index_cast %get3A_381 : i32 to index
      %get3A_383 = arith.index_cast %mul3A_195 : i32 to index
      %get3A_384 = tpu.vector_load %arg9[%get3A_382, %get3A_383] {strides = array<i32>} : memref<16x1024xf32, #tpu.memory_space<vmem>>, vector<1x16xf32>,
      %get3A_385 = vector.shape_cast %get3A_384 : vector<1x16xf32> to vector<16xf32>
      %mul3A_386 = arith.mulf %get3A_380, %get3A_385 : vector<16xf32>
      %add3A_387 = arith.addf %get3A_375, %mul3A_386 : vector<16xf32>
      %get3A_388 = arith.constant 5 : i32
      %get3A_389 = arith.index_cast %get3A_388 : i32 to index
      %get3A_390 = arith.constant 0 : index
      %get3A_391 = tpu.vector_load %arg23[%get3A_389, %get3A_390] {strides = array<i32>} : memref<16x16xf32, #tpu.memory_space<vmem>>, vector<1x16xf32>,
      %get3A_392 = vector.shape_cast %get3A_391 : vector<1x16xf32> to vector<16xf32>
      %get3A_393 = arith.constant 5 : i32
      %get3A_394 = arith.index_cast %get3A_393 : i32 to index
      %get3A_395 = arith.index_cast %mul3A_195 : i32 to index
      %get3A_396 = tpu.vector_load %arg11[%get3A_394, %get3A_395] {strides = array<i32>} : memref<16x1024xf32, #tpu.memory_space<vmem>>, vector<1x16xf32>,
      %get3A_397 = vector.shape_cast %get3A_396 : vector<1x16xf32> to vector<16xf32>
      %mul3A_398 = arith.mulf %get3A_392, %get3A_397 : vector<16xf32>
      %add3A_399 = arith.addf %add3A_387, %mul3A_398 : vector<16xf32>
      %swap3A_400 = arith.constant 5 : i32
      %swap3A_401 = arith.index_cast %swap3A_400 : i32 to index
      %swap3A_402 = arith.index_cast %mul3A_195 : i32 to index
      %swap3A_403 = tpu.vector_load %arg13[%swap3A_401, %swap3A_402] {strides = array<i32>} : memref<16x1024xf32, #tpu.memory_space<vmem>>, vector<1x16xf32>,
      %swap3A_404 = vector.shape_cast %swap3A_403 : vector<1x16xf32> to vector<16xf32>
      %swap3A_405 = vector.shape_cast %add3A_399 : vector<16xf32> to vector<1x16xf32>
      tpu.vector_store %arg13[%swap3A_401, %swap3A_402], %swap3A_405 {strides = array<i32>} : memref<16x1024xf32, #tpu.memory_space<vmem>>, vector<1x16xf32>,
      %get3A_406 = arith.constant 6 : i32
      %get3A_407 = arith.index_cast %get3A_406 : i32 to index
      %get3A_408 = arith.index_cast %mul3A_195 : i32 to index
      %get3A_409 = tpu.vector_load %arg13[%get3A_407, %get3A_408] {strides = array<i32>} : memref<16x1024xf32, #tpu.memory_space<vmem>>, vector<1x16xf32>,
      %get3A_410 = vector.shape_cast %get3A_409 : vector<1x16xf32> to vector<16xf32>
      %get3A_411 = arith.constant 6 : i32
      %get3A_412 = arith.index_cast %get3A_411 : i32 to index
      %get3A_413 = arith.constant 0 : index
      %get3A_414 = tpu.vector_load %arg21[%get3A_412, %get3A_413] {strides = array<i32>} : memref<16x16xf32, #tpu.memory_space<vmem>>, vector<1x16xf32>,
      %get3A_415 = vector.shape_cast %get3A_414 : vector<1x16xf32> to vector<16xf32>
      %get3A_416 = arith.constant 6 : i32
      %get3A_417 = arith.index_cast %get3A_416 : i32 to index
      %get3A_418 = arith.index_cast %mul3A_195 : i32 to index
      %get3A_419 = tpu.vector_load %arg9[%get3A_417, %get3A_418] {strides = array<i32>} : memref<16x1024xf32, #tpu.memory_space<vmem>>, vector<1x16xf32>,
      %get3A_420 = vector.shape_cast %get3A_419 : vector<1x16xf32> to vector<16xf32>
      %mul3A_421 = arith.mulf %get3A_415, %get3A_420 : vector<16xf32>
      %add3A_422 = arith.addf %get3A_410, %mul3A_421 : vector<16xf32>
      %get3A_423 = arith.constant 6 : i32
      %get3A_424 = arith.index_cast %get3A_423 : i32 to index
      %get3A_425 = arith.constant 0 : index
      %get3A_426 = tpu.vector_load %arg23[%get3A_424, %get3A_425] {strides = array<i32>} : memref<16x16xf32, #tpu.memory_space<vmem>>, vector<1x16xf32>,
      %get3A_427 = vector.shape_cast %get3A_426 : vector<1x16xf32> to vector<16xf32>
      %get3A_428 = arith.constant 6 : i32
      %get3A_429 = arith.index_cast %get3A_428 : i32 to index
      %get3A_430 = arith.index_cast %mul3A_195 : i32 to index
      %get3A_431 = tpu.vector_load %arg11[%get3A_429, %get3A_430] {strides = array<i32>} : memref<16x1024xf32, #tpu.memory_space<vmem>>, vector<1x16xf32>,
      %get3A_432 = vector.shape_cast %get3A_431 : vector<1x16xf32> to vector<16xf32>
      %mul3A_433 = arith.mulf %get3A_427, %get3A_432 : vector<16xf32>
      %add3A_434 = arith.addf %add3A_422, %mul3A_433 : vector<16xf32>
      %swap3A_435 = arith.constant 6 : i32
      %swap3A_436 = arith.index_cast %swap3A_435 : i32 to index
      %swap3A_437 = arith.index_cast %mul3A_195 : i32 to index
      %swap3A_438 = tpu.vector_load %arg13[%swap3A_436, %swap3A_437] {strides = array<i32>} : memref<16x1024xf32, #tpu.memory_space<vmem>>, vector<1x16xf32>,
      %swap3A_439 = vector.shape_cast %swap3A_438 : vector<1x16xf32> to vector<16xf32>
      %swap3A_440 = vector.shape_cast %add3A_434 : vector<16xf32> to vector<1x16xf32>
      tpu.vector_store %arg13[%swap3A_436, %swap3A_437], %swap3A_440 {strides = array<i32>} : memref<16x1024xf32, #tpu.memory_space<vmem>>, vector<1x16xf32>,
      %get3A_441 = arith.constant 7 : i32
      %get3A_442 = arith.index_cast %get3A_441 : i32 to index
      %get3A_443 = arith.index_cast %mul3A_195 : i32 to index
      %get3A_444 = tpu.vector_load %arg13[%get3A_442, %get3A_443] {strides = array<i32>} : memref<16x1024xf32, #tpu.memory_space<vmem>>, vector<1x16xf32>,
      %get3A_445 = vector.shape_cast %get3A_444 : vector<1x16xf32> to vector<16xf32>
      %get3A_446 = arith.constant 7 : i32
      %get3A_447 = arith.index_cast %get3A_446 : i32 to index
      %get3A_448 = arith.constant 0 : index
      %get3A_449 = tpu.vector_load %arg21[%get3A_447, %get3A_448] {strides = array<i32>} : memref<16x16xf32, #tpu.memory_space<vmem>>, vector<1x16xf32>,
      %get3A_450 = vector.shape_cast %get3A_449 : vector<1x16xf32> to vector<16xf32>
      %get3A_451 = arith.constant 7 : i32
      %get3A_452 = arith.index_cast %get3A_451 : i32 to index
      %get3A_453 = arith.index_cast %mul3A_195 : i32 to index
      %get3A_454 = tpu.vector_load %arg9[%get3A_452, %get3A_453] {strides = array<i32>} : memref<16x1024xf32, #tpu.memory_space<vmem>>, vector<1x16xf32>,
      %get3A_455 = vector.shape_cast %get3A_454 : vector<1x16xf32> to vector<16xf32>
      %mul3A_456 = arith.mulf %get3A_450, %get3A_455 : vector<16xf32>
      %add3A_457 = arith.addf %get3A_445, %mul3A_456 : vector<16xf32>
      %get3A_458 = arith.constant 7 : i32
      %get3A_459 = arith.index_cast %get3A_458 : i32 to index
      %get3A_460 = arith.constant 0 : index
      %get3A_461 = tpu.vector_load %arg23[%get3A_459, %get3A_460] {strides = array<i32>} : memref<16x16xf32, #tpu.memory_space<vmem>>, vector<1x16xf32>,
      %get3A_462 = vector.shape_cast %get3A_461 : vector<1x16xf32> to vector<16xf32>
      %get3A_463 = arith.constant 7 : i32
      %get3A_464 = arith.index_cast %get3A_463 : i32 to index
      %get3A_465 = arith.index_cast %mul3A_195 : i32 to index
      %get3A_466 = tpu.vector_load %arg11[%get3A_464, %get3A_465] {strides = array<i32>} : memref<16x1024xf32, #tpu.memory_space<vmem>>, vector<1x16xf32>,
      %get3A_467 = vector.shape_cast %get3A_466 : vector<1x16xf32> to vector<16xf32>
      %mul3A_468 = arith.mulf %get3A_462, %get3A_467 : vector<16xf32>
      %add3A_469 = arith.addf %add3A_457, %mul3A_468 : vector<16xf32>
      %swap3A_470 = arith.constant 7 : i32
      %swap3A_471 = arith.index_cast %swap3A_470 : i32 to index
      %swap3A_472 = arith.index_cast %mul3A_195 : i32 to index
      %swap3A_473 = tpu.vector_load %arg13[%swap3A_471, %swap3A_472] {strides = array<i32>} : memref<16x1024xf32, #tpu.memory_space<vmem>>, vector<1x16xf32>,
      %swap3A_474 = vector.shape_cast %swap3A_473 : vector<1x16xf32> to vector<16xf32>
      %swap3A_475 = vector.shape_cast %add3A_469 : vector<16xf32> to vector<1x16xf32>
      tpu.vector_store %arg13[%swap3A_471, %swap3A_472], %swap3A_475 {strides = array<i32>} : memref<16x1024xf32, #tpu.memory_space<vmem>>, vector<1x16xf32>,
      %get3A_476 = arith.constant 8 : i32
      %get3A_477 = arith.index_cast %get3A_476 : i32 to index
      %get3A_478 = arith.index_cast %mul3A_195 : i32 to index
      %get3A_479 = tpu.vector_load %arg13[%get3A_477, %get3A_478] {strides = array<i32>} : memref<16x1024xf32, #tpu.memory_space<vmem>>, vector<1x16xf32>,
      %get3A_480 = vector.shape_cast %get3A_479 : vector<1x16xf32> to vector<16xf32>
      %get3A_481 = arith.constant 8 : i32
      %get3A_482 = arith.index_cast %get3A_481 : i32 to index
      %get3A_483 = arith.constant 0 : index
      %get3A_484 = tpu.vector_load %arg21[%get3A_482, %get3A_483] {strides = array<i32>} : memref<16x16xf32, #tpu.memory_space<vmem>>, vector<1x16xf32>,
      %get3A_485 = vector.shape_cast %get3A_484 : vector<1x16xf32> to vector<16xf32>
      %get3A_486 = arith.constant 8 : i32
      %get3A_487 = arith.index_cast %get3A_486 : i32 to index
      %get3A_488 = arith.index_cast %mul3A_195 : i32 to index
      %get3A_489 = tpu.vector_load %arg9[%get3A_487, %get3A_488] {strides = array<i32>} : memref<16x1024xf32, #tpu.memory_space<vmem>>, vector<1x16xf32>,
      %get3A_490 = vector.shape_cast %get3A_489 : vector<1x16xf32> to vector<16xf32>
      %mul3A_491 = arith.mulf %get3A_485, %get3A_490 : vector<16xf32>
      %add3A_492 = arith.addf %get3A_480, %mul3A_491 : vector<16xf32>
      %get3A_493 = arith.constant 8 : i32
      %get3A_494 = arith.index_cast %get3A_493 : i32 to index
      %get3A_495 = arith.constant 0 : index
      %get3A_496 = tpu.vector_load %arg23[%get3A_494, %get3A_495] {strides = array<i32>} : memref<16x16xf32, #tpu.memory_space<vmem>>, vector<1x16xf32>,
      %get3A_497 = vector.shape_cast %get3A_496 : vector<1x16xf32> to vector<16xf32>
      %get3A_498 = arith.constant 8 : i32
      %get3A_499 = arith.index_cast %get3A_498 : i32 to index
      %get3A_500 = arith.index_cast %mul3A_195 : i32 to index
      %get3A_501 = tpu.vector_load %arg11[%get3A_499, %get3A_500] {strides = array<i32>} : memref<16x1024xf32, #tpu.memory_space<vmem>>, vector<1x16xf32>,
      %get3A_502 = vector.shape_cast %get3A_501 : vector<1x16xf32> to vector<16xf32>
      %mul3A_503 = arith.mulf %get3A_497, %get3A_502 : vector<16xf32>
      %add3A_504 = arith.addf %add3A_492, %mul3A_503 : vector<16xf32>
      %swap3A_505 = arith.constant 8 : i32
      %swap3A_506 = arith.index_cast %swap3A_505 : i32 to index
      %swap3A_507 = arith.index_cast %mul3A_195 : i32 to index
      %swap3A_508 = tpu.vector_load %arg13[%swap3A_506, %swap3A_507] {strides = array<i32>} : memref<16x1024xf32, #tpu.memory_space<vmem>>, vector<1x16xf32>,
      %swap3A_509 = vector.shape_cast %swap3A_508 : vector<1x16xf32> to vector<16xf32>
      %swap3A_510 = vector.shape_cast %add3A_504 : vector<16xf32> to vector<1x16xf32>
      tpu.vector_store %arg13[%swap3A_506, %swap3A_507], %swap3A_510 {strides = array<i32>} : memref<16x1024xf32, #tpu.memory_space<vmem>>, vector<1x16xf32>,
      %get3A_511 = arith.constant 9 : i32
      %get3A_512 = arith.index_cast %get3A_511 : i32 to index
      %get3A_513 = arith.index_cast %mul3A_195 : i32 to index
      %get3A_514 = tpu.vector_load %arg13[%get3A_512, %get3A_513] {strides = array<i32>} : memref<16x1024xf32, #tpu.memory_space<vmem>>, vector<1x16xf32>,
      %get3A_515 = vector.shape_cast %get3A_514 : vector<1x16xf32> to vector<16xf32>
      %get3A_516 = arith.constant 9 : i32
      %get3A_517 = arith.index_cast %get3A_516 : i32 to index
      %get3A_518 = arith.constant 0 : index
      %get3A_519 = tpu.vector_load %arg21[%get3A_517, %get3A_518] {strides = array<i32>} : memref<16x16xf32, #tpu.memory_space<vmem>>, vector<1x16xf32>,
      %get3A_520 = vector.shape_cast %get3A_519 : vector<1x16xf32> to vector<16xf32>
      %get3A_521 = arith.constant 9 : i32
      %get3A_522 = arith.index_cast %get3A_521 : i32 to index
      %get3A_523 = arith.index_cast %mul3A_195 : i32 to index
      %get3A_524 = tpu.vector_load %arg9[%get3A_522, %get3A_523] {strides = array<i32>} : memref<16x1024xf32, #tpu.memory_space<vmem>>, vector<1x16xf32>,
      %get3A_525 = vector.shape_cast %get3A_524 : vector<1x16xf32> to vector<16xf32>
      %mul3A_526 = arith.mulf %get3A_520, %get3A_525 : vector<16xf32>
      %add3A_527 = arith.addf %get3A_515, %mul3A_526 : vector<16xf32>
      %get3A_528 = arith.constant 9 : i32
      %get3A_529 = arith.index_cast %get3A_528 : i32 to index
      %get3A_530 = arith.constant 0 : index
      %get3A_531 = tpu.vector_load %arg23[%get3A_529, %get3A_530] {strides = array<i32>} : memref<16x16xf32, #tpu.memory_space<vmem>>, vector<1x16xf32>,
      %get3A_532 = vector.shape_cast %get3A_531 : vector<1x16xf32> to vector<16xf32>
      %get3A_533 = arith.constant 9 : i32
      %get3A_534 = arith.index_cast %get3A_533 : i32 to index
      %get3A_535 = arith.index_cast %mul3A_195 : i32 to index
      %get3A_536 = tpu.vector_load %arg11[%get3A_534, %get3A_535] {strides = array<i32>} : memref<16x1024xf32, #tpu.memory_space<vmem>>, vector<1x16xf32>,
      %get3A_537 = vector.shape_cast %get3A_536 : vector<1x16xf32> to vector<16xf32>
      %mul3A_538 = arith.mulf %get3A_532, %get3A_537 : vector<16xf32>
      %add3A_539 = arith.addf %add3A_527, %mul3A_538 : vector<16xf32>
      %swap3A_540 = arith.constant 9 : i32
      %swap3A_541 = arith.index_cast %swap3A_540 : i32 to index
      %swap3A_542 = arith.index_cast %mul3A_195 : i32 to index
      %swap3A_543 = tpu.vector_load %arg13[%swap3A_541, %swap3A_542] {strides = array<i32>} : memref<16x1024xf32, #tpu.memory_space<vmem>>, vector<1x16xf32>,
      %swap3A_544 = vector.shape_cast %swap3A_543 : vector<1x16xf32> to vector<16xf32>
      %swap3A_545 = vector.shape_cast %add3A_539 : vector<16xf32> to vector<1x16xf32>
      tpu.vector_store %arg13[%swap3A_541, %swap3A_542], %swap3A_545 {strides = array<i32>} : memref<16x1024xf32, #tpu.memory_space<vmem>>, vector<1x16xf32>,
      %get3A_546 = arith.constant 10 : i32
      %get3A_547 = arith.index_cast %get3A_546 : i32 to index
      %get3A_548 = arith.index_cast %mul3A_195 : i32 to index
      %get3A_549 = tpu.vector_load %arg13[%get3A_547, %get3A_548] {strides = array<i32>} : memref<16x1024xf32, #tpu.memory_space<vmem>>, vector<1x16xf32>,
      %get3A_550 = vector.shape_cast %get3A_549 : vector<1x16xf32> to vector<16xf32>
      %get3A_551 = arith.constant 10 : i32
      %get3A_552 = arith.index_cast %get3A_551 : i32 to index
      %get3A_553 = arith.constant 0 : index
      %get3A_554 = tpu.vector_load %arg21[%get3A_552, %get3A_553] {strides = array<i32>} : memref<16x16xf32, #tpu.memory_space<vmem>>, vector<1x16xf32>,
      %get3A_555 = vector.shape_cast %get3A_554 : vector<1x16xf32> to vector<16xf32>
      %get3A_556 = arith.constant 10 : i32
      %get3A_557 = arith.index_cast %get3A_556 : i32 to index
      %get3A_558 = arith.index_cast %mul3A_195 : i32 to index
      %get3A_559 = tpu.vector_load %arg9[%get3A_557, %get3A_558] {strides = array<i32>} : memref<16x1024xf32, #tpu.memory_space<vmem>>, vector<1x16xf32>,
      %get3A_560 = vector.shape_cast %get3A_559 : vector<1x16xf32> to vector<16xf32>
      %mul3A_561 = arith.mulf %get3A_555, %get3A_560 : vector<16xf32>
      %add3A_562 = arith.addf %get3A_550, %mul3A_561 : vector<16xf32>
      %get3A_563 = arith.constant 10 : i32
      %get3A_564 = arith.index_cast %get3A_563 : i32 to index
      %get3A_565 = arith.constant 0 : index
      %get3A_566 = tpu.vector_load %arg23[%get3A_564, %get3A_565] {strides = array<i32>} : memref<16x16xf32, #tpu.memory_space<vmem>>, vector<1x16xf32>,
      %get3A_567 = vector.shape_cast %get3A_566 : vector<1x16xf32> to vector<16xf32>
      %get3A_568 = arith.constant 10 : i32
      %get3A_569 = arith.index_cast %get3A_568 : i32 to index
      %get3A_570 = arith.index_cast %mul3A_195 : i32 to index
      %get3A_571 = tpu.vector_load %arg11[%get3A_569, %get3A_570] {strides = array<i32>} : memref<16x1024xf32, #tpu.memory_space<vmem>>, vector<1x16xf32>,
      %get3A_572 = vector.shape_cast %get3A_571 : vector<1x16xf32> to vector<16xf32>
      %mul3A_573 = arith.mulf %get3A_567, %get3A_572 : vector<16xf32>
      %add3A_574 = arith.addf %add3A_562, %mul3A_573 : vector<16xf32>
      %swap3A_575 = arith.constant 10 : i32
      %swap3A_576 = arith.index_cast %swap3A_575 : i32 to index
      %swap3A_577 = arith.index_cast %mul3A_195 : i32 to index
      %swap3A_578 = tpu.vector_load %arg13[%swap3A_576, %swap3A_577] {strides = array<i32>} : memref<16x1024xf32, #tpu.memory_space<vmem>>, vector<1x16xf32>,
      %swap3A_579 = vector.shape_cast %swap3A_578 : vector<1x16xf32> to vector<16xf32>
      %swap3A_580 = vector.shape_cast %add3A_574 : vector<16xf32> to vector<1x16xf32>
      tpu.vector_store %arg13[%swap3A_576, %swap3A_577], %swap3A_580 {strides = array<i32>} : memref<16x1024xf32, #tpu.memory_space<vmem>>, vector<1x16xf32>,
      %get3A_581 = arith.constant 11 : i32
      %get3A_582 = arith.index_cast %get3A_581 : i32 to index
      %get3A_583 = arith.index_cast %mul3A_195 : i32 to index
      %get3A_584 = tpu.vector_load %arg13[%get3A_582, %get3A_583] {strides = array<i32>} : memref<16x1024xf32, #tpu.memory_space<vmem>>, vector<1x16xf32>,
      %get3A_585 = vector.shape_cast %get3A_584 : vector<1x16xf32> to vector<16xf32>
      %get3A_586 = arith.constant 11 : i32
      %get3A_587 = arith.index_cast %get3A_586 : i32 to index
      %get3A_588 = arith.constant 0 : index
      %get3A_589 = tpu.vector_load %arg21[%get3A_587, %get3A_588] {strides = array<i32>} : memref<16x16xf32, #tpu.memory_space<vmem>>, vector<1x16xf32>,
      %get3A_590 = vector.shape_cast %get3A_589 : vector<1x16xf32> to vector<16xf32>
      %get3A_591 = arith.constant 11 : i32
      %get3A_592 = arith.index_cast %get3A_591 : i32 to index
      %get3A_593 = arith.index_cast %mul3A_195 : i32 to index
      %get3A_594 = tpu.vector_load %arg9[%get3A_592, %get3A_593] {strides = array<i32>} : memref<16x1024xf32, #tpu.memory_space<vmem>>, vector<1x16xf32>,
      %get3A_595 = vector.shape_cast %get3A_594 : vector<1x16xf32> to vector<16xf32>
      %mul3A_596 = arith.mulf %get3A_590, %get3A_595 : vector<16xf32>
      %add3A_597 = arith.addf %get3A_585, %mul3A_596 : vector<16xf32>
      %get3A_598 = arith.constant 11 : i32
      %get3A_599 = arith.index_cast %get3A_598 : i32 to index
      %get3A_600 = arith.constant 0 : index
      %get3A_601 = tpu.vector_load %arg23[%get3A_599, %get3A_600] {strides = array<i32>} : memref<16x16xf32, #tpu.memory_space<vmem>>, vector<1x16xf32>,
      %get3A_602 = vector.shape_cast %get3A_601 : vector<1x16xf32> to vector<16xf32>
      %get3A_603 = arith.constant 11 : i32
      %get3A_604 = arith.index_cast %get3A_603 : i32 to index
      %get3A_605 = arith.index_cast %mul3A_195 : i32 to index
      %get3A_606 = tpu.vector_load %arg11[%get3A_604, %get3A_605] {strides = array<i32>} : memref<16x1024xf32, #tpu.memory_space<vmem>>, vector<1x16xf32>,
      %get3A_607 = vector.shape_cast %get3A_606 : vector<1x16xf32> to vector<16xf32>
      %mul3A_608 = arith.mulf %get3A_602, %get3A_607 : vector<16xf32>
      %add3A_609 = arith.addf %add3A_597, %mul3A_608 : vector<16xf32>
      %swap3A_610 = arith.constant 11 : i32
      %swap3A_611 = arith.index_cast %swap3A_610 : i32 to index
      %swap3A_612 = arith.index_cast %mul3A_195 : i32 to index
      %swap3A_613 = tpu.vector_load %arg13[%swap3A_611, %swap3A_612] {strides = array<i32>} : memref<16x1024xf32, #tpu.memory_space<vmem>>, vector<1x16xf32>,
      %swap3A_614 = vector.shape_cast %swap3A_613 : vector<1x16xf32> to vector<16xf32>
      %swap3A_615 = vector.shape_cast %add3A_609 : vector<16xf32> to vector<1x16xf32>
      tpu.vector_store %arg13[%swap3A_611, %swap3A_612], %swap3A_615 {strides = array<i32>} : memref<16x1024xf32, #tpu.memory_space<vmem>>, vector<1x16xf32>,
      %get3A_616 = arith.constant 12 : i32
      %get3A_617 = arith.index_cast %get3A_616 : i32 to index
      %get3A_618 = arith.index_cast %mul3A_195 : i32 to index
      %get3A_619 = tpu.vector_load %arg13[%get3A_617, %get3A_618] {strides = array<i32>} : memref<16x1024xf32, #tpu.memory_space<vmem>>, vector<1x16xf32>,
      %get3A_620 = vector.shape_cast %get3A_619 : vector<1x16xf32> to vector<16xf32>
      %get3A_621 = arith.constant 12 : i32
      %get3A_622 = arith.index_cast %get3A_621 : i32 to index
      %get3A_623 = arith.constant 0 : index
      %get3A_624 = tpu.vector_load %arg21[%get3A_622, %get3A_623] {strides = array<i32>} : memref<16x16xf32, #tpu.memory_space<vmem>>, vector<1x16xf32>,
      %get3A_625 = vector.shape_cast %get3A_624 : vector<1x16xf32> to vector<16xf32>
      %get3A_626 = arith.constant 12 : i32
      %get3A_627 = arith.index_cast %get3A_626 : i32 to index
      %get3A_628 = arith.index_cast %mul3A_195 : i32 to index
      %get3A_629 = tpu.vector_load %arg9[%get3A_627, %get3A_628] {strides = array<i32>} : memref<16x1024xf32, #tpu.memory_space<vmem>>, vector<1x16xf32>,
      %get3A_630 = vector.shape_cast %get3A_629 : vector<1x16xf32> to vector<16xf32>
      %mul3A_631 = arith.mulf %get3A_625, %get3A_630 : vector<16xf32>
      %add3A_632 = arith.addf %get3A_620, %mul3A_631 : vector<16xf32>
      %get3A_633 = arith.constant 12 : i32
      %get3A_634 = arith.index_cast %get3A_633 : i32 to index
      %get3A_635 = arith.constant 0 : index
      %get3A_636 = tpu.vector_load %arg23[%get3A_634, %get3A_635] {strides = array<i32>} : memref<16x16xf32, #tpu.memory_space<vmem>>, vector<1x16xf32>,
      %get3A_637 = vector.shape_cast %get3A_636 : vector<1x16xf32> to vector<16xf32>
      %get3A_638 = arith.constant 12 : i32
      %get3A_639 = arith.index_cast %get3A_638 : i32 to index
      %get3A_640 = arith.index_cast %mul3A_195 : i32 to index
      %get3A_641 = tpu.vector_load %arg11[%get3A_639, %get3A_640] {strides = array<i32>} : memref<16x1024xf32, #tpu.memory_space<vmem>>, vector<1x16xf32>,
      %get3A_642 = vector.shape_cast %get3A_641 : vector<1x16xf32> to vector<16xf32>
      %mul3A_643 = arith.mulf %get3A_637, %get3A_642 : vector<16xf32>
      %add3A_644 = arith.addf %add3A_632, %mul3A_643 : vector<16xf32>
      %swap3A_645 = arith.constant 12 : i32
      %swap3A_646 = arith.index_cast %swap3A_645 : i32 to index
      %swap3A_647 = arith.index_cast %mul3A_195 : i32 to index
      %swap3A_648 = tpu.vector_load %arg13[%swap3A_646, %swap3A_647] {strides = array<i32>} : memref<16x1024xf32, #tpu.memory_space<vmem>>, vector<1x16xf32>,
      %swap3A_649 = vector.shape_cast %swap3A_648 : vector<1x16xf32> to vector<16xf32>
      %swap3A_650 = vector.shape_cast %add3A_644 : vector<16xf32> to vector<1x16xf32>
      tpu.vector_store %arg13[%swap3A_646, %swap3A_647], %swap3A_650 {strides = array<i32>} : memref<16x1024xf32, #tpu.memory_space<vmem>>, vector<1x16xf32>,
      %get3A_651 = arith.constant 13 : i32
      %get3A_652 = arith.index_cast %get3A_651 : i32 to index
      %get3A_653 = arith.index_cast %mul3A_195 : i32 to index
      %get3A_654 = tpu.vector_load %arg13[%get3A_652, %get3A_653] {strides = array<i32>} : memref<16x1024xf32, #tpu.memory_space<vmem>>, vector<1x16xf32>,
      %get3A_655 = vector.shape_cast %get3A_654 : vector<1x16xf32> to vector<16xf32>
      %get3A_656 = arith.constant 13 : i32
      %get3A_657 = arith.index_cast %get3A_656 : i32 to index
      %get3A_658 = arith.constant 0 : index
      %get3A_659 = tpu.vector_load %arg21[%get3A_657, %get3A_658] {strides = array<i32>} : memref<16x16xf32, #tpu.memory_space<vmem>>, vector<1x16xf32>,
      %get3A_660 = vector.shape_cast %get3A_659 : vector<1x16xf32> to vector<16xf32>
      %get3A_661 = arith.constant 13 : i32
      %get3A_662 = arith.index_cast %get3A_661 : i32 to index
      %get3A_663 = arith.index_cast %mul3A_195 : i32 to index
      %get3A_664 = tpu.vector_load %arg9[%get3A_662, %get3A_663] {strides = array<i32>} : memref<16x1024xf32, #tpu.memory_space<vmem>>, vector<1x16xf32>,
      %get3A_665 = vector.shape_cast %get3A_664 : vector<1x16xf32> to vector<16xf32>
      %mul3A_666 = arith.mulf %get3A_660, %get3A_665 : vector<16xf32>
      %add3A_667 = arith.addf %get3A_655, %mul3A_666 : vector<16xf32>
      %get3A_668 = arith.constant 13 : i32
      %get3A_669 = arith.index_cast %get3A_668 : i32 to index
      %get3A_670 = arith.constant 0 : index
      %get3A_671 = tpu.vector_load %arg23[%get3A_669, %get3A_670] {strides = array<i32>} : memref<16x16xf32, #tpu.memory_space<vmem>>, vector<1x16xf32>,
      %get3A_672 = vector.shape_cast %get3A_671 : vector<1x16xf32> to vector<16xf32>
      %get3A_673 = arith.constant 13 : i32
      %get3A_674 = arith.index_cast %get3A_673 : i32 to index
      %get3A_675 = arith.index_cast %mul3A_195 : i32 to index
      %get3A_676 = tpu.vector_load %arg11[%get3A_674, %get3A_675] {strides = array<i32>} : memref<16x1024xf32, #tpu.memory_space<vmem>>, vector<1x16xf32>,
      %get3A_677 = vector.shape_cast %get3A_676 : vector<1x16xf32> to vector<16xf32>
      %mul3A_678 = arith.mulf %get3A_672, %get3A_677 : vector<16xf32>
      %add3A_679 = arith.addf %add3A_667, %mul3A_678 : vector<16xf32>
      %swap3A_680 = arith.constant 13 : i32
      %swap3A_681 = arith.index_cast %swap3A_680 : i32 to index
      %swap3A_682 = arith.index_cast %mul3A_195 : i32 to index
      %swap3A_683 = tpu.vector_load %arg13[%swap3A_681, %swap3A_682] {strides = array<i32>} : memref<16x1024xf32, #tpu.memory_space<vmem>>, vector<1x16xf32>,
      %swap3A_684 = vector.shape_cast %swap3A_683 : vector<1x16xf32> to vector<16xf32>
      %swap3A_685 = vector.shape_cast %add3A_679 : vector<16xf32> to vector<1x16xf32>
      tpu.vector_store %arg13[%swap3A_681, %swap3A_682], %swap3A_685 {strides = array<i32>} : memref<16x1024xf32, #tpu.memory_space<vmem>>, vector<1x16xf32>,
      %get3A_686 = arith.constant 14 : i32
      %get3A_687 = arith.index_cast %get3A_686 : i32 to index
      %get3A_688 = arith.index_cast %mul3A_195 : i32 to index
      %get3A_689 = tpu.vector_load %arg13[%get3A_687, %get3A_688] {strides = array<i32>} : memref<16x1024xf32, #tpu.memory_space<vmem>>, vector<1x16xf32>,
      %get3A_690 = vector.shape_cast %get3A_689 : vector<1x16xf32> to vector<16xf32>
      %get3A_691 = arith.constant 14 : i32
      %get3A_692 = arith.index_cast %get3A_691 : i32 to index
      %get3A_693 = arith.constant 0 : index
      %get3A_694 = tpu.vector_load %arg21[%get3A_692, %get3A_693] {strides = array<i32>} : memref<16x16xf32, #tpu.memory_space<vmem>>, vector<1x16xf32>,
      %get3A_695 = vector.shape_cast %get3A_694 : vector<1x16xf32> to vector<16xf32>
      %get3A_696 = arith.constant 14 : i32
      %get3A_697 = arith.index_cast %get3A_696 : i32 to index
      %get3A_698 = arith.index_cast %mul3A_195 : i32 to index
      %get3A_699 = tpu.vector_load %arg9[%get3A_697, %get3A_698] {strides = array<i32>} : memref<16x1024xf32, #tpu.memory_space<vmem>>, vector<1x16xf32>,
      %get3A_700 = vector.shape_cast %get3A_699 : vector<1x16xf32> to vector<16xf32>
      %mul3A_701 = arith.mulf %get3A_695, %get3A_700 : vector<16xf32>
      %add3A_702 = arith.addf %get3A_690, %mul3A_701 : vector<16xf32>
      %get3A_703 = arith.constant 14 : i32
      %get3A_704 = arith.index_cast %get3A_703 : i32 to index
      %get3A_705 = arith.constant 0 : index
      %get3A_706 = tpu.vector_load %arg23[%get3A_704, %get3A_705] {strides = array<i32>} : memref<16x16xf32, #tpu.memory_space<vmem>>, vector<1x16xf32>,
      %get3A_707 = vector.shape_cast %get3A_706 : vector<1x16xf32> to vector<16xf32>
      %get3A_708 = arith.constant 14 : i32
      %get3A_709 = arith.index_cast %get3A_708 : i32 to index
      %get3A_710 = arith.index_cast %mul3A_195 : i32 to index
      %get3A_711 = tpu.vector_load %arg11[%get3A_709, %get3A_710] {strides = array<i32>} : memref<16x1024xf32, #tpu.memory_space<vmem>>, vector<1x16xf32>,
      %get3A_712 = vector.shape_cast %get3A_711 : vector<1x16xf32> to vector<16xf32>
      %mul3A_713 = arith.mulf %get3A_707, %get3A_712 : vector<16xf32>
      %add3A_714 = arith.addf %add3A_702, %mul3A_713 : vector<16xf32>
      %swap3A_715 = arith.constant 14 : i32
      %swap3A_716 = arith.index_cast %swap3A_715 : i32 to index
      %swap3A_717 = arith.index_cast %mul3A_195 : i32 to index
      %swap3A_718 = tpu.vector_load %arg13[%swap3A_716, %swap3A_717] {strides = array<i32>} : memref<16x1024xf32, #tpu.memory_space<vmem>>, vector<1x16xf32>,
      %swap3A_719 = vector.shape_cast %swap3A_718 : vector<1x16xf32> to vector<16xf32>
      %swap3A_720 = vector.shape_cast %add3A_714 : vector<16xf32> to vector<1x16xf32>
      tpu.vector_store %arg13[%swap3A_716, %swap3A_717], %swap3A_720 {strides = array<i32>} : memref<16x1024xf32, #tpu.memory_space<vmem>>, vector<1x16xf32>,
      %get3A_721 = arith.constant 15 : i32
      %get3A_722 = arith.index_cast %get3A_721 : i32 to index
      %get3A_723 = arith.index_cast %mul3A_195 : i32 to index
      %get3A_724 = tpu.vector_load %arg13[%get3A_722, %get3A_723] {strides = array<i32>} : memref<16x1024xf32, #tpu.memory_space<vmem>>, vector<1x16xf32>,
      %get3A_725 = vector.shape_cast %get3A_724 : vector<1x16xf32> to vector<16xf32>
      %get3A_726 = arith.constant 15 : i32
      %get3A_727 = arith.index_cast %get3A_726 : i32 to index
      %get3A_728 = arith.constant 0 : index
      %get3A_729 = tpu.vector_load %arg21[%get3A_727, %get3A_728] {strides = array<i32>} : memref<16x16xf32, #tpu.memory_space<vmem>>, vector<1x16xf32>,
      %get3A_730 = vector.shape_cast %get3A_729 : vector<1x16xf32> to vector<16xf32>
      %get3A_731 = arith.constant 15 : i32
      %get3A_732 = arith.index_cast %get3A_731 : i32 to index
      %get3A_733 = arith.index_cast %mul3A_195 : i32 to index
      %get3A_734 = tpu.vector_load %arg9[%get3A_732, %get3A_733] {strides = array<i32>} : memref<16x1024xf32, #tpu.memory_space<vmem>>, vector<1x16xf32>,
      %get3A_735 = vector.shape_cast %get3A_734 : vector<1x16xf32> to vector<16xf32>
      %mul3A_736 = arith.mulf %get3A_730, %get3A_735 : vector<16xf32>
      %add3A_737 = arith.addf %get3A_725, %mul3A_736 : vector<16xf32>
      %get3A_738 = arith.constant 15 : i32
      %get3A_739 = arith.index_cast %get3A_738 : i32 to index
      %get3A_740 = arith.constant 0 : index
      %get3A_741 = tpu.vector_load %arg23[%get3A_739, %get3A_740] {strides = array<i32>} : memref<16x16xf32, #tpu.memory_space<vmem>>, vector<1x16xf32>,
      %get3A_742 = vector.shape_cast %get3A_741 : vector<1x16xf32> to vector<16xf32>
      %get3A_743 = arith.constant 15 : i32
      %get3A_744 = arith.index_cast %get3A_743 : i32 to index
      %get3A_745 = arith.index_cast %mul3A_195 : i32 to index
      %get3A_746 = tpu.vector_load %arg11[%get3A_744, %get3A_745] {strides = array<i32>} : memref<16x1024xf32, #tpu.memory_space<vmem>>, vector<1x16xf32>,
      %get3A_747 = vector.shape_cast %get3A_746 : vector<1x16xf32> to vector<16xf32>
      %mul3A_748 = arith.mulf %get3A_742, %get3A_747 : vector<16xf32>
      %add3A_749 = arith.addf %add3A_737, %mul3A_748 : vector<16xf32>
      %swap3A_750 = arith.constant 15 : i32
      %swap3A_751 = arith.index_cast %swap3A_750 : i32 to index
      %swap3A_752 = arith.index_cast %mul3A_195 : i32 to index
      %swap3A_753 = tpu.vector_load %arg13[%swap3A_751, %swap3A_752] {strides = array<i32>} : memref<16x1024xf32, #tpu.memory_space<vmem>>, vector<1x16xf32>,
      %swap3A_754 = vector.shape_cast %swap3A_753 : vector<1x16xf32> to vector<16xf32>
      %swap3A_755 = vector.shape_cast %add3A_749 : vector<16xf32> to vector<1x16xf32>
      tpu.vector_store %arg13[%swap3A_751, %swap3A_752], %swap3A_755 {strides = array<i32>} : memref<16x1024xf32, #tpu.memory_space<vmem>>, vector<1x16xf32>,
      %scan3A_756 = arith.constant 0 : i32
      scf.yield %scan3A_756 : i32
    }
    %scan3A_121 = arith.constant 64 : i32
    %add3A_122 = arith.constant 16 : i32
    %add3A_123 = arith.addi %mul3A_2, %add3A_122 : i32
    "tpu.region"() ({
      %run_scoped3A_192 = tpu.sem_alloc : memref<!tpu.dma_semaphore, #tpu.memory_space<semaphore_mem>>
      %dma_start3A_193 = arith.constant 0 : i32
      %dma_start3A_194 = tpu.memref_slice %arg7[%add3A_123, %dma_start3A_193] : memref<2048x1024xf32, #tpu.memory_space<hbm>> -> memref<16x1024xf32, #tpu.memory_space<hbm>>
      %dma_start3A_195 = arith.constant 0 : i32
      %dma_start3A_196 = tpu.memref_slice %arg7[%add3A_123, %dma_start3A_195] : memref<2048x1024xf32, #tpu.memory_space<hbm>> -> memref<16x1024xf32, #tpu.memory_space<hbm>>
      tpu.enqueue_dma source(%arg13 : memref<16x1024xf32, #tpu.memory_space<vmem>>) target(%dma_start3A_196 : memref<16x1024xf32, #tpu.memory_space<hbm>>) target_semaphore(%run_scoped3A_192 : memref<!tpu.dma_semaphore, #tpu.memory_space<semaphore_mem>>)
      %dma_wait3A_197 = arith.constant 0 : i32
      %dma_wait3A_198 = tpu.memref_slice %arg7[%add3A_123, %dma_wait3A_197] : memref<2048x1024xf32, #tpu.memory_space<hbm>> -> memref<16x1024xf32, #tpu.memory_space<hbm>>
      %dma_wait3A_199 = arith.constant 0 : i32
      %dma_wait3A_200 = tpu.memref_slice %arg7[%add3A_123, %dma_wait3A_199] : memref<2048x1024xf32, #tpu.memory_space<hbm>> -> memref<16x1024xf32, #tpu.memory_space<hbm>>
      tpu.wait_dma2 semaphore(%run_scoped3A_192 : memref<!tpu.dma_semaphore, #tpu.memory_space<semaphore_mem>>) src(%arg13 : memref<16x1024xf32, #tpu.memory_space<vmem>>) dst(%dma_wait3A_200 : memref<16x1024xf32, #tpu.memory_space<hbm>>)
      tpu.yield
    }) : () -> ()
    %add3A_124 = arith.constant 48 : i32
    %add3A_125 = arith.addi %mul3A_2, %add3A_124 : i32
    %run_scoped3A_126 = arith.constant 0 : i32
    "tpu.region"() ({
      %run_scoped3A_192 = tpu.sem_alloc : memref<!tpu.dma_semaphore, #tpu.memory_space<semaphore_mem>>
      %dma_start3A_193 = tpu.memref_slice %arg4[%run_scoped3A_126, %add3A_125] : memref<128x2048xf32, #tpu.memory_space<hbm>> -> memref<1x16xf32, #tpu.memory_space<hbm>>
      %dma_start3A_194 = tpu.memref_squeeze %dma_start3A_193 : memref<1x16xf32, #tpu.memory_space<hbm>> -> memref<16xf32, #tpu.memory_space<hbm>>
      %dma_start3A_195 = tpu.memref_slice %arg4[%run_scoped3A_126, %add3A_125] : memref<128x2048xf32, #tpu.memory_space<hbm>> -> memref<1x16xf32, #tpu.memory_space<hbm>>
      %dma_start3A_196 = tpu.memref_squeeze %dma_start3A_195 : memref<1x16xf32, #tpu.memory_space<hbm>> -> memref<16xf32, #tpu.memory_space<hbm>>
      tpu.enqueue_dma source(%dma_start3A_196 : memref<16xf32, #tpu.memory_space<hbm>>) target(%arg15 : memref<16xf32, #tpu.memory_space<vmem>>) target_semaphore(%run_scoped3A_192 : memref<!tpu.dma_semaphore, #tpu.memory_space<semaphore_mem>>)
      %dma_wait3A_197 = tpu.memref_slice %arg4[%run_scoped3A_126, %add3A_125] : memref<128x2048xf32, #tpu.memory_space<hbm>> -> memref<1x16xf32, #tpu.memory_space<hbm>>
      %dma_wait3A_198 = tpu.memref_squeeze %dma_wait3A_197 : memref<1x16xf32, #tpu.memory_space<hbm>> -> memref<16xf32, #tpu.memory_space<hbm>>
      %dma_wait3A_199 = tpu.memref_slice %arg4[%run_scoped3A_126, %add3A_125] : memref<128x2048xf32, #tpu.memory_space<hbm>> -> memref<1x16xf32, #tpu.memory_space<hbm>>
      %dma_wait3A_200 = tpu.memref_squeeze %dma_wait3A_199 : memref<1x16xf32, #tpu.memory_space<hbm>> -> memref<16xf32, #tpu.memory_space<hbm>>
      tpu.wait_dma2 semaphore(%run_scoped3A_192 : memref<!tpu.dma_semaphore, #tpu.memory_space<semaphore_mem>>) src(%dma_wait3A_200 : memref<16xf32, #tpu.memory_space<hbm>>) dst(%arg15 : memref<16xf32, #tpu.memory_space<vmem>>)
      tpu.yield
    }) : () -> ()
    %get3A_127 = arith.constant 0 : index
    %get3A_128 = tpu.vector_load %arg15[%get3A_127] {strides = array<i32>} : memref<16xf32, #tpu.memory_space<vmem>>, vector<16xf32>,
    %get3A_129 = vector.shape_cast %get3A_128 : vector<16xf32> to vector<16xf32>
    %convert_element_type3A_130 = arith.fptosi %get3A_129 : vector<16xf32> to vector<16xi32>
    %swap3A_131 = arith.constant 0 : index
    %swap3A_132 = tpu.vector_load %arg17[%swap3A_131] {strides = array<i32>} : memref<16xi32, #tpu.memory_space<vmem>>, vector<16xi32>,
    %swap3A_133 = vector.shape_cast %swap3A_132 : vector<16xi32> to vector<16xi32>
    %swap3A_134 = vector.shape_cast %convert_element_type3A_130 : vector<16xi32> to vector<16xi32>
    tpu.vector_store %arg17[%swap3A_131], %swap3A_134 {strides = array<i32>} : memref<16xi32, #tpu.memory_space<vmem>>, vector<16xi32>,
    %run_scoped3A_135 = arith.constant 1 : i32
    "tpu.region"() ({
      %run_scoped3A_192 = tpu.sem_alloc : memref<!tpu.dma_semaphore, #tpu.memory_space<semaphore_mem>>
      %dma_start3A_193 = tpu.memref_slice %arg4[%run_scoped3A_135, %add3A_125] : memref<128x2048xf32, #tpu.memory_space<hbm>> -> memref<1x16xf32, #tpu.memory_space<hbm>>
      %dma_start3A_194 = tpu.memref_squeeze %dma_start3A_193 : memref<1x16xf32, #tpu.memory_space<hbm>> -> memref<16xf32, #tpu.memory_space<hbm>>
      %dma_start3A_195 = tpu.memref_slice %arg4[%run_scoped3A_135, %add3A_125] : memref<128x2048xf32, #tpu.memory_space<hbm>> -> memref<1x16xf32, #tpu.memory_space<hbm>>
      %dma_start3A_196 = tpu.memref_squeeze %dma_start3A_195 : memref<1x16xf32, #tpu.memory_space<hbm>> -> memref<16xf32, #tpu.memory_space<hbm>>
      tpu.enqueue_dma source(%dma_start3A_196 : memref<16xf32, #tpu.memory_space<hbm>>) target(%arg15 : memref<16xf32, #tpu.memory_space<vmem>>) target_semaphore(%run_scoped3A_192 : memref<!tpu.dma_semaphore, #tpu.memory_space<semaphore_mem>>)
      %dma_wait3A_197 = tpu.memref_slice %arg4[%run_scoped3A_135, %add3A_125] : memref<128x2048xf32, #tpu.memory_space<hbm>> -> memref<1x16xf32, #tpu.memory_space<hbm>>
      %dma_wait3A_198 = tpu.memref_squeeze %dma_wait3A_197 : memref<1x16xf32, #tpu.memory_space<hbm>> -> memref<16xf32, #tpu.memory_space<hbm>>
      %dma_wait3A_199 = tpu.memref_slice %arg4[%run_scoped3A_135, %add3A_125] : memref<128x2048xf32, #tpu.memory_space<hbm>> -> memref<1x16xf32, #tpu.memory_space<hbm>>
      %dma_wait3A_200 = tpu.memref_squeeze %dma_wait3A_199 : memref<1x16xf32, #tpu.memory_space<hbm>> -> memref<16xf32, #tpu.memory_space<hbm>>
      tpu.wait_dma2 semaphore(%run_scoped3A_192 : memref<!tpu.dma_semaphore, #tpu.memory_space<semaphore_mem>>) src(%dma_wait3A_200 : memref<16xf32, #tpu.memory_space<hbm>>) dst(%arg15 : memref<16xf32, #tpu.memory_space<vmem>>)
      tpu.yield
    }) : () -> ()
    %get3A_136 = arith.constant 0 : index
    %get3A_137 = tpu.vector_load %arg15[%get3A_136] {strides = array<i32>} : memref<16xf32, #tpu.memory_space<vmem>>, vector<16xf32>,
    %get3A_138 = vector.shape_cast %get3A_137 : vector<16xf32> to vector<16xf32>
    %convert_element_type3A_139 = arith.fptosi %get3A_138 : vector<16xf32> to vector<16xi32>
    %swap3A_140 = arith.constant 0 : index
    %swap3A_141 = tpu.vector_load %arg19[%swap3A_140] {strides = array<i32>} : memref<16xi32, #tpu.memory_space<vmem>>, vector<16xi32>,
    %swap3A_142 = vector.shape_cast %swap3A_141 : vector<16xi32> to vector<16xi32>
    %swap3A_143 = vector.shape_cast %convert_element_type3A_139 : vector<16xi32> to vector<16xi32>
    tpu.vector_store %arg19[%swap3A_140], %swap3A_143 {strides = array<i32>} : memref<16xi32, #tpu.memory_space<vmem>>, vector<16xi32>,
    "tpu.region"() ({
      %run_scoped3A_192 = tpu.sem_alloc : memref<!tpu.dma_semaphore, #tpu.memory_space<semaphore_mem>>
      %dma_start3A_193 = arith.constant 0 : i32
      %dma_start3A_194 = tpu.memref_slice %arg5[%add3A_125, %dma_start3A_193] : memref<2048x16xf32, #tpu.memory_space<hbm>> -> memref<16x16xf32, #tpu.memory_space<hbm>>
      %dma_start3A_195 = arith.constant 0 : i32
      %dma_start3A_196 = tpu.memref_slice %arg5[%add3A_125, %dma_start3A_195] : memref<2048x16xf32, #tpu.memory_space<hbm>> -> memref<16x16xf32, #tpu.memory_space<hbm>>
      tpu.enqueue_dma source(%dma_start3A_196 : memref<16x16xf32, #tpu.memory_space<hbm>>) target(%arg21 : memref<16x16xf32, #tpu.memory_space<vmem>>) target_semaphore(%run_scoped3A_192 : memref<!tpu.dma_semaphore, #tpu.memory_space<semaphore_mem>>)
      %dma_wait3A_197 = arith.constant 0 : i32
      %dma_wait3A_198 = tpu.memref_slice %arg5[%add3A_125, %dma_wait3A_197] : memref<2048x16xf32, #tpu.memory_space<hbm>> -> memref<16x16xf32, #tpu.memory_space<hbm>>
      %dma_wait3A_199 = arith.constant 0 : i32
      %dma_wait3A_200 = tpu.memref_slice %arg5[%add3A_125, %dma_wait3A_199] : memref<2048x16xf32, #tpu.memory_space<hbm>> -> memref<16x16xf32, #tpu.memory_space<hbm>>
      tpu.wait_dma2 semaphore(%run_scoped3A_192 : memref<!tpu.dma_semaphore, #tpu.memory_space<semaphore_mem>>) src(%dma_wait3A_200 : memref<16x16xf32, #tpu.memory_space<hbm>>) dst(%arg21 : memref<16x16xf32, #tpu.memory_space<vmem>>)
      tpu.yield
    }) : () -> ()
    "tpu.region"() ({
      %run_scoped3A_192 = tpu.sem_alloc : memref<!tpu.dma_semaphore, #tpu.memory_space<semaphore_mem>>
      %dma_start3A_193 = arith.constant 0 : i32
      %dma_start3A_194 = tpu.memref_slice %arg6[%add3A_125, %dma_start3A_193] : memref<2048x16xf32, #tpu.memory_space<hbm>> -> memref<16x16xf32, #tpu.memory_space<hbm>>
      %dma_start3A_195 = arith.constant 0 : i32
      %dma_start3A_196 = tpu.memref_slice %arg6[%add3A_125, %dma_start3A_195] : memref<2048x16xf32, #tpu.memory_space<hbm>> -> memref<16x16xf32, #tpu.memory_space<hbm>>
      tpu.enqueue_dma source(%dma_start3A_196 : memref<16x16xf32, #tpu.memory_space<hbm>>) target(%arg23 : memref<16x16xf32, #tpu.memory_space<vmem>>) target_semaphore(%run_scoped3A_192 : memref<!tpu.dma_semaphore, #tpu.memory_space<semaphore_mem>>)
      %dma_wait3A_197 = arith.constant 0 : i32
      %dma_wait3A_198 = tpu.memref_slice %arg6[%add3A_125, %dma_wait3A_197] : memref<2048x16xf32, #tpu.memory_space<hbm>> -> memref<16x16xf32, #tpu.memory_space<hbm>>
      %dma_wait3A_199 = arith.constant 0 : i32
      %dma_wait3A_200 = tpu.memref_slice %arg6[%add3A_125, %dma_wait3A_199] : memref<2048x16xf32, #tpu.memory_space<hbm>> -> memref<16x16xf32, #tpu.memory_space<hbm>>
      tpu.wait_dma2 semaphore(%run_scoped3A_192 : memref<!tpu.dma_semaphore, #tpu.memory_space<semaphore_mem>>) src(%dma_wait3A_200 : memref<16x16xf32, #tpu.memory_space<hbm>>) dst(%arg23 : memref<16x16xf32, #tpu.memory_space<vmem>>)
      tpu.yield
    }) : () -> ()
    %dma_start3A_144 = arith.constant 0 : i32
    %dma_start3A_145 = arith.constant 0 : i32
    %dma_start3A_146 = tpu.memref_slice %arg2[%dma_start3A_144, %dma_start3A_145] : memref<8960x1024xf32, #tpu.memory_space<hbm>> -> memref<8960x1024xf32, #tpu.memory_space<hbm>>
    tpu.enqueue_indirect_dma source(%dma_start3A_146 : memref<8960x1024xf32, #tpu.memory_space<hbm>>) target(%arg9 : memref<16x1024xf32, #tpu.memory_space<vmem>>) offsets(%arg17 : memref<16xi32, #tpu.memory_space<vmem>>) semaphore(%arg27 : memref<!tpu.dma_semaphore, #tpu.memory_space<semaphore_mem>>)
    %dma_start3A_147 = arith.constant 0 : i32
    %dma_start3A_148 = arith.constant 0 : i32
    %dma_start3A_149 = tpu.memref_slice %arg2[%dma_start3A_147, %dma_start3A_148] : memref<8960x1024xf32, #tpu.memory_space<hbm>> -> memref<8960x1024xf32, #tpu.memory_space<hbm>>
    tpu.enqueue_indirect_dma source(%dma_start3A_149 : memref<8960x1024xf32, #tpu.memory_space<hbm>>) target(%arg11 : memref<16x1024xf32, #tpu.memory_space<vmem>>) offsets(%arg19 : memref<16xi32, #tpu.memory_space<vmem>>) semaphore(%arg28 : memref<!tpu.dma_semaphore, #tpu.memory_space<semaphore_mem>>)
    %dma_start3A_150 = arith.constant 0 : i32
    %dma_start3A_151 = tpu.memref_slice %arg3[%add3A_125, %dma_start3A_150] : memref<2048x1024xf32, #tpu.memory_space<hbm>> -> memref<16x1024xf32, #tpu.memory_space<hbm>>
    %dma_start3A_152 = arith.constant 0 : i32
    %dma_start3A_153 = tpu.memref_slice %arg3[%add3A_125, %dma_start3A_152] : memref<2048x1024xf32, #tpu.memory_space<hbm>> -> memref<16x1024xf32, #tpu.memory_space<hbm>>
    tpu.enqueue_dma source(%dma_start3A_153 : memref<16x1024xf32, #tpu.memory_space<hbm>>) target(%arg13 : memref<16x1024xf32, #tpu.memory_space<vmem>>) target_semaphore(%arg29 : memref<!tpu.dma_semaphore, #tpu.memory_space<semaphore_mem>>)
    %dma_wait3A_154 = arith.constant 0 : i32
    %dma_wait3A_155 = arith.constant 0 : i32
    %dma_wait3A_156 = tpu.memref_slice %arg2[%dma_wait3A_154, %dma_wait3A_155] : memref<8960x1024xf32, #tpu.memory_space<hbm>> -> memref<8960x1024xf32, #tpu.memory_space<hbm>>
    tpu.wait_indirect_dma semaphore(%arg24 : memref<!tpu.dma_semaphore, #tpu.memory_space<semaphore_mem>>) src(%dma_wait3A_156 : memref<8960x1024xf32, #tpu.memory_space<hbm>>) dst(%arg8 : memref<16x1024xf32, #tpu.memory_space<vmem>>)
    %dma_wait3A_157 = arith.constant 0 : i32
    %dma_wait3A_158 = arith.constant 0 : i32
    %dma_wait3A_159 = tpu.memref_slice %arg2[%dma_wait3A_157, %dma_wait3A_158] : memref<8960x1024xf32, #tpu.memory_space<hbm>> -> memref<8960x1024xf32, #tpu.memory_space<hbm>>
    tpu.wait_indirect_dma semaphore(%arg25 : memref<!tpu.dma_semaphore, #tpu.memory_space<semaphore_mem>>) src(%dma_wait3A_159 : memref<8960x1024xf32, #tpu.memory_space<hbm>>) dst(%arg10 : memref<16x1024xf32, #tpu.memory_space<vmem>>)
    %dma_wait3A_160 = arith.constant 0 : i32
    %dma_wait3A_161 = tpu.memref_slice %arg3[%add3A_76, %dma_wait3A_160] : memref<2048x1024xf32, #tpu.memory_space<hbm>> -> memref<16x1024xf32, #tpu.memory_space<hbm>>
    %dma_wait3A_162 = arith.constant 0 : i32
    %dma_wait3A_163 = tpu.memref_slice %arg3[%add3A_76, %dma_wait3A_162] : memref<2048x1024xf32, #tpu.memory_space<hbm>> -> memref<16x1024xf32, #tpu.memory_space<hbm>>
    tpu.wait_dma2 semaphore(%arg26 : memref<!tpu.dma_semaphore, #tpu.memory_space<semaphore_mem>>) src(%dma_wait3A_163 : memref<16x1024xf32, #tpu.memory_space<hbm>>) dst(%arg12 : memref<16x1024xf32, #tpu.memory_space<vmem>>)
    %scan3A_164 = arith.constant 0 : i32
    %scan3A_165 = arith.constant 0 : i32
    %scan3A_166 = arith.constant 64 : i32
    %scan3A_167 = arith.addi %scan3A_165, %scan3A_166 : i32
    %scan3A_168 = arith.constant 1 : i32
    %scan3A_169 = scf.for %scan3A_192 = %scan3A_165 to %scan3A_167 step %scan3A_168 iter_args(%scan3A_193 = %scan3A_164) -> (i32)  : i32 {
      %mul3A_194 = arith.constant 16 : i32
      %mul3A_195 = arith.muli %scan3A_192, %mul3A_194 : i32
      %get3A_196 = arith.constant 0 : i32
      %get3A_197 = arith.index_cast %get3A_196 : i32 to index
      %get3A_198 = arith.index_cast %mul3A_195 : i32 to index
      %get3A_199 = tpu.vector_load %arg12[%get3A_197, %get3A_198] {strides = array<i32>} : memref<16x1024xf32, #tpu.memory_space<vmem>>, vector<1x16xf32>,
      %get3A_200 = vector.shape_cast %get3A_199 : vector<1x16xf32> to vector<16xf32>
      %get3A_201 = arith.constant 0 : i32
      %get3A_202 = arith.index_cast %get3A_201 : i32 to index
      %get3A_203 = arith.constant 0 : index
      %get3A_204 = tpu.vector_load %arg20[%get3A_202, %get3A_203] {strides = array<i32>} : memref<16x16xf32, #tpu.memory_space<vmem>>, vector<1x16xf32>,
      %get3A_205 = vector.shape_cast %get3A_204 : vector<1x16xf32> to vector<16xf32>
      %get3A_206 = arith.constant 0 : i32
      %get3A_207 = arith.index_cast %get3A_206 : i32 to index
      %get3A_208 = arith.index_cast %mul3A_195 : i32 to index
      %get3A_209 = tpu.vector_load %arg8[%get3A_207, %get3A_208] {strides = array<i32>} : memref<16x1024xf32, #tpu.memory_space<vmem>>, vector<1x16xf32>,
      %get3A_210 = vector.shape_cast %get3A_209 : vector<1x16xf32> to vector<16xf32>
      %mul3A_211 = arith.mulf %get3A_205, %get3A_210 : vector<16xf32>
      %add3A_212 = arith.addf %get3A_200, %mul3A_211 : vector<16xf32>
      %get3A_213 = arith.constant 0 : i32
      %get3A_214 = arith.index_cast %get3A_213 : i32 to index
      %get3A_215 = arith.constant 0 : index
      %get3A_216 = tpu.vector_load %arg22[%get3A_214, %get3A_215] {strides = array<i32>} : memref<16x16xf32, #tpu.memory_space<vmem>>, vector<1x16xf32>,
      %get3A_217 = vector.shape_cast %get3A_216 : vector<1x16xf32> to vector<16xf32>
      %get3A_218 = arith.constant 0 : i32
      %get3A_219 = arith.index_cast %get3A_218 : i32 to index
      %get3A_220 = arith.index_cast %mul3A_195 : i32 to index
      %get3A_221 = tpu.vector_load %arg10[%get3A_219, %get3A_220] {strides = array<i32>} : memref<16x1024xf32, #tpu.memory_space<vmem>>, vector<1x16xf32>,
      %get3A_222 = vector.shape_cast %get3A_221 : vector<1x16xf32> to vector<16xf32>
      %mul3A_223 = arith.mulf %get3A_217, %get3A_222 : vector<16xf32>
      %add3A_224 = arith.addf %add3A_212, %mul3A_223 : vector<16xf32>
      %swap3A_225 = arith.constant 0 : i32
      %swap3A_226 = arith.index_cast %swap3A_225 : i32 to index
      %swap3A_227 = arith.index_cast %mul3A_195 : i32 to index
      %swap3A_228 = tpu.vector_load %arg12[%swap3A_226, %swap3A_227] {strides = array<i32>} : memref<16x1024xf32, #tpu.memory_space<vmem>>, vector<1x16xf32>,
      %swap3A_229 = vector.shape_cast %swap3A_228 : vector<1x16xf32> to vector<16xf32>
      %swap3A_230 = vector.shape_cast %add3A_224 : vector<16xf32> to vector<1x16xf32>
      tpu.vector_store %arg12[%swap3A_226, %swap3A_227], %swap3A_230 {strides = array<i32>} : memref<16x1024xf32, #tpu.memory_space<vmem>>, vector<1x16xf32>,
      %get3A_231 = arith.constant 1 : i32
      %get3A_232 = arith.index_cast %get3A_231 : i32 to index
      %get3A_233 = arith.index_cast %mul3A_195 : i32 to index
      %get3A_234 = tpu.vector_load %arg12[%get3A_232, %get3A_233] {strides = array<i32>} : memref<16x1024xf32, #tpu.memory_space<vmem>>, vector<1x16xf32>,
      %get3A_235 = vector.shape_cast %get3A_234 : vector<1x16xf32> to vector<16xf32>
      %get3A_236 = arith.constant 1 : i32
      %get3A_237 = arith.index_cast %get3A_236 : i32 to index
      %get3A_238 = arith.constant 0 : index
      %get3A_239 = tpu.vector_load %arg20[%get3A_237, %get3A_238] {strides = array<i32>} : memref<16x16xf32, #tpu.memory_space<vmem>>, vector<1x16xf32>,
      %get3A_240 = vector.shape_cast %get3A_239 : vector<1x16xf32> to vector<16xf32>
      %get3A_241 = arith.constant 1 : i32
      %get3A_242 = arith.index_cast %get3A_241 : i32 to index
      %get3A_243 = arith.index_cast %mul3A_195 : i32 to index
      %get3A_244 = tpu.vector_load %arg8[%get3A_242, %get3A_243] {strides = array<i32>} : memref<16x1024xf32, #tpu.memory_space<vmem>>, vector<1x16xf32>,
      %get3A_245 = vector.shape_cast %get3A_244 : vector<1x16xf32> to vector<16xf32>
      %mul3A_246 = arith.mulf %get3A_240, %get3A_245 : vector<16xf32>
      %add3A_247 = arith.addf %get3A_235, %mul3A_246 : vector<16xf32>
      %get3A_248 = arith.constant 1 : i32
      %get3A_249 = arith.index_cast %get3A_248 : i32 to index
      %get3A_250 = arith.constant 0 : index
      %get3A_251 = tpu.vector_load %arg22[%get3A_249, %get3A_250] {strides = array<i32>} : memref<16x16xf32, #tpu.memory_space<vmem>>, vector<1x16xf32>,
      %get3A_252 = vector.shape_cast %get3A_251 : vector<1x16xf32> to vector<16xf32>
      %get3A_253 = arith.constant 1 : i32
      %get3A_254 = arith.index_cast %get3A_253 : i32 to index
      %get3A_255 = arith.index_cast %mul3A_195 : i32 to index
      %get3A_256 = tpu.vector_load %arg10[%get3A_254, %get3A_255] {strides = array<i32>} : memref<16x1024xf32, #tpu.memory_space<vmem>>, vector<1x16xf32>,
      %get3A_257 = vector.shape_cast %get3A_256 : vector<1x16xf32> to vector<16xf32>
      %mul3A_258 = arith.mulf %get3A_252, %get3A_257 : vector<16xf32>
      %add3A_259 = arith.addf %add3A_247, %mul3A_258 : vector<16xf32>
      %swap3A_260 = arith.constant 1 : i32
      %swap3A_261 = arith.index_cast %swap3A_260 : i32 to index
      %swap3A_262 = arith.index_cast %mul3A_195 : i32 to index
      %swap3A_263 = tpu.vector_load %arg12[%swap3A_261, %swap3A_262] {strides = array<i32>} : memref<16x1024xf32, #tpu.memory_space<vmem>>, vector<1x16xf32>,
      %swap3A_264 = vector.shape_cast %swap3A_263 : vector<1x16xf32> to vector<16xf32>
      %swap3A_265 = vector.shape_cast %add3A_259 : vector<16xf32> to vector<1x16xf32>
      tpu.vector_store %arg12[%swap3A_261, %swap3A_262], %swap3A_265 {strides = array<i32>} : memref<16x1024xf32, #tpu.memory_space<vmem>>, vector<1x16xf32>,
      %get3A_266 = arith.constant 2 : i32
      %get3A_267 = arith.index_cast %get3A_266 : i32 to index
      %get3A_268 = arith.index_cast %mul3A_195 : i32 to index
      %get3A_269 = tpu.vector_load %arg12[%get3A_267, %get3A_268] {strides = array<i32>} : memref<16x1024xf32, #tpu.memory_space<vmem>>, vector<1x16xf32>,
      %get3A_270 = vector.shape_cast %get3A_269 : vector<1x16xf32> to vector<16xf32>
      %get3A_271 = arith.constant 2 : i32
      %get3A_272 = arith.index_cast %get3A_271 : i32 to index
      %get3A_273 = arith.constant 0 : index
      %get3A_274 = tpu.vector_load %arg20[%get3A_272, %get3A_273] {strides = array<i32>} : memref<16x16xf32, #tpu.memory_space<vmem>>, vector<1x16xf32>,
      %get3A_275 = vector.shape_cast %get3A_274 : vector<1x16xf32> to vector<16xf32>
      %get3A_276 = arith.constant 2 : i32
      %get3A_277 = arith.index_cast %get3A_276 : i32 to index
      %get3A_278 = arith.index_cast %mul3A_195 : i32 to index
      %get3A_279 = tpu.vector_load %arg8[%get3A_277, %get3A_278] {strides = array<i32>} : memref<16x1024xf32, #tpu.memory_space<vmem>>, vector<1x16xf32>,
      %get3A_280 = vector.shape_cast %get3A_279 : vector<1x16xf32> to vector<16xf32>
      %mul3A_281 = arith.mulf %get3A_275, %get3A_280 : vector<16xf32>
      %add3A_282 = arith.addf %get3A_270, %mul3A_281 : vector<16xf32>
      %get3A_283 = arith.constant 2 : i32
      %get3A_284 = arith.index_cast %get3A_283 : i32 to index
      %get3A_285 = arith.constant 0 : index
      %get3A_286 = tpu.vector_load %arg22[%get3A_284, %get3A_285] {strides = array<i32>} : memref<16x16xf32, #tpu.memory_space<vmem>>, vector<1x16xf32>,
      %get3A_287 = vector.shape_cast %get3A_286 : vector<1x16xf32> to vector<16xf32>
      %get3A_288 = arith.constant 2 : i32
      %get3A_289 = arith.index_cast %get3A_288 : i32 to index
      %get3A_290 = arith.index_cast %mul3A_195 : i32 to index
      %get3A_291 = tpu.vector_load %arg10[%get3A_289, %get3A_290] {strides = array<i32>} : memref<16x1024xf32, #tpu.memory_space<vmem>>, vector<1x16xf32>,
      %get3A_292 = vector.shape_cast %get3A_291 : vector<1x16xf32> to vector<16xf32>
      %mul3A_293 = arith.mulf %get3A_287, %get3A_292 : vector<16xf32>
      %add3A_294 = arith.addf %add3A_282, %mul3A_293 : vector<16xf32>
      %swap3A_295 = arith.constant 2 : i32
      %swap3A_296 = arith.index_cast %swap3A_295 : i32 to index
      %swap3A_297 = arith.index_cast %mul3A_195 : i32 to index
      %swap3A_298 = tpu.vector_load %arg12[%swap3A_296, %swap3A_297] {strides = array<i32>} : memref<16x1024xf32, #tpu.memory_space<vmem>>, vector<1x16xf32>,
      %swap3A_299 = vector.shape_cast %swap3A_298 : vector<1x16xf32> to vector<16xf32>
      %swap3A_300 = vector.shape_cast %add3A_294 : vector<16xf32> to vector<1x16xf32>
      tpu.vector_store %arg12[%swap3A_296, %swap3A_297], %swap3A_300 {strides = array<i32>} : memref<16x1024xf32, #tpu.memory_space<vmem>>, vector<1x16xf32>,
      %get3A_301 = arith.constant 3 : i32
      %get3A_302 = arith.index_cast %get3A_301 : i32 to index
      %get3A_303 = arith.index_cast %mul3A_195 : i32 to index
      %get3A_304 = tpu.vector_load %arg12[%get3A_302, %get3A_303] {strides = array<i32>} : memref<16x1024xf32, #tpu.memory_space<vmem>>, vector<1x16xf32>,
      %get3A_305 = vector.shape_cast %get3A_304 : vector<1x16xf32> to vector<16xf32>
      %get3A_306 = arith.constant 3 : i32
      %get3A_307 = arith.index_cast %get3A_306 : i32 to index
      %get3A_308 = arith.constant 0 : index
      %get3A_309 = tpu.vector_load %arg20[%get3A_307, %get3A_308] {strides = array<i32>} : memref<16x16xf32, #tpu.memory_space<vmem>>, vector<1x16xf32>,
      %get3A_310 = vector.shape_cast %get3A_309 : vector<1x16xf32> to vector<16xf32>
      %get3A_311 = arith.constant 3 : i32
      %get3A_312 = arith.index_cast %get3A_311 : i32 to index
      %get3A_313 = arith.index_cast %mul3A_195 : i32 to index
      %get3A_314 = tpu.vector_load %arg8[%get3A_312, %get3A_313] {strides = array<i32>} : memref<16x1024xf32, #tpu.memory_space<vmem>>, vector<1x16xf32>,
      %get3A_315 = vector.shape_cast %get3A_314 : vector<1x16xf32> to vector<16xf32>
      %mul3A_316 = arith.mulf %get3A_310, %get3A_315 : vector<16xf32>
      %add3A_317 = arith.addf %get3A_305, %mul3A_316 : vector<16xf32>
      %get3A_318 = arith.constant 3 : i32
      %get3A_319 = arith.index_cast %get3A_318 : i32 to index
      %get3A_320 = arith.constant 0 : index
      %get3A_321 = tpu.vector_load %arg22[%get3A_319, %get3A_320] {strides = array<i32>} : memref<16x16xf32, #tpu.memory_space<vmem>>, vector<1x16xf32>,
      %get3A_322 = vector.shape_cast %get3A_321 : vector<1x16xf32> to vector<16xf32>
      %get3A_323 = arith.constant 3 : i32
      %get3A_324 = arith.index_cast %get3A_323 : i32 to index
      %get3A_325 = arith.index_cast %mul3A_195 : i32 to index
      %get3A_326 = tpu.vector_load %arg10[%get3A_324, %get3A_325] {strides = array<i32>} : memref<16x1024xf32, #tpu.memory_space<vmem>>, vector<1x16xf32>,
      %get3A_327 = vector.shape_cast %get3A_326 : vector<1x16xf32> to vector<16xf32>
      %mul3A_328 = arith.mulf %get3A_322, %get3A_327 : vector<16xf32>
      %add3A_329 = arith.addf %add3A_317, %mul3A_328 : vector<16xf32>
      %swap3A_330 = arith.constant 3 : i32
      %swap3A_331 = arith.index_cast %swap3A_330 : i32 to index
      %swap3A_332 = arith.index_cast %mul3A_195 : i32 to index
      %swap3A_333 = tpu.vector_load %arg12[%swap3A_331, %swap3A_332] {strides = array<i32>} : memref<16x1024xf32, #tpu.memory_space<vmem>>, vector<1x16xf32>,
      %swap3A_334 = vector.shape_cast %swap3A_333 : vector<1x16xf32> to vector<16xf32>
      %swap3A_335 = vector.shape_cast %add3A_329 : vector<16xf32> to vector<1x16xf32>
      tpu.vector_store %arg12[%swap3A_331, %swap3A_332], %swap3A_335 {strides = array<i32>} : memref<16x1024xf32, #tpu.memory_space<vmem>>, vector<1x16xf32>,
      %get3A_336 = arith.constant 4 : i32
      %get3A_337 = arith.index_cast %get3A_336 : i32 to index
      %get3A_338 = arith.index_cast %mul3A_195 : i32 to index
      %get3A_339 = tpu.vector_load %arg12[%get3A_337, %get3A_338] {strides = array<i32>} : memref<16x1024xf32, #tpu.memory_space<vmem>>, vector<1x16xf32>,
      %get3A_340 = vector.shape_cast %get3A_339 : vector<1x16xf32> to vector<16xf32>
      %get3A_341 = arith.constant 4 : i32
      %get3A_342 = arith.index_cast %get3A_341 : i32 to index
      %get3A_343 = arith.constant 0 : index
      %get3A_344 = tpu.vector_load %arg20[%get3A_342, %get3A_343] {strides = array<i32>} : memref<16x16xf32, #tpu.memory_space<vmem>>, vector<1x16xf32>,
      %get3A_345 = vector.shape_cast %get3A_344 : vector<1x16xf32> to vector<16xf32>
      %get3A_346 = arith.constant 4 : i32
      %get3A_347 = arith.index_cast %get3A_346 : i32 to index
      %get3A_348 = arith.index_cast %mul3A_195 : i32 to index
      %get3A_349 = tpu.vector_load %arg8[%get3A_347, %get3A_348] {strides = array<i32>} : memref<16x1024xf32, #tpu.memory_space<vmem>>, vector<1x16xf32>,
      %get3A_350 = vector.shape_cast %get3A_349 : vector<1x16xf32> to vector<16xf32>
      %mul3A_351 = arith.mulf %get3A_345, %get3A_350 : vector<16xf32>
      %add3A_352 = arith.addf %get3A_340, %mul3A_351 : vector<16xf32>
      %get3A_353 = arith.constant 4 : i32
      %get3A_354 = arith.index_cast %get3A_353 : i32 to index
      %get3A_355 = arith.constant 0 : index
      %get3A_356 = tpu.vector_load %arg22[%get3A_354, %get3A_355] {strides = array<i32>} : memref<16x16xf32, #tpu.memory_space<vmem>>, vector<1x16xf32>,
      %get3A_357 = vector.shape_cast %get3A_356 : vector<1x16xf32> to vector<16xf32>
      %get3A_358 = arith.constant 4 : i32
      %get3A_359 = arith.index_cast %get3A_358 : i32 to index
      %get3A_360 = arith.index_cast %mul3A_195 : i32 to index
      %get3A_361 = tpu.vector_load %arg10[%get3A_359, %get3A_360] {strides = array<i32>} : memref<16x1024xf32, #tpu.memory_space<vmem>>, vector<1x16xf32>,
      %get3A_362 = vector.shape_cast %get3A_361 : vector<1x16xf32> to vector<16xf32>
      %mul3A_363 = arith.mulf %get3A_357, %get3A_362 : vector<16xf32>
      %add3A_364 = arith.addf %add3A_352, %mul3A_363 : vector<16xf32>
      %swap3A_365 = arith.constant 4 : i32
      %swap3A_366 = arith.index_cast %swap3A_365 : i32 to index
      %swap3A_367 = arith.index_cast %mul3A_195 : i32 to index
      %swap3A_368 = tpu.vector_load %arg12[%swap3A_366, %swap3A_367] {strides = array<i32>} : memref<16x1024xf32, #tpu.memory_space<vmem>>, vector<1x16xf32>,
      %swap3A_369 = vector.shape_cast %swap3A_368 : vector<1x16xf32> to vector<16xf32>
      %swap3A_370 = vector.shape_cast %add3A_364 : vector<16xf32> to vector<1x16xf32>
      tpu.vector_store %arg12[%swap3A_366, %swap3A_367], %swap3A_370 {strides = array<i32>} : memref<16x1024xf32, #tpu.memory_space<vmem>>, vector<1x16xf32>,
      %get3A_371 = arith.constant 5 : i32
      %get3A_372 = arith.index_cast %get3A_371 : i32 to index
      %get3A_373 = arith.index_cast %mul3A_195 : i32 to index
      %get3A_374 = tpu.vector_load %arg12[%get3A_372, %get3A_373] {strides = array<i32>} : memref<16x1024xf32, #tpu.memory_space<vmem>>, vector<1x16xf32>,
      %get3A_375 = vector.shape_cast %get3A_374 : vector<1x16xf32> to vector<16xf32>
      %get3A_376 = arith.constant 5 : i32
      %get3A_377 = arith.index_cast %get3A_376 : i32 to index
      %get3A_378 = arith.constant 0 : index
      %get3A_379 = tpu.vector_load %arg20[%get3A_377, %get3A_378] {strides = array<i32>} : memref<16x16xf32, #tpu.memory_space<vmem>>, vector<1x16xf32>,
      %get3A_380 = vector.shape_cast %get3A_379 : vector<1x16xf32> to vector<16xf32>
      %get3A_381 = arith.constant 5 : i32
      %get3A_382 = arith.index_cast %get3A_381 : i32 to index
      %get3A_383 = arith.index_cast %mul3A_195 : i32 to index
      %get3A_384 = tpu.vector_load %arg8[%get3A_382, %get3A_383] {strides = array<i32>} : memref<16x1024xf32, #tpu.memory_space<vmem>>, vector<1x16xf32>,
      %get3A_385 = vector.shape_cast %get3A_384 : vector<1x16xf32> to vector<16xf32>
      %mul3A_386 = arith.mulf %get3A_380, %get3A_385 : vector<16xf32>
      %add3A_387 = arith.addf %get3A_375, %mul3A_386 : vector<16xf32>
      %get3A_388 = arith.constant 5 : i32
      %get3A_389 = arith.index_cast %get3A_388 : i32 to index
      %get3A_390 = arith.constant 0 : index
      %get3A_391 = tpu.vector_load %arg22[%get3A_389, %get3A_390] {strides = array<i32>} : memref<16x16xf32, #tpu.memory_space<vmem>>, vector<1x16xf32>,
      %get3A_392 = vector.shape_cast %get3A_391 : vector<1x16xf32> to vector<16xf32>
      %get3A_393 = arith.constant 5 : i32
      %get3A_394 = arith.index_cast %get3A_393 : i32 to index
      %get3A_395 = arith.index_cast %mul3A_195 : i32 to index
      %get3A_396 = tpu.vector_load %arg10[%get3A_394, %get3A_395] {strides = array<i32>} : memref<16x1024xf32, #tpu.memory_space<vmem>>, vector<1x16xf32>,
      %get3A_397 = vector.shape_cast %get3A_396 : vector<1x16xf32> to vector<16xf32>
      %mul3A_398 = arith.mulf %get3A_392, %get3A_397 : vector<16xf32>
      %add3A_399 = arith.addf %add3A_387, %mul3A_398 : vector<16xf32>
      %swap3A_400 = arith.constant 5 : i32
      %swap3A_401 = arith.index_cast %swap3A_400 : i32 to index
      %swap3A_402 = arith.index_cast %mul3A_195 : i32 to index
      %swap3A_403 = tpu.vector_load %arg12[%swap3A_401, %swap3A_402] {strides = array<i32>} : memref<16x1024xf32, #tpu.memory_space<vmem>>, vector<1x16xf32>,
      %swap3A_404 = vector.shape_cast %swap3A_403 : vector<1x16xf32> to vector<16xf32>
      %swap3A_405 = vector.shape_cast %add3A_399 : vector<16xf32> to vector<1x16xf32>
      tpu.vector_store %arg12[%swap3A_401, %swap3A_402], %swap3A_405 {strides = array<i32>} : memref<16x1024xf32, #tpu.memory_space<vmem>>, vector<1x16xf32>,
      %get3A_406 = arith.constant 6 : i32
      %get3A_407 = arith.index_cast %get3A_406 : i32 to index
      %get3A_408 = arith.index_cast %mul3A_195 : i32 to index
      %get3A_409 = tpu.vector_load %arg12[%get3A_407, %get3A_408] {strides = array<i32>} : memref<16x1024xf32, #tpu.memory_space<vmem>>, vector<1x16xf32>,
      %get3A_410 = vector.shape_cast %get3A_409 : vector<1x16xf32> to vector<16xf32>
      %get3A_411 = arith.constant 6 : i32
      %get3A_412 = arith.index_cast %get3A_411 : i32 to index
      %get3A_413 = arith.constant 0 : index
      %get3A_414 = tpu.vector_load %arg20[%get3A_412, %get3A_413] {strides = array<i32>} : memref<16x16xf32, #tpu.memory_space<vmem>>, vector<1x16xf32>,
      %get3A_415 = vector.shape_cast %get3A_414 : vector<1x16xf32> to vector<16xf32>
      %get3A_416 = arith.constant 6 : i32
      %get3A_417 = arith.index_cast %get3A_416 : i32 to index
      %get3A_418 = arith.index_cast %mul3A_195 : i32 to index
      %get3A_419 = tpu.vector_load %arg8[%get3A_417, %get3A_418] {strides = array<i32>} : memref<16x1024xf32, #tpu.memory_space<vmem>>, vector<1x16xf32>,
      %get3A_420 = vector.shape_cast %get3A_419 : vector<1x16xf32> to vector<16xf32>
      %mul3A_421 = arith.mulf %get3A_415, %get3A_420 : vector<16xf32>
      %add3A_422 = arith.addf %get3A_410, %mul3A_421 : vector<16xf32>
      %get3A_423 = arith.constant 6 : i32
      %get3A_424 = arith.index_cast %get3A_423 : i32 to index
      %get3A_425 = arith.constant 0 : index
      %get3A_426 = tpu.vector_load %arg22[%get3A_424, %get3A_425] {strides = array<i32>} : memref<16x16xf32, #tpu.memory_space<vmem>>, vector<1x16xf32>,
      %get3A_427 = vector.shape_cast %get3A_426 : vector<1x16xf32> to vector<16xf32>
      %get3A_428 = arith.constant 6 : i32
      %get3A_429 = arith.index_cast %get3A_428 : i32 to index
      %get3A_430 = arith.index_cast %mul3A_195 : i32 to index
      %get3A_431 = tpu.vector_load %arg10[%get3A_429, %get3A_430] {strides = array<i32>} : memref<16x1024xf32, #tpu.memory_space<vmem>>, vector<1x16xf32>,
      %get3A_432 = vector.shape_cast %get3A_431 : vector<1x16xf32> to vector<16xf32>
      %mul3A_433 = arith.mulf %get3A_427, %get3A_432 : vector<16xf32>
      %add3A_434 = arith.addf %add3A_422, %mul3A_433 : vector<16xf32>
      %swap3A_435 = arith.constant 6 : i32
      %swap3A_436 = arith.index_cast %swap3A_435 : i32 to index
      %swap3A_437 = arith.index_cast %mul3A_195 : i32 to index
      %swap3A_438 = tpu.vector_load %arg12[%swap3A_436, %swap3A_437] {strides = array<i32>} : memref<16x1024xf32, #tpu.memory_space<vmem>>, vector<1x16xf32>,
      %swap3A_439 = vector.shape_cast %swap3A_438 : vector<1x16xf32> to vector<16xf32>
      %swap3A_440 = vector.shape_cast %add3A_434 : vector<16xf32> to vector<1x16xf32>
      tpu.vector_store %arg12[%swap3A_436, %swap3A_437], %swap3A_440 {strides = array<i32>} : memref<16x1024xf32, #tpu.memory_space<vmem>>, vector<1x16xf32>,
      %get3A_441 = arith.constant 7 : i32
      %get3A_442 = arith.index_cast %get3A_441 : i32 to index
      %get3A_443 = arith.index_cast %mul3A_195 : i32 to index
      %get3A_444 = tpu.vector_load %arg12[%get3A_442, %get3A_443] {strides = array<i32>} : memref<16x1024xf32, #tpu.memory_space<vmem>>, vector<1x16xf32>,
      %get3A_445 = vector.shape_cast %get3A_444 : vector<1x16xf32> to vector<16xf32>
      %get3A_446 = arith.constant 7 : i32
      %get3A_447 = arith.index_cast %get3A_446 : i32 to index
      %get3A_448 = arith.constant 0 : index
      %get3A_449 = tpu.vector_load %arg20[%get3A_447, %get3A_448] {strides = array<i32>} : memref<16x16xf32, #tpu.memory_space<vmem>>, vector<1x16xf32>,
      %get3A_450 = vector.shape_cast %get3A_449 : vector<1x16xf32> to vector<16xf32>
      %get3A_451 = arith.constant 7 : i32
      %get3A_452 = arith.index_cast %get3A_451 : i32 to index
      %get3A_453 = arith.index_cast %mul3A_195 : i32 to index
      %get3A_454 = tpu.vector_load %arg8[%get3A_452, %get3A_453] {strides = array<i32>} : memref<16x1024xf32, #tpu.memory_space<vmem>>, vector<1x16xf32>,
      %get3A_455 = vector.shape_cast %get3A_454 : vector<1x16xf32> to vector<16xf32>
      %mul3A_456 = arith.mulf %get3A_450, %get3A_455 : vector<16xf32>
      %add3A_457 = arith.addf %get3A_445, %mul3A_456 : vector<16xf32>
      %get3A_458 = arith.constant 7 : i32
      %get3A_459 = arith.index_cast %get3A_458 : i32 to index
      %get3A_460 = arith.constant 0 : index
      %get3A_461 = tpu.vector_load %arg22[%get3A_459, %get3A_460] {strides = array<i32>} : memref<16x16xf32, #tpu.memory_space<vmem>>, vector<1x16xf32>,
      %get3A_462 = vector.shape_cast %get3A_461 : vector<1x16xf32> to vector<16xf32>
      %get3A_463 = arith.constant 7 : i32
      %get3A_464 = arith.index_cast %get3A_463 : i32 to index
      %get3A_465 = arith.index_cast %mul3A_195 : i32 to index
      %get3A_466 = tpu.vector_load %arg10[%get3A_464, %get3A_465] {strides = array<i32>} : memref<16x1024xf32, #tpu.memory_space<vmem>>, vector<1x16xf32>,
      %get3A_467 = vector.shape_cast %get3A_466 : vector<1x16xf32> to vector<16xf32>
      %mul3A_468 = arith.mulf %get3A_462, %get3A_467 : vector<16xf32>
      %add3A_469 = arith.addf %add3A_457, %mul3A_468 : vector<16xf32>
      %swap3A_470 = arith.constant 7 : i32
      %swap3A_471 = arith.index_cast %swap3A_470 : i32 to index
      %swap3A_472 = arith.index_cast %mul3A_195 : i32 to index
      %swap3A_473 = tpu.vector_load %arg12[%swap3A_471, %swap3A_472] {strides = array<i32>} : memref<16x1024xf32, #tpu.memory_space<vmem>>, vector<1x16xf32>,
      %swap3A_474 = vector.shape_cast %swap3A_473 : vector<1x16xf32> to vector<16xf32>
      %swap3A_475 = vector.shape_cast %add3A_469 : vector<16xf32> to vector<1x16xf32>
      tpu.vector_store %arg12[%swap3A_471, %swap3A_472], %swap3A_475 {strides = array<i32>} : memref<16x1024xf32, #tpu.memory_space<vmem>>, vector<1x16xf32>,
      %get3A_476 = arith.constant 8 : i32
      %get3A_477 = arith.index_cast %get3A_476 : i32 to index
      %get3A_478 = arith.index_cast %mul3A_195 : i32 to index
      %get3A_479 = tpu.vector_load %arg12[%get3A_477, %get3A_478] {strides = array<i32>} : memref<16x1024xf32, #tpu.memory_space<vmem>>, vector<1x16xf32>,
      %get3A_480 = vector.shape_cast %get3A_479 : vector<1x16xf32> to vector<16xf32>
      %get3A_481 = arith.constant 8 : i32
      %get3A_482 = arith.index_cast %get3A_481 : i32 to index
      %get3A_483 = arith.constant 0 : index
      %get3A_484 = tpu.vector_load %arg20[%get3A_482, %get3A_483] {strides = array<i32>} : memref<16x16xf32, #tpu.memory_space<vmem>>, vector<1x16xf32>,
      %get3A_485 = vector.shape_cast %get3A_484 : vector<1x16xf32> to vector<16xf32>
      %get3A_486 = arith.constant 8 : i32
      %get3A_487 = arith.index_cast %get3A_486 : i32 to index
      %get3A_488 = arith.index_cast %mul3A_195 : i32 to index
      %get3A_489 = tpu.vector_load %arg8[%get3A_487, %get3A_488] {strides = array<i32>} : memref<16x1024xf32, #tpu.memory_space<vmem>>, vector<1x16xf32>,
      %get3A_490 = vector.shape_cast %get3A_489 : vector<1x16xf32> to vector<16xf32>
      %mul3A_491 = arith.mulf %get3A_485, %get3A_490 : vector<16xf32>
      %add3A_492 = arith.addf %get3A_480, %mul3A_491 : vector<16xf32>
      %get3A_493 = arith.constant 8 : i32
      %get3A_494 = arith.index_cast %get3A_493 : i32 to index
      %get3A_495 = arith.constant 0 : index
      %get3A_496 = tpu.vector_load %arg22[%get3A_494, %get3A_495] {strides = array<i32>} : memref<16x16xf32, #tpu.memory_space<vmem>>, vector<1x16xf32>,
      %get3A_497 = vector.shape_cast %get3A_496 : vector<1x16xf32> to vector<16xf32>
      %get3A_498 = arith.constant 8 : i32
      %get3A_499 = arith.index_cast %get3A_498 : i32 to index
      %get3A_500 = arith.index_cast %mul3A_195 : i32 to index
      %get3A_501 = tpu.vector_load %arg10[%get3A_499, %get3A_500] {strides = array<i32>} : memref<16x1024xf32, #tpu.memory_space<vmem>>, vector<1x16xf32>,
      %get3A_502 = vector.shape_cast %get3A_501 : vector<1x16xf32> to vector<16xf32>
      %mul3A_503 = arith.mulf %get3A_497, %get3A_502 : vector<16xf32>
      %add3A_504 = arith.addf %add3A_492, %mul3A_503 : vector<16xf32>
      %swap3A_505 = arith.constant 8 : i32
      %swap3A_506 = arith.index_cast %swap3A_505 : i32 to index
      %swap3A_507 = arith.index_cast %mul3A_195 : i32 to index
      %swap3A_508 = tpu.vector_load %arg12[%swap3A_506, %swap3A_507] {strides = array<i32>} : memref<16x1024xf32, #tpu.memory_space<vmem>>, vector<1x16xf32>,
      %swap3A_509 = vector.shape_cast %swap3A_508 : vector<1x16xf32> to vector<16xf32>
      %swap3A_510 = vector.shape_cast %add3A_504 : vector<16xf32> to vector<1x16xf32>
      tpu.vector_store %arg12[%swap3A_506, %swap3A_507], %swap3A_510 {strides = array<i32>} : memref<16x1024xf32, #tpu.memory_space<vmem>>, vector<1x16xf32>,
      %get3A_511 = arith.constant 9 : i32
      %get3A_512 = arith.index_cast %get3A_511 : i32 to index
      %get3A_513 = arith.index_cast %mul3A_195 : i32 to index
      %get3A_514 = tpu.vector_load %arg12[%get3A_512, %get3A_513] {strides = array<i32>} : memref<16x1024xf32, #tpu.memory_space<vmem>>, vector<1x16xf32>,
      %get3A_515 = vector.shape_cast %get3A_514 : vector<1x16xf32> to vector<16xf32>
      %get3A_516 = arith.constant 9 : i32
      %get3A_517 = arith.index_cast %get3A_516 : i32 to index
      %get3A_518 = arith.constant 0 : index
      %get3A_519 = tpu.vector_load %arg20[%get3A_517, %get3A_518] {strides = array<i32>} : memref<16x16xf32, #tpu.memory_space<vmem>>, vector<1x16xf32>,
      %get3A_520 = vector.shape_cast %get3A_519 : vector<1x16xf32> to vector<16xf32>
      %get3A_521 = arith.constant 9 : i32
      %get3A_522 = arith.index_cast %get3A_521 : i32 to index
      %get3A_523 = arith.index_cast %mul3A_195 : i32 to index
      %get3A_524 = tpu.vector_load %arg8[%get3A_522, %get3A_523] {strides = array<i32>} : memref<16x1024xf32, #tpu.memory_space<vmem>>, vector<1x16xf32>,
      %get3A_525 = vector.shape_cast %get3A_524 : vector<1x16xf32> to vector<16xf32>
      %mul3A_526 = arith.mulf %get3A_520, %get3A_525 : vector<16xf32>
      %add3A_527 = arith.addf %get3A_515, %mul3A_526 : vector<16xf32>
      %get3A_528 = arith.constant 9 : i32
      %get3A_529 = arith.index_cast %get3A_528 : i32 to index
      %get3A_530 = arith.constant 0 : index
      %get3A_531 = tpu.vector_load %arg22[%get3A_529, %get3A_530] {strides = array<i32>} : memref<16x16xf32, #tpu.memory_space<vmem>>, vector<1x16xf32>,
      %get3A_532 = vector.shape_cast %get3A_531 : vector<1x16xf32> to vector<16xf32>
      %get3A_533 = arith.constant 9 : i32
      %get3A_534 = arith.index_cast %get3A_533 : i32 to index
      %get3A_535 = arith.index_cast %mul3A_195 : i32 to index
      %get3A_536 = tpu.vector_load %arg10[%get3A_534, %get3A_535] {strides = array<i32>} : memref<16x1024xf32, #tpu.memory_space<vmem>>, vector<1x16xf32>,
      %get3A_537 = vector.shape_cast %get3A_536 : vector<1x16xf32> to vector<16xf32>
      %mul3A_538 = arith.mulf %get3A_532, %get3A_537 : vector<16xf32>
      %add3A_539 = arith.addf %add3A_527, %mul3A_538 : vector<16xf32>
      %swap3A_540 = arith.constant 9 : i32
      %swap3A_541 = arith.index_cast %swap3A_540 : i32 to index
      %swap3A_542 = arith.index_cast %mul3A_195 : i32 to index
      %swap3A_543 = tpu.vector_load %arg12[%swap3A_541, %swap3A_542] {strides = array<i32>} : memref<16x1024xf32, #tpu.memory_space<vmem>>, vector<1x16xf32>,
      %swap3A_544 = vector.shape_cast %swap3A_543 : vector<1x16xf32> to vector<16xf32>
      %swap3A_545 = vector.shape_cast %add3A_539 : vector<16xf32> to vector<1x16xf32>
      tpu.vector_store %arg12[%swap3A_541, %swap3A_542], %swap3A_545 {strides = array<i32>} : memref<16x1024xf32, #tpu.memory_space<vmem>>, vector<1x16xf32>,
      %get3A_546 = arith.constant 10 : i32
      %get3A_547 = arith.index_cast %get3A_546 : i32 to index
      %get3A_548 = arith.index_cast %mul3A_195 : i32 to index
      %get3A_549 = tpu.vector_load %arg12[%get3A_547, %get3A_548] {strides = array<i32>} : memref<16x1024xf32, #tpu.memory_space<vmem>>, vector<1x16xf32>,
      %get3A_550 = vector.shape_cast %get3A_549 : vector<1x16xf32> to vector<16xf32>
      %get3A_551 = arith.constant 10 : i32
      %get3A_552 = arith.index_cast %get3A_551 : i32 to index
      %get3A_553 = arith.constant 0 : index
      %get3A_554 = tpu.vector_load %arg20[%get3A_552, %get3A_553] {strides = array<i32>} : memref<16x16xf32, #tpu.memory_space<vmem>>, vector<1x16xf32>,
      %get3A_555 = vector.shape_cast %get3A_554 : vector<1x16xf32> to vector<16xf32>
      %get3A_556 = arith.constant 10 : i32
      %get3A_557 = arith.index_cast %get3A_556 : i32 to index
      %get3A_558 = arith.index_cast %mul3A_195 : i32 to index
      %get3A_559 = tpu.vector_load %arg8[%get3A_557, %get3A_558] {strides = array<i32>} : memref<16x1024xf32, #tpu.memory_space<vmem>>, vector<1x16xf32>,
      %get3A_560 = vector.shape_cast %get3A_559 : vector<1x16xf32> to vector<16xf32>
      %mul3A_561 = arith.mulf %get3A_555, %get3A_560 : vector<16xf32>
      %add3A_562 = arith.addf %get3A_550, %mul3A_561 : vector<16xf32>
      %get3A_563 = arith.constant 10 : i32
      %get3A_564 = arith.index_cast %get3A_563 : i32 to index
      %get3A_565 = arith.constant 0 : index
      %get3A_566 = tpu.vector_load %arg22[%get3A_564, %get3A_565] {strides = array<i32>} : memref<16x16xf32, #tpu.memory_space<vmem>>, vector<1x16xf32>,
      %get3A_567 = vector.shape_cast %get3A_566 : vector<1x16xf32> to vector<16xf32>
      %get3A_568 = arith.constant 10 : i32
      %get3A_569 = arith.index_cast %get3A_568 : i32 to index
      %get3A_570 = arith.index_cast %mul3A_195 : i32 to index
      %get3A_571 = tpu.vector_load %arg10[%get3A_569, %get3A_570] {strides = array<i32>} : memref<16x1024xf32, #tpu.memory_space<vmem>>, vector<1x16xf32>,
      %get3A_572 = vector.shape_cast %get3A_571 : vector<1x16xf32> to vector<16xf32>
      %mul3A_573 = arith.mulf %get3A_567, %get3A_572 : vector<16xf32>
      %add3A_574 = arith.addf %add3A_562, %mul3A_573 : vector<16xf32>
      %swap3A_575 = arith.constant 10 : i32
      %swap3A_576 = arith.index_cast %swap3A_575 : i32 to index
      %swap3A_577 = arith.index_cast %mul3A_195 : i32 to index
      %swap3A_578 = tpu.vector_load %arg12[%swap3A_576, %swap3A_577] {strides = array<i32>} : memref<16x1024xf32, #tpu.memory_space<vmem>>, vector<1x16xf32>,
      %swap3A_579 = vector.shape_cast %swap3A_578 : vector<1x16xf32> to vector<16xf32>
      %swap3A_580 = vector.shape_cast %add3A_574 : vector<16xf32> to vector<1x16xf32>
      tpu.vector_store %arg12[%swap3A_576, %swap3A_577], %swap3A_580 {strides = array<i32>} : memref<16x1024xf32, #tpu.memory_space<vmem>>, vector<1x16xf32>,
      %get3A_581 = arith.constant 11 : i32
      %get3A_582 = arith.index_cast %get3A_581 : i32 to index
      %get3A_583 = arith.index_cast %mul3A_195 : i32 to index
      %get3A_584 = tpu.vector_load %arg12[%get3A_582, %get3A_583] {strides = array<i32>} : memref<16x1024xf32, #tpu.memory_space<vmem>>, vector<1x16xf32>,
      %get3A_585 = vector.shape_cast %get3A_584 : vector<1x16xf32> to vector<16xf32>
      %get3A_586 = arith.constant 11 : i32
      %get3A_587 = arith.index_cast %get3A_586 : i32 to index
      %get3A_588 = arith.constant 0 : index
      %get3A_589 = tpu.vector_load %arg20[%get3A_587, %get3A_588] {strides = array<i32>} : memref<16x16xf32, #tpu.memory_space<vmem>>, vector<1x16xf32>,
      %get3A_590 = vector.shape_cast %get3A_589 : vector<1x16xf32> to vector<16xf32>
      %get3A_591 = arith.constant 11 : i32
      %get3A_592 = arith.index_cast %get3A_591 : i32 to index
      %get3A_593 = arith.index_cast %mul3A_195 : i32 to index
      %get3A_594 = tpu.vector_load %arg8[%get3A_592, %get3A_593] {strides = array<i32>} : memref<16x1024xf32, #tpu.memory_space<vmem>>, vector<1x16xf32>,
      %get3A_595 = vector.shape_cast %get3A_594 : vector<1x16xf32> to vector<16xf32>
      %mul3A_596 = arith.mulf %get3A_590, %get3A_595 : vector<16xf32>
      %add3A_597 = arith.addf %get3A_585, %mul3A_596 : vector<16xf32>
      %get3A_598 = arith.constant 11 : i32
      %get3A_599 = arith.index_cast %get3A_598 : i32 to index
      %get3A_600 = arith.constant 0 : index
      %get3A_601 = tpu.vector_load %arg22[%get3A_599, %get3A_600] {strides = array<i32>} : memref<16x16xf32, #tpu.memory_space<vmem>>, vector<1x16xf32>,
      %get3A_602 = vector.shape_cast %get3A_601 : vector<1x16xf32> to vector<16xf32>
      %get3A_603 = arith.constant 11 : i32
      %get3A_604 = arith.index_cast %get3A_603 : i32 to index
      %get3A_605 = arith.index_cast %mul3A_195 : i32 to index
      %get3A_606 = tpu.vector_load %arg10[%get3A_604, %get3A_605] {strides = array<i32>} : memref<16x1024xf32, #tpu.memory_space<vmem>>, vector<1x16xf32>,
      %get3A_607 = vector.shape_cast %get3A_606 : vector<1x16xf32> to vector<16xf32>
      %mul3A_608 = arith.mulf %get3A_602, %get3A_607 : vector<16xf32>
      %add3A_609 = arith.addf %add3A_597, %mul3A_608 : vector<16xf32>
      %swap3A_610 = arith.constant 11 : i32
      %swap3A_611 = arith.index_cast %swap3A_610 : i32 to index
      %swap3A_612 = arith.index_cast %mul3A_195 : i32 to index
      %swap3A_613 = tpu.vector_load %arg12[%swap3A_611, %swap3A_612] {strides = array<i32>} : memref<16x1024xf32, #tpu.memory_space<vmem>>, vector<1x16xf32>,
      %swap3A_614 = vector.shape_cast %swap3A_613 : vector<1x16xf32> to vector<16xf32>
      %swap3A_615 = vector.shape_cast %add3A_609 : vector<16xf32> to vector<1x16xf32>
      tpu.vector_store %arg12[%swap3A_611, %swap3A_612], %swap3A_615 {strides = array<i32>} : memref<16x1024xf32, #tpu.memory_space<vmem>>, vector<1x16xf32>,
      %get3A_616 = arith.constant 12 : i32
      %get3A_617 = arith.index_cast %get3A_616 : i32 to index
      %get3A_618 = arith.index_cast %mul3A_195 : i32 to index
      %get3A_619 = tpu.vector_load %arg12[%get3A_617, %get3A_618] {strides = array<i32>} : memref<16x1024xf32, #tpu.memory_space<vmem>>, vector<1x16xf32>,
      %get3A_620 = vector.shape_cast %get3A_619 : vector<1x16xf32> to vector<16xf32>
      %get3A_621 = arith.constant 12 : i32
      %get3A_622 = arith.index_cast %get3A_621 : i32 to index
      %get3A_623 = arith.constant 0 : index
      %get3A_624 = tpu.vector_load %arg20[%get3A_622, %get3A_623] {strides = array<i32>} : memref<16x16xf32, #tpu.memory_space<vmem>>, vector<1x16xf32>,
      %get3A_625 = vector.shape_cast %get3A_624 : vector<1x16xf32> to vector<16xf32>
      %get3A_626 = arith.constant 12 : i32
      %get3A_627 = arith.index_cast %get3A_626 : i32 to index
      %get3A_628 = arith.index_cast %mul3A_195 : i32 to index
      %get3A_629 = tpu.vector_load %arg8[%get3A_627, %get3A_628] {strides = array<i32>} : memref<16x1024xf32, #tpu.memory_space<vmem>>, vector<1x16xf32>,
      %get3A_630 = vector.shape_cast %get3A_629 : vector<1x16xf32> to vector<16xf32>
      %mul3A_631 = arith.mulf %get3A_625, %get3A_630 : vector<16xf32>
      %add3A_632 = arith.addf %get3A_620, %mul3A_631 : vector<16xf32>
      %get3A_633 = arith.constant 12 : i32
      %get3A_634 = arith.index_cast %get3A_633 : i32 to index
      %get3A_635 = arith.constant 0 : index
      %get3A_636 = tpu.vector_load %arg22[%get3A_634, %get3A_635] {strides = array<i32>} : memref<16x16xf32, #tpu.memory_space<vmem>>, vector<1x16xf32>,
      %get3A_637 = vector.shape_cast %get3A_636 : vector<1x16xf32> to vector<16xf32>
      %get3A_638 = arith.constant 12 : i32
      %get3A_639 = arith.index_cast %get3A_638 : i32 to index
      %get3A_640 = arith.index_cast %mul3A_195 : i32 to index
      %get3A_641 = tpu.vector_load %arg10[%get3A_639, %get3A_640] {strides = array<i32>} : memref<16x1024xf32, #tpu.memory_space<vmem>>, vector<1x16xf32>,
      %get3A_642 = vector.shape_cast %get3A_641 : vector<1x16xf32> to vector<16xf32>
      %mul3A_643 = arith.mulf %get3A_637, %get3A_642 : vector<16xf32>
      %add3A_644 = arith.addf %add3A_632, %mul3A_643 : vector<16xf32>
      %swap3A_645 = arith.constant 12 : i32
      %swap3A_646 = arith.index_cast %swap3A_645 : i32 to index
      %swap3A_647 = arith.index_cast %mul3A_195 : i32 to index
      %swap3A_648 = tpu.vector_load %arg12[%swap3A_646, %swap3A_647] {strides = array<i32>} : memref<16x1024xf32, #tpu.memory_space<vmem>>, vector<1x16xf32>,
      %swap3A_649 = vector.shape_cast %swap3A_648 : vector<1x16xf32> to vector<16xf32>
      %swap3A_650 = vector.shape_cast %add3A_644 : vector<16xf32> to vector<1x16xf32>
      tpu.vector_store %arg12[%swap3A_646, %swap3A_647], %swap3A_650 {strides = array<i32>} : memref<16x1024xf32, #tpu.memory_space<vmem>>, vector<1x16xf32>,
      %get3A_651 = arith.constant 13 : i32
      %get3A_652 = arith.index_cast %get3A_651 : i32 to index
      %get3A_653 = arith.index_cast %mul3A_195 : i32 to index
      %get3A_654 = tpu.vector_load %arg12[%get3A_652, %get3A_653] {strides = array<i32>} : memref<16x1024xf32, #tpu.memory_space<vmem>>, vector<1x16xf32>,
      %get3A_655 = vector.shape_cast %get3A_654 : vector<1x16xf32> to vector<16xf32>
      %get3A_656 = arith.constant 13 : i32
      %get3A_657 = arith.index_cast %get3A_656 : i32 to index
      %get3A_658 = arith.constant 0 : index
      %get3A_659 = tpu.vector_load %arg20[%get3A_657, %get3A_658] {strides = array<i32>} : memref<16x16xf32, #tpu.memory_space<vmem>>, vector<1x16xf32>,
      %get3A_660 = vector.shape_cast %get3A_659 : vector<1x16xf32> to vector<16xf32>
      %get3A_661 = arith.constant 13 : i32
      %get3A_662 = arith.index_cast %get3A_661 : i32 to index
      %get3A_663 = arith.index_cast %mul3A_195 : i32 to index
      %get3A_664 = tpu.vector_load %arg8[%get3A_662, %get3A_663] {strides = array<i32>} : memref<16x1024xf32, #tpu.memory_space<vmem>>, vector<1x16xf32>,
      %get3A_665 = vector.shape_cast %get3A_664 : vector<1x16xf32> to vector<16xf32>
      %mul3A_666 = arith.mulf %get3A_660, %get3A_665 : vector<16xf32>
      %add3A_667 = arith.addf %get3A_655, %mul3A_666 : vector<16xf32>
      %get3A_668 = arith.constant 13 : i32
      %get3A_669 = arith.index_cast %get3A_668 : i32 to index
      %get3A_670 = arith.constant 0 : index
      %get3A_671 = tpu.vector_load %arg22[%get3A_669, %get3A_670] {strides = array<i32>} : memref<16x16xf32, #tpu.memory_space<vmem>>, vector<1x16xf32>,
      %get3A_672 = vector.shape_cast %get3A_671 : vector<1x16xf32> to vector<16xf32>
      %get3A_673 = arith.constant 13 : i32
      %get3A_674 = arith.index_cast %get3A_673 : i32 to index
      %get3A_675 = arith.index_cast %mul3A_195 : i32 to index
      %get3A_676 = tpu.vector_load %arg10[%get3A_674, %get3A_675] {strides = array<i32>} : memref<16x1024xf32, #tpu.memory_space<vmem>>, vector<1x16xf32>,
      %get3A_677 = vector.shape_cast %get3A_676 : vector<1x16xf32> to vector<16xf32>
      %mul3A_678 = arith.mulf %get3A_672, %get3A_677 : vector<16xf32>
      %add3A_679 = arith.addf %add3A_667, %mul3A_678 : vector<16xf32>
      %swap3A_680 = arith.constant 13 : i32
      %swap3A_681 = arith.index_cast %swap3A_680 : i32 to index
      %swap3A_682 = arith.index_cast %mul3A_195 : i32 to index
      %swap3A_683 = tpu.vector_load %arg12[%swap3A_681, %swap3A_682] {strides = array<i32>} : memref<16x1024xf32, #tpu.memory_space<vmem>>, vector<1x16xf32>,
      %swap3A_684 = vector.shape_cast %swap3A_683 : vector<1x16xf32> to vector<16xf32>
      %swap3A_685 = vector.shape_cast %add3A_679 : vector<16xf32> to vector<1x16xf32>
      tpu.vector_store %arg12[%swap3A_681, %swap3A_682], %swap3A_685 {strides = array<i32>} : memref<16x1024xf32, #tpu.memory_space<vmem>>, vector<1x16xf32>,
      %get3A_686 = arith.constant 14 : i32
      %get3A_687 = arith.index_cast %get3A_686 : i32 to index
      %get3A_688 = arith.index_cast %mul3A_195 : i32 to index
      %get3A_689 = tpu.vector_load %arg12[%get3A_687, %get3A_688] {strides = array<i32>} : memref<16x1024xf32, #tpu.memory_space<vmem>>, vector<1x16xf32>,
      %get3A_690 = vector.shape_cast %get3A_689 : vector<1x16xf32> to vector<16xf32>
      %get3A_691 = arith.constant 14 : i32
      %get3A_692 = arith.index_cast %get3A_691 : i32 to index
      %get3A_693 = arith.constant 0 : index
      %get3A_694 = tpu.vector_load %arg20[%get3A_692, %get3A_693] {strides = array<i32>} : memref<16x16xf32, #tpu.memory_space<vmem>>, vector<1x16xf32>,
      %get3A_695 = vector.shape_cast %get3A_694 : vector<1x16xf32> to vector<16xf32>
      %get3A_696 = arith.constant 14 : i32
      %get3A_697 = arith.index_cast %get3A_696 : i32 to index
      %get3A_698 = arith.index_cast %mul3A_195 : i32 to index
      %get3A_699 = tpu.vector_load %arg8[%get3A_697, %get3A_698] {strides = array<i32>} : memref<16x1024xf32, #tpu.memory_space<vmem>>, vector<1x16xf32>,
      %get3A_700 = vector.shape_cast %get3A_699 : vector<1x16xf32> to vector<16xf32>
      %mul3A_701 = arith.mulf %get3A_695, %get3A_700 : vector<16xf32>
      %add3A_702 = arith.addf %get3A_690, %mul3A_701 : vector<16xf32>
      %get3A_703 = arith.constant 14 : i32
      %get3A_704 = arith.index_cast %get3A_703 : i32 to index
      %get3A_705 = arith.constant 0 : index
      %get3A_706 = tpu.vector_load %arg22[%get3A_704, %get3A_705] {strides = array<i32>} : memref<16x16xf32, #tpu.memory_space<vmem>>, vector<1x16xf32>,
      %get3A_707 = vector.shape_cast %get3A_706 : vector<1x16xf32> to vector<16xf32>
      %get3A_708 = arith.constant 14 : i32
      %get3A_709 = arith.index_cast %get3A_708 : i32 to index
      %get3A_710 = arith.index_cast %mul3A_195 : i32 to index
      %get3A_711 = tpu.vector_load %arg10[%get3A_709, %get3A_710] {strides = array<i32>} : memref<16x1024xf32, #tpu.memory_space<vmem>>, vector<1x16xf32>,
      %get3A_712 = vector.shape_cast %get3A_711 : vector<1x16xf32> to vector<16xf32>
      %mul3A_713 = arith.mulf %get3A_707, %get3A_712 : vector<16xf32>
      %add3A_714 = arith.addf %add3A_702, %mul3A_713 : vector<16xf32>
      %swap3A_715 = arith.constant 14 : i32
      %swap3A_716 = arith.index_cast %swap3A_715 : i32 to index
      %swap3A_717 = arith.index_cast %mul3A_195 : i32 to index
      %swap3A_718 = tpu.vector_load %arg12[%swap3A_716, %swap3A_717] {strides = array<i32>} : memref<16x1024xf32, #tpu.memory_space<vmem>>, vector<1x16xf32>,
      %swap3A_719 = vector.shape_cast %swap3A_718 : vector<1x16xf32> to vector<16xf32>
      %swap3A_720 = vector.shape_cast %add3A_714 : vector<16xf32> to vector<1x16xf32>
      tpu.vector_store %arg12[%swap3A_716, %swap3A_717], %swap3A_720 {strides = array<i32>} : memref<16x1024xf32, #tpu.memory_space<vmem>>, vector<1x16xf32>,
      %get3A_721 = arith.constant 15 : i32
      %get3A_722 = arith.index_cast %get3A_721 : i32 to index
      %get3A_723 = arith.index_cast %mul3A_195 : i32 to index
      %get3A_724 = tpu.vector_load %arg12[%get3A_722, %get3A_723] {strides = array<i32>} : memref<16x1024xf32, #tpu.memory_space<vmem>>, vector<1x16xf32>,
      %get3A_725 = vector.shape_cast %get3A_724 : vector<1x16xf32> to vector<16xf32>
      %get3A_726 = arith.constant 15 : i32
      %get3A_727 = arith.index_cast %get3A_726 : i32 to index
      %get3A_728 = arith.constant 0 : index
      %get3A_729 = tpu.vector_load %arg20[%get3A_727, %get3A_728] {strides = array<i32>} : memref<16x16xf32, #tpu.memory_space<vmem>>, vector<1x16xf32>,
      %get3A_730 = vector.shape_cast %get3A_729 : vector<1x16xf32> to vector<16xf32>
      %get3A_731 = arith.constant 15 : i32
      %get3A_732 = arith.index_cast %get3A_731 : i32 to index
      %get3A_733 = arith.index_cast %mul3A_195 : i32 to index
      %get3A_734 = tpu.vector_load %arg8[%get3A_732, %get3A_733] {strides = array<i32>} : memref<16x1024xf32, #tpu.memory_space<vmem>>, vector<1x16xf32>,
      %get3A_735 = vector.shape_cast %get3A_734 : vector<1x16xf32> to vector<16xf32>
      %mul3A_736 = arith.mulf %get3A_730, %get3A_735 : vector<16xf32>
      %add3A_737 = arith.addf %get3A_725, %mul3A_736 : vector<16xf32>
      %get3A_738 = arith.constant 15 : i32
      %get3A_739 = arith.index_cast %get3A_738 : i32 to index
      %get3A_740 = arith.constant 0 : index
      %get3A_741 = tpu.vector_load %arg22[%get3A_739, %get3A_740] {strides = array<i32>} : memref<16x16xf32, #tpu.memory_space<vmem>>, vector<1x16xf32>,
      %get3A_742 = vector.shape_cast %get3A_741 : vector<1x16xf32> to vector<16xf32>
      %get3A_743 = arith.constant 15 : i32
      %get3A_744 = arith.index_cast %get3A_743 : i32 to index
      %get3A_745 = arith.index_cast %mul3A_195 : i32 to index
      %get3A_746 = tpu.vector_load %arg10[%get3A_744, %get3A_745] {strides = array<i32>} : memref<16x1024xf32, #tpu.memory_space<vmem>>, vector<1x16xf32>,
      %get3A_747 = vector.shape_cast %get3A_746 : vector<1x16xf32> to vector<16xf32>
      %mul3A_748 = arith.mulf %get3A_742, %get3A_747 : vector<16xf32>
      %add3A_749 = arith.addf %add3A_737, %mul3A_748 : vector<16xf32>
      %swap3A_750 = arith.constant 15 : i32
      %swap3A_751 = arith.index_cast %swap3A_750 : i32 to index
      %swap3A_752 = arith.index_cast %mul3A_195 : i32 to index
      %swap3A_753 = tpu.vector_load %arg12[%swap3A_751, %swap3A_752] {strides = array<i32>} : memref<16x1024xf32, #tpu.memory_space<vmem>>, vector<1x16xf32>,
      %swap3A_754 = vector.shape_cast %swap3A_753 : vector<1x16xf32> to vector<16xf32>
      %swap3A_755 = vector.shape_cast %add3A_749 : vector<16xf32> to vector<1x16xf32>
      tpu.vector_store %arg12[%swap3A_751, %swap3A_752], %swap3A_755 {strides = array<i32>} : memref<16x1024xf32, #tpu.memory_space<vmem>>, vector<1x16xf32>,
      %scan3A_756 = arith.constant 0 : i32
      scf.yield %scan3A_756 : i32
    }
    %scan3A_170 = arith.constant 64 : i32
    %add3A_171 = arith.constant 32 : i32
    %add3A_172 = arith.addi %mul3A_2, %add3A_171 : i32
    "tpu.region"() ({
      %run_scoped3A_192 = tpu.sem_alloc : memref<!tpu.dma_semaphore, #tpu.memory_space<semaphore_mem>>
      %dma_start3A_193 = arith.constant 0 : i32
      %dma_start3A_194 = tpu.memref_slice %arg7[%add3A_172, %dma_start3A_193] : memref<2048x1024xf32, #tpu.memory_space<hbm>> -> memref<16x1024xf32, #tpu.memory_space<hbm>>
      %dma_start3A_195 = arith.constant 0 : i32
      %dma_start3A_196 = tpu.memref_slice %arg7[%add3A_172, %dma_start3A_195] : memref<2048x1024xf32, #tpu.memory_space<hbm>> -> memref<16x1024xf32, #tpu.memory_space<hbm>>
      tpu.enqueue_dma source(%arg12 : memref<16x1024xf32, #tpu.memory_space<vmem>>) target(%dma_start3A_196 : memref<16x1024xf32, #tpu.memory_space<hbm>>) target_semaphore(%run_scoped3A_192 : memref<!tpu.dma_semaphore, #tpu.memory_space<semaphore_mem>>)
      %dma_wait3A_197 = arith.constant 0 : i32
      %dma_wait3A_198 = tpu.memref_slice %arg7[%add3A_172, %dma_wait3A_197] : memref<2048x1024xf32, #tpu.memory_space<hbm>> -> memref<16x1024xf32, #tpu.memory_space<hbm>>
      %dma_wait3A_199 = arith.constant 0 : i32
      %dma_wait3A_200 = tpu.memref_slice %arg7[%add3A_172, %dma_wait3A_199] : memref<2048x1024xf32, #tpu.memory_space<hbm>> -> memref<16x1024xf32, #tpu.memory_space<hbm>>
      tpu.wait_dma2 semaphore(%run_scoped3A_192 : memref<!tpu.dma_semaphore, #tpu.memory_space<semaphore_mem>>) src(%arg12 : memref<16x1024xf32, #tpu.memory_space<vmem>>) dst(%dma_wait3A_200 : memref<16x1024xf32, #tpu.memory_space<hbm>>)
      tpu.yield
    }) : () -> ()
    %dma_wait3A_173 = arith.constant 0 : i32
    %dma_wait3A_174 = arith.constant 0 : i32
    %dma_wait3A_175 = tpu.memref_slice %arg2[%dma_wait3A_173, %dma_wait3A_174] : memref<8960x1024xf32, #tpu.memory_space<hbm>> -> memref<8960x1024xf32, #tpu.memory_space<hbm>>
    tpu.wait_indirect_dma semaphore(%arg27 : memref<!tpu.dma_semaphore, #tpu.memory_space<semaphore_mem>>) src(%dma_wait3A_175 : memref<8960x1024xf32, #tpu.memory_space<hbm>>) dst(%arg9 : memref<16x1024xf32, #tpu.memory_space<vmem>>)
    %dma_wait3A_176 = arith.constant 0 : i32
    %dma_wait3A_177 = arith.constant 0 : i32
    %dma_wait3A_178 = tpu.memref_slice %arg2[%dma_wait3A_176, %dma_wait3A_177] : memref<8960x1024xf32, #tpu.memory_space<hbm>> -> memref<8960x1024xf32, #tpu.memory_space<hbm>>
    tpu.wait_indirect_dma semaphore(%arg28 : memref<!tpu.dma_semaphore, #tpu.memory_space<semaphore_mem>>) src(%dma_wait3A_178 : memref<8960x1024xf32, #tpu.memory_space<hbm>>) dst(%arg11 : memref<16x1024xf32, #tpu.memory_space<vmem>>)
    %dma_wait3A_179 = arith.constant 0 : i32
    %dma_wait3A_180 = tpu.memref_slice %arg3[%add3A_125, %dma_wait3A_179] : memref<2048x1024xf32, #tpu.memory_space<hbm>> -> memref<16x1024xf32, #tpu.memory_space<hbm>>
    %dma_wait3A_181 = arith.constant 0 : i32
    %dma_wait3A_182 = tpu.memref_slice %arg3[%add3A_125, %dma_wait3A_181] : memref<2048x1024xf32, #tpu.memory_space<hbm>> -> memref<16x1024xf32, #tpu.memory_space<hbm>>
    tpu.wait_dma2 semaphore(%arg29 : memref<!tpu.dma_semaphore, #tpu.memory_space<semaphore_mem>>) src(%dma_wait3A_182 : memref<16x1024xf32, #tpu.memory_space<hbm>>) dst(%arg13 : memref<16x1024xf32, #tpu.memory_space<vmem>>)
    %scan3A_183 = arith.constant 0 : i32
    %scan3A_184 = arith.constant 0 : i32
    %scan3A_185 = arith.constant 64 : i32
    %scan3A_186 = arith.addi %scan3A_184, %scan3A_185 : i32
    %scan3A_187 = arith.constant 1 : i32
    %scan3A_188 = scf.for %scan3A_192 = %scan3A_184 to %scan3A_186 step %scan3A_187 iter_args(%scan3A_193 = %scan3A_183) -> (i32)  : i32 {
      %mul3A_194 = arith.constant 16 : i32
      %mul3A_195 = arith.muli %scan3A_192, %mul3A_194 : i32
      %get3A_196 = arith.constant 0 : i32
      %get3A_197 = arith.index_cast %get3A_196 : i32 to index
      %get3A_198 = arith.index_cast %mul3A_195 : i32 to index
      %get3A_199 = tpu.vector_load %arg13[%get3A_197, %get3A_198] {strides = array<i32>} : memref<16x1024xf32, #tpu.memory_space<vmem>>, vector<1x16xf32>,
      %get3A_200 = vector.shape_cast %get3A_199 : vector<1x16xf32> to vector<16xf32>
      %get3A_201 = arith.constant 0 : i32
      %get3A_202 = arith.index_cast %get3A_201 : i32 to index
      %get3A_203 = arith.constant 0 : index
      %get3A_204 = tpu.vector_load %arg21[%get3A_202, %get3A_203] {strides = array<i32>} : memref<16x16xf32, #tpu.memory_space<vmem>>, vector<1x16xf32>,
      %get3A_205 = vector.shape_cast %get3A_204 : vector<1x16xf32> to vector<16xf32>
      %get3A_206 = arith.constant 0 : i32
      %get3A_207 = arith.index_cast %get3A_206 : i32 to index
      %get3A_208 = arith.index_cast %mul3A_195 : i32 to index
      %get3A_209 = tpu.vector_load %arg9[%get3A_207, %get3A_208] {strides = array<i32>} : memref<16x1024xf32, #tpu.memory_space<vmem>>, vector<1x16xf32>,
      %get3A_210 = vector.shape_cast %get3A_209 : vector<1x16xf32> to vector<16xf32>
      %mul3A_211 = arith.mulf %get3A_205, %get3A_210 : vector<16xf32>
      %add3A_212 = arith.addf %get3A_200, %mul3A_211 : vector<16xf32>
      %get3A_213 = arith.constant 0 : i32
      %get3A_214 = arith.index_cast %get3A_213 : i32 to index
      %get3A_215 = arith.constant 0 : index
      %get3A_216 = tpu.vector_load %arg23[%get3A_214, %get3A_215] {strides = array<i32>} : memref<16x16xf32, #tpu.memory_space<vmem>>, vector<1x16xf32>,
      %get3A_217 = vector.shape_cast %get3A_216 : vector<1x16xf32> to vector<16xf32>
      %get3A_218 = arith.constant 0 : i32
      %get3A_219 = arith.index_cast %get3A_218 : i32 to index
      %get3A_220 = arith.index_cast %mul3A_195 : i32 to index
      %get3A_221 = tpu.vector_load %arg11[%get3A_219, %get3A_220] {strides = array<i32>} : memref<16x1024xf32, #tpu.memory_space<vmem>>, vector<1x16xf32>,
      %get3A_222 = vector.shape_cast %get3A_221 : vector<1x16xf32> to vector<16xf32>
      %mul3A_223 = arith.mulf %get3A_217, %get3A_222 : vector<16xf32>
      %add3A_224 = arith.addf %add3A_212, %mul3A_223 : vector<16xf32>
      %swap3A_225 = arith.constant 0 : i32
      %swap3A_226 = arith.index_cast %swap3A_225 : i32 to index
      %swap3A_227 = arith.index_cast %mul3A_195 : i32 to index
      %swap3A_228 = tpu.vector_load %arg13[%swap3A_226, %swap3A_227] {strides = array<i32>} : memref<16x1024xf32, #tpu.memory_space<vmem>>, vector<1x16xf32>,
      %swap3A_229 = vector.shape_cast %swap3A_228 : vector<1x16xf32> to vector<16xf32>
      %swap3A_230 = vector.shape_cast %add3A_224 : vector<16xf32> to vector<1x16xf32>
      tpu.vector_store %arg13[%swap3A_226, %swap3A_227], %swap3A_230 {strides = array<i32>} : memref<16x1024xf32, #tpu.memory_space<vmem>>, vector<1x16xf32>,
      %get3A_231 = arith.constant 1 : i32
      %get3A_232 = arith.index_cast %get3A_231 : i32 to index
      %get3A_233 = arith.index_cast %mul3A_195 : i32 to index
      %get3A_234 = tpu.vector_load %arg13[%get3A_232, %get3A_233] {strides = array<i32>} : memref<16x1024xf32, #tpu.memory_space<vmem>>, vector<1x16xf32>,
      %get3A_235 = vector.shape_cast %get3A_234 : vector<1x16xf32> to vector<16xf32>
      %get3A_236 = arith.constant 1 : i32
      %get3A_237 = arith.index_cast %get3A_236 : i32 to index
      %get3A_238 = arith.constant 0 : index
      %get3A_239 = tpu.vector_load %arg21[%get3A_237, %get3A_238] {strides = array<i32>} : memref<16x16xf32, #tpu.memory_space<vmem>>, vector<1x16xf32>,
      %get3A_240 = vector.shape_cast %get3A_239 : vector<1x16xf32> to vector<16xf32>
      %get3A_241 = arith.constant 1 : i32
      %get3A_242 = arith.index_cast %get3A_241 : i32 to index
      %get3A_243 = arith.index_cast %mul3A_195 : i32 to index
      %get3A_244 = tpu.vector_load %arg9[%get3A_242, %get3A_243] {strides = array<i32>} : memref<16x1024xf32, #tpu.memory_space<vmem>>, vector<1x16xf32>,
      %get3A_245 = vector.shape_cast %get3A_244 : vector<1x16xf32> to vector<16xf32>
      %mul3A_246 = arith.mulf %get3A_240, %get3A_245 : vector<16xf32>
      %add3A_247 = arith.addf %get3A_235, %mul3A_246 : vector<16xf32>
      %get3A_248 = arith.constant 1 : i32
      %get3A_249 = arith.index_cast %get3A_248 : i32 to index
      %get3A_250 = arith.constant 0 : index
      %get3A_251 = tpu.vector_load %arg23[%get3A_249, %get3A_250] {strides = array<i32>} : memref<16x16xf32, #tpu.memory_space<vmem>>, vector<1x16xf32>,
      %get3A_252 = vector.shape_cast %get3A_251 : vector<1x16xf32> to vector<16xf32>
      %get3A_253 = arith.constant 1 : i32
      %get3A_254 = arith.index_cast %get3A_253 : i32 to index
      %get3A_255 = arith.index_cast %mul3A_195 : i32 to index
      %get3A_256 = tpu.vector_load %arg11[%get3A_254, %get3A_255] {strides = array<i32>} : memref<16x1024xf32, #tpu.memory_space<vmem>>, vector<1x16xf32>,
      %get3A_257 = vector.shape_cast %get3A_256 : vector<1x16xf32> to vector<16xf32>
      %mul3A_258 = arith.mulf %get3A_252, %get3A_257 : vector<16xf32>
      %add3A_259 = arith.addf %add3A_247, %mul3A_258 : vector<16xf32>
      %swap3A_260 = arith.constant 1 : i32
      %swap3A_261 = arith.index_cast %swap3A_260 : i32 to index
      %swap3A_262 = arith.index_cast %mul3A_195 : i32 to index
      %swap3A_263 = tpu.vector_load %arg13[%swap3A_261, %swap3A_262] {strides = array<i32>} : memref<16x1024xf32, #tpu.memory_space<vmem>>, vector<1x16xf32>,
      %swap3A_264 = vector.shape_cast %swap3A_263 : vector<1x16xf32> to vector<16xf32>
      %swap3A_265 = vector.shape_cast %add3A_259 : vector<16xf32> to vector<1x16xf32>
      tpu.vector_store %arg13[%swap3A_261, %swap3A_262], %swap3A_265 {strides = array<i32>} : memref<16x1024xf32, #tpu.memory_space<vmem>>, vector<1x16xf32>,
      %get3A_266 = arith.constant 2 : i32
      %get3A_267 = arith.index_cast %get3A_266 : i32 to index
      %get3A_268 = arith.index_cast %mul3A_195 : i32 to index
      %get3A_269 = tpu.vector_load %arg13[%get3A_267, %get3A_268] {strides = array<i32>} : memref<16x1024xf32, #tpu.memory_space<vmem>>, vector<1x16xf32>,
      %get3A_270 = vector.shape_cast %get3A_269 : vector<1x16xf32> to vector<16xf32>
      %get3A_271 = arith.constant 2 : i32
      %get3A_272 = arith.index_cast %get3A_271 : i32 to index
      %get3A_273 = arith.constant 0 : index
      %get3A_274 = tpu.vector_load %arg21[%get3A_272, %get3A_273] {strides = array<i32>} : memref<16x16xf32, #tpu.memory_space<vmem>>, vector<1x16xf32>,
      %get3A_275 = vector.shape_cast %get3A_274 : vector<1x16xf32> to vector<16xf32>
      %get3A_276 = arith.constant 2 : i32
      %get3A_277 = arith.index_cast %get3A_276 : i32 to index
      %get3A_278 = arith.index_cast %mul3A_195 : i32 to index
      %get3A_279 = tpu.vector_load %arg9[%get3A_277, %get3A_278] {strides = array<i32>} : memref<16x1024xf32, #tpu.memory_space<vmem>>, vector<1x16xf32>,
      %get3A_280 = vector.shape_cast %get3A_279 : vector<1x16xf32> to vector<16xf32>
      %mul3A_281 = arith.mulf %get3A_275, %get3A_280 : vector<16xf32>
      %add3A_282 = arith.addf %get3A_270, %mul3A_281 : vector<16xf32>
      %get3A_283 = arith.constant 2 : i32
      %get3A_284 = arith.index_cast %get3A_283 : i32 to index
      %get3A_285 = arith.constant 0 : index
      %get3A_286 = tpu.vector_load %arg23[%get3A_284, %get3A_285] {strides = array<i32>} : memref<16x16xf32, #tpu.memory_space<vmem>>, vector<1x16xf32>,
      %get3A_287 = vector.shape_cast %get3A_286 : vector<1x16xf32> to vector<16xf32>
      %get3A_288 = arith.constant 2 : i32
      %get3A_289 = arith.index_cast %get3A_288 : i32 to index
      %get3A_290 = arith.index_cast %mul3A_195 : i32 to index
      %get3A_291 = tpu.vector_load %arg11[%get3A_289, %get3A_290] {strides = array<i32>} : memref<16x1024xf32, #tpu.memory_space<vmem>>, vector<1x16xf32>,
      %get3A_292 = vector.shape_cast %get3A_291 : vector<1x16xf32> to vector<16xf32>
      %mul3A_293 = arith.mulf %get3A_287, %get3A_292 : vector<16xf32>
      %add3A_294 = arith.addf %add3A_282, %mul3A_293 : vector<16xf32>
      %swap3A_295 = arith.constant 2 : i32
      %swap3A_296 = arith.index_cast %swap3A_295 : i32 to index
      %swap3A_297 = arith.index_cast %mul3A_195 : i32 to index
      %swap3A_298 = tpu.vector_load %arg13[%swap3A_296, %swap3A_297] {strides = array<i32>} : memref<16x1024xf32, #tpu.memory_space<vmem>>, vector<1x16xf32>,
      %swap3A_299 = vector.shape_cast %swap3A_298 : vector<1x16xf32> to vector<16xf32>
      %swap3A_300 = vector.shape_cast %add3A_294 : vector<16xf32> to vector<1x16xf32>
      tpu.vector_store %arg13[%swap3A_296, %swap3A_297], %swap3A_300 {strides = array<i32>} : memref<16x1024xf32, #tpu.memory_space<vmem>>, vector<1x16xf32>,
      %get3A_301 = arith.constant 3 : i32
      %get3A_302 = arith.index_cast %get3A_301 : i32 to index
      %get3A_303 = arith.index_cast %mul3A_195 : i32 to index
      %get3A_304 = tpu.vector_load %arg13[%get3A_302, %get3A_303] {strides = array<i32>} : memref<16x1024xf32, #tpu.memory_space<vmem>>, vector<1x16xf32>,
      %get3A_305 = vector.shape_cast %get3A_304 : vector<1x16xf32> to vector<16xf32>
      %get3A_306 = arith.constant 3 : i32
      %get3A_307 = arith.index_cast %get3A_306 : i32 to index
      %get3A_308 = arith.constant 0 : index
      %get3A_309 = tpu.vector_load %arg21[%get3A_307, %get3A_308] {strides = array<i32>} : memref<16x16xf32, #tpu.memory_space<vmem>>, vector<1x16xf32>,
      %get3A_310 = vector.shape_cast %get3A_309 : vector<1x16xf32> to vector<16xf32>
      %get3A_311 = arith.constant 3 : i32
      %get3A_312 = arith.index_cast %get3A_311 : i32 to index
      %get3A_313 = arith.index_cast %mul3A_195 : i32 to index
      %get3A_314 = tpu.vector_load %arg9[%get3A_312, %get3A_313] {strides = array<i32>} : memref<16x1024xf32, #tpu.memory_space<vmem>>, vector<1x16xf32>,
      %get3A_315 = vector.shape_cast %get3A_314 : vector<1x16xf32> to vector<16xf32>
      %mul3A_316 = arith.mulf %get3A_310, %get3A_315 : vector<16xf32>
      %add3A_317 = arith.addf %get3A_305, %mul3A_316 : vector<16xf32>
      %get3A_318 = arith.constant 3 : i32
      %get3A_319 = arith.index_cast %get3A_318 : i32 to index
      %get3A_320 = arith.constant 0 : index
      %get3A_321 = tpu.vector_load %arg23[%get3A_319, %get3A_320] {strides = array<i32>} : memref<16x16xf32, #tpu.memory_space<vmem>>, vector<1x16xf32>,
      %get3A_322 = vector.shape_cast %get3A_321 : vector<1x16xf32> to vector<16xf32>
      %get3A_323 = arith.constant 3 : i32
      %get3A_324 = arith.index_cast %get3A_323 : i32 to index
      %get3A_325 = arith.index_cast %mul3A_195 : i32 to index
      %get3A_326 = tpu.vector_load %arg11[%get3A_324, %get3A_325] {strides = array<i32>} : memref<16x1024xf32, #tpu.memory_space<vmem>>, vector<1x16xf32>,
      %get3A_327 = vector.shape_cast %get3A_326 : vector<1x16xf32> to vector<16xf32>
      %mul3A_328 = arith.mulf %get3A_322, %get3A_327 : vector<16xf32>
      %add3A_329 = arith.addf %add3A_317, %mul3A_328 : vector<16xf32>
      %swap3A_330 = arith.constant 3 : i32
      %swap3A_331 = arith.index_cast %swap3A_330 : i32 to index
      %swap3A_332 = arith.index_cast %mul3A_195 : i32 to index
      %swap3A_333 = tpu.vector_load %arg13[%swap3A_331, %swap3A_332] {strides = array<i32>} : memref<16x1024xf32, #tpu.memory_space<vmem>>, vector<1x16xf32>,
      %swap3A_334 = vector.shape_cast %swap3A_333 : vector<1x16xf32> to vector<16xf32>
      %swap3A_335 = vector.shape_cast %add3A_329 : vector<16xf32> to vector<1x16xf32>
      tpu.vector_store %arg13[%swap3A_331, %swap3A_332], %swap3A_335 {strides = array<i32>} : memref<16x1024xf32, #tpu.memory_space<vmem>>, vector<1x16xf32>,
      %get3A_336 = arith.constant 4 : i32
      %get3A_337 = arith.index_cast %get3A_336 : i32 to index
      %get3A_338 = arith.index_cast %mul3A_195 : i32 to index
      %get3A_339 = tpu.vector_load %arg13[%get3A_337, %get3A_338] {strides = array<i32>} : memref<16x1024xf32, #tpu.memory_space<vmem>>, vector<1x16xf32>,
      %get3A_340 = vector.shape_cast %get3A_339 : vector<1x16xf32> to vector<16xf32>
      %get3A_341 = arith.constant 4 : i32
      %get3A_342 = arith.index_cast %get3A_341 : i32 to index
      %get3A_343 = arith.constant 0 : index
      %get3A_344 = tpu.vector_load %arg21[%get3A_342, %get3A_343] {strides = array<i32>} : memref<16x16xf32, #tpu.memory_space<vmem>>, vector<1x16xf32>,
      %get3A_345 = vector.shape_cast %get3A_344 : vector<1x16xf32> to vector<16xf32>
      %get3A_346 = arith.constant 4 : i32
      %get3A_347 = arith.index_cast %get3A_346 : i32 to index
      %get3A_348 = arith.index_cast %mul3A_195 : i32 to index
      %get3A_349 = tpu.vector_load %arg9[%get3A_347, %get3A_348] {strides = array<i32>} : memref<16x1024xf32, #tpu.memory_space<vmem>>, vector<1x16xf32>,
      %get3A_350 = vector.shape_cast %get3A_349 : vector<1x16xf32> to vector<16xf32>
      %mul3A_351 = arith.mulf %get3A_345, %get3A_350 : vector<16xf32>
      %add3A_352 = arith.addf %get3A_340, %mul3A_351 : vector<16xf32>
      %get3A_353 = arith.constant 4 : i32
      %get3A_354 = arith.index_cast %get3A_353 : i32 to index
      %get3A_355 = arith.constant 0 : index
      %get3A_356 = tpu.vector_load %arg23[%get3A_354, %get3A_355] {strides = array<i32>} : memref<16x16xf32, #tpu.memory_space<vmem>>, vector<1x16xf32>,
      %get3A_357 = vector.shape_cast %get3A_356 : vector<1x16xf32> to vector<16xf32>
      %get3A_358 = arith.constant 4 : i32
      %get3A_359 = arith.index_cast %get3A_358 : i32 to index
      %get3A_360 = arith.index_cast %mul3A_195 : i32 to index
      %get3A_361 = tpu.vector_load %arg11[%get3A_359, %get3A_360] {strides = array<i32>} : memref<16x1024xf32, #tpu.memory_space<vmem>>, vector<1x16xf32>,
      %get3A_362 = vector.shape_cast %get3A_361 : vector<1x16xf32> to vector<16xf32>
      %mul3A_363 = arith.mulf %get3A_357, %get3A_362 : vector<16xf32>
      %add3A_364 = arith.addf %add3A_352, %mul3A_363 : vector<16xf32>
      %swap3A_365 = arith.constant 4 : i32
      %swap3A_366 = arith.index_cast %swap3A_365 : i32 to index
      %swap3A_367 = arith.index_cast %mul3A_195 : i32 to index
      %swap3A_368 = tpu.vector_load %arg13[%swap3A_366, %swap3A_367] {strides = array<i32>} : memref<16x1024xf32, #tpu.memory_space<vmem>>, vector<1x16xf32>,
      %swap3A_369 = vector.shape_cast %swap3A_368 : vector<1x16xf32> to vector<16xf32>
      %swap3A_370 = vector.shape_cast %add3A_364 : vector<16xf32> to vector<1x16xf32>
      tpu.vector_store %arg13[%swap3A_366, %swap3A_367], %swap3A_370 {strides = array<i32>} : memref<16x1024xf32, #tpu.memory_space<vmem>>, vector<1x16xf32>,
      %get3A_371 = arith.constant 5 : i32
      %get3A_372 = arith.index_cast %get3A_371 : i32 to index
      %get3A_373 = arith.index_cast %mul3A_195 : i32 to index
      %get3A_374 = tpu.vector_load %arg13[%get3A_372, %get3A_373] {strides = array<i32>} : memref<16x1024xf32, #tpu.memory_space<vmem>>, vector<1x16xf32>,
      %get3A_375 = vector.shape_cast %get3A_374 : vector<1x16xf32> to vector<16xf32>
      %get3A_376 = arith.constant 5 : i32
      %get3A_377 = arith.index_cast %get3A_376 : i32 to index
      %get3A_378 = arith.constant 0 : index
      %get3A_379 = tpu.vector_load %arg21[%get3A_377, %get3A_378] {strides = array<i32>} : memref<16x16xf32, #tpu.memory_space<vmem>>, vector<1x16xf32>,
      %get3A_380 = vector.shape_cast %get3A_379 : vector<1x16xf32> to vector<16xf32>
      %get3A_381 = arith.constant 5 : i32
      %get3A_382 = arith.index_cast %get3A_381 : i32 to index
      %get3A_383 = arith.index_cast %mul3A_195 : i32 to index
      %get3A_384 = tpu.vector_load %arg9[%get3A_382, %get3A_383] {strides = array<i32>} : memref<16x1024xf32, #tpu.memory_space<vmem>>, vector<1x16xf32>,
      %get3A_385 = vector.shape_cast %get3A_384 : vector<1x16xf32> to vector<16xf32>
      %mul3A_386 = arith.mulf %get3A_380, %get3A_385 : vector<16xf32>
      %add3A_387 = arith.addf %get3A_375, %mul3A_386 : vector<16xf32>
      %get3A_388 = arith.constant 5 : i32
      %get3A_389 = arith.index_cast %get3A_388 : i32 to index
      %get3A_390 = arith.constant 0 : index
      %get3A_391 = tpu.vector_load %arg23[%get3A_389, %get3A_390] {strides = array<i32>} : memref<16x16xf32, #tpu.memory_space<vmem>>, vector<1x16xf32>,
      %get3A_392 = vector.shape_cast %get3A_391 : vector<1x16xf32> to vector<16xf32>
      %get3A_393 = arith.constant 5 : i32
      %get3A_394 = arith.index_cast %get3A_393 : i32 to index
      %get3A_395 = arith.index_cast %mul3A_195 : i32 to index
      %get3A_396 = tpu.vector_load %arg11[%get3A_394, %get3A_395] {strides = array<i32>} : memref<16x1024xf32, #tpu.memory_space<vmem>>, vector<1x16xf32>,
      %get3A_397 = vector.shape_cast %get3A_396 : vector<1x16xf32> to vector<16xf32>
      %mul3A_398 = arith.mulf %get3A_392, %get3A_397 : vector<16xf32>
      %add3A_399 = arith.addf %add3A_387, %mul3A_398 : vector<16xf32>
      %swap3A_400 = arith.constant 5 : i32
      %swap3A_401 = arith.index_cast %swap3A_400 : i32 to index
      %swap3A_402 = arith.index_cast %mul3A_195 : i32 to index
      %swap3A_403 = tpu.vector_load %arg13[%swap3A_401, %swap3A_402] {strides = array<i32>} : memref<16x1024xf32, #tpu.memory_space<vmem>>, vector<1x16xf32>,
      %swap3A_404 = vector.shape_cast %swap3A_403 : vector<1x16xf32> to vector<16xf32>
      %swap3A_405 = vector.shape_cast %add3A_399 : vector<16xf32> to vector<1x16xf32>
      tpu.vector_store %arg13[%swap3A_401, %swap3A_402], %swap3A_405 {strides = array<i32>} : memref<16x1024xf32, #tpu.memory_space<vmem>>, vector<1x16xf32>,
      %get3A_406 = arith.constant 6 : i32
      %get3A_407 = arith.index_cast %get3A_406 : i32 to index
      %get3A_408 = arith.index_cast %mul3A_195 : i32 to index
      %get3A_409 = tpu.vector_load %arg13[%get3A_407, %get3A_408] {strides = array<i32>} : memref<16x1024xf32, #tpu.memory_space<vmem>>, vector<1x16xf32>,
      %get3A_410 = vector.shape_cast %get3A_409 : vector<1x16xf32> to vector<16xf32>
      %get3A_411 = arith.constant 6 : i32
      %get3A_412 = arith.index_cast %get3A_411 : i32 to index
      %get3A_413 = arith.constant 0 : index
      %get3A_414 = tpu.vector_load %arg21[%get3A_412, %get3A_413] {strides = array<i32>} : memref<16x16xf32, #tpu.memory_space<vmem>>, vector<1x16xf32>,
      %get3A_415 = vector.shape_cast %get3A_414 : vector<1x16xf32> to vector<16xf32>
      %get3A_416 = arith.constant 6 : i32
      %get3A_417 = arith.index_cast %get3A_416 : i32 to index
      %get3A_418 = arith.index_cast %mul3A_195 : i32 to index
      %get3A_419 = tpu.vector_load %arg9[%get3A_417, %get3A_418] {strides = array<i32>} : memref<16x1024xf32, #tpu.memory_space<vmem>>, vector<1x16xf32>,
      %get3A_420 = vector.shape_cast %get3A_419 : vector<1x16xf32> to vector<16xf32>
      %mul3A_421 = arith.mulf %get3A_415, %get3A_420 : vector<16xf32>
      %add3A_422 = arith.addf %get3A_410, %mul3A_421 : vector<16xf32>
      %get3A_423 = arith.constant 6 : i32
      %get3A_424 = arith.index_cast %get3A_423 : i32 to index
      %get3A_425 = arith.constant 0 : index
      %get3A_426 = tpu.vector_load %arg23[%get3A_424, %get3A_425] {strides = array<i32>} : memref<16x16xf32, #tpu.memory_space<vmem>>, vector<1x16xf32>,
      %get3A_427 = vector.shape_cast %get3A_426 : vector<1x16xf32> to vector<16xf32>
      %get3A_428 = arith.constant 6 : i32
      %get3A_429 = arith.index_cast %get3A_428 : i32 to index
      %get3A_430 = arith.index_cast %mul3A_195 : i32 to index
      %get3A_431 = tpu.vector_load %arg11[%get3A_429, %get3A_430] {strides = array<i32>} : memref<16x1024xf32, #tpu.memory_space<vmem>>, vector<1x16xf32>,
      %get3A_432 = vector.shape_cast %get3A_431 : vector<1x16xf32> to vector<16xf32>
      %mul3A_433 = arith.mulf %get3A_427, %get3A_432 : vector<16xf32>
      %add3A_434 = arith.addf %add3A_422, %mul3A_433 : vector<16xf32>
      %swap3A_435 = arith.constant 6 : i32
      %swap3A_436 = arith.index_cast %swap3A_435 : i32 to index
      %swap3A_437 = arith.index_cast %mul3A_195 : i32 to index
      %swap3A_438 = tpu.vector_load %arg13[%swap3A_436, %swap3A_437] {strides = array<i32>} : memref<16x1024xf32, #tpu.memory_space<vmem>>, vector<1x16xf32>,
      %swap3A_439 = vector.shape_cast %swap3A_438 : vector<1x16xf32> to vector<16xf32>
      %swap3A_440 = vector.shape_cast %add3A_434 : vector<16xf32> to vector<1x16xf32>
      tpu.vector_store %arg13[%swap3A_436, %swap3A_437], %swap3A_440 {strides = array<i32>} : memref<16x1024xf32, #tpu.memory_space<vmem>>, vector<1x16xf32>,
      %get3A_441 = arith.constant 7 : i32
      %get3A_442 = arith.index_cast %get3A_441 : i32 to index
      %get3A_443 = arith.index_cast %mul3A_195 : i32 to index
      %get3A_444 = tpu.vector_load %arg13[%get3A_442, %get3A_443] {strides = array<i32>} : memref<16x1024xf32, #tpu.memory_space<vmem>>, vector<1x16xf32>,
      %get3A_445 = vector.shape_cast %get3A_444 : vector<1x16xf32> to vector<16xf32>
      %get3A_446 = arith.constant 7 : i32
      %get3A_447 = arith.index_cast %get3A_446 : i32 to index
      %get3A_448 = arith.constant 0 : index
      %get3A_449 = tpu.vector_load %arg21[%get3A_447, %get3A_448] {strides = array<i32>} : memref<16x16xf32, #tpu.memory_space<vmem>>, vector<1x16xf32>,
      %get3A_450 = vector.shape_cast %get3A_449 : vector<1x16xf32> to vector<16xf32>
      %get3A_451 = arith.constant 7 : i32
      %get3A_452 = arith.index_cast %get3A_451 : i32 to index
      %get3A_453 = arith.index_cast %mul3A_195 : i32 to index
      %get3A_454 = tpu.vector_load %arg9[%get3A_452, %get3A_453] {strides = array<i32>} : memref<16x1024xf32, #tpu.memory_space<vmem>>, vector<1x16xf32>,
      %get3A_455 = vector.shape_cast %get3A_454 : vector<1x16xf32> to vector<16xf32>
      %mul3A_456 = arith.mulf %get3A_450, %get3A_455 : vector<16xf32>
      %add3A_457 = arith.addf %get3A_445, %mul3A_456 : vector<16xf32>
      %get3A_458 = arith.constant 7 : i32
      %get3A_459 = arith.index_cast %get3A_458 : i32 to index
      %get3A_460 = arith.constant 0 : index
      %get3A_461 = tpu.vector_load %arg23[%get3A_459, %get3A_460] {strides = array<i32>} : memref<16x16xf32, #tpu.memory_space<vmem>>, vector<1x16xf32>,
      %get3A_462 = vector.shape_cast %get3A_461 : vector<1x16xf32> to vector<16xf32>
      %get3A_463 = arith.constant 7 : i32
      %get3A_464 = arith.index_cast %get3A_463 : i32 to index
      %get3A_465 = arith.index_cast %mul3A_195 : i32 to index
      %get3A_466 = tpu.vector_load %arg11[%get3A_464, %get3A_465] {strides = array<i32>} : memref<16x1024xf32, #tpu.memory_space<vmem>>, vector<1x16xf32>,
      %get3A_467 = vector.shape_cast %get3A_466 : vector<1x16xf32> to vector<16xf32>
      %mul3A_468 = arith.mulf %get3A_462, %get3A_467 : vector<16xf32>
      %add3A_469 = arith.addf %add3A_457, %mul3A_468 : vector<16xf32>
      %swap3A_470 = arith.constant 7 : i32
      %swap3A_471 = arith.index_cast %swap3A_470 : i32 to index
      %swap3A_472 = arith.index_cast %mul3A_195 : i32 to index
      %swap3A_473 = tpu.vector_load %arg13[%swap3A_471, %swap3A_472] {strides = array<i32>} : memref<16x1024xf32, #tpu.memory_space<vmem>>, vector<1x16xf32>,
      %swap3A_474 = vector.shape_cast %swap3A_473 : vector<1x16xf32> to vector<16xf32>
      %swap3A_475 = vector.shape_cast %add3A_469 : vector<16xf32> to vector<1x16xf32>
      tpu.vector_store %arg13[%swap3A_471, %swap3A_472], %swap3A_475 {strides = array<i32>} : memref<16x1024xf32, #tpu.memory_space<vmem>>, vector<1x16xf32>,
      %get3A_476 = arith.constant 8 : i32
      %get3A_477 = arith.index_cast %get3A_476 : i32 to index
      %get3A_478 = arith.index_cast %mul3A_195 : i32 to index
      %get3A_479 = tpu.vector_load %arg13[%get3A_477, %get3A_478] {strides = array<i32>} : memref<16x1024xf32, #tpu.memory_space<vmem>>, vector<1x16xf32>,
      %get3A_480 = vector.shape_cast %get3A_479 : vector<1x16xf32> to vector<16xf32>
      %get3A_481 = arith.constant 8 : i32
      %get3A_482 = arith.index_cast %get3A_481 : i32 to index
      %get3A_483 = arith.constant 0 : index
      %get3A_484 = tpu.vector_load %arg21[%get3A_482, %get3A_483] {strides = array<i32>} : memref<16x16xf32, #tpu.memory_space<vmem>>, vector<1x16xf32>,
      %get3A_485 = vector.shape_cast %get3A_484 : vector<1x16xf32> to vector<16xf32>
      %get3A_486 = arith.constant 8 : i32
      %get3A_487 = arith.index_cast %get3A_486 : i32 to index
      %get3A_488 = arith.index_cast %mul3A_195 : i32 to index
      %get3A_489 = tpu.vector_load %arg9[%get3A_487, %get3A_488] {strides = array<i32>} : memref<16x1024xf32, #tpu.memory_space<vmem>>, vector<1x16xf32>,
      %get3A_490 = vector.shape_cast %get3A_489 : vector<1x16xf32> to vector<16xf32>
      %mul3A_491 = arith.mulf %get3A_485, %get3A_490 : vector<16xf32>
      %add3A_492 = arith.addf %get3A_480, %mul3A_491 : vector<16xf32>
      %get3A_493 = arith.constant 8 : i32
      %get3A_494 = arith.index_cast %get3A_493 : i32 to index
      %get3A_495 = arith.constant 0 : index
      %get3A_496 = tpu.vector_load %arg23[%get3A_494, %get3A_495] {strides = array<i32>} : memref<16x16xf32, #tpu.memory_space<vmem>>, vector<1x16xf32>,
      %get3A_497 = vector.shape_cast %get3A_496 : vector<1x16xf32> to vector<16xf32>
      %get3A_498 = arith.constant 8 : i32
      %get3A_499 = arith.index_cast %get3A_498 : i32 to index
      %get3A_500 = arith.index_cast %mul3A_195 : i32 to index
      %get3A_501 = tpu.vector_load %arg11[%get3A_499, %get3A_500] {strides = array<i32>} : memref<16x1024xf32, #tpu.memory_space<vmem>>, vector<1x16xf32>,
      %get3A_502 = vector.shape_cast %get3A_501 : vector<1x16xf32> to vector<16xf32>
      %mul3A_503 = arith.mulf %get3A_497, %get3A_502 : vector<16xf32>
      %add3A_504 = arith.addf %add3A_492, %mul3A_503 : vector<16xf32>
      %swap3A_505 = arith.constant 8 : i32
      %swap3A_506 = arith.index_cast %swap3A_505 : i32 to index
      %swap3A_507 = arith.index_cast %mul3A_195 : i32 to index
      %swap3A_508 = tpu.vector_load %arg13[%swap3A_506, %swap3A_507] {strides = array<i32>} : memref<16x1024xf32, #tpu.memory_space<vmem>>, vector<1x16xf32>,
      %swap3A_509 = vector.shape_cast %swap3A_508 : vector<1x16xf32> to vector<16xf32>
      %swap3A_510 = vector.shape_cast %add3A_504 : vector<16xf32> to vector<1x16xf32>
      tpu.vector_store %arg13[%swap3A_506, %swap3A_507], %swap3A_510 {strides = array<i32>} : memref<16x1024xf32, #tpu.memory_space<vmem>>, vector<1x16xf32>,
      %get3A_511 = arith.constant 9 : i32
      %get3A_512 = arith.index_cast %get3A_511 : i32 to index
      %get3A_513 = arith.index_cast %mul3A_195 : i32 to index
      %get3A_514 = tpu.vector_load %arg13[%get3A_512, %get3A_513] {strides = array<i32>} : memref<16x1024xf32, #tpu.memory_space<vmem>>, vector<1x16xf32>,
      %get3A_515 = vector.shape_cast %get3A_514 : vector<1x16xf32> to vector<16xf32>
      %get3A_516 = arith.constant 9 : i32
      %get3A_517 = arith.index_cast %get3A_516 : i32 to index
      %get3A_518 = arith.constant 0 : index
      %get3A_519 = tpu.vector_load %arg21[%get3A_517, %get3A_518] {strides = array<i32>} : memref<16x16xf32, #tpu.memory_space<vmem>>, vector<1x16xf32>,
      %get3A_520 = vector.shape_cast %get3A_519 : vector<1x16xf32> to vector<16xf32>
      %get3A_521 = arith.constant 9 : i32
      %get3A_522 = arith.index_cast %get3A_521 : i32 to index
      %get3A_523 = arith.index_cast %mul3A_195 : i32 to index
      %get3A_524 = tpu.vector_load %arg9[%get3A_522, %get3A_523] {strides = array<i32>} : memref<16x1024xf32, #tpu.memory_space<vmem>>, vector<1x16xf32>,
      %get3A_525 = vector.shape_cast %get3A_524 : vector<1x16xf32> to vector<16xf32>
      %mul3A_526 = arith.mulf %get3A_520, %get3A_525 : vector<16xf32>
      %add3A_527 = arith.addf %get3A_515, %mul3A_526 : vector<16xf32>
      %get3A_528 = arith.constant 9 : i32
      %get3A_529 = arith.index_cast %get3A_528 : i32 to index
      %get3A_530 = arith.constant 0 : index
      %get3A_531 = tpu.vector_load %arg23[%get3A_529, %get3A_530] {strides = array<i32>} : memref<16x16xf32, #tpu.memory_space<vmem>>, vector<1x16xf32>,
      %get3A_532 = vector.shape_cast %get3A_531 : vector<1x16xf32> to vector<16xf32>
      %get3A_533 = arith.constant 9 : i32
      %get3A_534 = arith.index_cast %get3A_533 : i32 to index
      %get3A_535 = arith.index_cast %mul3A_195 : i32 to index
      %get3A_536 = tpu.vector_load %arg11[%get3A_534, %get3A_535] {strides = array<i32>} : memref<16x1024xf32, #tpu.memory_space<vmem>>, vector<1x16xf32>,
      %get3A_537 = vector.shape_cast %get3A_536 : vector<1x16xf32> to vector<16xf32>
      %mul3A_538 = arith.mulf %get3A_532, %get3A_537 : vector<16xf32>
      %add3A_539 = arith.addf %add3A_527, %mul3A_538 : vector<16xf32>
      %swap3A_540 = arith.constant 9 : i32
      %swap3A_541 = arith.index_cast %swap3A_540 : i32 to index
      %swap3A_542 = arith.index_cast %mul3A_195 : i32 to index
      %swap3A_543 = tpu.vector_load %arg13[%swap3A_541, %swap3A_542] {strides = array<i32>} : memref<16x1024xf32, #tpu.memory_space<vmem>>, vector<1x16xf32>,
      %swap3A_544 = vector.shape_cast %swap3A_543 : vector<1x16xf32> to vector<16xf32>
      %swap3A_545 = vector.shape_cast %add3A_539 : vector<16xf32> to vector<1x16xf32>
      tpu.vector_store %arg13[%swap3A_541, %swap3A_542], %swap3A_545 {strides = array<i32>} : memref<16x1024xf32, #tpu.memory_space<vmem>>, vector<1x16xf32>,
      %get3A_546 = arith.constant 10 : i32
      %get3A_547 = arith.index_cast %get3A_546 : i32 to index
      %get3A_548 = arith.index_cast %mul3A_195 : i32 to index
      %get3A_549 = tpu.vector_load %arg13[%get3A_547, %get3A_548] {strides = array<i32>} : memref<16x1024xf32, #tpu.memory_space<vmem>>, vector<1x16xf32>,
      %get3A_550 = vector.shape_cast %get3A_549 : vector<1x16xf32> to vector<16xf32>
      %get3A_551 = arith.constant 10 : i32
      %get3A_552 = arith.index_cast %get3A_551 : i32 to index
      %get3A_553 = arith.constant 0 : index
      %get3A_554 = tpu.vector_load %arg21[%get3A_552, %get3A_553] {strides = array<i32>} : memref<16x16xf32, #tpu.memory_space<vmem>>, vector<1x16xf32>,
      %get3A_555 = vector.shape_cast %get3A_554 : vector<1x16xf32> to vector<16xf32>
      %get3A_556 = arith.constant 10 : i32
      %get3A_557 = arith.index_cast %get3A_556 : i32 to index
      %get3A_558 = arith.index_cast %mul3A_195 : i32 to index
      %get3A_559 = tpu.vector_load %arg9[%get3A_557, %get3A_558] {strides = array<i32>} : memref<16x1024xf32, #tpu.memory_space<vmem>>, vector<1x16xf32>,
      %get3A_560 = vector.shape_cast %get3A_559 : vector<1x16xf32> to vector<16xf32>
      %mul3A_561 = arith.mulf %get3A_555, %get3A_560 : vector<16xf32>
      %add3A_562 = arith.addf %get3A_550, %mul3A_561 : vector<16xf32>
      %get3A_563 = arith.constant 10 : i32
      %get3A_564 = arith.index_cast %get3A_563 : i32 to index
      %get3A_565 = arith.constant 0 : index
      %get3A_566 = tpu.vector_load %arg23[%get3A_564, %get3A_565] {strides = array<i32>} : memref<16x16xf32, #tpu.memory_space<vmem>>, vector<1x16xf32>,
      %get3A_567 = vector.shape_cast %get3A_566 : vector<1x16xf32> to vector<16xf32>
      %get3A_568 = arith.constant 10 : i32
      %get3A_569 = arith.index_cast %get3A_568 : i32 to index
      %get3A_570 = arith.index_cast %mul3A_195 : i32 to index
      %get3A_571 = tpu.vector_load %arg11[%get3A_569, %get3A_570] {strides = array<i32>} : memref<16x1024xf32, #tpu.memory_space<vmem>>, vector<1x16xf32>,
      %get3A_572 = vector.shape_cast %get3A_571 : vector<1x16xf32> to vector<16xf32>
      %mul3A_573 = arith.mulf %get3A_567, %get3A_572 : vector<16xf32>
      %add3A_574 = arith.addf %add3A_562, %mul3A_573 : vector<16xf32>
      %swap3A_575 = arith.constant 10 : i32
      %swap3A_576 = arith.index_cast %swap3A_575 : i32 to index
      %swap3A_577 = arith.index_cast %mul3A_195 : i32 to index
      %swap3A_578 = tpu.vector_load %arg13[%swap3A_576, %swap3A_577] {strides = array<i32>} : memref<16x1024xf32, #tpu.memory_space<vmem>>, vector<1x16xf32>,
      %swap3A_579 = vector.shape_cast %swap3A_578 : vector<1x16xf32> to vector<16xf32>
      %swap3A_580 = vector.shape_cast %add3A_574 : vector<16xf32> to vector<1x16xf32>
      tpu.vector_store %arg13[%swap3A_576, %swap3A_577], %swap3A_580 {strides = array<i32>} : memref<16x1024xf32, #tpu.memory_space<vmem>>, vector<1x16xf32>,
      %get3A_581 = arith.constant 11 : i32
      %get3A_582 = arith.index_cast %get3A_581 : i32 to index
      %get3A_583 = arith.index_cast %mul3A_195 : i32 to index
      %get3A_584 = tpu.vector_load %arg13[%get3A_582, %get3A_583] {strides = array<i32>} : memref<16x1024xf32, #tpu.memory_space<vmem>>, vector<1x16xf32>,
      %get3A_585 = vector.shape_cast %get3A_584 : vector<1x16xf32> to vector<16xf32>
      %get3A_586 = arith.constant 11 : i32
      %get3A_587 = arith.index_cast %get3A_586 : i32 to index
      %get3A_588 = arith.constant 0 : index
      %get3A_589 = tpu.vector_load %arg21[%get3A_587, %get3A_588] {strides = array<i32>} : memref<16x16xf32, #tpu.memory_space<vmem>>, vector<1x16xf32>,
      %get3A_590 = vector.shape_cast %get3A_589 : vector<1x16xf32> to vector<16xf32>
      %get3A_591 = arith.constant 11 : i32
      %get3A_592 = arith.index_cast %get3A_591 : i32 to index
      %get3A_593 = arith.index_cast %mul3A_195 : i32 to index
      %get3A_594 = tpu.vector_load %arg9[%get3A_592, %get3A_593] {strides = array<i32>} : memref<16x1024xf32, #tpu.memory_space<vmem>>, vector<1x16xf32>,
      %get3A_595 = vector.shape_cast %get3A_594 : vector<1x16xf32> to vector<16xf32>
      %mul3A_596 = arith.mulf %get3A_590, %get3A_595 : vector<16xf32>
      %add3A_597 = arith.addf %get3A_585, %mul3A_596 : vector<16xf32>
      %get3A_598 = arith.constant 11 : i32
      %get3A_599 = arith.index_cast %get3A_598 : i32 to index
      %get3A_600 = arith.constant 0 : index
      %get3A_601 = tpu.vector_load %arg23[%get3A_599, %get3A_600] {strides = array<i32>} : memref<16x16xf32, #tpu.memory_space<vmem>>, vector<1x16xf32>,
      %get3A_602 = vector.shape_cast %get3A_601 : vector<1x16xf32> to vector<16xf32>
      %get3A_603 = arith.constant 11 : i32
      %get3A_604 = arith.index_cast %get3A_603 : i32 to index
      %get3A_605 = arith.index_cast %mul3A_195 : i32 to index
      %get3A_606 = tpu.vector_load %arg11[%get3A_604, %get3A_605] {strides = array<i32>} : memref<16x1024xf32, #tpu.memory_space<vmem>>, vector<1x16xf32>,
      %get3A_607 = vector.shape_cast %get3A_606 : vector<1x16xf32> to vector<16xf32>
      %mul3A_608 = arith.mulf %get3A_602, %get3A_607 : vector<16xf32>
      %add3A_609 = arith.addf %add3A_597, %mul3A_608 : vector<16xf32>
      %swap3A_610 = arith.constant 11 : i32
      %swap3A_611 = arith.index_cast %swap3A_610 : i32 to index
      %swap3A_612 = arith.index_cast %mul3A_195 : i32 to index
      %swap3A_613 = tpu.vector_load %arg13[%swap3A_611, %swap3A_612] {strides = array<i32>} : memref<16x1024xf32, #tpu.memory_space<vmem>>, vector<1x16xf32>,
      %swap3A_614 = vector.shape_cast %swap3A_613 : vector<1x16xf32> to vector<16xf32>
      %swap3A_615 = vector.shape_cast %add3A_609 : vector<16xf32> to vector<1x16xf32>
      tpu.vector_store %arg13[%swap3A_611, %swap3A_612], %swap3A_615 {strides = array<i32>} : memref<16x1024xf32, #tpu.memory_space<vmem>>, vector<1x16xf32>,
      %get3A_616 = arith.constant 12 : i32
      %get3A_617 = arith.index_cast %get3A_616 : i32 to index
      %get3A_618 = arith.index_cast %mul3A_195 : i32 to index
      %get3A_619 = tpu.vector_load %arg13[%get3A_617, %get3A_618] {strides = array<i32>} : memref<16x1024xf32, #tpu.memory_space<vmem>>, vector<1x16xf32>,
      %get3A_620 = vector.shape_cast %get3A_619 : vector<1x16xf32> to vector<16xf32>
      %get3A_621 = arith.constant 12 : i32
      %get3A_622 = arith.index_cast %get3A_621 : i32 to index
      %get3A_623 = arith.constant 0 : index
      %get3A_624 = tpu.vector_load %arg21[%get3A_622, %get3A_623] {strides = array<i32>} : memref<16x16xf32, #tpu.memory_space<vmem>>, vector<1x16xf32>,
      %get3A_625 = vector.shape_cast %get3A_624 : vector<1x16xf32> to vector<16xf32>
      %get3A_626 = arith.constant 12 : i32
      %get3A_627 = arith.index_cast %get3A_626 : i32 to index
      %get3A_628 = arith.index_cast %mul3A_195 : i32 to index
      %get3A_629 = tpu.vector_load %arg9[%get3A_627, %get3A_628] {strides = array<i32>} : memref<16x1024xf32, #tpu.memory_space<vmem>>, vector<1x16xf32>,
      %get3A_630 = vector.shape_cast %get3A_629 : vector<1x16xf32> to vector<16xf32>
      %mul3A_631 = arith.mulf %get3A_625, %get3A_630 : vector<16xf32>
      %add3A_632 = arith.addf %get3A_620, %mul3A_631 : vector<16xf32>
      %get3A_633 = arith.constant 12 : i32
      %get3A_634 = arith.index_cast %get3A_633 : i32 to index
      %get3A_635 = arith.constant 0 : index
      %get3A_636 = tpu.vector_load %arg23[%get3A_634, %get3A_635] {strides = array<i32>} : memref<16x16xf32, #tpu.memory_space<vmem>>, vector<1x16xf32>,
      %get3A_637 = vector.shape_cast %get3A_636 : vector<1x16xf32> to vector<16xf32>
      %get3A_638 = arith.constant 12 : i32
      %get3A_639 = arith.index_cast %get3A_638 : i32 to index
      %get3A_640 = arith.index_cast %mul3A_195 : i32 to index
      %get3A_641 = tpu.vector_load %arg11[%get3A_639, %get3A_640] {strides = array<i32>} : memref<16x1024xf32, #tpu.memory_space<vmem>>, vector<1x16xf32>,
      %get3A_642 = vector.shape_cast %get3A_641 : vector<1x16xf32> to vector<16xf32>
      %mul3A_643 = arith.mulf %get3A_637, %get3A_642 : vector<16xf32>
      %add3A_644 = arith.addf %add3A_632, %mul3A_643 : vector<16xf32>
      %swap3A_645 = arith.constant 12 : i32
      %swap3A_646 = arith.index_cast %swap3A_645 : i32 to index
      %swap3A_647 = arith.index_cast %mul3A_195 : i32 to index
      %swap3A_648 = tpu.vector_load %arg13[%swap3A_646, %swap3A_647] {strides = array<i32>} : memref<16x1024xf32, #tpu.memory_space<vmem>>, vector<1x16xf32>,
      %swap3A_649 = vector.shape_cast %swap3A_648 : vector<1x16xf32> to vector<16xf32>
      %swap3A_650 = vector.shape_cast %add3A_644 : vector<16xf32> to vector<1x16xf32>
      tpu.vector_store %arg13[%swap3A_646, %swap3A_647], %swap3A_650 {strides = array<i32>} : memref<16x1024xf32, #tpu.memory_space<vmem>>, vector<1x16xf32>,
      %get3A_651 = arith.constant 13 : i32
      %get3A_652 = arith.index_cast %get3A_651 : i32 to index
      %get3A_653 = arith.index_cast %mul3A_195 : i32 to index
      %get3A_654 = tpu.vector_load %arg13[%get3A_652, %get3A_653] {strides = array<i32>} : memref<16x1024xf32, #tpu.memory_space<vmem>>, vector<1x16xf32>,
      %get3A_655 = vector.shape_cast %get3A_654 : vector<1x16xf32> to vector<16xf32>
      %get3A_656 = arith.constant 13 : i32
      %get3A_657 = arith.index_cast %get3A_656 : i32 to index
      %get3A_658 = arith.constant 0 : index
      %get3A_659 = tpu.vector_load %arg21[%get3A_657, %get3A_658] {strides = array<i32>} : memref<16x16xf32, #tpu.memory_space<vmem>>, vector<1x16xf32>,
      %get3A_660 = vector.shape_cast %get3A_659 : vector<1x16xf32> to vector<16xf32>
      %get3A_661 = arith.constant 13 : i32
      %get3A_662 = arith.index_cast %get3A_661 : i32 to index
      %get3A_663 = arith.index_cast %mul3A_195 : i32 to index
      %get3A_664 = tpu.vector_load %arg9[%get3A_662, %get3A_663] {strides = array<i32>} : memref<16x1024xf32, #tpu.memory_space<vmem>>, vector<1x16xf32>,
      %get3A_665 = vector.shape_cast %get3A_664 : vector<1x16xf32> to vector<16xf32>
      %mul3A_666 = arith.mulf %get3A_660, %get3A_665 : vector<16xf32>
      %add3A_667 = arith.addf %get3A_655, %mul3A_666 : vector<16xf32>
      %get3A_668 = arith.constant 13 : i32
      %get3A_669 = arith.index_cast %get3A_668 : i32 to index
      %get3A_670 = arith.constant 0 : index
      %get3A_671 = tpu.vector_load %arg23[%get3A_669, %get3A_670] {strides = array<i32>} : memref<16x16xf32, #tpu.memory_space<vmem>>, vector<1x16xf32>,
      %get3A_672 = vector.shape_cast %get3A_671 : vector<1x16xf32> to vector<16xf32>
      %get3A_673 = arith.constant 13 : i32
      %get3A_674 = arith.index_cast %get3A_673 : i32 to index
      %get3A_675 = arith.index_cast %mul3A_195 : i32 to index
      %get3A_676 = tpu.vector_load %arg11[%get3A_674, %get3A_675] {strides = array<i32>} : memref<16x1024xf32, #tpu.memory_space<vmem>>, vector<1x16xf32>,
      %get3A_677 = vector.shape_cast %get3A_676 : vector<1x16xf32> to vector<16xf32>
      %mul3A_678 = arith.mulf %get3A_672, %get3A_677 : vector<16xf32>
      %add3A_679 = arith.addf %add3A_667, %mul3A_678 : vector<16xf32>
      %swap3A_680 = arith.constant 13 : i32
      %swap3A_681 = arith.index_cast %swap3A_680 : i32 to index
      %swap3A_682 = arith.index_cast %mul3A_195 : i32 to index
      %swap3A_683 = tpu.vector_load %arg13[%swap3A_681, %swap3A_682] {strides = array<i32>} : memref<16x1024xf32, #tpu.memory_space<vmem>>, vector<1x16xf32>,
      %swap3A_684 = vector.shape_cast %swap3A_683 : vector<1x16xf32> to vector<16xf32>
      %swap3A_685 = vector.shape_cast %add3A_679 : vector<16xf32> to vector<1x16xf32>
      tpu.vector_store %arg13[%swap3A_681, %swap3A_682], %swap3A_685 {strides = array<i32>} : memref<16x1024xf32, #tpu.memory_space<vmem>>, vector<1x16xf32>,
      %get3A_686 = arith.constant 14 : i32
      %get3A_687 = arith.index_cast %get3A_686 : i32 to index
      %get3A_688 = arith.index_cast %mul3A_195 : i32 to index
      %get3A_689 = tpu.vector_load %arg13[%get3A_687, %get3A_688] {strides = array<i32>} : memref<16x1024xf32, #tpu.memory_space<vmem>>, vector<1x16xf32>,
      %get3A_690 = vector.shape_cast %get3A_689 : vector<1x16xf32> to vector<16xf32>
      %get3A_691 = arith.constant 14 : i32
      %get3A_692 = arith.index_cast %get3A_691 : i32 to index
      %get3A_693 = arith.constant 0 : index
      %get3A_694 = tpu.vector_load %arg21[%get3A_692, %get3A_693] {strides = array<i32>} : memref<16x16xf32, #tpu.memory_space<vmem>>, vector<1x16xf32>,
      %get3A_695 = vector.shape_cast %get3A_694 : vector<1x16xf32> to vector<16xf32>
      %get3A_696 = arith.constant 14 : i32
      %get3A_697 = arith.index_cast %get3A_696 : i32 to index
      %get3A_698 = arith.index_cast %mul3A_195 : i32 to index
      %get3A_699 = tpu.vector_load %arg9[%get3A_697, %get3A_698] {strides = array<i32>} : memref<16x1024xf32, #tpu.memory_space<vmem>>, vector<1x16xf32>,
      %get3A_700 = vector.shape_cast %get3A_699 : vector<1x16xf32> to vector<16xf32>
      %mul3A_701 = arith.mulf %get3A_695, %get3A_700 : vector<16xf32>
      %add3A_702 = arith.addf %get3A_690, %mul3A_701 : vector<16xf32>
      %get3A_703 = arith.constant 14 : i32
      %get3A_704 = arith.index_cast %get3A_703 : i32 to index
      %get3A_705 = arith.constant 0 : index
      %get3A_706 = tpu.vector_load %arg23[%get3A_704, %get3A_705] {strides = array<i32>} : memref<16x16xf32, #tpu.memory_space<vmem>>, vector<1x16xf32>,
      %get3A_707 = vector.shape_cast %get3A_706 : vector<1x16xf32> to vector<16xf32>
      %get3A_708 = arith.constant 14 : i32
      %get3A_709 = arith.index_cast %get3A_708 : i32 to index
      %get3A_710 = arith.index_cast %mul3A_195 : i32 to index
      %get3A_711 = tpu.vector_load %arg11[%get3A_709, %get3A_710] {strides = array<i32>} : memref<16x1024xf32, #tpu.memory_space<vmem>>, vector<1x16xf32>,
      %get3A_712 = vector.shape_cast %get3A_711 : vector<1x16xf32> to vector<16xf32>
      %mul3A_713 = arith.mulf %get3A_707, %get3A_712 : vector<16xf32>
      %add3A_714 = arith.addf %add3A_702, %mul3A_713 : vector<16xf32>
      %swap3A_715 = arith.constant 14 : i32
      %swap3A_716 = arith.index_cast %swap3A_715 : i32 to index
      %swap3A_717 = arith.index_cast %mul3A_195 : i32 to index
      %swap3A_718 = tpu.vector_load %arg13[%swap3A_716, %swap3A_717] {strides = array<i32>} : memref<16x1024xf32, #tpu.memory_space<vmem>>, vector<1x16xf32>,
      %swap3A_719 = vector.shape_cast %swap3A_718 : vector<1x16xf32> to vector<16xf32>
      %swap3A_720 = vector.shape_cast %add3A_714 : vector<16xf32> to vector<1x16xf32>
      tpu.vector_store %arg13[%swap3A_716, %swap3A_717], %swap3A_720 {strides = array<i32>} : memref<16x1024xf32, #tpu.memory_space<vmem>>, vector<1x16xf32>,
      %get3A_721 = arith.constant 15 : i32
      %get3A_722 = arith.index_cast %get3A_721 : i32 to index
      %get3A_723 = arith.index_cast %mul3A_195 : i32 to index
      %get3A_724 = tpu.vector_load %arg13[%get3A_722, %get3A_723] {strides = array<i32>} : memref<16x1024xf32, #tpu.memory_space<vmem>>, vector<1x16xf32>,
      %get3A_725 = vector.shape_cast %get3A_724 : vector<1x16xf32> to vector<16xf32>
      %get3A_726 = arith.constant 15 : i32
      %get3A_727 = arith.index_cast %get3A_726 : i32 to index
      %get3A_728 = arith.constant 0 : index
      %get3A_729 = tpu.vector_load %arg21[%get3A_727, %get3A_728] {strides = array<i32>} : memref<16x16xf32, #tpu.memory_space<vmem>>, vector<1x16xf32>,
      %get3A_730 = vector.shape_cast %get3A_729 : vector<1x16xf32> to vector<16xf32>
      %get3A_731 = arith.constant 15 : i32
      %get3A_732 = arith.index_cast %get3A_731 : i32 to index
      %get3A_733 = arith.index_cast %mul3A_195 : i32 to index
      %get3A_734 = tpu.vector_load %arg9[%get3A_732, %get3A_733] {strides = array<i32>} : memref<16x1024xf32, #tpu.memory_space<vmem>>, vector<1x16xf32>,
      %get3A_735 = vector.shape_cast %get3A_734 : vector<1x16xf32> to vector<16xf32>
      %mul3A_736 = arith.mulf %get3A_730, %get3A_735 : vector<16xf32>
      %add3A_737 = arith.addf %get3A_725, %mul3A_736 : vector<16xf32>
      %get3A_738 = arith.constant 15 : i32
      %get3A_739 = arith.index_cast %get3A_738 : i32 to index
      %get3A_740 = arith.constant 0 : index
      %get3A_741 = tpu.vector_load %arg23[%get3A_739, %get3A_740] {strides = array<i32>} : memref<16x16xf32, #tpu.memory_space<vmem>>, vector<1x16xf32>,
      %get3A_742 = vector.shape_cast %get3A_741 : vector<1x16xf32> to vector<16xf32>
      %get3A_743 = arith.constant 15 : i32
      %get3A_744 = arith.index_cast %get3A_743 : i32 to index
      %get3A_745 = arith.index_cast %mul3A_195 : i32 to index
      %get3A_746 = tpu.vector_load %arg11[%get3A_744, %get3A_745] {strides = array<i32>} : memref<16x1024xf32, #tpu.memory_space<vmem>>, vector<1x16xf32>,
      %get3A_747 = vector.shape_cast %get3A_746 : vector<1x16xf32> to vector<16xf32>
      %mul3A_748 = arith.mulf %get3A_742, %get3A_747 : vector<16xf32>
      %add3A_749 = arith.addf %add3A_737, %mul3A_748 : vector<16xf32>
      %swap3A_750 = arith.constant 15 : i32
      %swap3A_751 = arith.index_cast %swap3A_750 : i32 to index
      %swap3A_752 = arith.index_cast %mul3A_195 : i32 to index
      %swap3A_753 = tpu.vector_load %arg13[%swap3A_751, %swap3A_752] {strides = array<i32>} : memref<16x1024xf32, #tpu.memory_space<vmem>>, vector<1x16xf32>,
      %swap3A_754 = vector.shape_cast %swap3A_753 : vector<1x16xf32> to vector<16xf32>
      %swap3A_755 = vector.shape_cast %add3A_749 : vector<16xf32> to vector<1x16xf32>
      tpu.vector_store %arg13[%swap3A_751, %swap3A_752], %swap3A_755 {strides = array<i32>} : memref<16x1024xf32, #tpu.memory_space<vmem>>, vector<1x16xf32>,
      %scan3A_756 = arith.constant 0 : i32
      scf.yield %scan3A_756 : i32
    }
    %scan3A_189 = arith.constant 64 : i32
    %add3A_190 = arith.constant 48 : i32
    %add3A_191 = arith.addi %mul3A_2, %add3A_190 : i32
    "tpu.region"() ({
      %run_scoped3A_192 = tpu.sem_alloc : memref<!tpu.dma_semaphore, #tpu.memory_space<semaphore_mem>>
      %dma_start3A_193 = arith.constant 0 : i32
      %dma_start3A_194 = tpu.memref_slice %arg7[%add3A_191, %dma_start3A_193] : memref<2048x1024xf32, #tpu.memory_space<hbm>> -> memref<16x1024xf32, #tpu.memory_space<hbm>>
      %dma_start3A_195 = arith.constant 0 : i32
      %dma_start3A_196 = tpu.memref_slice %arg7[%add3A_191, %dma_start3A_195] : memref<2048x1024xf32, #tpu.memory_space<hbm>> -> memref<16x1024xf32, #tpu.memory_space<hbm>>
      tpu.enqueue_dma source(%arg13 : memref<16x1024xf32, #tpu.memory_space<vmem>>) target(%dma_start3A_196 : memref<16x1024xf32, #tpu.memory_space<hbm>>) target_semaphore(%run_scoped3A_192 : memref<!tpu.dma_semaphore, #tpu.memory_space<semaphore_mem>>)
      %dma_wait3A_197 = arith.constant 0 : i32
      %dma_wait3A_198 = tpu.memref_slice %arg7[%add3A_191, %dma_wait3A_197] : memref<2048x1024xf32, #tpu.memory_space<hbm>> -> memref<16x1024xf32, #tpu.memory_space<hbm>>
      %dma_wait3A_199 = arith.constant 0 : i32
      %dma_wait3A_200 = tpu.memref_slice %arg7[%add3A_191, %dma_wait3A_199] : memref<2048x1024xf32, #tpu.memory_space<hbm>> -> memref<16x1024xf32, #tpu.memory_space<hbm>>
      tpu.wait_dma2 semaphore(%run_scoped3A_192 : memref<!tpu.dma_semaphore, #tpu.memory_space<semaphore_mem>>) src(%arg13 : memref<16x1024xf32, #tpu.memory_space<vmem>>) dst(%dma_wait3A_200 : memref<16x1024xf32, #tpu.memory_space<hbm>>)
      tpu.yield
    }) : () -> ()
    return
  }
}

module attributes {stable_mosaic.version = 14 : i64} {
  func.func @_router_body(%arg0: memref<2048x1024xf32, #tpu.memory_space<vmem>>, %arg1: memref<1024x128xf32, #tpu.memory_space<vmem>>, %arg2: memref<128x2048xf32, #tpu.memory_space<vmem>>, %arg3: memref<1x128xf32, #tpu.memory_space<vmem>>, %arg4: memref<2048x1024xbf16, #tpu.memory_space<vmem>>, %arg5: memref<2048x16xf32, #tpu.memory_space<vmem>>, %arg6: memref<2048x16xf32, #tpu.memory_space<vmem>>) attributes {dimension_semantics = [], scalar_prefetch = 0 : i64, scratch_operands = 0 : i64, tpu.core_type = #tpu.core_type<tc>} {
    %get3A = arith.constant 0 : index
    %get3A_0 = arith.constant 0 : index
    %get3A_1 = vector.load %arg0[%get3A, %get3A_0] : memref<2048x1024xf32, #tpu.memory_space<vmem>>, vector<2048x1024xf32>
    %convert_element_type3A = arith.truncf %get3A_1 : vector<2048x1024xf32> to vector<2048x1024xbf16>
    %get3A_2 = arith.constant 0 : index
    %get3A_3 = arith.constant 0 : index
    %get3A_4 = vector.load %arg1[%get3A_2, %get3A_3] : memref<1024x128xf32, #tpu.memory_space<vmem>>, vector<1024x128xf32>
    %convert_element_type3A_5 = arith.truncf %get3A_4 : vector<1024x128xf32> to vector<1024x128xbf16>
    %dot_general3A = arith.constant dense<0.000000e+00> : vector<2048x128xf32>
    %dot_general3A_6 = tpu.matmul %convert_element_type3A, %convert_element_type3A_5, %dot_general3A {dimension_numbers = #tpu.dot_dimension_numbers<[1], [0], [0], [1], [0, 0, 1, 1], [], []>, transpose_lhs_hint = false} : vector<2048x1024xbf16>, vector<1024x128xbf16>, vector<2048x128xf32> -> vector<2048x128xf32>
    %iota3A = tpu.iota {dimensions = array<i32: 1>} : vector<2048x128xi32>
    %lt3A = arith.constant 8 : i32
    %lt3A_7 = vector.broadcast %lt3A : i32 to vector<2048x128xi32>
    %lt3A_8 = arith.cmpi slt, %iota3A, %lt3A_7 : vector<2048x128xi32>
    %jit3A = arith.constant -1.000000e+30 : f32
    %broadcast_in_dim3A = vector.broadcast %jit3A : f32 to vector<2048x128xf32>
    %select_n3A = arith.select %lt3A_8, %dot_general3A_6, %broadcast_in_dim3A : vector<2048x128xi1>, vector<2048x128xf32>
    %reduce_max3A = arith.constant dense<0xFF800000> : vector<2048xf32>
    %reduce_max3A_9 = vector.multi_reduction <maximumf>, %select_n3A, %reduce_max3A [1] : vector<2048x128xf32> to vector<2048xf32>
    %broadcast_in_dim3A_10 = vector.shape_cast %reduce_max3A_9 : vector<2048xf32> to vector<2048x1xf32>
    %sub3A = vector.broadcast %broadcast_in_dim3A_10 : vector<2048x1xf32> to vector<2048x128xf32>
    %sub3A_11 = arith.subf %select_n3A, %sub3A : vector<2048x128xf32>
    %exp3A = math.exp %sub3A_11 : vector<2048x128xf32>
    %reduce_sum3A = arith.constant dense<0.000000e+00> : vector<2048xf32>
    %reduce_sum3A_12 = vector.multi_reduction <add>, %exp3A, %reduce_sum3A [1] : vector<2048x128xf32> to vector<2048xf32>
    %broadcast_in_dim3A_13 = vector.shape_cast %reduce_sum3A_12 : vector<2048xf32> to vector<2048x1xf32>
    %div3A = vector.broadcast %broadcast_in_dim3A_13 : vector<2048x1xf32> to vector<2048x128xf32>
    %div3A_14 = arith.divf %exp3A, %div3A : vector<2048x128xf32>
    %reduce_max3A_15 = arith.constant dense<0xFF800000> : vector<2048xf32>
    %reduce_max3A_16 = vector.multi_reduction <maximumf>, %div3A_14, %reduce_max3A_15 [1] : vector<2048x128xf32> to vector<2048xf32>
    %broadcast_in_dim3A_17 = vector.shape_cast %reduce_max3A_16 : vector<2048xf32> to vector<2048x1xf32>
    %eq3A = vector.broadcast %broadcast_in_dim3A_17 : vector<2048x1xf32> to vector<2048x128xf32>
    %eq3A_18 = arith.cmpf oeq, %div3A_14, %eq3A : vector<2048x128xf32>
    %jit3A_19 = arith.constant 128 : i32
    %broadcast_in_dim3A_20 = vector.broadcast %jit3A_19 : i32 to vector<2048x128xi32>
    %select_n3A_21 = arith.select %eq3A_18, %iota3A, %broadcast_in_dim3A_20 : vector<2048x128xi1>, vector<2048x128xi32>
    %reduce_min3A = arith.constant dense<2147483647> : vector<2048xi32>
    %reduce_min3A_22 = vector.multi_reduction <minsi>, %select_n3A_21, %reduce_min3A [1] : vector<2048x128xi32> to vector<2048xi32>
    %broadcast_in_dim3A_23 = vector.shape_cast %reduce_min3A_22 : vector<2048xi32> to vector<2048x1xi32>
    %eq3A_24 = vector.broadcast %broadcast_in_dim3A_23 : vector<2048x1xi32> to vector<2048x128xi32>
    %eq3A_25 = arith.cmpi eq, %iota3A, %eq3A_24 : vector<2048x128xi32>
    %jit3A_26 = arith.constant -1.000000e+00 : f32
    %broadcast_in_dim3A_27 = vector.broadcast %jit3A_26 : f32 to vector<2048x128xf32>
    %select_n3A_28 = arith.select %eq3A_25, %broadcast_in_dim3A_27, %div3A_14 : vector<2048x128xi1>, vector<2048x128xf32>
    %reduce_max3A_29 = arith.constant dense<0xFF800000> : vector<2048xf32>
    %reduce_max3A_30 = vector.multi_reduction <maximumf>, %select_n3A_28, %reduce_max3A_29 [1] : vector<2048x128xf32> to vector<2048xf32>
    %broadcast_in_dim3A_31 = vector.shape_cast %reduce_max3A_30 : vector<2048xf32> to vector<2048x1xf32>
    %eq3A_32 = vector.broadcast %broadcast_in_dim3A_31 : vector<2048x1xf32> to vector<2048x128xf32>
    %eq3A_33 = arith.cmpf oeq, %div3A_14, %eq3A_32 : vector<2048x128xf32>
    %not3A = arith.constant dense<true> : vector<2048x128xi1>
    %not3A_34 = arith.xori %eq3A_25, %not3A : vector<2048x128xi1>
    %and3A = arith.andi %eq3A_33, %not3A_34 : vector<2048x128xi1>
    %jit3A_35 = arith.constant 128 : i32
    %broadcast_in_dim3A_36 = vector.broadcast %jit3A_35 : i32 to vector<2048x128xi32>
    %select_n3A_37 = arith.select %and3A, %iota3A, %broadcast_in_dim3A_36 : vector<2048x128xi1>, vector<2048x128xi32>
    %reduce_min3A_38 = arith.constant dense<2147483647> : vector<2048xi32>
    %reduce_min3A_39 = vector.multi_reduction <minsi>, %select_n3A_37, %reduce_min3A_38 [1] : vector<2048x128xi32> to vector<2048xi32>
    %broadcast_in_dim3A_40 = vector.shape_cast %reduce_min3A_39 : vector<2048xi32> to vector<2048x1xi32>
    %eq3A_41 = vector.broadcast %broadcast_in_dim3A_40 : vector<2048x1xi32> to vector<2048x128xi32>
    %eq3A_42 = arith.cmpi eq, %iota3A, %eq3A_41 : vector<2048x128xi32>
    %iota3A_43 = tpu.iota {dimensions = array<i32: 0>} : vector<512x512xi32>
    %iota3A_44 = tpu.iota {dimensions = array<i32: 1>} : vector<512x512xi32>
    %lt3A_45 = arith.cmpi slt, %iota3A_44, %iota3A_43 : vector<512x512xi32>
    %convert_element_type3A_46 = arith.extui %lt3A_45 : vector<512x512xi1> to vector<512x512xi32>
    %convert_element_type3A_47 = arith.sitofp %convert_element_type3A_46 : vector<512x512xi32> to vector<512x512xf32>
    %convert_element_type3A_48 = arith.truncf %convert_element_type3A_47 : vector<512x512xf32> to vector<512x512xbf16>
    %broadcast_in_dim3A_49 = arith.constant 0.000000e+00 : f32
    %broadcast_in_dim3A_50 = vector.broadcast %broadcast_in_dim3A_49 : f32 to vector<1x128xf32>
    %convert_element_type3A_51 = arith.extui %eq3A_25 : vector<2048x128xi1> to vector<2048x128xi32>
    %convert_element_type3A_52 = arith.sitofp %convert_element_type3A_51 : vector<2048x128xi32> to vector<2048x128xf32>
    %slice3A = vector.extract_strided_slice %convert_element_type3A_52 {offsets = [0, 0], sizes = [512, 128], strides = [1, 1]} : vector<2048x128xf32> to vector<512x128xf32>
    %convert_element_type3A_53 = arith.truncf %slice3A : vector<512x128xf32> to vector<512x128xbf16>
    %dot_general3A_54 = arith.constant dense<0.000000e+00> : vector<512x128xf32>
    %dot_general3A_55 = tpu.matmul %convert_element_type3A_48, %convert_element_type3A_53, %dot_general3A_54 {dimension_numbers = #tpu.dot_dimension_numbers<[1], [0], [0], [1], [0, 0, 1, 1], [], []>, transpose_lhs_hint = false} : vector<512x512xbf16>, vector<512x128xbf16>, vector<512x128xf32> -> vector<512x128xf32>
    %add3A = vector.broadcast %broadcast_in_dim3A_50 : vector<1x128xf32> to vector<512x128xf32>
    %add3A_56 = arith.addf %dot_general3A_55, %add3A : vector<512x128xf32>
    %mul3A = arith.mulf %add3A_56, %slice3A : vector<512x128xf32>
    %reduce_sum3A_57 = arith.constant dense<0.000000e+00> : vector<512xf32>
    %reduce_sum3A_58 = vector.multi_reduction <add>, %mul3A, %reduce_sum3A_57 [1] : vector<512x128xf32> to vector<512xf32>
    %broadcast_in_dim3A_59 = vector.shape_cast %reduce_sum3A_58 : vector<512xf32> to vector<512x1xf32>
    %reduce_sum3A_60 = arith.constant dense<0.000000e+00> : vector<128xf32>
    %reduce_sum3A_61 = vector.multi_reduction <add>, %slice3A, %reduce_sum3A_60 [0] : vector<512x128xf32> to vector<128xf32>
    %broadcast_in_dim3A_62 = vector.shape_cast %reduce_sum3A_61 : vector<128xf32> to vector<1x128xf32>
    %add3A_63 = arith.addf %broadcast_in_dim3A_50, %broadcast_in_dim3A_62 : vector<1x128xf32>
    %slice3A_64 = vector.extract_strided_slice %convert_element_type3A_52 {offsets = [512, 0], sizes = [512, 128], strides = [1, 1]} : vector<2048x128xf32> to vector<512x128xf32>
    %convert_element_type3A_65 = arith.truncf %slice3A_64 : vector<512x128xf32> to vector<512x128xbf16>
    %dot_general3A_66 = arith.constant dense<0.000000e+00> : vector<512x128xf32>
    %dot_general3A_67 = tpu.matmul %convert_element_type3A_48, %convert_element_type3A_65, %dot_general3A_66 {dimension_numbers = #tpu.dot_dimension_numbers<[1], [0], [0], [1], [0, 0, 1, 1], [], []>, transpose_lhs_hint = false} : vector<512x512xbf16>, vector<512x128xbf16>, vector<512x128xf32> -> vector<512x128xf32>
    %add3A_68 = vector.broadcast %add3A_63 : vector<1x128xf32> to vector<512x128xf32>
    %add3A_69 = arith.addf %dot_general3A_67, %add3A_68 : vector<512x128xf32>
    %mul3A_70 = arith.mulf %add3A_69, %slice3A_64 : vector<512x128xf32>
    %reduce_sum3A_71 = arith.constant dense<0.000000e+00> : vector<512xf32>
    %reduce_sum3A_72 = vector.multi_reduction <add>, %mul3A_70, %reduce_sum3A_71 [1] : vector<512x128xf32> to vector<512xf32>
    %broadcast_in_dim3A_73 = vector.shape_cast %reduce_sum3A_72 : vector<512xf32> to vector<512x1xf32>
    %reduce_sum3A_74 = arith.constant dense<0.000000e+00> : vector<128xf32>
    %reduce_sum3A_75 = vector.multi_reduction <add>, %slice3A_64, %reduce_sum3A_74 [0] : vector<512x128xf32> to vector<128xf32>
    %broadcast_in_dim3A_76 = vector.shape_cast %reduce_sum3A_75 : vector<128xf32> to vector<1x128xf32>
    %add3A_77 = arith.addf %add3A_63, %broadcast_in_dim3A_76 : vector<1x128xf32>
    %slice3A_78 = vector.extract_strided_slice %convert_element_type3A_52 {offsets = [1024, 0], sizes = [512, 128], strides = [1, 1]} : vector<2048x128xf32> to vector<512x128xf32>
    %convert_element_type3A_79 = arith.truncf %slice3A_78 : vector<512x128xf32> to vector<512x128xbf16>
    %dot_general3A_80 = arith.constant dense<0.000000e+00> : vector<512x128xf32>
    %dot_general3A_81 = tpu.matmul %convert_element_type3A_48, %convert_element_type3A_79, %dot_general3A_80 {dimension_numbers = #tpu.dot_dimension_numbers<[1], [0], [0], [1], [0, 0, 1, 1], [], []>, transpose_lhs_hint = false} : vector<512x512xbf16>, vector<512x128xbf16>, vector<512x128xf32> -> vector<512x128xf32>
    %add3A_82 = vector.broadcast %add3A_77 : vector<1x128xf32> to vector<512x128xf32>
    %add3A_83 = arith.addf %dot_general3A_81, %add3A_82 : vector<512x128xf32>
    %mul3A_84 = arith.mulf %add3A_83, %slice3A_78 : vector<512x128xf32>
    %reduce_sum3A_85 = arith.constant dense<0.000000e+00> : vector<512xf32>
    %reduce_sum3A_86 = vector.multi_reduction <add>, %mul3A_84, %reduce_sum3A_85 [1] : vector<512x128xf32> to vector<512xf32>
    %broadcast_in_dim3A_87 = vector.shape_cast %reduce_sum3A_86 : vector<512xf32> to vector<512x1xf32>
    %reduce_sum3A_88 = arith.constant dense<0.000000e+00> : vector<128xf32>
    %reduce_sum3A_89 = vector.multi_reduction <add>, %slice3A_78, %reduce_sum3A_88 [0] : vector<512x128xf32> to vector<128xf32>
    %broadcast_in_dim3A_90 = vector.shape_cast %reduce_sum3A_89 : vector<128xf32> to vector<1x128xf32>
    %add3A_91 = arith.addf %add3A_77, %broadcast_in_dim3A_90 : vector<1x128xf32>
    %slice3A_92 = vector.extract_strided_slice %convert_element_type3A_52 {offsets = [1536, 0], sizes = [512, 128], strides = [1, 1]} : vector<2048x128xf32> to vector<512x128xf32>
    %convert_element_type3A_93 = arith.truncf %slice3A_92 : vector<512x128xf32> to vector<512x128xbf16>
    %dot_general3A_94 = arith.constant dense<0.000000e+00> : vector<512x128xf32>
    %dot_general3A_95 = tpu.matmul %convert_element_type3A_48, %convert_element_type3A_93, %dot_general3A_94 {dimension_numbers = #tpu.dot_dimension_numbers<[1], [0], [0], [1], [0, 0, 1, 1], [], []>, transpose_lhs_hint = false} : vector<512x512xbf16>, vector<512x128xbf16>, vector<512x128xf32> -> vector<512x128xf32>
    %add3A_96 = vector.broadcast %add3A_91 : vector<1x128xf32> to vector<512x128xf32>
    %add3A_97 = arith.addf %dot_general3A_95, %add3A_96 : vector<512x128xf32>
    %mul3A_98 = arith.mulf %add3A_97, %slice3A_92 : vector<512x128xf32>
    %reduce_sum3A_99 = arith.constant dense<0.000000e+00> : vector<512xf32>
    %reduce_sum3A_100 = vector.multi_reduction <add>, %mul3A_98, %reduce_sum3A_99 [1] : vector<512x128xf32> to vector<512xf32>
    %broadcast_in_dim3A_101 = vector.shape_cast %reduce_sum3A_100 : vector<512xf32> to vector<512x1xf32>
    %reduce_sum3A_102 = arith.constant dense<0.000000e+00> : vector<128xf32>
    %reduce_sum3A_103 = vector.multi_reduction <add>, %slice3A_92, %reduce_sum3A_102 [0] : vector<512x128xf32> to vector<128xf32>
    %broadcast_in_dim3A_104 = vector.shape_cast %reduce_sum3A_103 : vector<128xf32> to vector<1x128xf32>
    %add3A_105 = arith.addf %add3A_91, %broadcast_in_dim3A_104 : vector<1x128xf32>
    %convert_element_type3A_106 = arith.extui %eq3A_42 : vector<2048x128xi1> to vector<2048x128xi32>
    %convert_element_type3A_107 = arith.sitofp %convert_element_type3A_106 : vector<2048x128xi32> to vector<2048x128xf32>
    %slice3A_108 = vector.extract_strided_slice %convert_element_type3A_107 {offsets = [0, 0], sizes = [512, 128], strides = [1, 1]} : vector<2048x128xf32> to vector<512x128xf32>
    %convert_element_type3A_109 = arith.truncf %slice3A_108 : vector<512x128xf32> to vector<512x128xbf16>
    %dot_general3A_110 = arith.constant dense<0.000000e+00> : vector<512x128xf32>
    %dot_general3A_111 = tpu.matmul %convert_element_type3A_48, %convert_element_type3A_109, %dot_general3A_110 {dimension_numbers = #tpu.dot_dimension_numbers<[1], [0], [0], [1], [0, 0, 1, 1], [], []>, transpose_lhs_hint = false} : vector<512x512xbf16>, vector<512x128xbf16>, vector<512x128xf32> -> vector<512x128xf32>
    %add3A_112 = vector.broadcast %add3A_105 : vector<1x128xf32> to vector<512x128xf32>
    %add3A_113 = arith.addf %dot_general3A_111, %add3A_112 : vector<512x128xf32>
    %mul3A_114 = arith.mulf %add3A_113, %slice3A_108 : vector<512x128xf32>
    %reduce_sum3A_115 = arith.constant dense<0.000000e+00> : vector<512xf32>
    %reduce_sum3A_116 = vector.multi_reduction <add>, %mul3A_114, %reduce_sum3A_115 [1] : vector<512x128xf32> to vector<512xf32>
    %broadcast_in_dim3A_117 = vector.shape_cast %reduce_sum3A_116 : vector<512xf32> to vector<512x1xf32>
    %reduce_sum3A_118 = arith.constant dense<0.000000e+00> : vector<128xf32>
    %reduce_sum3A_119 = vector.multi_reduction <add>, %slice3A_108, %reduce_sum3A_118 [0] : vector<512x128xf32> to vector<128xf32>
    %broadcast_in_dim3A_120 = vector.shape_cast %reduce_sum3A_119 : vector<128xf32> to vector<1x128xf32>
    %add3A_121 = arith.addf %add3A_105, %broadcast_in_dim3A_120 : vector<1x128xf32>
    %slice3A_122 = vector.extract_strided_slice %convert_element_type3A_107 {offsets = [512, 0], sizes = [512, 128], strides = [1, 1]} : vector<2048x128xf32> to vector<512x128xf32>
    %convert_element_type3A_123 = arith.truncf %slice3A_122 : vector<512x128xf32> to vector<512x128xbf16>
    %dot_general3A_124 = arith.constant dense<0.000000e+00> : vector<512x128xf32>
    %dot_general3A_125 = tpu.matmul %convert_element_type3A_48, %convert_element_type3A_123, %dot_general3A_124 {dimension_numbers = #tpu.dot_dimension_numbers<[1], [0], [0], [1], [0, 0, 1, 1], [], []>, transpose_lhs_hint = false} : vector<512x512xbf16>, vector<512x128xbf16>, vector<512x128xf32> -> vector<512x128xf32>
    %add3A_126 = vector.broadcast %add3A_121 : vector<1x128xf32> to vector<512x128xf32>
    %add3A_127 = arith.addf %dot_general3A_125, %add3A_126 : vector<512x128xf32>
    %mul3A_128 = arith.mulf %add3A_127, %slice3A_122 : vector<512x128xf32>
    %reduce_sum3A_129 = arith.constant dense<0.000000e+00> : vector<512xf32>
    %reduce_sum3A_130 = vector.multi_reduction <add>, %mul3A_128, %reduce_sum3A_129 [1] : vector<512x128xf32> to vector<512xf32>
    %broadcast_in_dim3A_131 = vector.shape_cast %reduce_sum3A_130 : vector<512xf32> to vector<512x1xf32>
    %reduce_sum3A_132 = arith.constant dense<0.000000e+00> : vector<128xf32>
    %reduce_sum3A_133 = vector.multi_reduction <add>, %slice3A_122, %reduce_sum3A_132 [0] : vector<512x128xf32> to vector<128xf32>
    %broadcast_in_dim3A_134 = vector.shape_cast %reduce_sum3A_133 : vector<128xf32> to vector<1x128xf32>
    %add3A_135 = arith.addf %add3A_121, %broadcast_in_dim3A_134 : vector<1x128xf32>
    %slice3A_136 = vector.extract_strided_slice %convert_element_type3A_107 {offsets = [1024, 0], sizes = [512, 128], strides = [1, 1]} : vector<2048x128xf32> to vector<512x128xf32>
    %convert_element_type3A_137 = arith.truncf %slice3A_136 : vector<512x128xf32> to vector<512x128xbf16>
    %dot_general3A_138 = arith.constant dense<0.000000e+00> : vector<512x128xf32>
    %dot_general3A_139 = tpu.matmul %convert_element_type3A_48, %convert_element_type3A_137, %dot_general3A_138 {dimension_numbers = #tpu.dot_dimension_numbers<[1], [0], [0], [1], [0, 0, 1, 1], [], []>, transpose_lhs_hint = false} : vector<512x512xbf16>, vector<512x128xbf16>, vector<512x128xf32> -> vector<512x128xf32>
    %add3A_140 = vector.broadcast %add3A_135 : vector<1x128xf32> to vector<512x128xf32>
    %add3A_141 = arith.addf %dot_general3A_139, %add3A_140 : vector<512x128xf32>
    %mul3A_142 = arith.mulf %add3A_141, %slice3A_136 : vector<512x128xf32>
    %reduce_sum3A_143 = arith.constant dense<0.000000e+00> : vector<512xf32>
    %reduce_sum3A_144 = vector.multi_reduction <add>, %mul3A_142, %reduce_sum3A_143 [1] : vector<512x128xf32> to vector<512xf32>
    %broadcast_in_dim3A_145 = vector.shape_cast %reduce_sum3A_144 : vector<512xf32> to vector<512x1xf32>
    %reduce_sum3A_146 = arith.constant dense<0.000000e+00> : vector<128xf32>
    %reduce_sum3A_147 = vector.multi_reduction <add>, %slice3A_136, %reduce_sum3A_146 [0] : vector<512x128xf32> to vector<128xf32>
    %broadcast_in_dim3A_148 = vector.shape_cast %reduce_sum3A_147 : vector<128xf32> to vector<1x128xf32>
    %add3A_149 = arith.addf %add3A_135, %broadcast_in_dim3A_148 : vector<1x128xf32>
    %slice3A_150 = vector.extract_strided_slice %convert_element_type3A_107 {offsets = [1536, 0], sizes = [512, 128], strides = [1, 1]} : vector<2048x128xf32> to vector<512x128xf32>
    %convert_element_type3A_151 = arith.truncf %slice3A_150 : vector<512x128xf32> to vector<512x128xbf16>
    %dot_general3A_152 = arith.constant dense<0.000000e+00> : vector<512x128xf32>
    %dot_general3A_153 = tpu.matmul %convert_element_type3A_48, %convert_element_type3A_151, %dot_general3A_152 {dimension_numbers = #tpu.dot_dimension_numbers<[1], [0], [0], [1], [0, 0, 1, 1], [], []>, transpose_lhs_hint = false} : vector<512x512xbf16>, vector<512x128xbf16>, vector<512x128xf32> -> vector<512x128xf32>
    %add3A_154 = vector.broadcast %add3A_149 : vector<1x128xf32> to vector<512x128xf32>
    %add3A_155 = arith.addf %dot_general3A_153, %add3A_154 : vector<512x128xf32>
    %mul3A_156 = arith.mulf %add3A_155, %slice3A_150 : vector<512x128xf32>
    %reduce_sum3A_157 = arith.constant dense<0.000000e+00> : vector<512xf32>
    %reduce_sum3A_158 = vector.multi_reduction <add>, %mul3A_156, %reduce_sum3A_157 [1] : vector<512x128xf32> to vector<512xf32>
    %broadcast_in_dim3A_159 = vector.shape_cast %reduce_sum3A_158 : vector<512xf32> to vector<512x1xf32>
    %reduce_sum3A_160 = arith.constant dense<0.000000e+00> : vector<128xf32>
    %reduce_sum3A_161 = vector.multi_reduction <add>, %slice3A_150, %reduce_sum3A_160 [0] : vector<512x128xf32> to vector<128xf32>
    %broadcast_in_dim3A_162 = vector.shape_cast %reduce_sum3A_161 : vector<128xf32> to vector<1x128xf32>
    %add3A_163 = arith.addf %add3A_149, %broadcast_in_dim3A_162 : vector<1x128xf32>
    %concatenate3A = tpu.concatenate %broadcast_in_dim3A_59, %broadcast_in_dim3A_73, %broadcast_in_dim3A_87, %broadcast_in_dim3A_101 in 0 : vector<512x1xf32>, vector<512x1xf32>, vector<512x1xf32>, vector<512x1xf32> -> vector<2048x1xf32>
    %concatenate3A_164 = tpu.concatenate %broadcast_in_dim3A_117, %broadcast_in_dim3A_131, %broadcast_in_dim3A_145, %broadcast_in_dim3A_159 in 0 : vector<512x1xf32>, vector<512x1xf32>, vector<512x1xf32>, vector<512x1xf32> -> vector<2048x1xf32>
    %iota3A_165 = tpu.iota {dimensions = array<i32: 0>} : vector<128x128xi32>
    %iota3A_166 = tpu.iota {dimensions = array<i32: 1>} : vector<128x128xi32>
    %lt3A_167 = arith.cmpi slt, %iota3A_165, %iota3A_166 : vector<128x128xi32>
    %convert_element_type3A_168 = arith.extui %lt3A_167 : vector<128x128xi1> to vector<128x128xi32>
    %convert_element_type3A_169 = arith.sitofp %convert_element_type3A_168 : vector<128x128xi32> to vector<128x128xf32>
    %sub3A_170 = arith.constant 6.400000e+02 : f32
    %sub3A_171 = vector.broadcast %sub3A_170 : f32 to vector<1x128xf32>
    %sub3A_172 = arith.subf %add3A_163, %sub3A_171 : vector<1x128xf32>
    %max3A = arith.constant 0.000000e+00 : f32
    %max3A_173 = vector.broadcast %max3A : f32 to vector<1x128xf32>
    %max3A_174 = arith.maximumf %sub3A_172, %max3A_173 : vector<1x128xf32>
    %add3A_175 = arith.constant 6.390000e+02 : f32
    %add3A_176 = vector.broadcast %add3A_175 : f32 to vector<1x128xf32>
    %add3A_177 = arith.addf %max3A_174, %add3A_176 : vector<1x128xf32>
    %div3A_178 = arith.constant 6.400000e+02 : f32
    %div3A_179 = vector.broadcast %div3A_178 : f32 to vector<1x128xf32>
    %div3A_180 = arith.divf %add3A_177, %div3A_179 : vector<1x128xf32>
    %floor3A = math.floor %div3A_180 : vector<1x128xf32>
    %mul3A_181 = arith.constant 6.400000e+02 : f32
    %mul3A_182 = vector.broadcast %mul3A_181 : f32 to vector<1x128xf32>
    %mul3A_183 = arith.mulf %floor3A, %mul3A_182 : vector<1x128xf32>
    %dot_general3A_184 = arith.constant dense<0.000000e+00> : vector<1x128xf32>
    %dot_general3A_185 = tpu.matmul %mul3A_183, %convert_element_type3A_169, %dot_general3A_184 {dimension_numbers = #tpu.dot_dimension_numbers<[1], [0], [0], [1], [0, 0, 1, 1], [], []>, precision = #tpu.contract_precision<fp32>, transpose_lhs_hint = false} : vector<1x128xf32>, vector<128x128xf32>, vector<1x128xf32> -> vector<1x128xf32>
    %convert_element_type3A_186 = arith.extui %eq3A_25 : vector<2048x128xi1> to vector<2048x128xi32>
    %convert_element_type3A_187 = arith.sitofp %convert_element_type3A_186 : vector<2048x128xi32> to vector<2048x128xf32>
    %convert_element_type3A_188 = arith.extui %eq3A_42 : vector<2048x128xi1> to vector<2048x128xi32>
    %convert_element_type3A_189 = arith.sitofp %convert_element_type3A_188 : vector<2048x128xi32> to vector<2048x128xf32>
    %mul3A_190 = vector.broadcast %dot_general3A_185 : vector<1x128xf32> to vector<2048x128xf32>
    %mul3A_191 = arith.mulf %mul3A_190, %convert_element_type3A_187 : vector<2048x128xf32>
    %reduce_sum3A_192 = arith.constant dense<0.000000e+00> : vector<2048xf32>
    %reduce_sum3A_193 = vector.multi_reduction <add>, %mul3A_191, %reduce_sum3A_192 [1] : vector<2048x128xf32> to vector<2048xf32>
    %broadcast_in_dim3A_194 = vector.shape_cast %reduce_sum3A_193 : vector<2048xf32> to vector<2048x1xf32>
    %convert_element_type3A_195 = arith.sitofp %broadcast_in_dim3A_23 : vector<2048x1xi32> to vector<2048x1xf32>
    %lt3A_196 = arith.constant 6.400000e+02 : f32
    %lt3A_197 = vector.broadcast %lt3A_196 : f32 to vector<2048x1xf32>
    %lt3A_198 = arith.cmpf olt, %concatenate3A, %lt3A_197 : vector<2048x1xf32>
    %mul3A_199 = arith.constant 6.400000e+02 : f32
    %mul3A_200 = vector.broadcast %mul3A_199 : f32 to vector<2048x1xf32>
    %mul3A_201 = arith.mulf %convert_element_type3A_195, %mul3A_200 : vector<2048x1xf32>
    %add3A_202 = arith.addf %mul3A_201, %concatenate3A : vector<2048x1xf32>
    %add3A_203 = arith.constant 5.120000e+03 : f32
    %add3A_204 = vector.broadcast %add3A_203 : f32 to vector<2048x1xf32>
    %add3A_205 = arith.addf %add3A_204, %broadcast_in_dim3A_194 : vector<2048x1xf32>
    %sub3A_206 = arith.constant 6.400000e+02 : f32
    %sub3A_207 = vector.broadcast %sub3A_206 : f32 to vector<2048x1xf32>
    %sub3A_208 = arith.subf %concatenate3A, %sub3A_207 : vector<2048x1xf32>
    %add3A_209 = arith.addf %add3A_205, %sub3A_208 : vector<2048x1xf32>
    %select_n3A_210 = arith.select %lt3A_198, %add3A_202, %add3A_209 : vector<2048x1xi1>, vector<2048x1xf32>
    %mul3A_211 = vector.broadcast %dot_general3A_185 : vector<1x128xf32> to vector<2048x128xf32>
    %mul3A_212 = arith.mulf %mul3A_211, %convert_element_type3A_189 : vector<2048x128xf32>
    %reduce_sum3A_213 = arith.constant dense<0.000000e+00> : vector<2048xf32>
    %reduce_sum3A_214 = vector.multi_reduction <add>, %mul3A_212, %reduce_sum3A_213 [1] : vector<2048x128xf32> to vector<2048xf32>
    %broadcast_in_dim3A_215 = vector.shape_cast %reduce_sum3A_214 : vector<2048xf32> to vector<2048x1xf32>
    %convert_element_type3A_216 = arith.sitofp %broadcast_in_dim3A_40 : vector<2048x1xi32> to vector<2048x1xf32>
    %lt3A_217 = arith.constant 6.400000e+02 : f32
    %lt3A_218 = vector.broadcast %lt3A_217 : f32 to vector<2048x1xf32>
    %lt3A_219 = arith.cmpf olt, %concatenate3A_164, %lt3A_218 : vector<2048x1xf32>
    %mul3A_220 = arith.constant 6.400000e+02 : f32
    %mul3A_221 = vector.broadcast %mul3A_220 : f32 to vector<2048x1xf32>
    %mul3A_222 = arith.mulf %convert_element_type3A_216, %mul3A_221 : vector<2048x1xf32>
    %add3A_223 = arith.addf %mul3A_222, %concatenate3A_164 : vector<2048x1xf32>
    %add3A_224 = arith.constant 5.120000e+03 : f32
    %add3A_225 = vector.broadcast %add3A_224 : f32 to vector<2048x1xf32>
    %add3A_226 = arith.addf %add3A_225, %broadcast_in_dim3A_215 : vector<2048x1xf32>
    %sub3A_227 = arith.constant 6.400000e+02 : f32
    %sub3A_228 = vector.broadcast %sub3A_227 : f32 to vector<2048x1xf32>
    %sub3A_229 = arith.subf %concatenate3A_164, %sub3A_228 : vector<2048x1xf32>
    %add3A_230 = arith.addf %add3A_226, %sub3A_229 : vector<2048x1xf32>
    %select_n3A_231 = arith.select %lt3A_219, %add3A_223, %add3A_230 : vector<2048x1xi1>, vector<2048x1xf32>
    %eq3A_232 = arith.constant 0 : i32
    %eq3A_233 = vector.broadcast %eq3A_232 : i32 to vector<2048x128xi32>
    %eq3A_234 = arith.cmpi eq, %iota3A, %eq3A_233 : vector<2048x128xi32>
    %jit3A_235 = arith.constant 0.000000e+00 : f32
    %broadcast_in_dim3A_236 = vector.shape_cast %select_n3A_210 : vector<2048x1xf32> to vector<2048x1xf32>
    %broadcast_in_dim3A_237 = vector.broadcast %broadcast_in_dim3A_236 : vector<2048x1xf32> to vector<2048x128xf32>
    %broadcast_in_dim3A_238 = vector.broadcast %jit3A_235 : f32 to vector<2048x128xf32>
    %select_n3A_239 = arith.select %eq3A_234, %broadcast_in_dim3A_237, %broadcast_in_dim3A_238 : vector<2048x128xi1>, vector<2048x128xf32>
    %eq3A_240 = arith.constant 1 : i32
    %eq3A_241 = vector.broadcast %eq3A_240 : i32 to vector<2048x128xi32>
    %eq3A_242 = arith.cmpi eq, %iota3A, %eq3A_241 : vector<2048x128xi32>
    %jit3A_243 = arith.constant 0.000000e+00 : f32
    %broadcast_in_dim3A_244 = vector.shape_cast %select_n3A_231 : vector<2048x1xf32> to vector<2048x1xf32>
    %broadcast_in_dim3A_245 = vector.broadcast %broadcast_in_dim3A_244 : vector<2048x1xf32> to vector<2048x128xf32>
    %broadcast_in_dim3A_246 = vector.broadcast %jit3A_243 : f32 to vector<2048x128xf32>
    %select_n3A_247 = arith.select %eq3A_242, %broadcast_in_dim3A_245, %broadcast_in_dim3A_246 : vector<2048x128xi1>, vector<2048x128xf32>
    %add3A_248 = arith.addf %select_n3A_239, %select_n3A_247 : vector<2048x128xf32>
    %eq3A_249 = arith.constant 2 : i32
    %eq3A_250 = vector.broadcast %eq3A_249 : i32 to vector<2048x128xi32>
    %eq3A_251 = arith.cmpi eq, %iota3A, %eq3A_250 : vector<2048x128xi32>
    %jit3A_252 = arith.constant 0.000000e+00 : f32
    %broadcast_in_dim3A_253 = vector.shape_cast %broadcast_in_dim3A_17 : vector<2048x1xf32> to vector<2048x1xf32>
    %broadcast_in_dim3A_254 = vector.broadcast %broadcast_in_dim3A_253 : vector<2048x1xf32> to vector<2048x128xf32>
    %broadcast_in_dim3A_255 = vector.broadcast %jit3A_252 : f32 to vector<2048x128xf32>
    %select_n3A_256 = arith.select %eq3A_251, %broadcast_in_dim3A_254, %broadcast_in_dim3A_255 : vector<2048x128xi1>, vector<2048x128xf32>
    %add3A_257 = arith.addf %add3A_248, %select_n3A_256 : vector<2048x128xf32>
    %eq3A_258 = arith.constant 3 : i32
    %eq3A_259 = vector.broadcast %eq3A_258 : i32 to vector<2048x128xi32>
    %eq3A_260 = arith.cmpi eq, %iota3A, %eq3A_259 : vector<2048x128xi32>
    %jit3A_261 = arith.constant 0.000000e+00 : f32
    %broadcast_in_dim3A_262 = vector.shape_cast %broadcast_in_dim3A_31 : vector<2048x1xf32> to vector<2048x1xf32>
    %broadcast_in_dim3A_263 = vector.broadcast %broadcast_in_dim3A_262 : vector<2048x1xf32> to vector<2048x128xf32>
    %broadcast_in_dim3A_264 = vector.broadcast %jit3A_261 : f32 to vector<2048x128xf32>
    %select_n3A_265 = arith.select %eq3A_260, %broadcast_in_dim3A_263, %broadcast_in_dim3A_264 : vector<2048x128xi1>, vector<2048x128xf32>
    %add3A_266 = arith.addf %add3A_257, %select_n3A_265 : vector<2048x128xf32>
    %transpose3A = tpu.transpose %add3A_266, [1, 0] : vector<2048x128xf32> -> vector<128x2048xf32>
    %swap3A = arith.constant 0 : index
    %swap3A_267 = arith.constant 0 : index
    %swap3A_268 = vector.load %arg2[%swap3A, %swap3A_267] : memref<128x2048xf32, #tpu.memory_space<vmem>>, vector<128x2048xf32>
    tpu.vector_store %arg2[%swap3A, %swap3A_267], %transpose3A {strides = array<i32>} : memref<128x2048xf32, #tpu.memory_space<vmem>>, vector<128x2048xf32>,
    %swap3A_269 = arith.constant 0 : index
    %swap3A_270 = arith.constant 0 : index
    %swap3A_271 = vector.load %arg3[%swap3A_269, %swap3A_270] : memref<1x128xf32, #tpu.memory_space<vmem>>, vector<1x128xf32>
    tpu.vector_store %arg3[%swap3A_269, %swap3A_270], %add3A_163 {strides = array<i32>} : memref<1x128xf32, #tpu.memory_space<vmem>>, vector<1x128xf32>,
    %convert_element_type3A_272 = arith.truncf %get3A_1 : vector<2048x1024xf32> to vector<2048x1024xbf16>
    %swap3A_273 = arith.constant 0 : index
    %swap3A_274 = arith.constant 0 : index
    %swap3A_275 = vector.load %arg4[%swap3A_273, %swap3A_274] : memref<2048x1024xbf16, #tpu.memory_space<vmem>>, vector<2048x1024xbf16>
    tpu.vector_store %arg4[%swap3A_273, %swap3A_274], %convert_element_type3A_272 {strides = array<i32>} : memref<2048x1024xbf16, #tpu.memory_space<vmem>>, vector<2048x1024xbf16>,
    %broadcast_in_dim3A_276 = vector.shape_cast %broadcast_in_dim3A_17 : vector<2048x1xf32> to vector<2048x1xf32>
    %broadcast_in_dim3A_277 = vector.broadcast %broadcast_in_dim3A_276 : vector<2048x1xf32> to vector<2048x16xf32>
    %swap3A_278 = arith.constant 0 : index
    %swap3A_279 = arith.constant 0 : index
    %swap3A_280 = vector.load %arg5[%swap3A_278, %swap3A_279] : memref<2048x16xf32, #tpu.memory_space<vmem>>, vector<2048x16xf32>
    tpu.vector_store %arg5[%swap3A_278, %swap3A_279], %broadcast_in_dim3A_277 {strides = array<i32>} : memref<2048x16xf32, #tpu.memory_space<vmem>>, vector<2048x16xf32>,
    %broadcast_in_dim3A_281 = vector.shape_cast %broadcast_in_dim3A_31 : vector<2048x1xf32> to vector<2048x1xf32>
    %broadcast_in_dim3A_282 = vector.broadcast %broadcast_in_dim3A_281 : vector<2048x1xf32> to vector<2048x16xf32>
    %swap3A_283 = arith.constant 0 : index
    %swap3A_284 = arith.constant 0 : index
    %swap3A_285 = vector.load %arg6[%swap3A_283, %swap3A_284] : memref<2048x16xf32, #tpu.memory_space<vmem>>, vector<2048x16xf32>
    tpu.vector_store %arg6[%swap3A_283, %swap3A_284], %broadcast_in_dim3A_282 {strides = array<i32>} : memref<2048x16xf32, #tpu.memory_space<vmem>>, vector<2048x16xf32>,
    return
  }
}

module attributes {stable_mosaic.version = 14 : i64} {
  func.func @_shared_body(%arg0: i32, %arg1: memref<2048x1024xbf16, #tpu.memory_space<vmem>>, %arg2: memref<256x1024xf32, #tpu.memory_space<vmem>>, %arg3: memref<256x1024xf32, #tpu.memory_space<vmem>>, %arg4: memref<1024x256xf32, #tpu.memory_space<vmem>>, %arg5: memref<2048x1024xf32, #tpu.memory_space<vmem>>) attributes {dimension_semantics = [#tpu.dimension_semantics<arbitrary>], iteration_bounds = array<i64: 8>, scalar_prefetch = 0 : i64, scratch_operands = 0 : i64, tpu.core_type = #tpu.core_type<tc>, window_params = [{pipeline_mode = #tpu.pipeline_mode<synchronous>, transform_indices = @transform_0, window_bounds = array<i64: 2048, 1024>}, {transform_indices = @transform_1, window_bounds = array<i64: 256, 1024>}, {transform_indices = @transform_2, window_bounds = array<i64: 256, 1024>}, {transform_indices = @transform_3, window_bounds = array<i64: 1024, 256>}, {pipeline_mode = #tpu.pipeline_mode<synchronous>, transform_indices = @transform_4, window_bounds = array<i64: 2048, 1024>}]} {
    %eq3A = arith.constant 0 : i32
    %eq3A_0 = arith.cmpi eq, %arg0, %eq3A : i32
    %convert_element_type3A = arith.extui %eq3A_0 : i1 to i32
    %cond3A = arith.constant 0 : i32
    %cond3A_1 = arith.cmpi ne, %convert_element_type3A, %cond3A : i32
    scf.if %cond3A_1 {
      %broadcast_in_dim3A = arith.constant 0.000000e+00 : f32
      %broadcast_in_dim3A_33 = vector.broadcast %broadcast_in_dim3A : f32 to vector<2048x1024xf32>
      %swap3A_34 = arith.constant 0 : index
      %swap3A_35 = arith.constant 0 : index
      %swap3A_36 = vector.load %arg5[%swap3A_34, %swap3A_35] : memref<2048x1024xf32, #tpu.memory_space<vmem>>, vector<2048x1024xf32>
      tpu.vector_store %arg5[%swap3A_34, %swap3A_35], %broadcast_in_dim3A_33 {strides = array<i32>} : memref<2048x1024xf32, #tpu.memory_space<vmem>>, vector<2048x1024xf32>,
    } else {
    }
    %get3A = arith.constant 0 : index
    %get3A_2 = arith.constant 0 : index
    %get3A_3 = vector.load %arg1[%get3A, %get3A_2] : memref<2048x1024xbf16, #tpu.memory_space<vmem>>, vector<2048x1024xbf16>
    %get3A_4 = arith.constant 0 : index
    %get3A_5 = arith.constant 0 : index
    %get3A_6 = vector.load %arg2[%get3A_4, %get3A_5] : memref<256x1024xf32, #tpu.memory_space<vmem>>, vector<256x1024xf32>
    %convert_element_type3A_7 = arith.truncf %get3A_6 : vector<256x1024xf32> to vector<256x1024xbf16>
    %get3A_8 = arith.constant 0 : index
    %get3A_9 = arith.constant 0 : index
    %get3A_10 = vector.load %arg3[%get3A_8, %get3A_9] : memref<256x1024xf32, #tpu.memory_space<vmem>>, vector<256x1024xf32>
    %convert_element_type3A_11 = arith.truncf %get3A_10 : vector<256x1024xf32> to vector<256x1024xbf16>
    %get3A_12 = arith.constant 0 : index
    %get3A_13 = arith.constant 0 : index
    %get3A_14 = vector.load %arg4[%get3A_12, %get3A_13] : memref<1024x256xf32, #tpu.memory_space<vmem>>, vector<1024x256xf32>
    %convert_element_type3A_15 = arith.truncf %get3A_14 : vector<1024x256xf32> to vector<1024x256xbf16>
    %dot_general3A = arith.constant dense<0.000000e+00> : vector<2048x256xf32>
    %dot_general3A_16 = tpu.matmul %get3A_3, %convert_element_type3A_7, %dot_general3A {dimension_numbers = #tpu.dot_dimension_numbers<[1], [1], [0], [0], [0, 0, 1, 0], [], []>, transpose_lhs_hint = false} : vector<2048x1024xbf16>, vector<256x1024xbf16>, vector<2048x256xf32> -> vector<2048x256xf32>
    %dot_general3A_17 = arith.constant dense<0.000000e+00> : vector<2048x256xf32>
    %dot_general3A_18 = tpu.matmul %get3A_3, %convert_element_type3A_11, %dot_general3A_17 {dimension_numbers = #tpu.dot_dimension_numbers<[1], [1], [0], [0], [0, 0, 1, 0], [], []>, transpose_lhs_hint = false} : vector<2048x1024xbf16>, vector<256x1024xbf16>, vector<2048x256xf32> -> vector<2048x256xf32>
    %logistic3A = arith.negf %dot_general3A_16 : vector<2048x256xf32>
    %logistic3A_19 = math.exp %logistic3A : vector<2048x256xf32>
    %logistic3A_20 = arith.constant 1.000000e+00 : f32
    %logistic3A_21 = vector.broadcast %logistic3A_20 : f32 to vector<2048x256xf32>
    %logistic3A_22 = arith.addf %logistic3A_21, %logistic3A_19 : vector<2048x256xf32>
    %logistic3A_23 = arith.divf %logistic3A_21, %logistic3A_22 : vector<2048x256xf32>
    %mul3A = arith.mulf %dot_general3A_16, %logistic3A_23 : vector<2048x256xf32>
    %mul3A_24 = arith.mulf %mul3A, %dot_general3A_18 : vector<2048x256xf32>
    %convert_element_type3A_25 = arith.truncf %mul3A_24 : vector<2048x256xf32> to vector<2048x256xbf16>
    %get3A_26 = arith.constant 0 : index
    %get3A_27 = arith.constant 0 : index
    %get3A_28 = vector.load %arg5[%get3A_26, %get3A_27] : memref<2048x1024xf32, #tpu.memory_space<vmem>>, vector<2048x1024xf32>
    %dot_general3A_29 = arith.constant dense<0.000000e+00> : vector<2048x1024xf32>
    %dot_general3A_30 = tpu.matmul %convert_element_type3A_25, %convert_element_type3A_15, %dot_general3A_29 {dimension_numbers = #tpu.dot_dimension_numbers<[1], [1], [0], [0], [0, 0, 1, 0], [], []>, transpose_lhs_hint = false} : vector<2048x256xbf16>, vector<1024x256xbf16>, vector<2048x1024xf32> -> vector<2048x1024xf32>
    %add3A = arith.addf %get3A_28, %dot_general3A_30 : vector<2048x1024xf32>
    %swap3A = arith.constant 0 : index
    %swap3A_31 = arith.constant 0 : index
    %swap3A_32 = vector.load %arg5[%swap3A, %swap3A_31] : memref<2048x1024xf32, #tpu.memory_space<vmem>>, vector<2048x1024xf32>
    tpu.vector_store %arg5[%swap3A, %swap3A_31], %add3A {strides = array<i32>} : memref<2048x1024xf32, #tpu.memory_space<vmem>>, vector<2048x1024xf32>,
    return
  }
  func.func @transform_0(%arg0: i32) -> (i32, i32) {
    %c0_i32 = arith.constant 0 : i32
    %c0_i32_0 = arith.constant 0 : i32
    %c0_i32_1 = arith.constant 0 : i32
    return %c0_i32, %c0_i32_0 : i32, i32
  }
  func.func @transform_1(%arg0: i32) -> (i32, i32) {
    %c0_i32 = arith.constant 0 : i32
    %c0_i32_0 = arith.constant 0 : i32
    return %arg0, %c0_i32 : i32, i32
  }
  func.func @transform_2(%arg0: i32) -> (i32, i32) {
    %c0_i32 = arith.constant 0 : i32
    %c0_i32_0 = arith.constant 0 : i32
    return %arg0, %c0_i32 : i32, i32
  }
  func.func @transform_3(%arg0: i32) -> (i32, i32) {
    %c0_i32 = arith.constant 0 : i32
    %c0_i32_0 = arith.constant 0 : i32
    return %c0_i32, %arg0 : i32, i32
  }
  func.func @transform_4(%arg0: i32) -> (i32, i32) {
    %c0_i32 = arith.constant 0 : i32
    %c0_i32_0 = arith.constant 0 : i32
    %c0_i32_1 = arith.constant 0 : i32
    return %c0_i32, %c0_i32_0 : i32, i32
  }
}

module attributes {stable_mosaic.version = 14 : i64} {
  func.func @_pass1_body(%arg0: i32, %arg1: i32, %arg2: memref<7xi32, #tpu.memory_space<smem>>, %arg3: memref<640x1024xf32, #tpu.memory_space<vmem>>, %arg4: memref<1x512x1024xf32, #tpu.memory_space<vmem>>, %arg5: memref<1x512x1024xf32, #tpu.memory_space<vmem>>, %arg6: memref<1x1024x512xf32, #tpu.memory_space<vmem>>, %arg7: memref<640x1024xf32, #tpu.memory_space<vmem>>, %arg8: memref<640x1024xbf16, #tpu.memory_space<vmem>>) attributes {dimension_semantics = [#tpu.dimension_semantics<arbitrary>, #tpu.dimension_semantics<arbitrary>], iteration_bounds = array<i64: 14, 8>, scalar_prefetch = 1 : i64, scratch_operands = 1 : i64, tpu.core_type = #tpu.core_type<tc>, window_params = [{transform_indices = @transform_0, window_bounds = array<i64: 640, 1024>}, {transform_indices = @transform_1, window_bounds = array<i64: 1, 512, 1024>}, {transform_indices = @transform_2, window_bounds = array<i64: 1, 512, 1024>}, {transform_indices = @transform_3, window_bounds = array<i64: 1, 1024, 512>}, {transform_indices = @transform_4, window_bounds = array<i64: 640, 1024>}]} {
    %get3A = arith.constant 6 : index
    %get3A_0 = memref.load %arg2[%get3A] : memref<7xi32, #tpu.memory_space<smem>>
    %add3A = arith.constant 8 : i32
    %add3A_1 = arith.addi %add3A, %get3A_0 : i32
    %lt3A = arith.cmpi slt, %arg0, %add3A_1 : i32
    %convert_element_type3A = arith.extui %lt3A : i1 to i32
    %cond3A = arith.constant 0 : i32
    %cond3A_2 = arith.cmpi ne, %convert_element_type3A, %cond3A : i32
    scf.if %cond3A_2 {
      %eq3A = arith.constant 0 : i32
      %eq3A_3 = arith.cmpi eq, %arg1, %eq3A : i32
      %convert_element_type3A_4 = arith.extui %eq3A_3 : i1 to i32
      %cond3A_5 = arith.constant 0 : i32
      %cond3A_6 = arith.cmpi ne, %convert_element_type3A_4, %cond3A_5 : i32
      scf.if %cond3A_6 {
        %get3A_46 = arith.constant 0 : index
        %get3A_47 = arith.constant 0 : index
        %get3A_48 = vector.load %arg3[%get3A_46, %get3A_47] : memref<640x1024xf32, #tpu.memory_space<vmem>>, vector<640x1024xf32>
        %convert_element_type3A_49 = arith.truncf %get3A_48 : vector<640x1024xf32> to vector<640x1024xbf16>
        %swap3A_50 = arith.constant 0 : index
        %swap3A_51 = arith.constant 0 : index
        %swap3A_52 = vector.load %arg8[%swap3A_50, %swap3A_51] : memref<640x1024xbf16, #tpu.memory_space<vmem>>, vector<640x1024xbf16>
        tpu.vector_store %arg8[%swap3A_50, %swap3A_51], %convert_element_type3A_49 {strides = array<i32>} : memref<640x1024xbf16, #tpu.memory_space<vmem>>, vector<640x1024xbf16>,
        %broadcast_in_dim3A = arith.constant 0.000000e+00 : f32
        %broadcast_in_dim3A_53 = vector.broadcast %broadcast_in_dim3A : f32 to vector<640x1024xf32>
        %swap3A_54 = arith.constant 0 : index
        %swap3A_55 = arith.constant 0 : index
        %swap3A_56 = vector.load %arg7[%swap3A_54, %swap3A_55] : memref<640x1024xf32, #tpu.memory_space<vmem>>, vector<640x1024xf32>
        tpu.vector_store %arg7[%swap3A_54, %swap3A_55], %broadcast_in_dim3A_53 {strides = array<i32>} : memref<640x1024xf32, #tpu.memory_space<vmem>>, vector<640x1024xf32>,
      } else {
      }
      %get3A_7 = arith.constant 0 : index
      %get3A_8 = arith.constant 0 : index
      %get3A_9 = vector.load %arg8[%get3A_7, %get3A_8] : memref<640x1024xbf16, #tpu.memory_space<vmem>>, vector<640x1024xbf16>
      %get3A_10 = arith.constant 0 : index
      %get3A_11 = arith.constant 0 : index
      %get3A_12 = arith.constant 0 : index
      %get3A_13 = vector.load %arg4[%get3A_10, %get3A_11, %get3A_12] : memref<1x512x1024xf32, #tpu.memory_space<vmem>>, vector<1x512x1024xf32>
      %get3A_14 = vector.shape_cast %get3A_13 : vector<1x512x1024xf32> to vector<512x1024xf32>
      %convert_element_type3A_15 = arith.truncf %get3A_14 : vector<512x1024xf32> to vector<512x1024xbf16>
      %get3A_16 = arith.constant 0 : index
      %get3A_17 = arith.constant 0 : index
      %get3A_18 = arith.constant 0 : index
      %get3A_19 = vector.load %arg5[%get3A_16, %get3A_17, %get3A_18] : memref<1x512x1024xf32, #tpu.memory_space<vmem>>, vector<1x512x1024xf32>
      %get3A_20 = vector.shape_cast %get3A_19 : vector<1x512x1024xf32> to vector<512x1024xf32>
      %convert_element_type3A_21 = arith.truncf %get3A_20 : vector<512x1024xf32> to vector<512x1024xbf16>
      %get3A_22 = arith.constant 0 : index
      %get3A_23 = arith.constant 0 : index
      %get3A_24 = arith.constant 0 : index
      %get3A_25 = vector.load %arg6[%get3A_22, %get3A_23, %get3A_24] : memref<1x1024x512xf32, #tpu.memory_space<vmem>>, vector<1x1024x512xf32>
      %get3A_26 = vector.shape_cast %get3A_25 : vector<1x1024x512xf32> to vector<1024x512xf32>
      %convert_element_type3A_27 = arith.truncf %get3A_26 : vector<1024x512xf32> to vector<1024x512xbf16>
      %dot_general3A = arith.constant dense<0.000000e+00> : vector<640x512xf32>
      %dot_general3A_28 = tpu.matmul %get3A_9, %convert_element_type3A_15, %dot_general3A {dimension_numbers = #tpu.dot_dimension_numbers<[1], [1], [0], [0], [0, 0, 1, 0], [], []>, transpose_lhs_hint = false} : vector<640x1024xbf16>, vector<512x1024xbf16>, vector<640x512xf32> -> vector<640x512xf32>
      %dot_general3A_29 = arith.constant dense<0.000000e+00> : vector<640x512xf32>
      %dot_general3A_30 = tpu.matmul %get3A_9, %convert_element_type3A_21, %dot_general3A_29 {dimension_numbers = #tpu.dot_dimension_numbers<[1], [1], [0], [0], [0, 0, 1, 0], [], []>, transpose_lhs_hint = false} : vector<640x1024xbf16>, vector<512x1024xbf16>, vector<640x512xf32> -> vector<640x512xf32>
      %logistic3A = arith.negf %dot_general3A_28 : vector<640x512xf32>
      %logistic3A_31 = math.exp %logistic3A : vector<640x512xf32>
      %logistic3A_32 = arith.constant 1.000000e+00 : f32
      %logistic3A_33 = vector.broadcast %logistic3A_32 : f32 to vector<640x512xf32>
      %logistic3A_34 = arith.addf %logistic3A_33, %logistic3A_31 : vector<640x512xf32>
      %logistic3A_35 = arith.divf %logistic3A_33, %logistic3A_34 : vector<640x512xf32>
      %mul3A = arith.mulf %dot_general3A_28, %logistic3A_35 : vector<640x512xf32>
      %mul3A_36 = arith.mulf %mul3A, %dot_general3A_30 : vector<640x512xf32>
      %convert_element_type3A_37 = arith.truncf %mul3A_36 : vector<640x512xf32> to vector<640x512xbf16>
      %get3A_38 = arith.constant 0 : index
      %get3A_39 = arith.constant 0 : index
      %get3A_40 = vector.load %arg7[%get3A_38, %get3A_39] : memref<640x1024xf32, #tpu.memory_space<vmem>>, vector<640x1024xf32>
      %dot_general3A_41 = arith.constant dense<0.000000e+00> : vector<640x1024xf32>
      %dot_general3A_42 = tpu.matmul %convert_element_type3A_37, %convert_element_type3A_27, %dot_general3A_41 {dimension_numbers = #tpu.dot_dimension_numbers<[1], [1], [0], [0], [0, 0, 1, 0], [], []>, transpose_lhs_hint = false} : vector<640x512xbf16>, vector<1024x512xbf16>, vector<640x1024xf32> -> vector<640x1024xf32>
      %add3A_43 = arith.addf %get3A_40, %dot_general3A_42 : vector<640x1024xf32>
      %swap3A = arith.constant 0 : index
      %swap3A_44 = arith.constant 0 : index
      %swap3A_45 = vector.load %arg7[%swap3A, %swap3A_44] : memref<640x1024xf32, #tpu.memory_space<vmem>>, vector<640x1024xf32>
      tpu.vector_store %arg7[%swap3A, %swap3A_44], %add3A_43 {strides = array<i32>} : memref<640x1024xf32, #tpu.memory_space<vmem>>, vector<640x1024xf32>,
    } else {
    }
    return
  }
  func.func @transform_0(%arg0: i32, %arg1: i32, %arg2: memref<7xi32, #tpu.memory_space<smem>>) -> (i32, i32) {
    %get3A = arith.constant 6 : index
    %get3A_0 = memref.load %arg2[%get3A] : memref<7xi32, #tpu.memory_space<smem>>
    %add3A = arith.constant 8 : i32
    %add3A_1 = arith.addi %add3A, %get3A_0 : i32
    %lt3A = arith.cmpi slt, %arg0, %add3A_1 : i32
    %sub3A = arith.constant 1 : i32
    %sub3A_2 = arith.subi %get3A_0, %sub3A : i32
    %max3A = arith.constant 0 : i32
    %max3A_3 = arith.maxsi %sub3A_2, %max3A : i32
    %add3A_4 = arith.constant 8 : i32
    %add3A_5 = arith.addi %add3A_4, %max3A_3 : i32
    %select_n3A = arith.select %lt3A, %arg0, %add3A_5 : i32
    %c0_i32 = arith.constant 0 : i32
    %c0_i32_6 = arith.constant 0 : i32
    return %select_n3A, %c0_i32 : i32, i32
  }
  func.func @transform_1(%arg0: i32, %arg1: i32, %arg2: memref<7xi32, #tpu.memory_space<smem>>) -> (i32, i32, i32) {
    %get3A = arith.constant 6 : index
    %get3A_0 = memref.load %arg2[%get3A] : memref<7xi32, #tpu.memory_space<smem>>
    %add3A = arith.constant 8 : i32
    %add3A_1 = arith.addi %add3A, %get3A_0 : i32
    %lt3A = arith.cmpi slt, %arg0, %add3A_1 : i32
    %lt3A_2 = arith.constant 8 : i32
    %lt3A_3 = arith.cmpi slt, %arg0, %lt3A_2 : i32
    %sub3A = arith.constant 8 : i32
    %sub3A_4 = arith.subi %arg0, %sub3A : i32
    %jit3A = arith.constant 0 : i32
    %jit3A_5 = arith.constant 5 : i32
    %max3A = arith.maxsi %jit3A, %sub3A_4 : i32
    %min3A = arith.minsi %jit3A_5, %max3A : i32
    %get3A_6 = arith.index_cast %min3A : i32 to index
    %get3A_7 = memref.load %arg2[%get3A_6] : memref<7xi32, #tpu.memory_space<smem>>
    %select_n3A = arith.select %lt3A_3, %arg0, %get3A_7 : i32
    %sub3A_8 = arith.constant 1 : i32
    %sub3A_9 = arith.subi %get3A_0, %sub3A_8 : i32
    %max3A_10 = arith.constant 0 : i32
    %max3A_11 = arith.maxsi %sub3A_9, %max3A_10 : i32
    %get3A_12 = arith.index_cast %max3A_11 : i32 to index
    %get3A_13 = memref.load %arg2[%get3A_12] : memref<7xi32, #tpu.memory_space<smem>>
    %select_n3A_14 = arith.select %lt3A, %select_n3A, %get3A_13 : i32
    %jit3A_15 = arith.constant 0 : i32
    %select_n3A_16 = arith.select %lt3A, %arg1, %jit3A_15 : i32
    %c0_i32 = arith.constant 0 : i32
    %c0_i32_17 = arith.constant 0 : i32
    return %select_n3A_14, %select_n3A_16, %c0_i32 : i32, i32, i32
  }
  func.func @transform_2(%arg0: i32, %arg1: i32, %arg2: memref<7xi32, #tpu.memory_space<smem>>) -> (i32, i32, i32) {
    %get3A = arith.constant 6 : index
    %get3A_0 = memref.load %arg2[%get3A] : memref<7xi32, #tpu.memory_space<smem>>
    %add3A = arith.constant 8 : i32
    %add3A_1 = arith.addi %add3A, %get3A_0 : i32
    %lt3A = arith.cmpi slt, %arg0, %add3A_1 : i32
    %lt3A_2 = arith.constant 8 : i32
    %lt3A_3 = arith.cmpi slt, %arg0, %lt3A_2 : i32
    %sub3A = arith.constant 8 : i32
    %sub3A_4 = arith.subi %arg0, %sub3A : i32
    %jit3A = arith.constant 0 : i32
    %jit3A_5 = arith.constant 5 : i32
    %max3A = arith.maxsi %jit3A, %sub3A_4 : i32
    %min3A = arith.minsi %jit3A_5, %max3A : i32
    %get3A_6 = arith.index_cast %min3A : i32 to index
    %get3A_7 = memref.load %arg2[%get3A_6] : memref<7xi32, #tpu.memory_space<smem>>
    %select_n3A = arith.select %lt3A_3, %arg0, %get3A_7 : i32
    %sub3A_8 = arith.constant 1 : i32
    %sub3A_9 = arith.subi %get3A_0, %sub3A_8 : i32
    %max3A_10 = arith.constant 0 : i32
    %max3A_11 = arith.maxsi %sub3A_9, %max3A_10 : i32
    %get3A_12 = arith.index_cast %max3A_11 : i32 to index
    %get3A_13 = memref.load %arg2[%get3A_12] : memref<7xi32, #tpu.memory_space<smem>>
    %select_n3A_14 = arith.select %lt3A, %select_n3A, %get3A_13 : i32
    %jit3A_15 = arith.constant 0 : i32
    %select_n3A_16 = arith.select %lt3A, %arg1, %jit3A_15 : i32
    %c0_i32 = arith.constant 0 : i32
    %c0_i32_17 = arith.constant 0 : i32
    return %select_n3A_14, %select_n3A_16, %c0_i32 : i32, i32, i32
  }
  func.func @transform_3(%arg0: i32, %arg1: i32, %arg2: memref<7xi32, #tpu.memory_space<smem>>) -> (i32, i32, i32) {
    %get3A = arith.constant 6 : index
    %get3A_0 = memref.load %arg2[%get3A] : memref<7xi32, #tpu.memory_space<smem>>
    %add3A = arith.constant 8 : i32
    %add3A_1 = arith.addi %add3A, %get3A_0 : i32
    %lt3A = arith.cmpi slt, %arg0, %add3A_1 : i32
    %lt3A_2 = arith.constant 8 : i32
    %lt3A_3 = arith.cmpi slt, %arg0, %lt3A_2 : i32
    %sub3A = arith.constant 8 : i32
    %sub3A_4 = arith.subi %arg0, %sub3A : i32
    %jit3A = arith.constant 0 : i32
    %jit3A_5 = arith.constant 5 : i32
    %max3A = arith.maxsi %jit3A, %sub3A_4 : i32
    %min3A = arith.minsi %jit3A_5, %max3A : i32
    %get3A_6 = arith.index_cast %min3A : i32 to index
    %get3A_7 = memref.load %arg2[%get3A_6] : memref<7xi32, #tpu.memory_space<smem>>
    %select_n3A = arith.select %lt3A_3, %arg0, %get3A_7 : i32
    %sub3A_8 = arith.constant 1 : i32
    %sub3A_9 = arith.subi %get3A_0, %sub3A_8 : i32
    %max3A_10 = arith.constant 0 : i32
    %max3A_11 = arith.maxsi %sub3A_9, %max3A_10 : i32
    %get3A_12 = arith.index_cast %max3A_11 : i32 to index
    %get3A_13 = memref.load %arg2[%get3A_12] : memref<7xi32, #tpu.memory_space<smem>>
    %select_n3A_14 = arith.select %lt3A, %select_n3A, %get3A_13 : i32
    %jit3A_15 = arith.constant 0 : i32
    %select_n3A_16 = arith.select %lt3A, %arg1, %jit3A_15 : i32
    %c0_i32 = arith.constant 0 : i32
    %c0_i32_17 = arith.constant 0 : i32
    return %select_n3A_14, %c0_i32, %select_n3A_16 : i32, i32, i32
  }
  func.func @transform_4(%arg0: i32, %arg1: i32, %arg2: memref<7xi32, #tpu.memory_space<smem>>) -> (i32, i32) {
    %get3A = arith.constant 6 : index
    %get3A_0 = memref.load %arg2[%get3A] : memref<7xi32, #tpu.memory_space<smem>>
    %add3A = arith.constant 8 : i32
    %add3A_1 = arith.addi %add3A, %get3A_0 : i32
    %lt3A = arith.cmpi slt, %arg0, %add3A_1 : i32
    %sub3A = arith.constant 1 : i32
    %sub3A_2 = arith.subi %get3A_0, %sub3A : i32
    %max3A = arith.constant 0 : i32
    %max3A_3 = arith.maxsi %sub3A_2, %max3A : i32
    %add3A_4 = arith.constant 8 : i32
    %add3A_5 = arith.addi %add3A_4, %max3A_3 : i32
    %select_n3A = arith.select %lt3A, %arg0, %add3A_5 : i32
    %c0_i32 = arith.constant 0 : i32
    %c0_i32_6 = arith.constant 0 : i32
    return %select_n3A, %c0_i32 : i32, i32
  }
}

</mosaic_0001>

<sc_bundles>
// kernel: kernel.10.cloned.1.call-start
scs
__scs_entry_jumppad:
0x0: {  	(pc) =	sbr.rel $0x88, $3  }
0x1: {  	(tag) =	ssettag $0x0;
	lr =	simm.s32 $0x1  }
0x2: {  	[smem:$0x3F99] =	sst lr;
	_ =	strace $0xD0000000  }
0x3: {  	_ = 	snop  }
0x4: {  	_ = 	snop  }
0x5: {  	_ = 	snop  }
0x6: {  	_ = 	snop  }
0x7: {  	_ = 	snop  }
__scs_overlays_trampoline_lowered:
0x8: {  	[smem:$0x3FA8] =	sst s0  }
0x9: {  	[smem:$0x3FA9] =	sst s1  }
0xa: {  	[smem:$0x3FAA] =	sst s2  }
0xb: {  	[smem:$0x3FAB] =	sst s3  }
0xc: {  	[smem:$0x3FAC] =	sst s4  }
0xd: {  	[smem:$0x3FAD] =	sst s5  }
0xe: {  	[smem:$0x3FAE] =	sst s6  }
0xf: {  	[smem:$0x3FAF] =	sst s7  }
0x10: {  	[smem:$0x3FB0] =	sst s8  }
0x11: {  	[smem:$0x3FB1] =	sst s9;
	s0 =	simm.s32 @!p0 $0x0  }
0x12: {  	s1 =	sld [smem:$0x3F97];
	s0 =	simm.s32 @p0 $0x1  }
0x13: {  	[smem:$0x3FB2] =	sst s0;
	s0 =	simm.s32 @!p1 $0x0  }
0x14: {  	s2 =	sld [smem:$0x3F96];
	s0 =	simm.s32 @p1 $0x1  }
0x15: {  	[smem:$0x3FB3] =	sst s0;
	s0 =	simm.s32 @!p2 $0x0  }
0x16: {  	s3 =	sld [smem:$0x3FDB];
	s0 =	simm.s32 @p2 $0x1  }
0x17: {  	s4 =	simm.s32 $0x1BF5;
	[smem:$0x3FB5] =	sst s0  }
0x18: {  	s0 =	sld [smem:$0x3F98];
	_ =	swait.ge [sflag:s4], $0x0  }
0x19: {  	s7 =	sld [smem:$0x3F99]  }
0x1a: {  	s8 =	sadd.s32 $0xFFFFE003, lr  }
0x1b: {  	s9 =	sadd.s32 $0xFFFFFEF7, lr;
	s5 =	simm.s32 $0xFFFFFFFF;
	p2 =	slt.u32 s8, $0xFFFFF086  }
0x1c: {  	p1 =	slt.u32 s9, $0xF7A;
	s5 =	simm.s32 @!p2 $0x0  }
0x1d: {  	s5 =	simm.s32 @p1 $0x1;
	p0 =	seq.s32 s7, s2  }
0x1e: {  	s7 =	smul.u32 @!p0 $0xF7A, s2;
	p2 =	seq.s32 @!p0 s5, $0x0  }
0x1f: {  	s9 =	smul.u32 $0xF7A, s1;
	s8 =	simm.s32 @!p0 $0x1BF5;
	p2 =	por !p2, p0  }
0x20: {  	[sflag:s8] =	ssyncset.s32 @!p0 $0xFFFFF086;
	s6 =	sadd.s32 @!p0 s3, s7;
	s7 =	simm.s32 @!p0 $0x108  }
0x21: {  	s3 =	sadd.s32 s3, s9;
	s6 =	sadd.s32 @!p0 $0x88, s6;
	s7 =	simm.s32 @p2 $0x1082  }
0x22: {  	[simem:s7], [sflag:s8] =	dma.local @!p0 [hbm:s6], $0xF7A  }
0x23: {  	s9 =	sor.u32 $0xD0000000, s2;
	s6 =	simm.s32 $0x108;
	_ =	swait.ge @!p0 [sflag:s8], $0x0  }
0x24: {  	s3 =	sadd.s32 $0x88, s3;
	s6 =	simm.s32 @!p1 $0x1082;
	[sflag:s4] =	ssyncset.s32 $0xFFFFF086  }
0x25: {  	[simem:s6], [sflag:s4] =	dma.local [hbm:s3], $0xF7A  }
0x26: {  	[smem:$0x3F99] =	sst s1;
	(tag) =	ssettag s2;
	_ =	strace s9  }
0x27: {  	s1 =	sld [smem:$0x3FA9]  }
0x28: {  	s2 =	sld [smem:$0x3FAA]  }
0x29: {  	s4 =	sld [smem:$0x3FAC]  }
0x2a: {  	p0 =	seq.s32 s5, $0x0;
	s5 =	sld [smem:$0x3FAD]  }
0x2b: {  	s6 =	sld [smem:$0x3FAE]  }
0x2c: {  	s7 =	sld [smem:$0x3FAF]  }
0x2d: {  	s3 =	simm.s32 $0x108;
	s8 =	sld [smem:$0x3FB0]  }
0x2e: {  	s3 =	simm.s32 @!p0 $0x1082;
	s9 =	sld [smem:$0x3FB1]  }
0x2f: {  	lr =	sadd.s32 s0, s3;
	s0 =	sld [smem:$0x3FA8]  }
0x30: {  	s3 =	sld [smem:$0x3FAB]  }
0x31: {  	[smem:$0x3FB4] =	sst s10  }
0x32: {  	s10 =	sld [smem:$0x3FB2];
	_ =	sdelay $0x3  }
0x33: {  	p0 =	seq.s32 s10, $0x1;
	s10 =	sld [smem:$0x3FB4];
	_ =	sdelay $0x3  }
0x34: {  	[smem:$0x3FB4] =	sst s10  }
0x35: {  	s10 =	sld [smem:$0x3FB3];
	_ =	sdelay $0x3  }
0x36: {  	p1 =	seq.s32 s10, $0x1;
	s10 =	sld [smem:$0x3FB4];
	_ =	sdelay $0x3  }
0x37: {  	[smem:$0x3FB4] =	sst s10  }
0x38: {  	s10 =	sld [smem:$0x3FB5]  }
0x39: {  	_ = 	snop;
	(pc) =	sbr.ind lr, $3  }
0x3a: {  	_ = 	snop  }
0x3b: {  	_ = 	snop  }
0x3c: {  	p2 =	seq.s32 s10, $0x1;
	s10 =	sld [smem:$0x3FB4]  }
0x3d: {  	_ =	shalt  }
0x3e: {  	_ =	shalt  }
0x3f: {  	_ =	shalt  }
0x40: {  	_ =	shalt  }
0x41: {  	_ =	shalt  }
0x42: {  	_ =	shalt  }
0x43: {  	_ =	shalt  }
0x44: {  	_ =	shalt  }
0x45: {  	_ =	shalt  }
0x46: {  	_ =	shalt  }
0x47: {  	_ =	shalt  }
0x48: {  	_ =	shalt  }
0x49: {  	_ =	shalt  }
0x4a: {  	_ =	shalt  }
0x4b: {  	_ =	shalt  }
0x4c: {  	_ =	shalt  }
0x4d: {  	_ =	shalt  }
0x4e: {  	_ =	shalt  }
0x4f: {  	_ =	shalt  }
0x50: {  	_ =	shalt  }
0x51: {  	_ =	shalt  }
0x52: {  	_ =	shalt  }
0x53: {  	_ =	shalt  }
0x54: {  	_ =	shalt  }
0x55: {  	_ =	shalt  }
0x56: {  	_ =	shalt  }
0x57: {  	_ =	shalt  }
0x58: {  	_ =	shalt  }
0x59: {  	_ =	shalt  }
0x5a: {  	_ =	shalt  }
0x5b: {  	_ =	shalt  }
0x5c: {  	_ =	shalt  }
0x5d: {  	_ =	shalt  }
0x5e: {  	_ =	shalt  }
0x5f: {  	_ =	shalt  }
0x60: {  	_ =	shalt  }
0x61: {  	_ =	shalt  }
0x62: {  	_ =	shalt  }
0x63: {  	_ =	shalt  }
0x64: {  	_ =	shalt  }
0x65: {  	_ =	shalt  }
0x66: {  	_ =	shalt  }
0x67: {  	_ =	shalt  }
0x68: {  	_ =	shalt  }
0x69: {  	_ =	shalt  }
0x6a: {  	_ =	shalt  }
0x6b: {  	_ =	shalt  }
0x6c: {  	_ =	shalt  }
0x6d: {  	_ =	shalt  }
0x6e: {  	_ =	shalt  }
0x6f: {  	_ =	shalt  }
0x70: {  	_ =	shalt  }
0x71: {  	_ =	shalt  }
0x72: {  	_ =	shalt  }
0x73: {  	_ =	shalt  }
0x74: {  	_ =	shalt  }
0x75: {  	_ =	shalt  }
0x76: {  	_ =	shalt  }
0x77: {  	_ =	shalt  }
0x78: {  	_ =	shalt  }
0x79: {  	_ =	shalt  }
0x7a: {  	_ =	shalt  }
0x7b: {  	_ =	shalt  }
0x7c: {  	_ =	shalt  }
0x7d: {  	_ =	shalt  }
0x7e: {  	_ =	shalt  }
0x7f: {  	_ =	shalt  }
0x80: {  	_ =	shalt  }
0x81: {  	_ =	shalt  }
0x82: {  	_ =	shalt  }
0x83: {  	_ =	shalt  }
0x84: {  	_ =	shalt  }
0x85: {  	_ =	shalt  }
0x86: {  	_ =	shalt  }
0x87: {  	_ =	shalt  }
.Lfunc_end0:
.L_simem_size_0:
called_computation.1_lowered:
.L_overlay_start_0:
0x88: {  	s2 =	sld [smem:$0x3FD9]  }
0x89: {  	s3 =	sld [smem:$0x3FFE];
	_ =	sdelay $0x1  }
0x8a: {  	s1 =	srdreg.scid  }
0x8b: {  	s0 =	sand.u32 $0x1, s1  }
0x8c: {  	s17 =	sshll.u32 s0, $0xA;
	s2 =	sadd.s32 s3, s2  }
0x8d: {  	s2 =	sadd.s32 s2, s17  }
0x8e: {  	[smem:$0x3FC0] =	sst s2  }
0x8f: {  	_ = 	snop  }
0x90: {  	s2 =	sld [smem:$0x3FD0];
	(tm) =	ssettm $0x1  }
0x91: {  	s18 =	sld [smem:$0x3FFB];
	_ =	sdelay $0x3  }
0x92: {  	_ =	strace s18  }
0x93: {  	s3 =	sld [smem:$0x3FFC];
	_ =	sdelay $0x3  }
0x94: {  	_ =	strace s3  }
0x95: {  	s3 =	sld [smem:$0x3FFD];
	_ =	sdelay $0x3  }
0x96: {  	_ =	strace s3  }
0x97: {  	_ =	strace $0x8FFFFFFF  }
0x98: {  	s19 =	sld [smem:$0x3FDB];
	_ =	sdelay $0x1  }
0x99: {  	s4 =	simm.s32 $_scs_section_size  }
0x9a: {  	s5 =	simm.s32 $_size__tile_overlayer_lowered;
	s6 =	simm.s32 $_tile_overlayer_lowered  }
0x9b: {  	s22 =	simm.s32 $0x1BFF;
	s21 =	sshll.u32 s6, $0x1;
	s3 =	sadd.s32 s4, s19  }
0x9c: {  	s7 =	simm.s32 $0x0;
	s20 =	sshll.u32 s5, $0x1;
	s5 =	sadd.s32 s21, s3  }
0x9d: {  	[timem:s7], [sflag:s22] =	dma.local [hbm:s5], s20  }
0x9e: {  	_ =	swait.ge [sflag:s22], s20  }
0x9f: {  	s4 =	ssub.s32 $0x0, s20;
	[sflag:s22] =	ssyncset.done $0x0  }
0xa0: {  	[sflag:s22] =	ssyncadd.s32 s4;
	_ =	sdelay $0x1  }
0xa1: {  	s23 =	simm.s32 $0x1B8B  }
0xa2: {  	_ =	swait.ge [sflag:s23], $0x1  }
0xa3: {  	[sflag:s23] =	ssyncset.done $0x0  }
0xa4: {  	s25 =	simm.s32 $0x1B8E;
	s24 =	sld [smem:$0x3FFE];
	[sflag:s23] =	ssyncadd.s32 $0xFFFFFFFF  }
0xa5: {  	s26 =	simm.s32 $execute0_lowered;
	[smem:$0x3FD2] =	sst s25  }
0xa6: {  	s5 =	sshll.u32 s26, $0x1;
	_ =	strace $0x80000049;
	[dreg:$0x1] =	wrdreg $0xFFFFFFFF  }
0xa7: {  	s28 =	simm.s32 $_size_execute0_lowered;
	s3 =	sadd.s32 s3, s5;
	[dreg:$0x0] =	wrdreg $0x0  }
0xa8: {  	s5 =	sshll.u32 s28, $0x1;
	[dreg:$0x2] =	wrdreg s3  }
0xa9: {  	[dreg:$0x3] =	wrdreg s5  }
0xaa: {  	[dreg:$0x4] =	wrdreg $0xC0  }
0xab: {  	_ =	task [dreg:s7], $0x5FFFF  }
0xac: {  	[dreg:$0x1] =	wrdreg $0xFFFFFFFF  }
0xad: {  	[dreg:$0x0] =	wrdreg $0x60  }
0xae: {  	[dreg:$0x2] =	wrdreg s24  }
0xaf: {  	[dreg:$0x3] =	wrdreg s2  }
0xb0: {  	[dreg:$0x4] =	wrdreg $0x9  }
0xb1: {  	_ =	task.clear_ibuf [dreg:s7], $0x5FFFF;
	_ =	strace $0x90000049  }
0xb2: {  	s29 =	simm.s32 $0x9;
	_ =	strace $0x8000004B  }
0xb3: {  	_ =	swait.ge [sflag:s29], $0x1  }
0xb4: {  	[sflag:s29] =	ssyncadd.s32 $0xFFFFFFFF  }
0xb5: {  	_ =	strace $0x9000004B  }
0xb6: {  	_ =	sfence  }
0xb7: {  	s30 =	sld [smem:$0x0];
	_ =	sdelay $0x2  }
0xb8: {  	s31 =	sshll.u32 s1, $0xD;
	s1 =	sshrl.u32 s1, $0x2  }
0xb9: {  	s3 =	sand.u32 $0x4000, s31;
	s1 =	sadd.s32 s1, s30  }
0xba: {  	s0 =	sor.u32 s3, s0;
	s1 =	sshll.u32 s1, $0x11  }
0xbb: {  	s0 =	sor.u32 s1, s0  }
0xbc: {  	s0 =	sadd.s32 $0x8F2B, s0  }
0xbd: {  	[sflag:s0] =	ssyncadd.remote.s32 $0x1  }
0xbe: {  	_ =	sfence.sel $0xFFFF  }
0xbf: {  	[dreg:$0x0] =	wrdreg $0xFFFFFFFF;
	(pc) =	sbr.abs _section_cstart, $3  }
0xc0: {  	[dreg:$0x1] =	wrdreg $0xFFFFFFFF  }
0xc1: {  	_ =	task.clear_ibuf [dreg:s7], $0x2FFFF;
	_ =	strace $0x9FFFFFFF  }
0xc2: {  	(tm) =	ssettm $0x7FFFFFFF  }
0xc3: {  	_ =	shalt  }
tec
execute0_lowered:
.L_overlay_start_1:
0x0: {  	(tag) =	ssettag $0x1  }
0x1: {  	s0 =	rddreg [dreg:$0x0]  }
0x2: {  	s2 =	rddreg [dreg:$0x1];
	s1 =	simm.s32 $0x0  }
0x3: {  	s3 =	srdreg.scid;
	s9 =	stileid.u32;
	s4 =	sadd.s32 $0x1200, s0  }
0x4: {  	s5 =	sadd.s32 $0x9200, s0;
	s6 =	sadd.s32 $0x11200, s0;
	s8 =	sshll.u32 s9, $0x7  }
0x5: {  	s9 =	sshll.u32 s9, $0xA;
	s20 =	sadd.s32 $0x1210, s0;
	[smem:$0x7FF] =	sst s1  }
0x6: {  	s3 =	sand.u32 $0x1, s3;
	s28 =	sadd.s32 $0x171300, s0;
	s30 =	sadd.s32 $0x171400, s0  }
0x7: {  	s31 =	sadd.s32 $0x171500, s0;
	s7 =	ssub.s32 $0x2, s3;
	s3 =	sshll.u32 s3, $0x6  }
0x8: {  	s10 =	sshrl.u32 s7, $0x1;
	s8 =	sor.u32 s3, s8;
	s3 =	sor.u32 s3, s9  }
0x9: {  	s7 =	ssub.s32 s7, s10;
	s3 =	sshrl.u32 s3, $0x3;
	s10 =	sor.u32 $0x10, s8  }
0xa: {  	s21 =	sshll.u32 s8, $0x4;
	s14 =	sor.u32 $0x30, s8;
	s11 =	sadd.s32 s4, s3  }
0xb: {  	s12 =	sand.u32 $0x50, s10;
	s3 =	sadd.s32 s3, s20;
	[dreg:$0x3] =	wrdreg s11  }
0xc: {  	s13 =	sadd.s32 s5, s21;
	s23 =	sshll.u32 s10, $0x4;
	[dreg:$0x4] =	wrdreg s3  }
0xd: {  	s25 =	sand.u32 $0x70, s14;
	s12 =	sor.u32 s9, s12;
	[dreg:$0x5] =	wrdreg s13  }
0xe: {  	s3 =	sadd.s32 s6, s21;
	s15 =	sadd.s32 s5, s23;
	s21 =	sshll.u32 s8, $0x7  }
0xf: {  	s11 =	simm.s32 $0x0;
	[dreg:$0x6] =	wrdreg s3;
	s22 =	sshrl.u32 s12, $0x3  }
0x10: {  	[dreg:$0x9] =	wrdreg s15;
	s15 =	simm.s32 $0x1;
	s12 =	sadd.s32 s4, s22  }
0x11: {  	s3 =	sadd.s32 s22, s20;
	s22 =	sadd.s32 $0x131200, s0;
	[dreg:$0x7] =	wrdreg s12  }
0x12: {  	[dreg:$0x8] =	wrdreg s3;
	s3 =	sor.u32 $0x20, s8;
	s12 =	sadd.s32 s6, s23  }
0x13: {  	s23 =	sshll.u32 s10, $0x7;
	s8 =	sadd.s32 s22, s21;
	s10 =	simm.s32 $0xE000  }
0x14: {  	s24 =	sand.u32 $0x60, s3;
	[dreg:$0xa] =	wrdreg s12;
	s16 =	sshll.u32 s3, $0x4  }
0x15: {  	s3 =	sshll.u32 s3, $0x7;
	s13 =	sor.u32 s9, s24;
	s18 =	sadd.s32 s5, s16  }
0x16: {  	s19 =	sadd.s32 s6, s16;
	s26 =	sshrl.u32 s13, $0x3;
	[dreg:$0xf] =	wrdreg s18  }
0x17: {  	s9 =	sor.u32 s9, s25;
	[dreg:$0x10] =	wrdreg s19;
	s13 =	sadd.s32 s4, s26  }
0x18: {  	s9 =	sshrl.u32 s9, $0x3;
	s12 =	sadd.s32 s26, s20;
	[dreg:$0xb] =	wrdreg s13  }
0x19: {  	s24 =	sshll.u32 s14, $0x7;
	s4 =	sadd.s32 s4, s9;
	[dreg:$0xc] =	wrdreg s12  }
0x1a: {  	s17 =	sadd.s32 s9, s20;
	s20 =	sshll.u32 s14, $0x4;
	[dreg:$0xd] =	wrdreg s4  }
0x1b: {  	s25 =	sadd.s32 s22, s23;
	[dreg:$0xe] =	wrdreg s17;
	s5 =	sadd.s32 s5, s20  }
0x1c: {  	s16 =	simm.s32 $0x3;
	s4 =	sadd.s32 s6, s20;
	[dreg:$0x11] =	wrdreg s5  }
0x1d: {  	s29 =	sadd.s32 s2, s24;
	s19 =	simm.s32 $0xF000;
	[dreg:$0x12] =	wrdreg s4  }
0x1e: {  	s4 =	sadd.s32 s2, s21;
	_ =	strace $0x8000004A;
	[dreg:$0x13] =	wrdreg s8  }
0x1f: {  	s26 =	sadd.s32 s22, s3;
	s3 =	sadd.s32 s2, s3;
	[dreg:$0x14] =	wrdreg s4  }
0x20: {  	s14 =	simm.s32 $0xE800;
	s6 =	sadd.s32 s2, s23;
	[dreg:$0x15] =	wrdreg s25  }
0x21: {  	s9 =	simm.s32 $0x5;
	s13 =	simm.s32 $0xD800;
	[dreg:$0x16] =	wrdreg s6  }
0x22: {  	s20 =	simm.s32 $0x14000;
	s5 =	sadd.s32 s22, s24;
	[dreg:$0x17] =	wrdreg s26  }
0x23: {  	s2 =	simm.s32 $0x18000;
	s21 =	simm.s32 $0x4;
	[dreg:$0x18] =	wrdreg s5  }
0x24: {  	v2 =	vlaneseq.u32;
	s22 =	simm.s32 $0x6;
	[dreg:$0x19] =	wrdreg s3;
	s26 =	sadd.s32 $0x171200, s0  }
0x25: {  	vm0 =	vmmov $0xffff;
	v1 =	vshrl.u32 v2, $0x3;
	s0 =	smax.u32 s7, $0x1;
	s3 =	simm.s32 $0x7;
	s6 =	simm.s32 $0x10000  }
0x26: {  	v0 =	vand.u32 $0x7, v2;
	v2 =	vor.u32 $0x8, v2;
	v1 =	vmul.u32 $0x8, v1;
	s7 =	simm.s32 $0x18080;
	s8 =	simm.s32 $0xF800;
	s4 =	simm.s32 $0x2  }
.LBB2_1:
0x27: {  	s5 =	rddreg [dreg:$0x3]  }
0x28: {  	[tilespmem:s2], [sflag:$0x7] =	stream.linear.gather [hbm4b:s5+s1], $0x10, $0x38;
	[tilespmem:$0x1A300] =	vst v63  }
0x29: {  	_ =	swait.ge [sflag:s3], $0x10  }
0x2a: {  	[sflag:s3] =	ssyncset.done $0x0  }
0x2b: {  	[sflag:s3] =	ssyncadd.s32 $0xFFFFFFF0  }
0x2c: {  	v3 =	vld [tilespmem:$0x18000];
	_ =	sdelay $0x4  }
0x2d: {  	v3 =	vtrunc.f32 v3  }
0x2e: {  	v3 =	vcvt.f32.s32 v3;
	_ =	sdelay $0x1  }
0x2f: {  	s18 =	rddreg [dreg:$0x4];
	[tilespmem:$0x18100] =	vst v3  }
0x30: {  	[tilespmem:s2], [sflag:$0x7] =	stream.linear.gather [hbm4b:s18+s1], $0x10, $0x38;
	[tilespmem:$0x1A300] =	vst v63  }
0x31: {  	_ =	swait.ge [sflag:s3], $0x10  }
0x32: {  	[sflag:s3] =	ssyncset.done $0x0  }
0x33: {  	[sflag:s3] =	ssyncadd.s32 $0xFFFFFFF0  }
0x34: {  	v3 =	vld [tilespmem:$0x18000];
	_ =	sdelay $0x4  }
0x35: {  	v3 =	vtrunc.f32 v3  }
0x36: {  	v3 =	vcvt.f32.s32 v3;
	_ =	sdelay $0x1  }
0x37: {  	s12 =	simm.s32 $0x18300;
	s23 =	rddreg [dreg:$0x5];
	[tilespmem:$0x18200] =	vst v3  }
0x38: {  	[tilespmem:s12], [sflag:$0x7] =	stream.linear.gather [hbm4b:s23+s1], $0x800, $0x38;
	[tilespmem:$0x1A300] =	vst v63  }
0x39: {  	_ =	swait.ge [sflag:s3], $0x800  }
0x3a: {  	[sflag:s3] =	ssyncset.done $0x0  }
0x3b: {  	s25 =	simm.s32 $0x19300;
	s24 =	rddreg [dreg:$0x6];
	[sflag:s3] =	ssyncadd.s32 $0xFFFFF800  }
0x3c: {  	[tilespmem:s25], [sflag:$0x7] =	stream.linear.gather [hbm4b:s24+s1], $0x800, $0x38;
	[tilespmem:$0x1A300] =	vst v63  }
0x3d: {  	_ =	swait.ge [sflag:s3], $0x800  }
0x3e: {  	[sflag:s3] =	ssyncset.done $0x0  }
0x3f: {  	[sflag:s3] =	ssyncadd.s32 $0xFFFFF800  }
0x40: {  	v3 =	vld [tilespmem:$0x18100];
	_ =	sdelay $0x4  }
0x41: {  	v4 =	vshll.u32 v3, $0x3  }
0x42: {  	v3 =	vand.u32 $0x7, v3;
	v4 =	vand.u32 $0xFFFFFFC0, v4  }
0x43: {  	v3 =	vor.u32 v3, v4  }
0x44: {  	v4 =	vperm.xlane v3, v0;
	_ =	sdelay $0x1  }
0x45: {  	v4 =	vadd.s32 v1, v4;
	_ =	sdelay $0x4  }
0x46: {  	[tilespmem:s1], [sflag:$0x1] =	stream.indirect_vreg.gather [hbm4b:s26+s1], $0x80, v4, vm0, $0xb8;
	[tilespmem:$0x1A300] =	vst v63  }
0x47: {  	s12 =	simm.s32 $0x800;
	v3 =	vperm.xlane v3, v2  }
0x48: {  	[tilespmem:s12], [sflag:$0x1] =	stream.indirect_vreg.gather [hbm4b:s28+s1], $0x80, v4, vm0, $0xb8;
	[tilespmem:$0x1A300] =	vst v63  }
0x49: {  	s17 =	simm.s32 $0x1000;
	v3 =	vadd.s32 v1, v3  }
0x4a: {  	[tilespmem:s17], [sflag:$0x1] =	stream.indirect_vreg.gather [hbm4b:s30+s1], $0x80, v4, vm0, $0xb8;
	[tilespmem:$0x1A300] =	vst v63  }
0x4b: {  	s18 =	simm.s32 $0x1800  }
0x4c: {  	[tilespmem:s18], [sflag:$0x1] =	stream.indirect_vreg.gather [hbm4b:s31+s1], $0x80, v4, vm0, $0xb8;
	[tilespmem:$0x1A300] =	vst v63  }
0x4d: {  	s23 =	simm.s32 $0x2000  }
0x4e: {  	[tilespmem:s23], [sflag:$0x1] =	stream.indirect_vreg.gather [hbm4b:s26+s1], $0x80, v3, vm0, $0xb8;
	[tilespmem:$0x1A300] =	vst v63  }
0x4f: {  	s24 =	simm.s32 $0x2800  }
0x50: {  	[tilespmem:s24], [sflag:$0x1] =	stream.indirect_vreg.gather [hbm4b:s28+s1], $0x80, v3, vm0, $0xb8;
	[tilespmem:$0x1A300] =	vst v63  }
0x51: {  	s25 =	simm.s32 $0x3000  }
0x52: {  	[tilespmem:s25], [sflag:$0x1] =	stream.indirect_vreg.gather [hbm4b:s30+s1], $0x80, v3, vm0, $0xb8;
	[tilespmem:$0x1A300] =	vst v63  }
0x53: {  	s12 =	simm.s32 $0x3800  }
0x54: {  	[tilespmem:s12], [sflag:$0x1] =	stream.indirect_vreg.gather [hbm4b:s31+s1], $0x80, v3, vm0, $0xb8;
	[tilespmem:$0x1A300] =	vst v63  }
0x55: {  	v3 =	vld [tilespmem:$0x18200];
	_ =	sdelay $0x4  }
0x56: {  	v4 =	vshll.u32 v3, $0x3  }
0x57: {  	v3 =	vand.u32 $0x7, v3;
	v4 =	vand.u32 $0xFFFFFFC0, v4  }
0x58: {  	v3 =	vor.u32 v3, v4  }
0x59: {  	v4 =	vperm.xlane v3, v0;
	_ =	sdelay $0x1  }
0x5a: {  	v4 =	vadd.s32 v1, v4;
	_ =	sdelay $0x3  }
0x5b: {  	s17 =	simm.s32 $0x8000  }
0x5c: {  	[tilespmem:s17], [sflag:$0x2] =	stream.indirect_vreg.gather [hbm4b:s26+s1], $0x80, v4, vm0, $0xb8;
	[tilespmem:$0x1A300] =	vst v63  }
0x5d: {  	s18 =	simm.s32 $0x8800;
	v3 =	vperm.xlane v3, v2  }
0x5e: {  	[tilespmem:s18], [sflag:$0x2] =	stream.indirect_vreg.gather [hbm4b:s28+s1], $0x80, v4, vm0, $0xb8;
	[tilespmem:$0x1A300] =	vst v63  }
0x5f: {  	s23 =	simm.s32 $0x9000;
	v3 =	vadd.s32 v1, v3  }
0x60: {  	[tilespmem:s23], [sflag:$0x2] =	stream.indirect_vreg.gather [hbm4b:s30+s1], $0x80, v4, vm0, $0xb8;
	[tilespmem:$0x1A300] =	vst v63  }
0x61: {  	s24 =	simm.s32 $0x9800  }
0x62: {  	[tilespmem:s24], [sflag:$0x2] =	stream.indirect_vreg.gather [hbm4b:s31+s1], $0x80, v4, vm0, $0xb8;
	[tilespmem:$0x1A300] =	vst v63  }
0x63: {  	s25 =	simm.s32 $0xA000  }
0x64: {  	[tilespmem:s25], [sflag:$0x2] =	stream.indirect_vreg.gather [hbm4b:s26+s1], $0x80, v3, vm0, $0xb8;
	[tilespmem:$0x1A300] =	vst v63  }
0x65: {  	s12 =	simm.s32 $0xA800  }
0x66: {  	[tilespmem:s12], [sflag:$0x2] =	stream.indirect_vreg.gather [hbm4b:s28+s1], $0x80, v3, vm0, $0xb8;
	[tilespmem:$0x1A300] =	vst v63  }
0x67: {  	s17 =	simm.s32 $0xB000  }
0x68: {  	[tilespmem:s17], [sflag:$0x2] =	stream.indirect_vreg.gather [hbm4b:s30+s1], $0x80, v3, vm0, $0xb8;
	[tilespmem:$0x1A300] =	vst v63  }
0x69: {  	s18 =	simm.s32 $0xB800  }
0x6a: {  	[tilespmem:s18], [sflag:$0x2] =	stream.indirect_vreg.gather [hbm4b:s31+s1], $0x80, v3, vm0, $0xb8;
	[tilespmem:$0x1A300] =	vst v63  }
0x6b: {  	s23 =	rddreg [dreg:$0x13]  }
0x6c: {  	[tilespmem:s6], [sflag:$0x3] =	stream.linear.gather [hbm4b:s23+s1], $0x4000, $0x38;
	[tilespmem:$0x1A300] =	vst v63  }
0x6d: {  	s24 =	rddreg [dreg:$0x7]  }
0x6e: {  	[tilespmem:s7], [sflag:$0x7] =	stream.linear.gather [hbm4b:s24+s1], $0x10, $0x38;
	[tilespmem:$0x1A300] =	vst v63  }
0x6f: {  	_ =	swait.ge [sflag:s3], $0x10  }
0x70: {  	[sflag:s3] =	ssyncset.done $0x0  }
0x71: {  	[sflag:s3] =	ssyncadd.s32 $0xFFFFFFF0  }
0x72: {  	v3 =	vld [tilespmem:$0x18080];
	_ =	sdelay $0x4  }
0x73: {  	v3 =	vtrunc.f32 v3  }
0x74: {  	v3 =	vcvt.f32.s32 v3;
	_ =	sdelay $0x1  }
0x75: {  	s25 =	rddreg [dreg:$0x8];
	[tilespmem:$0x18180] =	vst v3  }
0x76: {  	[tilespmem:s7], [sflag:$0x7] =	stream.linear.gather [hbm4b:s25+s1], $0x10, $0x38;
	[tilespmem:$0x1A300] =	vst v63  }
0x77: {  	_ =	swait.ge [sflag:s3], $0x10  }
0x78: {  	[sflag:s3] =	ssyncset.done $0x0  }
0x79: {  	[sflag:s3] =	ssyncadd.s32 $0xFFFFFFF0  }
0x7a: {  	v3 =	vld [tilespmem:$0x18080];
	_ =	sdelay $0x4  }
0x7b: {  	v3 =	vtrunc.f32 v3  }
0x7c: {  	v3 =	vcvt.f32.s32 v3;
	_ =	sdelay $0x1  }
0x7d: {  	s17 =	simm.s32 $0x18B00;
	s12 =	rddreg [dreg:$0x9];
	[tilespmem:$0x18280] =	vst v3  }
0x7e: {  	[tilespmem:s17], [sflag:$0x7] =	stream.linear.gather [hbm4b:s12+s1], $0x800, $0x38;
	[tilespmem:$0x1A300] =	vst v63  }
0x7f: {  	_ =	swait.ge [sflag:s3], $0x800  }
0x80: {  	[sflag:s3] =	ssyncset.done $0x0  }
0x81: {  	s23 =	simm.s32 $0x19B00;
	s18 =	rddreg [dreg:$0xa];
	[sflag:s3] =	ssyncadd.s32 $0xFFFFF800  }
0x82: {  	[tilespmem:s23], [sflag:$0x7] =	stream.linear.gather [hbm4b:s18+s1], $0x800, $0x38;
	[tilespmem:$0x1A300] =	vst v63  }
0x83: {  	_ =	swait.ge [sflag:s3], $0x800  }
0x84: {  	[sflag:s3] =	ssyncset.done $0x0  }
0x85: {  	[sflag:s3] =	ssyncadd.s32 $0xFFFFF800  }
0x86: {  	v3 =	vld [tilespmem:$0x18180];
	_ =	sdelay $0x4  }
0x87: {  	v4 =	vshll.u32 v3, $0x3  }
0x88: {  	v3 =	vand.u32 $0x7, v3;
	v4 =	vand.u32 $0xFFFFFFC0, v4  }
0x89: {  	v3 =	vor.u32 v3, v4  }
0x8a: {  	v4 =	vperm.xlane v3, v0;
	_ =	sdelay $0x1  }
0x8b: {  	v4 =	vadd.s32 v1, v4;
	_ =	sdelay $0x3  }
0x8c: {  	s24 =	simm.s32 $0x4000  }
0x8d: {  	[tilespmem:s24], [sflag:$0x4] =	stream.indirect_vreg.gather [hbm4b:s26+s1], $0x80, v4, vm0, $0xb8;
	[tilespmem:$0x1A300] =	vst v63  }
0x8e: {  	s25 =	simm.s32 $0x4800;
	v3 =	vperm.xlane v3, v2  }
0x8f: {  	[tilespmem:s25], [sflag:$0x4] =	stream.indirect_vreg.gather [hbm4b:s28+s1], $0x80, v4, vm0, $0xb8;
	[tilespmem:$0x1A300] =	vst v63  }
0x90: {  	s12 =	simm.s32 $0x5000;
	v3 =	vadd.s32 v1, v3  }
0x91: {  	[tilespmem:s12], [sflag:$0x4] =	stream.indirect_vreg.gather [hbm4b:s30+s1], $0x80, v4, vm0, $0xb8;
	[tilespmem:$0x1A300] =	vst v63  }
0x92: {  	s17 =	simm.s32 $0x5800  }
0x93: {  	[tilespmem:s17], [sflag:$0x4] =	stream.indirect_vreg.gather [hbm4b:s31+s1], $0x80, v4, vm0, $0xb8;
	[tilespmem:$0x1A300] =	vst v63  }
0x94: {  	s18 =	simm.s32 $0x6000  }
0x95: {  	[tilespmem:s18], [sflag:$0x4] =	stream.indirect_vreg.gather [hbm4b:s26+s1], $0x80, v3, vm0, $0xb8;
	[tilespmem:$0x1A300] =	vst v63  }
0x96: {  	s23 =	simm.s32 $0x6800  }
0x97: {  	[tilespmem:s23], [sflag:$0x4] =	stream.indirect_vreg.gather [hbm4b:s28+s1], $0x80, v3, vm0, $0xb8;
	[tilespmem:$0x1A300] =	vst v63  }
0x98: {  	s24 =	simm.s32 $0x7000  }
0x99: {  	[tilespmem:s24], [sflag:$0x4] =	stream.indirect_vreg.gather [hbm4b:s30+s1], $0x80, v3, vm0, $0xb8;
	[tilespmem:$0x1A300] =	vst v63  }
0x9a: {  	s25 =	simm.s32 $0x7800  }
0x9b: {  	[tilespmem:s25], [sflag:$0x4] =	stream.indirect_vreg.gather [hbm4b:s31+s1], $0x80, v3, vm0, $0xb8;
	[tilespmem:$0x1A300] =	vst v63  }
0x9c: {  	v3 =	vld [tilespmem:$0x18280];
	_ =	sdelay $0x4  }
0x9d: {  	v4 =	vshll.u32 v3, $0x3  }
0x9e: {  	v3 =	vand.u32 $0x7, v3;
	v4 =	vand.u32 $0xFFFFFFC0, v4  }
0x9f: {  	v3 =	vor.u32 v3, v4  }
0xa0: {  	v4 =	vperm.xlane v3, v0;
	_ =	sdelay $0x1  }
0xa1: {  	v4 =	vadd.s32 v1, v4;
	_ =	sdelay $0x3  }
0xa2: {  	s12 =	simm.s32 $0xC000  }
0xa3: {  	[tilespmem:s12], [sflag:$0x5] =	stream.indirect_vreg.gather [hbm4b:s26+s1], $0x80, v4, vm0, $0xb8;
	[tilespmem:$0x1A300] =	vst v63  }
0xa4: {  	s17 =	simm.s32 $0xC800;
	v3 =	vperm.xlane v3, v2  }
0xa5: {  	[tilespmem:s17], [sflag:$0x5] =	stream.indirect_vreg.gather [hbm4b:s28+s1], $0x80, v4, vm0, $0xb8;
	[tilespmem:$0x1A300] =	vst v63  }
0xa6: {  	s18 =	simm.s32 $0xD000;
	v3 =	vadd.s32 v1, v3  }
0xa7: {  	[tilespmem:s18], [sflag:$0x5] =	stream.indirect_vreg.gather [hbm4b:s30+s1], $0x80, v4, vm0, $0xb8;
	[tilespmem:$0x1A300] =	vst v63  }
0xa8: {  	_ = 	snop  }
0xa9: {  	[tilespmem:s13], [sflag:$0x5] =	stream.indirect_vreg.gather [hbm4b:s31+s1], $0x80, v4, vm0, $0xb8;
	[tilespmem:$0x1A300] =	vst v63  }
0xaa: {  	_ = 	snop  }
0xab: {  	[tilespmem:s10], [sflag:$0x5] =	stream.indirect_vreg.gather [hbm4b:s26+s1], $0x80, v3, vm0, $0xb8;
	[tilespmem:$0x1A300] =	vst v63  }
0xac: {  	_ = 	snop  }
0xad: {  	[tilespmem:s14], [sflag:$0x5] =	stream.indirect_vreg.gather [hbm4b:s28+s1], $0x80, v3, vm0, $0xb8;
	[tilespmem:$0x1A300] =	vst v63  }
0xae: {  	_ = 	snop  }
0xaf: {  	[tilespmem:s19], [sflag:$0x5] =	stream.indirect_vreg.gather [hbm4b:s30+s1], $0x80, v3, vm0, $0xb8;
	[tilespmem:$0x1A300] =	vst v63  }
0xb0: {  	_ = 	snop  }
0xb1: {  	[tilespmem:s8], [sflag:$0x5] =	stream.indirect_vreg.gather [hbm4b:s31+s1], $0x80, v3, vm0, $0xb8;
	[tilespmem:$0x1A300] =	vst v63  }
0xb2: {  	s23 =	rddreg [dreg:$0x15]  }
0xb3: {  	[tilespmem:s20], [sflag:$0x6] =	stream.linear.gather [hbm4b:s23+s1], $0x4000, $0x38;
	[tilespmem:$0x1A300] =	vst v63  }
0xb4: {  	_ =	swait.ge [sflag:s15], $0x4000  }
0xb5: {  	[sflag:s15] =	ssyncset.done $0x0  }
0xb6: {  	[sflag:s15] =	ssyncadd.s32 $0xFFFFC000  }
0xb7: {  	_ =	swait.ge [sflag:s4], $0x4000  }
0xb8: {  	[sflag:s4] =	ssyncset.done $0x0  }
0xb9: {  	[sflag:s4] =	ssyncadd.s32 $0xFFFFC000  }
0xba: {  	_ =	swait.ge [sflag:s16], $0x4000  }
0xbb: {  	s24 =	sand.u32 $0x70, s1;
	s17 =	sand.u32 $0x1C00, s1;
	[sflag:s16] =	ssyncset.done $0x0  }
0xbc: {  	s23 =	sor.u32 s24, s17;
	[sflag:s16] =	ssyncadd.s32 $0xFFFFC000  }
0xbd: {  	v3 =	vld [tilespmem:s23+$0x0]  }
0xbe: {  	v4 =	vld [tilespmem:s23+$0x8000]  }
0xbf: {  	v5 =	vld [tilespmem:$0x18300]  }
0xc0: {  	v6 =	vld [tilespmem:s23+$0x10000]  }
0xc1: {  	v7 =	vld [tilespmem:$0x19300];
	_ =	sdelay $0x2  }
0xc2: {  	v3 =	vmul.f32 v3, v5;
	_ =	sdelay $0x1  }
0xc3: {  	v4 =	vmul.f32 v4, v7;
	v3 =	vadd.f32 v3, v6;
	_ =	sdelay $0x1  }
0xc4: {  	v3 =	vadd.f32 v4, v3  }
0xc5: {  	v6 =	vld [tilespmem:s23+$0x8080]  }
0xc6: {  	[tilespmem:s23+$0x10000] =	vst v3;
	v3 =	vld [tilespmem:s23+$0x80]  }
0xc7: {  	v5 =	vld [tilespmem:$0x18380]  }
0xc8: {  	v4 =	vld [tilespmem:s23+$0x10080]  }
0xc9: {  	v7 =	vld [tilespmem:$0x19380];
	_ =	sdelay $0x2  }
0xca: {  	v3 =	vmul.f32 v3, v5;
	_ =	sdelay $0x1  }
0xcb: {  	v3 =	vadd.f32 v3, v4;
	v4 =	vmul.f32 v6, v7;
	_ =	sdelay $0x1  }
0xcc: {  	v3 =	vadd.f32 v4, v3  }
0xcd: {  	v6 =	vld [tilespmem:s23+$0x8100]  }
0xce: {  	[tilespmem:s23+$0x10080] =	vst v3;
	v3 =	vld [tilespmem:s23+$0x100]  }
0xcf: {  	v5 =	vld [tilespmem:$0x18400]  }
0xd0: {  	v4 =	vld [tilespmem:s23+$0x10100]  }
0xd1: {  	v7 =	vld [tilespmem:$0x19400];
	_ =	sdelay $0x2  }
0xd2: {  	v3 =	vmul.f32 v3, v5;
	_ =	sdelay $0x1  }
0xd3: {  	v3 =	vadd.f32 v3, v4;
	v4 =	vmul.f32 v6, v7;
	_ =	sdelay $0x1  }
0xd4: {  	v3 =	vadd.f32 v4, v3  }
0xd5: {  	v6 =	vld [tilespmem:s23+$0x8180]  }
0xd6: {  	[tilespmem:s23+$0x10100] =	vst v3;
	v3 =	vld [tilespmem:s23+$0x180]  }
0xd7: {  	v5 =	vld [tilespmem:$0x18480]  }
0xd8: {  	v4 =	vld [tilespmem:s23+$0x10180]  }
0xd9: {  	v7 =	vld [tilespmem:$0x19480];
	_ =	sdelay $0x2  }
0xda: {  	v3 =	vmul.f32 v3, v5;
	_ =	sdelay $0x1  }
0xdb: {  	v3 =	vadd.f32 v3, v4;
	v4 =	vmul.f32 v6, v7;
	_ =	sdelay $0x1  }
0xdc: {  	v3 =	vadd.f32 v4, v3  }
0xdd: {  	v6 =	vld [tilespmem:s23+$0x8200]  }
0xde: {  	[tilespmem:s23+$0x10180] =	vst v3;
	v3 =	vld [tilespmem:s23+$0x200]  }
0xdf: {  	v5 =	vld [tilespmem:$0x18500]  }
0xe0: {  	v4 =	vld [tilespmem:s23+$0x10200]  }
0xe1: {  	v7 =	vld [tilespmem:$0x19500];
	_ =	sdelay $0x2  }
0xe2: {  	v3 =	vmul.f32 v3, v5;
	_ =	sdelay $0x1  }
0xe3: {  	v3 =	vadd.f32 v3, v4;
	v4 =	vmul.f32 v6, v7;
	_ =	sdelay $0x1  }
0xe4: {  	v3 =	vadd.f32 v4, v3  }
0xe5: {  	v7 =	vld [tilespmem:s23+$0x8280]  }
0xe6: {  	[tilespmem:s23+$0x10200] =	vst v3;
	v3 =	vld [tilespmem:s23+$0x280]  }
0xe7: {  	v5 =	vld [tilespmem:$0x18580]  }
0xe8: {  	v4 =	vld [tilespmem:s23+$0x10280]  }
0xe9: {  	v6 =	vld [tilespmem:$0x19580];
	_ =	sdelay $0x2  }
0xea: {  	v3 =	vmul.f32 v3, v5;
	_ =	sdelay $0x1  }
0xeb: {  	v3 =	vadd.f32 v3, v4;
	v4 =	vmul.f32 v7, v6;
	_ =	sdelay $0x1  }
0xec: {  	v3 =	vadd.f32 v4, v3  }
0xed: {  	v6 =	vld [tilespmem:s23+$0x8300]  }
0xee: {  	[tilespmem:s23+$0x10280] =	vst v3;
	v3 =	vld [tilespmem:s23+$0x300]  }
0xef: {  	v5 =	vld [tilespmem:$0x18600]  }
0xf0: {  	v4 =	vld [tilespmem:s23+$0x10300]  }
0xf1: {  	v7 =	vld [tilespmem:$0x19600];
	_ =	sdelay $0x2  }
0xf2: {  	v3 =	vmul.f32 v3, v5;
	_ =	sdelay $0x1  }
0xf3: {  	v3 =	vadd.f32 v3, v4;
	v4 =	vmul.f32 v6, v7;
	_ =	sdelay $0x1  }
0xf4: {  	v3 =	vadd.f32 v4, v3;
	_ =	sdelay $0x1  }
0xf5: {  	[tilespmem:s23+$0x10300] =	vst v3  }
0xf6: {  	s5 =	sor.u32 s1, s1;
	v3 =	vld [tilespmem:$0x19680]  }
0xf7: {  	s25 =	sor.u32 $0x380, s5;
	v4 =	vld [tilespmem:$0x18680]  }
0xf8: {  	v5 =	vld [tilespmem:s25+$0x0]  }
0xf9: {  	v6 =	vld [tilespmem:s25+$0x8000]  }
0xfa: {  	v7 =	vld [tilespmem:s25+$0x10000];
	_ =	sdelay $0x2  }
0xfb: {  	v4 =	vmul.f32 v5, v4;
	_ =	sdelay $0x1  }
0xfc: {  	v3 =	vmul.f32 v6, v3;
	v4 =	vadd.f32 v4, v7;
	_ =	sdelay $0x1  }
0xfd: {  	v3 =	vadd.f32 v3, v4;
	_ =	sdelay $0x1  }
0xfe: {  	[tilespmem:s25+$0x10000] =	vst v3  }
0xff: {  	v3 =	vld [tilespmem:$0x19700]  }
0x100: {  	v4 =	vld [tilespmem:s23+$0x2000]  }
0x101: {  	v5 =	vld [tilespmem:$0x18700]  }
0x102: {  	v6 =	vld [tilespmem:s23+$0xA000]  }
0x103: {  	v7 =	vld [tilespmem:s23+$0x12000];
	_ =	sdelay $0x2  }
0x104: {  	v4 =	vmul.f32 v4, v5;
	_ =	sdelay $0x1  }
0x105: {  	v3 =	vmul.f32 v6, v3;
	v4 =	vadd.f32 v4, v7;
	_ =	sdelay $0x1  }
0x106: {  	v3 =	vadd.f32 v3, v4  }
0x107: {  	v7 =	vld [tilespmem:s23+$0x12080]  }
0x108: {  	[tilespmem:s23+$0x12000] =	vst v3;
	v3 =	vld [tilespmem:s23+$0x2080]  }
0x109: {  	v5 =	vld [tilespmem:$0x18780]  }
0x10a: {  	v4 =	vld [tilespmem:s23+$0xA080]  }
0x10b: {  	v6 =	vld [tilespmem:$0x19780];
	_ =	sdelay $0x2  }
0x10c: {  	v3 =	vmul.f32 v3, v5;
	_ =	sdelay $0x1  }
0x10d: {  	v4 =	vmul.f32 v4, v6;
	v3 =	vadd.f32 v3, v7;
	_ =	sdelay $0x1  }
0x10e: {  	v3 =	vadd.f32 v4, v3  }
0x10f: {  	v7 =	vld [tilespmem:s23+$0x12100]  }
0x110: {  	[tilespmem:s23+$0x12080] =	vst v3;
	v3 =	vld [tilespmem:s23+$0x2100]  }
0x111: {  	v5 =	vld [tilespmem:$0x18800]  }
0x112: {  	v4 =	vld [tilespmem:s23+$0xA100]  }
0x113: {  	v6 =	vld [tilespmem:$0x19800];
	_ =	sdelay $0x2  }
0x114: {  	v3 =	vmul.f32 v3, v5;
	_ =	sdelay $0x1  }
0x115: {  	v4 =	vmul.f32 v4, v6;
	v3 =	vadd.f32 v3, v7;
	_ =	sdelay $0x1  }
0x116: {  	v3 =	vadd.f32 v4, v3  }
0x117: {  	v7 =	vld [tilespmem:s23+$0x12180]  }
0x118: {  	[tilespmem:s23+$0x12100] =	vst v3;
	v3 =	vld [tilespmem:s23+$0x2180]  }
0x119: {  	v5 =	vld [tilespmem:$0x18880]  }
0x11a: {  	v4 =	vld [tilespmem:s23+$0xA180]  }
0x11b: {  	v6 =	vld [tilespmem:$0x19880];
	_ =	sdelay $0x2  }
0x11c: {  	v3 =	vmul.f32 v3, v5;
	_ =	sdelay $0x1  }
0x11d: {  	v4 =	vmul.f32 v4, v6;
	v3 =	vadd.f32 v3, v7;
	_ =	sdelay $0x1  }
0x11e: {  	v7 =	vld [tilespmem:s23+$0x12200];
	v4 =	vadd.f32 v4, v3  }
0x11f: {  	v3 =	vld [tilespmem:s23+$0xA200]  }
0x120: {  	[tilespmem:s23+$0x12180] =	vst v4;
	v4 =	vld [tilespmem:s23+$0x2200]  }
0x121: {  	v6 =	vld [tilespmem:$0x18900]  }
0x122: {  	s17 =	simm.s32 $0x10;
	s24 =	simm.s32 $0x0;
	v5 =	vld [tilespmem:$0x19900]  }
.LBB2_2:
0x123: {  	p0 =	sne.s32 s17, $0x3F0  }
0x124: {  	s24 =	sadd.s32 $0x80, s24;
	s25 =	smov.u32 s17;
	s17 =	sadd.s32 $0x10, s17  }
0x125: {  	_ = 	snop  }
0x126: {  	v4 =	vmul.f32 v4, v6;
	_ =	sdelay $0x1  }
0x127: {  	v3 =	vmul.f32 v3, v5;
	v4 =	vadd.f32 v4, v7;
	_ =	sdelay $0x1  }
0x128: {  	v3 =	vadd.f32 v3, v4  }
0x129: {  	v4 =	vld [tilespmem:s23+$0xA280]  }
0x12a: {  	s18 =	sand.u32 $0x70, s25;
	s12 =	sand.u32 $0x1C00, s24;
	[tilespmem:s23+$0x12200] =	vst v3;
	v3 =	vld [tilespmem:s23+$0x2280]  }
0x12b: {  	s12 =	sor.u32 s18, s12;
	v5 =	vld [tilespmem:$0x18980]  }
0x12c: {  	v6 =	vld [tilespmem:$0x19980]  }
0x12d: {  	v7 =	vld [tilespmem:s23+$0x12280];
	_ =	sdelay $0x2  }
0x12e: {  	v3 =	vmul.f32 v3, v5;
	_ =	sdelay $0x1  }
0x12f: {  	v4 =	vmul.f32 v4, v6;
	v3 =	vadd.f32 v3, v7;
	_ =	sdelay $0x1  }
0x130: {  	v3 =	vadd.f32 v4, v3  }
0x131: {  	v4 =	vld [tilespmem:s23+$0xA300]  }
0x132: {  	[tilespmem:s23+$0x12280] =	vst v3;
	v3 =	vld [tilespmem:s23+$0x2300]  }
0x133: {  	v5 =	vld [tilespmem:$0x18A00]  }
0x134: {  	v6 =	vld [tilespmem:$0x19A00]  }
0x135: {  	v7 =	vld [tilespmem:s23+$0x12300];
	_ =	sdelay $0x2  }
0x136: {  	v3 =	vmul.f32 v3, v5;
	_ =	sdelay $0x1  }
0x137: {  	v4 =	vmul.f32 v4, v6;
	v3 =	vadd.f32 v3, v7;
	_ =	sdelay $0x1  }
0x138: {  	v3 =	vadd.f32 v4, v3;
	_ =	sdelay $0x1  }
0x139: {  	s5 =	sor.u32 $0x2380, s5;
	[tilespmem:s23+$0x12300] =	vst v3;
	s23 =	smov.u32 s12  }
0x13a: {  	v3 =	vld [tilespmem:s5+$0x8000]  }
0x13b: {  	v4 =	vld [tilespmem:$0x18A80]  }
0x13c: {  	v5 =	vld [tilespmem:s5+$0x0]  }
0x13d: {  	v6 =	vld [tilespmem:$0x19A80]  }
0x13e: {  	v7 =	vld [tilespmem:s5+$0x10000];
	_ =	sdelay $0x2  }
0x13f: {  	v4 =	vmul.f32 v5, v4  }
0x140: {  	v3 =	vmul.f32 v3, v6  }
0x141: {  	v4 =	vadd.f32 v4, v7;
	_ =	sdelay $0x1  }
0x142: {  	v3 =	vadd.f32 v3, v4;
	_ =	sdelay $0x1  }
0x143: {  	[tilespmem:s5+$0x10000] =	vst v3  }
0x144: {  	v3 =	vld [tilespmem:s23+$0x0]  }
0x145: {  	v4 =	vld [tilespmem:s23+$0x8000]  }
0x146: {  	v5 =	vld [tilespmem:$0x18300]  }
0x147: {  	v6 =	vld [tilespmem:s23+$0x10000]  }
0x148: {  	v7 =	vld [tilespmem:$0x19300];
	_ =	sdelay $0x2  }
0x149: {  	v3 =	vmul.f32 v3, v5;
	_ =	sdelay $0x1  }
0x14a: {  	v3 =	vadd.f32 v3, v6;
	v4 =	vmul.f32 v4, v7;
	_ =	sdelay $0x1  }
0x14b: {  	v3 =	vadd.f32 v4, v3  }
0x14c: {  	v4 =	vld [tilespmem:s23+$0x10080]  }
0x14d: {  	[tilespmem:s23+$0x10000] =	vst v3;
	v3 =	vld [tilespmem:s23+$0x80]  }
0x14e: {  	v5 =	vld [tilespmem:$0x18380]  }
0x14f: {  	v6 =	vld [tilespmem:s23+$0x8080]  }
0x150: {  	v7 =	vld [tilespmem:$0x19380];
	_ =	sdelay $0x2  }
0x151: {  	v3 =	vmul.f32 v3, v5;
	_ =	sdelay $0x1  }
0x152: {  	v3 =	vadd.f32 v3, v4;
	v4 =	vmul.f32 v6, v7;
	_ =	sdelay $0x1  }
0x153: {  	v3 =	vadd.f32 v4, v3  }
0x154: {  	v4 =	vld [tilespmem:s23+$0x10100]  }
0x155: {  	[tilespmem:s23+$0x10080] =	vst v3;
	v3 =	vld [tilespmem:s23+$0x100]  }
0x156: {  	v5 =	vld [tilespmem:$0x18400]  }
0x157: {  	v6 =	vld [tilespmem:s23+$0x8100]  }
0x158: {  	v7 =	vld [tilespmem:$0x19400];
	_ =	sdelay $0x2  }
0x159: {  	v3 =	vmul.f32 v3, v5;
	_ =	sdelay $0x1  }
0x15a: {  	v3 =	vadd.f32 v3, v4;
	v4 =	vmul.f32 v6, v7;
	_ =	sdelay $0x1  }
0x15b: {  	v3 =	vadd.f32 v4, v3  }
0x15c: {  	v4 =	vld [tilespmem:s23+$0x10180]  }
0x15d: {  	[tilespmem:s23+$0x10100] =	vst v3;
	v3 =	vld [tilespmem:s23+$0x180]  }
0x15e: {  	v5 =	vld [tilespmem:$0x18480]  }
0x15f: {  	v6 =	vld [tilespmem:s23+$0x8180]  }
0x160: {  	v7 =	vld [tilespmem:$0x19480];
	_ =	sdelay $0x2  }
0x161: {  	v3 =	vmul.f32 v3, v5;
	_ =	sdelay $0x1  }
0x162: {  	v3 =	vadd.f32 v3, v4;
	v4 =	vmul.f32 v6, v7;
	_ =	sdelay $0x1  }
0x163: {  	v3 =	vadd.f32 v4, v3  }
0x164: {  	v4 =	vld [tilespmem:s23+$0x10200]  }
0x165: {  	[tilespmem:s23+$0x10180] =	vst v3;
	v3 =	vld [tilespmem:s23+$0x200]  }
0x166: {  	v5 =	vld [tilespmem:$0x18500]  }
0x167: {  	v6 =	vld [tilespmem:s23+$0x8200]  }
0x168: {  	v7 =	vld [tilespmem:$0x19500];
	_ =	sdelay $0x2  }
0x169: {  	v3 =	vmul.f32 v3, v5;
	_ =	sdelay $0x1  }
0x16a: {  	v3 =	vadd.f32 v3, v4;
	v4 =	vmul.f32 v6, v7;
	_ =	sdelay $0x1  }
0x16b: {  	v3 =	vadd.f32 v4, v3  }
0x16c: {  	v4 =	vld [tilespmem:s23+$0x10280]  }
0x16d: {  	[tilespmem:s23+$0x10200] =	vst v3;
	v3 =	vld [tilespmem:s23+$0x280]  }
0x16e: {  	v5 =	vld [tilespmem:$0x18580]  }
0x16f: {  	v6 =	vld [tilespmem:$0x19580]  }
0x170: {  	v7 =	vld [tilespmem:s23+$0x8280];
	_ =	sdelay $0x2  }
0x171: {  	v3 =	vmul.f32 v3, v5;
	_ =	sdelay $0x1  }
0x172: {  	v3 =	vadd.f32 v3, v4;
	v4 =	vmul.f32 v7, v6;
	_ =	sdelay $0x1  }
0x173: {  	v3 =	vadd.f32 v4, v3  }
0x174: {  	v4 =	vld [tilespmem:s23+$0x10300]  }
0x175: {  	[tilespmem:s23+$0x10280] =	vst v3;
	v3 =	vld [tilespmem:s23+$0x300]  }
0x176: {  	v5 =	vld [tilespmem:$0x18600]  }
0x177: {  	v6 =	vld [tilespmem:s23+$0x8300]  }
0x178: {  	v7 =	vld [tilespmem:$0x19600];
	_ =	sdelay $0x2  }
0x179: {  	v3 =	vmul.f32 v3, v5;
	_ =	sdelay $0x1  }
0x17a: {  	v3 =	vadd.f32 v3, v4;
	v4 =	vmul.f32 v6, v7;
	_ =	sdelay $0x1  }
0x17b: {  	v3 =	vadd.f32 v4, v3;
	_ =	sdelay $0x1  }
0x17c: {  	s5 =	sor.u32 s25, s24;
	[tilespmem:s23+$0x10300] =	vst v3  }
0x17d: {  	s12 =	sor.u32 $0x380, s5;
	v3 =	vld [tilespmem:$0x19680]  }
0x17e: {  	v4 =	vld [tilespmem:s12+$0x8000]  }
0x17f: {  	v5 =	vld [tilespmem:$0x18680]  }
0x180: {  	v6 =	vld [tilespmem:s12+$0x0];
	_ =	sdelay $0x1  }
0x181: {  	v7 =	vld [tilespmem:s12+$0x10000];
	_ =	sdelay $0x2  }
0x182: {  	v3 =	vmul.f32 v4, v3;
	v5 =	vmul.f32 v6, v5;
	_ =	sdelay $0x1  }
0x183: {  	v4 =	vadd.f32 v5, v7;
	_ =	sdelay $0x1  }
0x184: {  	v3 =	vadd.f32 v3, v4;
	_ =	sdelay $0x1  }
0x185: {  	[tilespmem:s12+$0x10000] =	vst v3  }
0x186: {  	v3 =	vld [tilespmem:$0x19700]  }
0x187: {  	v4 =	vld [tilespmem:s23+$0x2000]  }
0x188: {  	v5 =	vld [tilespmem:$0x18700]  }
0x189: {  	v6 =	vld [tilespmem:s23+$0xA000]  }
0x18a: {  	v7 =	vld [tilespmem:s23+$0x12000];
	_ =	sdelay $0x2  }
0x18b: {  	v4 =	vmul.f32 v4, v5  }
0x18c: {  	v3 =	vmul.f32 v6, v3  }
0x18d: {  	v4 =	vadd.f32 v4, v7;
	_ =	sdelay $0x1  }
0x18e: {  	v3 =	vadd.f32 v3, v4  }
0x18f: {  	v4 =	vld [tilespmem:s23+$0xA080]  }
0x190: {  	[tilespmem:s23+$0x12000] =	vst v3;
	v3 =	vld [tilespmem:s23+$0x2080]  }
0x191: {  	v5 =	vld [tilespmem:$0x18780]  }
0x192: {  	v6 =	vld [tilespmem:$0x19780]  }
0x193: {  	v7 =	vld [tilespmem:s23+$0x12080];
	_ =	sdelay $0x2  }
0x194: {  	v3 =	vmul.f32 v3, v5;
	_ =	sdelay $0x1  }
0x195: {  	v4 =	vmul.f32 v4, v6;
	v3 =	vadd.f32 v3, v7;
	_ =	sdelay $0x1  }
0x196: {  	v3 =	vadd.f32 v4, v3  }
0x197: {  	v4 =	vld [tilespmem:s23+$0xA100]  }
0x198: {  	[tilespmem:s23+$0x12080] =	vst v3;
	v3 =	vld [tilespmem:s23+$0x2100]  }
0x199: {  	v5 =	vld [tilespmem:$0x18800]  }
0x19a: {  	v6 =	vld [tilespmem:$0x19800]  }
0x19b: {  	v7 =	vld [tilespmem:s23+$0x12100];
	_ =	sdelay $0x2  }
0x19c: {  	v3 =	vmul.f32 v3, v5;
	_ =	sdelay $0x1  }
0x19d: {  	v4 =	vmul.f32 v4, v6;
	v3 =	vadd.f32 v3, v7;
	_ =	sdelay $0x1  }
0x19e: {  	v3 =	vadd.f32 v4, v3  }
0x19f: {  	v4 =	vld [tilespmem:s23+$0xA180]  }
0x1a0: {  	[tilespmem:s23+$0x12100] =	vst v3;
	v3 =	vld [tilespmem:s23+$0x2180]  }
0x1a1: {  	v5 =	vld [tilespmem:$0x18880]  }
0x1a2: {  	v6 =	vld [tilespmem:$0x19880]  }
0x1a3: {  	v7 =	vld [tilespmem:s23+$0x12180];
	_ =	sdelay $0x2  }
0x1a4: {  	v3 =	vmul.f32 v3, v5;
	_ =	sdelay $0x1  }
0x1a5: {  	v4 =	vmul.f32 v4, v6;
	v3 =	vadd.f32 v3, v7;
	_ =	sdelay $0x1  }
0x1a6: {  	v4 =	vadd.f32 v4, v3  }
.Ltmp0:
0x1a7: {  	v3 =	vld [tilespmem:s23+$0xA200];
	(pc) =	sbr.rel @p0 .LBB2_2-.Ltmp0, $4  }
0x1a8: {  	[tilespmem:s23+$0x12180] =	vst v4;
	v4 =	vld [tilespmem:s23+$0x2200]  }
0x1a9: {  	v6 =	vld [tilespmem:$0x18900]  }
0x1aa: {  	v5 =	vld [tilespmem:$0x19900]  }
0x1ab: {  	v7 =	vld [tilespmem:s23+$0x12200]  }
0x1ac: {  	_ =	sdelay $0x1  }
0x1ad: {  	v4 =	vmul.f32 v4, v6;
	_ =	sdelay $0x1  }
0x1ae: {  	v3 =	vmul.f32 v3, v5;
	v4 =	vadd.f32 v4, v7;
	_ =	sdelay $0x1  }
0x1af: {  	v3 =	vadd.f32 v3, v4  }
0x1b0: {  	v7 =	vld [tilespmem:s23+$0x12280]  }
0x1b1: {  	[tilespmem:s23+$0x12200] =	vst v3;
	v3 =	vld [tilespmem:s23+$0x2280]  }
0x1b2: {  	v5 =	vld [tilespmem:$0x18980]  }
0x1b3: {  	v4 =	vld [tilespmem:s23+$0xA280]  }
0x1b4: {  	v6 =	vld [tilespmem:$0x19980];
	_ =	sdelay $0x2  }
0x1b5: {  	v3 =	vmul.f32 v3, v5;
	_ =	sdelay $0x1  }
0x1b6: {  	v4 =	vmul.f32 v4, v6;
	v3 =	vadd.f32 v3, v7;
	_ =	sdelay $0x1  }
0x1b7: {  	v3 =	vadd.f32 v4, v3  }
0x1b8: {  	v7 =	vld [tilespmem:s23+$0x12300]  }
0x1b9: {  	[tilespmem:s23+$0x12280] =	vst v3;
	v3 =	vld [tilespmem:s23+$0x2300]  }
0x1ba: {  	v5 =	vld [tilespmem:$0x18A00]  }
0x1bb: {  	v4 =	vld [tilespmem:s23+$0xA300]  }
0x1bc: {  	v6 =	vld [tilespmem:$0x19A00];
	_ =	sdelay $0x2  }
0x1bd: {  	v3 =	vmul.f32 v3, v5;
	_ =	sdelay $0x1  }
0x1be: {  	v4 =	vmul.f32 v4, v6;
	v3 =	vadd.f32 v3, v7;
	_ =	sdelay $0x1  }
0x1bf: {  	v3 =	vadd.f32 v4, v3;
	_ =	sdelay $0x1  }
0x1c0: {  	s5 =	sor.u32 $0x2380, s5;
	[tilespmem:s23+$0x12300] =	vst v3  }
0x1c1: {  	v3 =	vld [tilespmem:s5+$0x8000]  }
0x1c2: {  	v4 =	vld [tilespmem:$0x18A80]  }
0x1c3: {  	v5 =	vld [tilespmem:s5+$0x0]  }
0x1c4: {  	v6 =	vld [tilespmem:$0x19A80]  }
0x1c5: {  	v7 =	vld [tilespmem:s5+$0x10000];
	_ =	sdelay $0x2  }
0x1c6: {  	v4 =	vmul.f32 v5, v4;
	_ =	sdelay $0x1  }
0x1c7: {  	v3 =	vmul.f32 v3, v6;
	v4 =	vadd.f32 v4, v7;
	_ =	sdelay $0x1  }
0x1c8: {  	v3 =	vadd.f32 v3, v4;
	_ =	sdelay $0x1  }
0x1c9: {  	s25 =	rddreg [dreg:$0x14];
	s23 =	simm.s32 $0x0;
	[tilespmem:s5+$0x10000] =	vst v3  }
0x1ca: {  	[hbm4b:s25+s23] =	stream.linear.scatter [tilespmem:s6], [sflag:$0x7], $0x4000, $0x38;
	[tilespmem:$0x1A300] =	vst v63  }
0x1cb: {  	_ =	swait.ge [sflag:s3], $0x4000  }
0x1cc: {  	[sflag:s3] =	ssyncset.done $0x0  }
0x1cd: {  	s12 =	rddreg [dreg:$0xb];
	[sflag:s3] =	ssyncadd.s32 $0xFFFFC000  }
0x1ce: {  	[tilespmem:s2], [sflag:$0x7] =	stream.linear.gather [hbm4b:s12+s23], $0x10, $0x38;
	[tilespmem:$0x1A300] =	vst v63  }
0x1cf: {  	_ =	swait.ge [sflag:s3], $0x10  }
0x1d0: {  	[sflag:s3] =	ssyncset.done $0x0  }
0x1d1: {  	[sflag:s3] =	ssyncadd.s32 $0xFFFFFFF0  }
0x1d2: {  	v3 =	vld [tilespmem:$0x18000];
	_ =	sdelay $0x4  }
0x1d3: {  	v3 =	vtrunc.f32 v3  }
0x1d4: {  	v3 =	vcvt.f32.s32 v3;
	_ =	sdelay $0x1  }
0x1d5: {  	s17 =	rddreg [dreg:$0xc];
	[tilespmem:$0x18100] =	vst v3  }
0x1d6: {  	[tilespmem:s2], [sflag:$0x7] =	stream.linear.gather [hbm4b:s17+s23], $0x10, $0x38;
	[tilespmem:$0x1A300] =	vst v63  }
0x1d7: {  	_ =	swait.ge [sflag:s3], $0x10  }
0x1d8: {  	[sflag:s3] =	ssyncset.done $0x0  }
0x1d9: {  	[sflag:s3] =	ssyncadd.s32 $0xFFFFFFF0  }
0x1da: {  	v3 =	vld [tilespmem:$0x18000];
	_ =	sdelay $0x4  }
0x1db: {  	v3 =	vtrunc.f32 v3  }
0x1dc: {  	v3 =	vcvt.f32.s32 v3;
	_ =	sdelay $0x1  }
0x1dd: {  	s12 =	simm.s32 $0x18300;
	s18 =	rddreg [dreg:$0xf];
	[tilespmem:$0x18200] =	vst v3  }
0x1de: {  	[tilespmem:s12], [sflag:$0x7] =	stream.linear.gather [hbm4b:s18+s23], $0x800, $0x38;
	[tilespmem:$0x1A300] =	vst v63  }
0x1df: {  	_ =	swait.ge [sflag:s3], $0x800  }
0x1e0: {  	[sflag:s3] =	ssyncset.done $0x0  }
0x1e1: {  	s25 =	simm.s32 $0x19300;
	s24 =	rddreg [dreg:$0x10];
	[sflag:s3] =	ssyncadd.s32 $0xFFFFF800  }
0x1e2: {  	[tilespmem:s25], [sflag:$0x7] =	stream.linear.gather [hbm4b:s24+s23], $0x800, $0x38;
	[tilespmem:$0x1A300] =	vst v63  }
0x1e3: {  	_ =	swait.ge [sflag:s3], $0x800  }
0x1e4: {  	[sflag:s3] =	ssyncset.done $0x0  }
0x1e5: {  	[sflag:s3] =	ssyncadd.s32 $0xFFFFF800  }
0x1e6: {  	v3 =	vld [tilespmem:$0x18100];
	_ =	sdelay $0x4  }
0x1e7: {  	v4 =	vshll.u32 v3, $0x3  }
0x1e8: {  	v3 =	vand.u32 $0x7, v3;
	v4 =	vand.u32 $0xFFFFFFC0, v4  }
0x1e9: {  	v3 =	vor.u32 v3, v4  }
0x1ea: {  	v4 =	vperm.xlane v3, v0;
	_ =	sdelay $0x1  }
0x1eb: {  	v4 =	vadd.s32 v1, v4;
	_ =	sdelay $0x4  }
0x1ec: {  	[tilespmem:s23], [sflag:$0x1] =	stream.indirect_vreg.gather [hbm4b:s26+s23], $0x80, v4, vm0, $0xb8;
	[tilespmem:$0x1A300] =	vst v63  }
0x1ed: {  	s17 =	simm.s32 $0x800;
	v3 =	vperm.xlane v3, v2  }
0x1ee: {  	[tilespmem:s17], [sflag:$0x1] =	stream.indirect_vreg.gather [hbm4b:s28+s23], $0x80, v4, vm0, $0xb8;
	[tilespmem:$0x1A300] =	vst v63  }
0x1ef: {  	s18 =	simm.s32 $0x1000;
	v3 =	vadd.s32 v1, v3  }
0x1f0: {  	[tilespmem:s18], [sflag:$0x1] =	stream.indirect_vreg.gather [hbm4b:s30+s23], $0x80, v4, vm0, $0xb8;
	[tilespmem:$0x1A300] =	vst v63  }
0x1f1: {  	s24 =	simm.s32 $0x1800  }
0x1f2: {  	[tilespmem:s24], [sflag:$0x1] =	stream.indirect_vreg.gather [hbm4b:s31+s23], $0x80, v4, vm0, $0xb8;
	[tilespmem:$0x1A300] =	vst v63  }
0x1f3: {  	s25 =	simm.s32 $0x2000  }
0x1f4: {  	[tilespmem:s25], [sflag:$0x1] =	stream.indirect_vreg.gather [hbm4b:s26+s23], $0x80, v3, vm0, $0xb8;
	[tilespmem:$0x1A300] =	vst v63  }
0x1f5: {  	s12 =	simm.s32 $0x2800  }
0x1f6: {  	[tilespmem:s12], [sflag:$0x1] =	stream.indirect_vreg.gather [hbm4b:s28+s23], $0x80, v3, vm0, $0xb8;
	[tilespmem:$0x1A300] =	vst v63  }
0x1f7: {  	s17 =	simm.s32 $0x3000  }
0x1f8: {  	[tilespmem:s17], [sflag:$0x1] =	stream.indirect_vreg.gather [hbm4b:s30+s23], $0x80, v3, vm0, $0xb8;
	[tilespmem:$0x1A300] =	vst v63  }
0x1f9: {  	s18 =	simm.s32 $0x3800  }
0x1fa: {  	[tilespmem:s18], [sflag:$0x1] =	stream.indirect_vreg.gather [hbm4b:s31+s23], $0x80, v3, vm0, $0xb8;
	[tilespmem:$0x1A300] =	vst v63  }
0x1fb: {  	v3 =	vld [tilespmem:$0x18200];
	_ =	sdelay $0x4  }
0x1fc: {  	v4 =	vshll.u32 v3, $0x3  }
0x1fd: {  	v3 =	vand.u32 $0x7, v3;
	v4 =	vand.u32 $0xFFFFFFC0, v4  }
0x1fe: {  	v3 =	vor.u32 v3, v4  }
0x1ff: {  	v4 =	vperm.xlane v3, v0;
	_ =	sdelay $0x1  }
0x200: {  	v4 =	vadd.s32 v1, v4;
	_ =	sdelay $0x3  }
0x201: {  	s24 =	simm.s32 $0x8000  }
0x202: {  	[tilespmem:s24], [sflag:$0x2] =	stream.indirect_vreg.gather [hbm4b:s26+s23], $0x80, v4, vm0, $0xb8;
	[tilespmem:$0x1A300] =	vst v63  }
0x203: {  	s25 =	simm.s32 $0x8800;
	v3 =	vperm.xlane v3, v2  }
0x204: {  	[tilespmem:s25], [sflag:$0x2] =	stream.indirect_vreg.gather [hbm4b:s28+s23], $0x80, v4, vm0, $0xb8;
	[tilespmem:$0x1A300] =	vst v63  }
0x205: {  	s12 =	simm.s32 $0x9000;
	v3 =	vadd.s32 v1, v3  }
0x206: {  	[tilespmem:s12], [sflag:$0x2] =	stream.indirect_vreg.gather [hbm4b:s30+s23], $0x80, v4, vm0, $0xb8;
	[tilespmem:$0x1A300] =	vst v63  }
0x207: {  	s17 =	simm.s32 $0x9800  }
0x208: {  	[tilespmem:s17], [sflag:$0x2] =	stream.indirect_vreg.gather [hbm4b:s31+s23], $0x80, v4, vm0, $0xb8;
	[tilespmem:$0x1A300] =	vst v63  }
0x209: {  	s18 =	simm.s32 $0xA000  }
0x20a: {  	[tilespmem:s18], [sflag:$0x2] =	stream.indirect_vreg.gather [hbm4b:s26+s23], $0x80, v3, vm0, $0xb8;
	[tilespmem:$0x1A300] =	vst v63  }
0x20b: {  	s24 =	simm.s32 $0xA800  }
0x20c: {  	[tilespmem:s24], [sflag:$0x2] =	stream.indirect_vreg.gather [hbm4b:s28+s23], $0x80, v3, vm0, $0xb8;
	[tilespmem:$0x1A300] =	vst v63  }
0x20d: {  	s25 =	simm.s32 $0xB000  }
0x20e: {  	[tilespmem:s25], [sflag:$0x2] =	stream.indirect_vreg.gather [hbm4b:s30+s23], $0x80, v3, vm0, $0xb8;
	[tilespmem:$0x1A300] =	vst v63  }
0x20f: {  	s12 =	simm.s32 $0xB800  }
0x210: {  	[tilespmem:s12], [sflag:$0x2] =	stream.indirect_vreg.gather [hbm4b:s31+s23], $0x80, v3, vm0, $0xb8;
	[tilespmem:$0x1A300] =	vst v63  }
0x211: {  	s17 =	rddreg [dreg:$0x17]  }
0x212: {  	[tilespmem:s6], [sflag:$0x3] =	stream.linear.gather [hbm4b:s17+s23], $0x4000, $0x38;
	[tilespmem:$0x1A300] =	vst v63  }
0x213: {  	_ =	swait.ge [sflag:s21], $0x4000  }
0x214: {  	[sflag:s21] =	ssyncset.done $0x0  }
0x215: {  	[sflag:s21] =	ssyncadd.s32 $0xFFFFC000  }
0x216: {  	_ =	swait.ge [sflag:s9], $0x4000  }
0x217: {  	[sflag:s9] =	ssyncset.done $0x0  }
0x218: {  	[sflag:s9] =	ssyncadd.s32 $0xFFFFC000  }
0x219: {  	_ =	swait.ge [sflag:s22], $0x4000  }
0x21a: {  	s18 =	sand.u32 $0x70, s23;
	s24 =	sand.u32 $0x1C00, s23;
	[sflag:s22] =	ssyncset.done $0x0  }
0x21b: {  	s17 =	sor.u32 s18, s24;
	[sflag:s22] =	ssyncadd.s32 $0xFFFFC000  }
0x21c: {  	v3 =	vld [tilespmem:s17+$0x4000]  }
0x21d: {  	v4 =	vld [tilespmem:s17+$0xC000]  }
0x21e: {  	v5 =	vld [tilespmem:$0x18B00]  }
0x21f: {  	v6 =	vld [tilespmem:s17+$0x14000]  }
0x220: {  	v7 =	vld [tilespmem:$0x19B00];
	_ =	sdelay $0x2  }
0x221: {  	v3 =	vmul.f32 v3, v5;
	_ =	sdelay $0x1  }
0x222: {  	v4 =	vmul.f32 v4, v7;
	v3 =	vadd.f32 v3, v6;
	_ =	sdelay $0x1  }
0x223: {  	v3 =	vadd.f32 v4, v3  }
0x224: {  	v6 =	vld [tilespmem:s17+$0xC080]  }
0x225: {  	[tilespmem:s17+$0x14000] =	vst v3;
	v3 =	vld [tilespmem:s17+$0x4080]  }
0x226: {  	v5 =	vld [tilespmem:$0x18B80]  }
0x227: {  	v4 =	vld [tilespmem:s17+$0x14080]  }
0x228: {  	v7 =	vld [tilespmem:$0x19B80];
	_ =	sdelay $0x2  }
0x229: {  	v3 =	vmul.f32 v3, v5;
	_ =	sdelay $0x1  }
0x22a: {  	v3 =	vadd.f32 v3, v4;
	v4 =	vmul.f32 v6, v7;
	_ =	sdelay $0x1  }
0x22b: {  	v3 =	vadd.f32 v4, v3  }
0x22c: {  	v6 =	vld [tilespmem:s17+$0xC100]  }
0x22d: {  	[tilespmem:s17+$0x14080] =	vst v3;
	v3 =	vld [tilespmem:s17+$0x4100]  }
0x22e: {  	v5 =	vld [tilespmem:$0x18C00]  }
0x22f: {  	v4 =	vld [tilespmem:s17+$0x14100]  }
0x230: {  	v7 =	vld [tilespmem:$0x19C00];
	_ =	sdelay $0x2  }
0x231: {  	v3 =	vmul.f32 v3, v5;
	_ =	sdelay $0x1  }
0x232: {  	v3 =	vadd.f32 v3, v4;
	v4 =	vmul.f32 v6, v7;
	_ =	sdelay $0x1  }
0x233: {  	v3 =	vadd.f32 v4, v3  }
0x234: {  	v6 =	vld [tilespmem:s17+$0xC180]  }
0x235: {  	[tilespmem:s17+$0x14100] =	vst v3;
	v3 =	vld [tilespmem:s17+$0x4180]  }
0x236: {  	v5 =	vld [tilespmem:$0x18C80]  }
0x237: {  	v4 =	vld [tilespmem:s17+$0x14180]  }
0x238: {  	v7 =	vld [tilespmem:$0x19C80];
	_ =	sdelay $0x2  }
0x239: {  	v3 =	vmul.f32 v3, v5;
	_ =	sdelay $0x1  }
0x23a: {  	v3 =	vadd.f32 v3, v4;
	v4 =	vmul.f32 v6, v7;
	_ =	sdelay $0x1  }
0x23b: {  	v3 =	vadd.f32 v4, v3  }
0x23c: {  	v6 =	vld [tilespmem:s17+$0xC200]  }
0x23d: {  	[tilespmem:s17+$0x14180] =	vst v3;
	v3 =	vld [tilespmem:s17+$0x4200]  }
0x23e: {  	v5 =	vld [tilespmem:$0x18D00]  }
0x23f: {  	v4 =	vld [tilespmem:s17+$0x14200]  }
0x240: {  	v7 =	vld [tilespmem:$0x19D00];
	_ =	sdelay $0x2  }
0x241: {  	v3 =	vmul.f32 v3, v5;
	_ =	sdelay $0x1  }
0x242: {  	v3 =	vadd.f32 v3, v4;
	v4 =	vmul.f32 v6, v7;
	_ =	sdelay $0x1  }
0x243: {  	v3 =	vadd.f32 v4, v3  }
0x244: {  	v7 =	vld [tilespmem:s17+$0xC280]  }
0x245: {  	[tilespmem:s17+$0x14200] =	vst v3;
	v3 =	vld [tilespmem:s17+$0x4280]  }
0x246: {  	v5 =	vld [tilespmem:$0x18D80]  }
0x247: {  	v4 =	vld [tilespmem:s17+$0x14280]  }
0x248: {  	v6 =	vld [tilespmem:$0x19D80];
	_ =	sdelay $0x2  }
0x249: {  	v3 =	vmul.f32 v3, v5;
	_ =	sdelay $0x1  }
0x24a: {  	v3 =	vadd.f32 v3, v4;
	v4 =	vmul.f32 v7, v6;
	_ =	sdelay $0x1  }
0x24b: {  	v3 =	vadd.f32 v4, v3  }
0x24c: {  	v6 =	vld [tilespmem:s17+$0xC300]  }
0x24d: {  	[tilespmem:s17+$0x14280] =	vst v3;
	v3 =	vld [tilespmem:s17+$0x4300]  }
0x24e: {  	v5 =	vld [tilespmem:$0x18E00]  }
0x24f: {  	v4 =	vld [tilespmem:s17+$0x14300]  }
0x250: {  	v7 =	vld [tilespmem:$0x19E00];
	_ =	sdelay $0x2  }
0x251: {  	v3 =	vmul.f32 v3, v5;
	_ =	sdelay $0x1  }
0x252: {  	v3 =	vadd.f32 v3, v4;
	v4 =	vmul.f32 v6, v7;
	_ =	sdelay $0x1  }
0x253: {  	v3 =	vadd.f32 v4, v3;
	_ =	sdelay $0x1  }
0x254: {  	[tilespmem:s17+$0x14300] =	vst v3  }
0x255: {  	s5 =	sor.u32 s23, s23;
	v3 =	vld [tilespmem:$0x19E80]  }
0x256: {  	s25 =	sor.u32 $0x380, s5;
	v4 =	vld [tilespmem:$0x18E80]  }
0x257: {  	v5 =	vld [tilespmem:s25+$0x4000]  }
0x258: {  	v6 =	vld [tilespmem:s25+$0xC000]  }
0x259: {  	v7 =	vld [tilespmem:s25+$0x14000];
	_ =	sdelay $0x2  }
0x25a: {  	v4 =	vmul.f32 v5, v4;
	_ =	sdelay $0x1  }
0x25b: {  	v3 =	vmul.f32 v6, v3;
	v4 =	vadd.f32 v4, v7;
	_ =	sdelay $0x1  }
0x25c: {  	v3 =	vadd.f32 v3, v4;
	_ =	sdelay $0x1  }
0x25d: {  	[tilespmem:s25+$0x14000] =	vst v3  }
0x25e: {  	v3 =	vld [tilespmem:$0x19F00]  }
0x25f: {  	v4 =	vld [tilespmem:s17+$0x6000]  }
0x260: {  	v5 =	vld [tilespmem:$0x18F00]  }
0x261: {  	v6 =	vld [tilespmem:s17+$0xE000]  }
0x262: {  	v7 =	vld [tilespmem:s17+$0x16000];
	_ =	sdelay $0x2  }
0x263: {  	v4 =	vmul.f32 v4, v5;
	_ =	sdelay $0x1  }
0x264: {  	v3 =	vmul.f32 v6, v3;
	v4 =	vadd.f32 v4, v7;
	_ =	sdelay $0x1  }
0x265: {  	v3 =	vadd.f32 v3, v4  }
0x266: {  	v7 =	vld [tilespmem:s17+$0x16080]  }
0x267: {  	[tilespmem:s17+$0x16000] =	vst v3;
	v3 =	vld [tilespmem:s17+$0x6080]  }
0x268: {  	v5 =	vld [tilespmem:$0x18F80]  }
0x269: {  	v4 =	vld [tilespmem:s17+$0xE080]  }
0x26a: {  	v6 =	vld [tilespmem:$0x19F80];
	_ =	sdelay $0x2  }
0x26b: {  	v3 =	vmul.f32 v3, v5;
	_ =	sdelay $0x1  }
0x26c: {  	v4 =	vmul.f32 v4, v6;
	v3 =	vadd.f32 v3, v7;
	_ =	sdelay $0x1  }
0x26d: {  	v3 =	vadd.f32 v4, v3  }
0x26e: {  	v7 =	vld [tilespmem:s17+$0x16100]  }
0x26f: {  	[tilespmem:s17+$0x16080] =	vst v3;
	v3 =	vld [tilespmem:s17+$0x6100]  }
0x270: {  	v5 =	vld [tilespmem:$0x19000]  }
0x271: {  	v4 =	vld [tilespmem:s17+$0xE100]  }
0x272: {  	v6 =	vld [tilespmem:$0x1A000];
	_ =	sdelay $0x2  }
0x273: {  	v3 =	vmul.f32 v3, v5;
	_ =	sdelay $0x1  }
0x274: {  	v4 =	vmul.f32 v4, v6;
	v3 =	vadd.f32 v3, v7;
	_ =	sdelay $0x1  }
0x275: {  	v3 =	vadd.f32 v4, v3  }
0x276: {  	v7 =	vld [tilespmem:s17+$0x16180]  }
0x277: {  	[tilespmem:s17+$0x16100] =	vst v3;
	v3 =	vld [tilespmem:s17+$0x6180]  }
0x278: {  	v5 =	vld [tilespmem:$0x19080]  }
0x279: {  	v4 =	vld [tilespmem:s17+$0xE180]  }
0x27a: {  	v6 =	vld [tilespmem:$0x1A080];
	_ =	sdelay $0x2  }
0x27b: {  	v3 =	vmul.f32 v3, v5;
	_ =	sdelay $0x1  }
0x27c: {  	v4 =	vmul.f32 v4, v6;
	v3 =	vadd.f32 v3, v7;
	_ =	sdelay $0x1  }
0x27d: {  	v7 =	vld [tilespmem:s17+$0x16200];
	v4 =	vadd.f32 v4, v3  }
0x27e: {  	v3 =	vld [tilespmem:s17+$0xE200]  }
0x27f: {  	[tilespmem:s17+$0x16180] =	vst v4;
	v4 =	vld [tilespmem:s17+$0x6200]  }
0x280: {  	v6 =	vld [tilespmem:$0x19100]  }
0x281: {  	s24 =	simm.s32 $0x10;
	v5 =	vld [tilespmem:$0x1A100]  }
.LBB2_4:
0x282: {  	p0 =	sne.s32 s24, $0x3F0  }
0x283: {  	s23 =	sadd.s32 $0x80, s23;
	s25 =	smov.u32 s24;
	s24 =	sadd.s32 $0x10, s24  }
0x284: {  	_ = 	snop  }
0x285: {  	v4 =	vmul.f32 v4, v6;
	_ =	sdelay $0x1  }
0x286: {  	v3 =	vmul.f32 v3, v5;
	v4 =	vadd.f32 v4, v7;
	_ =	sdelay $0x1  }
0x287: {  	v3 =	vadd.f32 v3, v4  }
0x288: {  	v4 =	vld [tilespmem:s17+$0xE280]  }
0x289: {  	s12 =	sand.u32 $0x70, s25;
	s18 =	sand.u32 $0x1C00, s23;
	[tilespmem:s17+$0x16200] =	vst v3;
	v3 =	vld [tilespmem:s17+$0x6280]  }
0x28a: {  	s12 =	sor.u32 s12, s18;
	v5 =	vld [tilespmem:$0x19180]  }
0x28b: {  	v6 =	vld [tilespmem:$0x1A180]  }
0x28c: {  	v7 =	vld [tilespmem:s17+$0x16280];
	_ =	sdelay $0x2  }
0x28d: {  	v3 =	vmul.f32 v3, v5;
	_ =	sdelay $0x1  }
0x28e: {  	v4 =	vmul.f32 v4, v6;
	v3 =	vadd.f32 v3, v7;
	_ =	sdelay $0x1  }
0x28f: {  	v3 =	vadd.f32 v4, v3  }
0x290: {  	v4 =	vld [tilespmem:s17+$0xE300]  }
0x291: {  	[tilespmem:s17+$0x16280] =	vst v3;
	v3 =	vld [tilespmem:s17+$0x6300]  }
0x292: {  	v5 =	vld [tilespmem:$0x19200]  }
0x293: {  	v6 =	vld [tilespmem:$0x1A200]  }
0x294: {  	v7 =	vld [tilespmem:s17+$0x16300];
	_ =	sdelay $0x2  }
0x295: {  	v3 =	vmul.f32 v3, v5;
	_ =	sdelay $0x1  }
0x296: {  	v4 =	vmul.f32 v4, v6;
	v3 =	vadd.f32 v3, v7;
	_ =	sdelay $0x1  }
0x297: {  	v3 =	vadd.f32 v4, v3;
	_ =	sdelay $0x1  }
0x298: {  	s5 =	sor.u32 $0x2380, s5;
	[tilespmem:s17+$0x16300] =	vst v3;
	s17 =	smov.u32 s12  }
0x299: {  	v3 =	vld [tilespmem:s5+$0xC000]  }
0x29a: {  	v4 =	vld [tilespmem:$0x19280]  }
0x29b: {  	v5 =	vld [tilespmem:s5+$0x4000]  }
0x29c: {  	v6 =	vld [tilespmem:$0x1A280]  }
0x29d: {  	v7 =	vld [tilespmem:s5+$0x14000];
	_ =	sdelay $0x2  }
0x29e: {  	v4 =	vmul.f32 v5, v4  }
0x29f: {  	v3 =	vmul.f32 v3, v6  }
0x2a0: {  	v4 =	vadd.f32 v4, v7;
	_ =	sdelay $0x1  }
0x2a1: {  	v3 =	vadd.f32 v3, v4;
	_ =	sdelay $0x1  }
0x2a2: {  	[tilespmem:s5+$0x14000] =	vst v3  }
0x2a3: {  	v3 =	vld [tilespmem:s17+$0x4000]  }
0x2a4: {  	v4 =	vld [tilespmem:s17+$0xC000]  }
0x2a5: {  	v5 =	vld [tilespmem:$0x18B00]  }
0x2a6: {  	v6 =	vld [tilespmem:s17+$0x14000]  }
0x2a7: {  	v7 =	vld [tilespmem:$0x19B00];
	_ =	sdelay $0x2  }
0x2a8: {  	v3 =	vmul.f32 v3, v5;
	_ =	sdelay $0x1  }
0x2a9: {  	v3 =	vadd.f32 v3, v6;
	v4 =	vmul.f32 v4, v7;
	_ =	sdelay $0x1  }
0x2aa: {  	v3 =	vadd.f32 v4, v3  }
0x2ab: {  	v4 =	vld [tilespmem:s17+$0x14080]  }
0x2ac: {  	[tilespmem:s17+$0x14000] =	vst v3;
	v3 =	vld [tilespmem:s17+$0x4080]  }
0x2ad: {  	v5 =	vld [tilespmem:$0x18B80]  }
0x2ae: {  	v6 =	vld [tilespmem:s17+$0xC080]  }
0x2af: {  	v7 =	vld [tilespmem:$0x19B80];
	_ =	sdelay $0x2  }
0x2b0: {  	v3 =	vmul.f32 v3, v5;
	_ =	sdelay $0x1  }
0x2b1: {  	v3 =	vadd.f32 v3, v4;
	v4 =	vmul.f32 v6, v7;
	_ =	sdelay $0x1  }
0x2b2: {  	v3 =	vadd.f32 v4, v3  }
0x2b3: {  	v4 =	vld [tilespmem:s17+$0x14100]  }
0x2b4: {  	[tilespmem:s17+$0x14080] =	vst v3;
	v3 =	vld [tilespmem:s17+$0x4100]  }
0x2b5: {  	v5 =	vld [tilespmem:$0x18C00]  }
0x2b6: {  	v6 =	vld [tilespmem:s17+$0xC100]  }
0x2b7: {  	v7 =	vld [tilespmem:$0x19C00];
	_ =	sdelay $0x2  }
0x2b8: {  	v3 =	vmul.f32 v3, v5;
	_ =	sdelay $0x1  }
0x2b9: {  	v3 =	vadd.f32 v3, v4;
	v4 =	vmul.f32 v6, v7;
	_ =	sdelay $0x1  }
0x2ba: {  	v3 =	vadd.f32 v4, v3  }
0x2bb: {  	v4 =	vld [tilespmem:s17+$0x14180]  }
0x2bc: {  	[tilespmem:s17+$0x14100] =	vst v3;
	v3 =	vld [tilespmem:s17+$0x4180]  }
0x2bd: {  	v5 =	vld [tilespmem:$0x18C80]  }
0x2be: {  	v6 =	vld [tilespmem:s17+$0xC180]  }
0x2bf: {  	v7 =	vld [tilespmem:$0x19C80];
	_ =	sdelay $0x2  }
0x2c0: {  	v3 =	vmul.f32 v3, v5;
	_ =	sdelay $0x1  }
0x2c1: {  	v3 =	vadd.f32 v3, v4;
	v4 =	vmul.f32 v6, v7;
	_ =	sdelay $0x1  }
0x2c2: {  	v3 =	vadd.f32 v4, v3  }
0x2c3: {  	v4 =	vld [tilespmem:s17+$0x14200]  }
0x2c4: {  	[tilespmem:s17+$0x14180] =	vst v3;
	v3 =	vld [tilespmem:s17+$0x4200]  }
0x2c5: {  	v5 =	vld [tilespmem:$0x18D00]  }
0x2c6: {  	v6 =	vld [tilespmem:s17+$0xC200]  }
0x2c7: {  	v7 =	vld [tilespmem:$0x19D00];
	_ =	sdelay $0x2  }
0x2c8: {  	v3 =	vmul.f32 v3, v5;
	_ =	sdelay $0x1  }
0x2c9: {  	v3 =	vadd.f32 v3, v4;
	v4 =	vmul.f32 v6, v7;
	_ =	sdelay $0x1  }
0x2ca: {  	v3 =	vadd.f32 v4, v3  }
0x2cb: {  	v4 =	vld [tilespmem:s17+$0x14280]  }
0x2cc: {  	[tilespmem:s17+$0x14200] =	vst v3;
	v3 =	vld [tilespmem:s17+$0x4280]  }
0x2cd: {  	v5 =	vld [tilespmem:$0x18D80]  }
0x2ce: {  	v6 =	vld [tilespmem:$0x19D80]  }
0x2cf: {  	v7 =	vld [tilespmem:s17+$0xC280];
	_ =	sdelay $0x2  }
0x2d0: {  	v3 =	vmul.f32 v3, v5;
	_ =	sdelay $0x1  }
0x2d1: {  	v3 =	vadd.f32 v3, v4;
	v4 =	vmul.f32 v7, v6;
	_ =	sdelay $0x1  }
0x2d2: {  	v3 =	vadd.f32 v4, v3  }
0x2d3: {  	v4 =	vld [tilespmem:s17+$0x14300]  }
0x2d4: {  	[tilespmem:s17+$0x14280] =	vst v3;
	v3 =	vld [tilespmem:s17+$0x4300]  }
0x2d5: {  	v5 =	vld [tilespmem:$0x18E00]  }
0x2d6: {  	v6 =	vld [tilespmem:s17+$0xC300]  }
0x2d7: {  	v7 =	vld [tilespmem:$0x19E00];
	_ =	sdelay $0x2  }
0x2d8: {  	v3 =	vmul.f32 v3, v5;
	_ =	sdelay $0x1  }
0x2d9: {  	v3 =	vadd.f32 v3, v4;
	v4 =	vmul.f32 v6, v7;
	_ =	sdelay $0x1  }
0x2da: {  	v3 =	vadd.f32 v4, v3;
	_ =	sdelay $0x1  }
0x2db: {  	s5 =	sor.u32 s25, s23;
	[tilespmem:s17+$0x14300] =	vst v3  }
0x2dc: {  	s12 =	sor.u32 $0x380, s5;
	v3 =	vld [tilespmem:$0x19E80]  }
0x2dd: {  	v4 =	vld [tilespmem:s12+$0xC000]  }
0x2de: {  	v5 =	vld [tilespmem:$0x18E80]  }
0x2df: {  	v6 =	vld [tilespmem:s12+$0x4000];
	_ =	sdelay $0x1  }
0x2e0: {  	v7 =	vld [tilespmem:s12+$0x14000];
	_ =	sdelay $0x2  }
0x2e1: {  	v3 =	vmul.f32 v4, v3;
	v5 =	vmul.f32 v6, v5;
	_ =	sdelay $0x1  }
0x2e2: {  	v4 =	vadd.f32 v5, v7;
	_ =	sdelay $0x1  }
0x2e3: {  	v3 =	vadd.f32 v3, v4;
	_ =	sdelay $0x1  }
0x2e4: {  	[tilespmem:s12+$0x14000] =	vst v3  }
0x2e5: {  	v3 =	vld [tilespmem:$0x19F00]  }
0x2e6: {  	v4 =	vld [tilespmem:s17+$0x6000]  }
0x2e7: {  	v5 =	vld [tilespmem:$0x18F00]  }
0x2e8: {  	v6 =	vld [tilespmem:s17+$0xE000]  }
0x2e9: {  	v7 =	vld [tilespmem:s17+$0x16000];
	_ =	sdelay $0x2  }
0x2ea: {  	v4 =	vmul.f32 v4, v5  }
0x2eb: {  	v3 =	vmul.f32 v6, v3  }
0x2ec: {  	v4 =	vadd.f32 v4, v7;
	_ =	sdelay $0x1  }
0x2ed: {  	v3 =	vadd.f32 v3, v4  }
0x2ee: {  	v4 =	vld [tilespmem:s17+$0xE080]  }
0x2ef: {  	[tilespmem:s17+$0x16000] =	vst v3;
	v3 =	vld [tilespmem:s17+$0x6080]  }
0x2f0: {  	v5 =	vld [tilespmem:$0x18F80]  }
0x2f1: {  	v6 =	vld [tilespmem:$0x19F80]  }
0x2f2: {  	v7 =	vld [tilespmem:s17+$0x16080];
	_ =	sdelay $0x2  }
0x2f3: {  	v3 =	vmul.f32 v3, v5;
	_ =	sdelay $0x1  }
0x2f4: {  	v4 =	vmul.f32 v4, v6;
	v3 =	vadd.f32 v3, v7;
	_ =	sdelay $0x1  }
0x2f5: {  	v3 =	vadd.f32 v4, v3  }
0x2f6: {  	v4 =	vld [tilespmem:s17+$0xE100]  }
0x2f7: {  	[tilespmem:s17+$0x16080] =	vst v3;
	v3 =	vld [tilespmem:s17+$0x6100]  }
0x2f8: {  	v5 =	vld [tilespmem:$0x19000]  }
0x2f9: {  	v6 =	vld [tilespmem:$0x1A000]  }
0x2fa: {  	v7 =	vld [tilespmem:s17+$0x16100];
	_ =	sdelay $0x2  }
0x2fb: {  	v3 =	vmul.f32 v3, v5;
	_ =	sdelay $0x1  }
0x2fc: {  	v4 =	vmul.f32 v4, v6;
	v3 =	vadd.f32 v3, v7;
	_ =	sdelay $0x1  }
0x2fd: {  	v3 =	vadd.f32 v4, v3  }
0x2fe: {  	v4 =	vld [tilespmem:s17+$0xE180]  }
0x2ff: {  	[tilespmem:s17+$0x16100] =	vst v3;
	v3 =	vld [tilespmem:s17+$0x6180]  }
0x300: {  	v5 =	vld [tilespmem:$0x19080]  }
0x301: {  	v6 =	vld [tilespmem:$0x1A080]  }
0x302: {  	v7 =	vld [tilespmem:s17+$0x16180];
	_ =	sdelay $0x2  }
0x303: {  	v3 =	vmul.f32 v3, v5;
	_ =	sdelay $0x1  }
0x304: {  	v4 =	vmul.f32 v4, v6;
	v3 =	vadd.f32 v3, v7;
	_ =	sdelay $0x1  }
0x305: {  	v4 =	vadd.f32 v4, v3  }
.Ltmp1:
0x306: {  	v3 =	vld [tilespmem:s17+$0xE200];
	(pc) =	sbr.rel @p0 .LBB2_4-.Ltmp1, $4  }
0x307: {  	[tilespmem:s17+$0x16180] =	vst v4;
	v4 =	vld [tilespmem:s17+$0x6200]  }
0x308: {  	v6 =	vld [tilespmem:$0x19100]  }
0x309: {  	v5 =	vld [tilespmem:$0x1A100]  }
0x30a: {  	v7 =	vld [tilespmem:s17+$0x16200]  }
0x30b: {  	_ =	sdelay $0x1  }
0x30c: {  	v4 =	vmul.f32 v4, v6;
	_ =	sdelay $0x1  }
0x30d: {  	v3 =	vmul.f32 v3, v5;
	v4 =	vadd.f32 v4, v7;
	_ =	sdelay $0x1  }
0x30e: {  	v3 =	vadd.f32 v3, v4  }
0x30f: {  	v7 =	vld [tilespmem:s17+$0x16280]  }
0x310: {  	[tilespmem:s17+$0x16200] =	vst v3;
	v3 =	vld [tilespmem:s17+$0x6280]  }
0x311: {  	v5 =	vld [tilespmem:$0x19180]  }
0x312: {  	v4 =	vld [tilespmem:s17+$0xE280]  }
0x313: {  	v6 =	vld [tilespmem:$0x1A180];
	_ =	sdelay $0x2  }
0x314: {  	v3 =	vmul.f32 v3, v5;
	_ =	sdelay $0x1  }
0x315: {  	v4 =	vmul.f32 v4, v6;
	v3 =	vadd.f32 v3, v7;
	_ =	sdelay $0x1  }
0x316: {  	v3 =	vadd.f32 v4, v3  }
0x317: {  	v7 =	vld [tilespmem:s17+$0x16300]  }
0x318: {  	[tilespmem:s17+$0x16280] =	vst v3;
	v3 =	vld [tilespmem:s17+$0x6300]  }
0x319: {  	v5 =	vld [tilespmem:$0x19200]  }
0x31a: {  	v4 =	vld [tilespmem:s17+$0xE300]  }
0x31b: {  	v6 =	vld [tilespmem:$0x1A200];
	_ =	sdelay $0x2  }
0x31c: {  	v3 =	vmul.f32 v3, v5;
	_ =	sdelay $0x1  }
0x31d: {  	v4 =	vmul.f32 v4, v6;
	v3 =	vadd.f32 v3, v7;
	_ =	sdelay $0x1  }
0x31e: {  	v3 =	vadd.f32 v4, v3;
	_ =	sdelay $0x1  }
0x31f: {  	s5 =	sor.u32 $0x2380, s5;
	[tilespmem:s17+$0x16300] =	vst v3  }
0x320: {  	v3 =	vld [tilespmem:s5+$0xC000]  }
0x321: {  	v4 =	vld [tilespmem:$0x19280]  }
0x322: {  	v5 =	vld [tilespmem:s5+$0x4000]  }
0x323: {  	v6 =	vld [tilespmem:$0x1A280]  }
0x324: {  	v7 =	vld [tilespmem:s5+$0x14000];
	_ =	sdelay $0x2  }
0x325: {  	v4 =	vmul.f32 v5, v4;
	_ =	sdelay $0x1  }
0x326: {  	v3 =	vmul.f32 v3, v6;
	v4 =	vadd.f32 v4, v7;
	_ =	sdelay $0x1  }
0x327: {  	v3 =	vadd.f32 v3, v4;
	_ =	sdelay $0x1  }
0x328: {  	s23 =	simm.s32 $0x0;
	s25 =	rddreg [dreg:$0x16];
	[tilespmem:s5+$0x14000] =	vst v3  }
0x329: {  	[hbm4b:s25+s23] =	stream.linear.scatter [tilespmem:s20], [sflag:$0x7], $0x4000, $0x38;
	[tilespmem:$0x1A300] =	vst v63  }
0x32a: {  	_ =	swait.ge [sflag:s3], $0x4000  }
0x32b: {  	[sflag:s3] =	ssyncset.done $0x0  }
0x32c: {  	s12 =	rddreg [dreg:$0xd];
	[sflag:s3] =	ssyncadd.s32 $0xFFFFC000  }
0x32d: {  	[tilespmem:s7], [sflag:$0x7] =	stream.linear.gather [hbm4b:s12+s23], $0x10, $0x38;
	[tilespmem:$0x1A300] =	vst v63  }
0x32e: {  	_ =	swait.ge [sflag:s3], $0x10  }
0x32f: {  	[sflag:s3] =	ssyncset.done $0x0  }
0x330: {  	[sflag:s3] =	ssyncadd.s32 $0xFFFFFFF0  }
0x331: {  	v3 =	vld [tilespmem:$0x18080];
	_ =	sdelay $0x4  }
0x332: {  	v3 =	vtrunc.f32 v3  }
0x333: {  	v3 =	vcvt.f32.s32 v3;
	_ =	sdelay $0x1  }
0x334: {  	s17 =	rddreg [dreg:$0xe];
	[tilespmem:$0x18180] =	vst v3  }
0x335: {  	[tilespmem:s7], [sflag:$0x7] =	stream.linear.gather [hbm4b:s17+s23], $0x10, $0x38;
	[tilespmem:$0x1A300] =	vst v63  }
0x336: {  	_ =	swait.ge [sflag:s3], $0x10  }
0x337: {  	[sflag:s3] =	ssyncset.done $0x0  }
0x338: {  	[sflag:s3] =	ssyncadd.s32 $0xFFFFFFF0  }
0x339: {  	v3 =	vld [tilespmem:$0x18080];
	_ =	sdelay $0x4  }
0x33a: {  	v3 =	vtrunc.f32 v3  }
0x33b: {  	v3 =	vcvt.f32.s32 v3;
	_ =	sdelay $0x1  }
0x33c: {  	s12 =	simm.s32 $0x18B00;
	s18 =	rddreg [dreg:$0x11];
	[tilespmem:$0x18280] =	vst v3  }
0x33d: {  	[tilespmem:s12], [sflag:$0x7] =	stream.linear.gather [hbm4b:s18+s23], $0x800, $0x38;
	[tilespmem:$0x1A300] =	vst v63  }
0x33e: {  	_ =	swait.ge [sflag:s3], $0x800  }
0x33f: {  	[sflag:s3] =	ssyncset.done $0x0  }
0x340: {  	s25 =	simm.s32 $0x19B00;
	s24 =	rddreg [dreg:$0x12];
	[sflag:s3] =	ssyncadd.s32 $0xFFFFF800  }
0x341: {  	[tilespmem:s25], [sflag:$0x7] =	stream.linear.gather [hbm4b:s24+s23], $0x800, $0x38;
	[tilespmem:$0x1A300] =	vst v63  }
0x342: {  	_ =	swait.ge [sflag:s3], $0x800  }
0x343: {  	[sflag:s3] =	ssyncset.done $0x0  }
0x344: {  	[sflag:s3] =	ssyncadd.s32 $0xFFFFF800  }
0x345: {  	v3 =	vld [tilespmem:$0x18180];
	_ =	sdelay $0x4  }
0x346: {  	v4 =	vshll.u32 v3, $0x3  }
0x347: {  	v3 =	vand.u32 $0x7, v3;
	v4 =	vand.u32 $0xFFFFFFC0, v4  }
0x348: {  	v3 =	vor.u32 v3, v4  }
0x349: {  	v4 =	vperm.xlane v3, v0;
	_ =	sdelay $0x1  }
0x34a: {  	v4 =	vadd.s32 v1, v4;
	_ =	sdelay $0x3  }
0x34b: {  	s12 =	simm.s32 $0x4000  }
0x34c: {  	[tilespmem:s12], [sflag:$0x4] =	stream.indirect_vreg.gather [hbm4b:s26+s23], $0x80, v4, vm0, $0xb8;
	[tilespmem:$0x1A300] =	vst v63  }
0x34d: {  	s17 =	simm.s32 $0x4800;
	v3 =	vperm.xlane v3, v2  }
0x34e: {  	[tilespmem:s17], [sflag:$0x4] =	stream.indirect_vreg.gather [hbm4b:s28+s23], $0x80, v4, vm0, $0xb8;
	[tilespmem:$0x1A300] =	vst v63  }
0x34f: {  	s18 =	simm.s32 $0x5000;
	v3 =	vadd.s32 v1, v3  }
0x350: {  	[tilespmem:s18], [sflag:$0x4] =	stream.indirect_vreg.gather [hbm4b:s30+s23], $0x80, v4, vm0, $0xb8;
	[tilespmem:$0x1A300] =	vst v63  }
0x351: {  	s24 =	simm.s32 $0x5800  }
0x352: {  	[tilespmem:s24], [sflag:$0x4] =	stream.indirect_vreg.gather [hbm4b:s31+s23], $0x80, v4, vm0, $0xb8;
	[tilespmem:$0x1A300] =	vst v63  }
0x353: {  	s25 =	simm.s32 $0x6000  }
0x354: {  	[tilespmem:s25], [sflag:$0x4] =	stream.indirect_vreg.gather [hbm4b:s26+s23], $0x80, v3, vm0, $0xb8;
	[tilespmem:$0x1A300] =	vst v63  }
0x355: {  	s12 =	simm.s32 $0x6800  }
0x356: {  	[tilespmem:s12], [sflag:$0x4] =	stream.indirect_vreg.gather [hbm4b:s28+s23], $0x80, v3, vm0, $0xb8;
	[tilespmem:$0x1A300] =	vst v63  }
0x357: {  	s17 =	simm.s32 $0x7000  }
0x358: {  	[tilespmem:s17], [sflag:$0x4] =	stream.indirect_vreg.gather [hbm4b:s30+s23], $0x80, v3, vm0, $0xb8;
	[tilespmem:$0x1A300] =	vst v63  }
0x359: {  	s18 =	simm.s32 $0x7800  }
0x35a: {  	[tilespmem:s18], [sflag:$0x4] =	stream.indirect_vreg.gather [hbm4b:s31+s23], $0x80, v3, vm0, $0xb8;
	[tilespmem:$0x1A300] =	vst v63  }
0x35b: {  	v3 =	vld [tilespmem:$0x18280];
	_ =	sdelay $0x4  }
0x35c: {  	v4 =	vshll.u32 v3, $0x3  }
0x35d: {  	v3 =	vand.u32 $0x7, v3;
	v4 =	vand.u32 $0xFFFFFFC0, v4  }
0x35e: {  	v3 =	vor.u32 v3, v4  }
0x35f: {  	v4 =	vperm.xlane v3, v0;
	_ =	sdelay $0x1  }
0x360: {  	v4 =	vadd.s32 v1, v4;
	_ =	sdelay $0x3  }
0x361: {  	s24 =	simm.s32 $0xC000  }
0x362: {  	[tilespmem:s24], [sflag:$0x5] =	stream.indirect_vreg.gather [hbm4b:s26+s23], $0x80, v4, vm0, $0xb8;
	[tilespmem:$0x1A300] =	vst v63  }
0x363: {  	s25 =	simm.s32 $0xC800;
	v3 =	vperm.xlane v3, v2  }
0x364: {  	[tilespmem:s25], [sflag:$0x5] =	stream.indirect_vreg.gather [hbm4b:s28+s23], $0x80, v4, vm0, $0xb8;
	[tilespmem:$0x1A300] =	vst v63  }
0x365: {  	s12 =	simm.s32 $0xD000;
	v3 =	vadd.s32 v1, v3  }
0x366: {  	[tilespmem:s12], [sflag:$0x5] =	stream.indirect_vreg.gather [hbm4b:s30+s23], $0x80, v4, vm0, $0xb8;
	[tilespmem:$0x1A300] =	vst v63  }
0x367: {  	_ = 	snop  }
0x368: {  	[tilespmem:s13], [sflag:$0x5] =	stream.indirect_vreg.gather [hbm4b:s31+s23], $0x80, v4, vm0, $0xb8;
	[tilespmem:$0x1A300] =	vst v63  }
0x369: {  	_ = 	snop  }
0x36a: {  	[tilespmem:s10], [sflag:$0x5] =	stream.indirect_vreg.gather [hbm4b:s26+s23], $0x80, v3, vm0, $0xb8;
	[tilespmem:$0x1A300] =	vst v63  }
0x36b: {  	_ = 	snop  }
0x36c: {  	[tilespmem:s14], [sflag:$0x5] =	stream.indirect_vreg.gather [hbm4b:s28+s23], $0x80, v3, vm0, $0xb8;
	[tilespmem:$0x1A300] =	vst v63  }
0x36d: {  	_ = 	snop  }
0x36e: {  	[tilespmem:s19], [sflag:$0x5] =	stream.indirect_vreg.gather [hbm4b:s30+s23], $0x80, v3, vm0, $0xb8;
	[tilespmem:$0x1A300] =	vst v63  }
0x36f: {  	_ = 	snop  }
0x370: {  	[tilespmem:s8], [sflag:$0x5] =	stream.indirect_vreg.gather [hbm4b:s31+s23], $0x80, v3, vm0, $0xb8;
	[tilespmem:$0x1A300] =	vst v63  }
0x371: {  	s17 =	rddreg [dreg:$0x18]  }
0x372: {  	[tilespmem:s20], [sflag:$0x6] =	stream.linear.gather [hbm4b:s17+s23], $0x4000, $0x38;
	[tilespmem:$0x1A300] =	vst v63  }
0x373: {  	_ =	swait.ge [sflag:s15], $0x4000  }
0x374: {  	[sflag:s15] =	ssyncset.done $0x0  }
0x375: {  	[sflag:s15] =	ssyncadd.s32 $0xFFFFC000  }
0x376: {  	_ =	swait.ge [sflag:s4], $0x4000  }
0x377: {  	[sflag:s4] =	ssyncset.done $0x0  }
0x378: {  	[sflag:s4] =	ssyncadd.s32 $0xFFFFC000  }
0x379: {  	_ =	swait.ge [sflag:s16], $0x4000  }
0x37a: {  	s18 =	sand.u32 $0x70, s23;
	s24 =	sand.u32 $0x1C00, s23;
	[sflag:s16] =	ssyncset.done $0x0  }
0x37b: {  	s17 =	sor.u32 s18, s24;
	[sflag:s16] =	ssyncadd.s32 $0xFFFFC000  }
0x37c: {  	v3 =	vld [tilespmem:s17+$0x0]  }
0x37d: {  	v4 =	vld [tilespmem:s17+$0x8000]  }
0x37e: {  	v5 =	vld [tilespmem:$0x18300]  }
0x37f: {  	v6 =	vld [tilespmem:s17+$0x10000]  }
0x380: {  	v7 =	vld [tilespmem:$0x19300];
	_ =	sdelay $0x2  }
0x381: {  	v3 =	vmul.f32 v3, v5;
	_ =	sdelay $0x1  }
0x382: {  	v4 =	vmul.f32 v4, v7;
	v3 =	vadd.f32 v3, v6;
	_ =	sdelay $0x1  }
0x383: {  	v3 =	vadd.f32 v4, v3  }
0x384: {  	v6 =	vld [tilespmem:s17+$0x8080]  }
0x385: {  	[tilespmem:s17+$0x10000] =	vst v3;
	v3 =	vld [tilespmem:s17+$0x80]  }
0x386: {  	v5 =	vld [tilespmem:$0x18380]  }
0x387: {  	v4 =	vld [tilespmem:s17+$0x10080]  }
0x388: {  	v7 =	vld [tilespmem:$0x19380];
	_ =	sdelay $0x2  }
0x389: {  	v3 =	vmul.f32 v3, v5;
	_ =	sdelay $0x1  }
0x38a: {  	v3 =	vadd.f32 v3, v4;
	v4 =	vmul.f32 v6, v7;
	_ =	sdelay $0x1  }
0x38b: {  	v3 =	vadd.f32 v4, v3  }
0x38c: {  	v6 =	vld [tilespmem:s17+$0x8100]  }
0x38d: {  	[tilespmem:s17+$0x10080] =	vst v3;
	v3 =	vld [tilespmem:s17+$0x100]  }
0x38e: {  	v5 =	vld [tilespmem:$0x18400]  }
0x38f: {  	v4 =	vld [tilespmem:s17+$0x10100]  }
0x390: {  	v7 =	vld [tilespmem:$0x19400];
	_ =	sdelay $0x2  }
0x391: {  	v3 =	vmul.f32 v3, v5;
	_ =	sdelay $0x1  }
0x392: {  	v3 =	vadd.f32 v3, v4;
	v4 =	vmul.f32 v6, v7;
	_ =	sdelay $0x1  }
0x393: {  	v3 =	vadd.f32 v4, v3  }
0x394: {  	v6 =	vld [tilespmem:s17+$0x8180]  }
0x395: {  	[tilespmem:s17+$0x10100] =	vst v3;
	v3 =	vld [tilespmem:s17+$0x180]  }
0x396: {  	v5 =	vld [tilespmem:$0x18480]  }
0x397: {  	v4 =	vld [tilespmem:s17+$0x10180]  }
0x398: {  	v7 =	vld [tilespmem:$0x19480];
	_ =	sdelay $0x2  }
0x399: {  	v3 =	vmul.f32 v3, v5;
	_ =	sdelay $0x1  }
0x39a: {  	v3 =	vadd.f32 v3, v4;
	v4 =	vmul.f32 v6, v7;
	_ =	sdelay $0x1  }
0x39b: {  	v3 =	vadd.f32 v4, v3  }
0x39c: {  	v6 =	vld [tilespmem:s17+$0x8200]  }
0x39d: {  	[tilespmem:s17+$0x10180] =	vst v3;
	v3 =	vld [tilespmem:s17+$0x200]  }
0x39e: {  	v5 =	vld [tilespmem:$0x18500]  }
0x39f: {  	v4 =	vld [tilespmem:s17+$0x10200]  }
0x3a0: {  	v7 =	vld [tilespmem:$0x19500];
	_ =	sdelay $0x2  }
0x3a1: {  	v3 =	vmul.f32 v3, v5;
	_ =	sdelay $0x1  }
0x3a2: {  	v3 =	vadd.f32 v3, v4;
	v4 =	vmul.f32 v6, v7;
	_ =	sdelay $0x1  }
0x3a3: {  	v3 =	vadd.f32 v4, v3  }
0x3a4: {  	v7 =	vld [tilespmem:s17+$0x8280]  }
0x3a5: {  	[tilespmem:s17+$0x10200] =	vst v3;
	v3 =	vld [tilespmem:s17+$0x280]  }
0x3a6: {  	v5 =	vld [tilespmem:$0x18580]  }
0x3a7: {  	v4 =	vld [tilespmem:s17+$0x10280]  }
0x3a8: {  	v6 =	vld [tilespmem:$0x19580];
	_ =	sdelay $0x2  }
0x3a9: {  	v3 =	vmul.f32 v3, v5;
	_ =	sdelay $0x1  }
0x3aa: {  	v3 =	vadd.f32 v3, v4;
	v4 =	vmul.f32 v7, v6;
	_ =	sdelay $0x1  }
0x3ab: {  	v3 =	vadd.f32 v4, v3  }
0x3ac: {  	v6 =	vld [tilespmem:s17+$0x8300]  }
0x3ad: {  	[tilespmem:s17+$0x10280] =	vst v3;
	v3 =	vld [tilespmem:s17+$0x300]  }
0x3ae: {  	v5 =	vld [tilespmem:$0x18600]  }
0x3af: {  	v4 =	vld [tilespmem:s17+$0x10300]  }
0x3b0: {  	v7 =	vld [tilespmem:$0x19600];
	_ =	sdelay $0x2  }
0x3b1: {  	v3 =	vmul.f32 v3, v5;
	_ =	sdelay $0x1  }
0x3b2: {  	v3 =	vadd.f32 v3, v4;
	v4 =	vmul.f32 v6, v7;
	_ =	sdelay $0x1  }
0x3b3: {  	v3 =	vadd.f32 v4, v3;
	_ =	sdelay $0x1  }
0x3b4: {  	[tilespmem:s17+$0x10300] =	vst v3  }
0x3b5: {  	s5 =	sor.u32 s23, s23;
	v3 =	vld [tilespmem:$0x19680]  }
0x3b6: {  	s25 =	sor.u32 $0x380, s5;
	v4 =	vld [tilespmem:$0x18680]  }
0x3b7: {  	v5 =	vld [tilespmem:s25+$0x0]  }
0x3b8: {  	v6 =	vld [tilespmem:s25+$0x8000]  }
0x3b9: {  	v7 =	vld [tilespmem:s25+$0x10000];
	_ =	sdelay $0x2  }
0x3ba: {  	v4 =	vmul.f32 v5, v4;
	_ =	sdelay $0x1  }
0x3bb: {  	v3 =	vmul.f32 v6, v3;
	v4 =	vadd.f32 v4, v7;
	_ =	sdelay $0x1  }
0x3bc: {  	v3 =	vadd.f32 v3, v4;
	_ =	sdelay $0x1  }
0x3bd: {  	[tilespmem:s25+$0x10000] =	vst v3  }
0x3be: {  	v3 =	vld [tilespmem:$0x19700]  }
0x3bf: {  	v4 =	vld [tilespmem:s17+$0x2000]  }
0x3c0: {  	v5 =	vld [tilespmem:$0x18700]  }
0x3c1: {  	v6 =	vld [tilespmem:s17+$0xA000]  }
0x3c2: {  	v7 =	vld [tilespmem:s17+$0x12000];
	_ =	sdelay $0x2  }
0x3c3: {  	v4 =	vmul.f32 v4, v5;
	_ =	sdelay $0x1  }
0x3c4: {  	v3 =	vmul.f32 v6, v3;
	v4 =	vadd.f32 v4, v7;
	_ =	sdelay $0x1  }
0x3c5: {  	v3 =	vadd.f32 v3, v4  }
0x3c6: {  	v7 =	vld [tilespmem:s17+$0x12080]  }
0x3c7: {  	[tilespmem:s17+$0x12000] =	vst v3;
	v3 =	vld [tilespmem:s17+$0x2080]  }
0x3c8: {  	v5 =	vld [tilespmem:$0x18780]  }
0x3c9: {  	v4 =	vld [tilespmem:s17+$0xA080]  }
0x3ca: {  	v6 =	vld [tilespmem:$0x19780];
	_ =	sdelay $0x2  }
0x3cb: {  	v3 =	vmul.f32 v3, v5;
	_ =	sdelay $0x1  }
0x3cc: {  	v4 =	vmul.f32 v4, v6;
	v3 =	vadd.f32 v3, v7;
	_ =	sdelay $0x1  }
0x3cd: {  	v3 =	vadd.f32 v4, v3  }
0x3ce: {  	v7 =	vld [tilespmem:s17+$0x12100]  }
0x3cf: {  	[tilespmem:s17+$0x12080] =	vst v3;
	v3 =	vld [tilespmem:s17+$0x2100]  }
0x3d0: {  	v5 =	vld [tilespmem:$0x18800]  }
0x3d1: {  	v4 =	vld [tilespmem:s17+$0xA100]  }
0x3d2: {  	v6 =	vld [tilespmem:$0x19800];
	_ =	sdelay $0x2  }
0x3d3: {  	v3 =	vmul.f32 v3, v5;
	_ =	sdelay $0x1  }
0x3d4: {  	v4 =	vmul.f32 v4, v6;
	v3 =	vadd.f32 v3, v7;
	_ =	sdelay $0x1  }
0x3d5: {  	v3 =	vadd.f32 v4, v3  }
0x3d6: {  	v7 =	vld [tilespmem:s17+$0x12180]  }
0x3d7: {  	[tilespmem:s17+$0x12100] =	vst v3;
	v3 =	vld [tilespmem:s17+$0x2180]  }
0x3d8: {  	v5 =	vld [tilespmem:$0x18880]  }
0x3d9: {  	v4 =	vld [tilespmem:s17+$0xA180]  }
0x3da: {  	v6 =	vld [tilespmem:$0x19880];
	_ =	sdelay $0x2  }
0x3db: {  	v3 =	vmul.f32 v3, v5;
	_ =	sdelay $0x1  }
0x3dc: {  	v4 =	vmul.f32 v4, v6;
	v3 =	vadd.f32 v3, v7;
	_ =	sdelay $0x1  }
0x3dd: {  	v7 =	vld [tilespmem:s17+$0x12200];
	v4 =	vadd.f32 v4, v3  }
0x3de: {  	v3 =	vld [tilespmem:s17+$0xA200]  }
0x3df: {  	[tilespmem:s17+$0x12180] =	vst v4;
	v4 =	vld [tilespmem:s17+$0x2200]  }
0x3e0: {  	v6 =	vld [tilespmem:$0x18900]  }
0x3e1: {  	s24 =	simm.s32 $0x10;
	v5 =	vld [tilespmem:$0x19900]  }
.LBB2_6:
0x3e2: {  	p0 =	sne.s32 s24, $0x3F0  }
0x3e3: {  	s23 =	sadd.s32 $0x80, s23;
	s25 =	smov.u32 s24;
	s24 =	sadd.s32 $0x10, s24  }
0x3e4: {  	_ = 	snop  }
0x3e5: {  	v4 =	vmul.f32 v4, v6;
	_ =	sdelay $0x1  }
0x3e6: {  	v3 =	vmul.f32 v3, v5;
	v4 =	vadd.f32 v4, v7;
	_ =	sdelay $0x1  }
0x3e7: {  	v3 =	vadd.f32 v3, v4  }
0x3e8: {  	v4 =	vld [tilespmem:s17+$0xA280]  }
0x3e9: {  	s12 =	sand.u32 $0x70, s25;
	s18 =	sand.u32 $0x1C00, s23;
	[tilespmem:s17+$0x12200] =	vst v3;
	v3 =	vld [tilespmem:s17+$0x2280]  }
0x3ea: {  	s12 =	sor.u32 s12, s18;
	v5 =	vld [tilespmem:$0x18980]  }
0x3eb: {  	v6 =	vld [tilespmem:$0x19980]  }
0x3ec: {  	v7 =	vld [tilespmem:s17+$0x12280];
	_ =	sdelay $0x2  }
0x3ed: {  	v3 =	vmul.f32 v3, v5;
	_ =	sdelay $0x1  }
0x3ee: {  	v4 =	vmul.f32 v4, v6;
	v3 =	vadd.f32 v3, v7;
	_ =	sdelay $0x1  }
0x3ef: {  	v3 =	vadd.f32 v4, v3  }
0x3f0: {  	v4 =	vld [tilespmem:s17+$0xA300]  }
0x3f1: {  	[tilespmem:s17+$0x12280] =	vst v3;
	v3 =	vld [tilespmem:s17+$0x2300]  }
0x3f2: {  	v5 =	vld [tilespmem:$0x18A00]  }
0x3f3: {  	v6 =	vld [tilespmem:$0x19A00]  }
0x3f4: {  	v7 =	vld [tilespmem:s17+$0x12300];
	_ =	sdelay $0x2  }
0x3f5: {  	v3 =	vmul.f32 v3, v5;
	_ =	sdelay $0x1  }
0x3f6: {  	v4 =	vmul.f32 v4, v6;
	v3 =	vadd.f32 v3, v7;
	_ =	sdelay $0x1  }
0x3f7: {  	v3 =	vadd.f32 v4, v3;
	_ =	sdelay $0x1  }
0x3f8: {  	s5 =	sor.u32 $0x2380, s5;
	[tilespmem:s17+$0x12300] =	vst v3;
	s17 =	smov.u32 s12  }
0x3f9: {  	v3 =	vld [tilespmem:s5+$0x8000]  }
0x3fa: {  	v4 =	vld [tilespmem:$0x18A80]  }
0x3fb: {  	v5 =	vld [tilespmem:s5+$0x0]  }
0x3fc: {  	v6 =	vld [tilespmem:$0x19A80]  }
0x3fd: {  	v7 =	vld [tilespmem:s5+$0x10000];
	_ =	sdelay $0x2  }
0x3fe: {  	v4 =	vmul.f32 v5, v4  }
0x3ff: {  	v3 =	vmul.f32 v3, v6  }
0x400: {  	v4 =	vadd.f32 v4, v7;
	_ =	sdelay $0x1  }
0x401: {  	v3 =	vadd.f32 v3, v4;
	_ =	sdelay $0x1  }
0x402: {  	[tilespmem:s5+$0x10000] =	vst v3  }
0x403: {  	v3 =	vld [tilespmem:s17+$0x0]  }
0x404: {  	v4 =	vld [tilespmem:s17+$0x8000]  }
0x405: {  	v5 =	vld [tilespmem:$0x18300]  }
0x406: {  	v6 =	vld [tilespmem:s17+$0x10000]  }
0x407: {  	v7 =	vld [tilespmem:$0x19300];
	_ =	sdelay $0x2  }
0x408: {  	v3 =	vmul.f32 v3, v5;
	_ =	sdelay $0x1  }
0x409: {  	v3 =	vadd.f32 v3, v6;
	v4 =	vmul.f32 v4, v7;
	_ =	sdelay $0x1  }
0x40a: {  	v3 =	vadd.f32 v4, v3  }
0x40b: {  	v4 =	vld [tilespmem:s17+$0x10080]  }
0x40c: {  	[tilespmem:s17+$0x10000] =	vst v3;
	v3 =	vld [tilespmem:s17+$0x80]  }
0x40d: {  	v5 =	vld [tilespmem:$0x18380]  }
0x40e: {  	v6 =	vld [tilespmem:s17+$0x8080]  }
0x40f: {  	v7 =	vld [tilespmem:$0x19380];
	_ =	sdelay $0x2  }
0x410: {  	v3 =	vmul.f32 v3, v5;
	_ =	sdelay $0x1  }
0x411: {  	v3 =	vadd.f32 v3, v4;
	v4 =	vmul.f32 v6, v7;
	_ =	sdelay $0x1  }
0x412: {  	v3 =	vadd.f32 v4, v3  }
0x413: {  	v4 =	vld [tilespmem:s17+$0x10100]  }
0x414: {  	[tilespmem:s17+$0x10080] =	vst v3;
	v3 =	vld [tilespmem:s17+$0x100]  }
0x415: {  	v5 =	vld [tilespmem:$0x18400]  }
0x416: {  	v6 =	vld [tilespmem:s17+$0x8100]  }
0x417: {  	v7 =	vld [tilespmem:$0x19400];
	_ =	sdelay $0x2  }
0x418: {  	v3 =	vmul.f32 v3, v5;
	_ =	sdelay $0x1  }
0x419: {  	v3 =	vadd.f32 v3, v4;
	v4 =	vmul.f32 v6, v7;
	_ =	sdelay $0x1  }
0x41a: {  	v3 =	vadd.f32 v4, v3  }
0x41b: {  	v4 =	vld [tilespmem:s17+$0x10180]  }
0x41c: {  	[tilespmem:s17+$0x10100] =	vst v3;
	v3 =	vld [tilespmem:s17+$0x180]  }
0x41d: {  	v5 =	vld [tilespmem:$0x18480]  }
0x41e: {  	v6 =	vld [tilespmem:s17+$0x8180]  }
0x41f: {  	v7 =	vld [tilespmem:$0x19480];
	_ =	sdelay $0x2  }
0x420: {  	v3 =	vmul.f32 v3, v5;
	_ =	sdelay $0x1  }
0x421: {  	v3 =	vadd.f32 v3, v4;
	v4 =	vmul.f32 v6, v7;
	_ =	sdelay $0x1  }
0x422: {  	v3 =	vadd.f32 v4, v3  }
0x423: {  	v4 =	vld [tilespmem:s17+$0x10200]  }
0x424: {  	[tilespmem:s17+$0x10180] =	vst v3;
	v3 =	vld [tilespmem:s17+$0x200]  }
0x425: {  	v5 =	vld [tilespmem:$0x18500]  }
0x426: {  	v6 =	vld [tilespmem:s17+$0x8200]  }
0x427: {  	v7 =	vld [tilespmem:$0x19500];
	_ =	sdelay $0x2  }
0x428: {  	v3 =	vmul.f32 v3, v5;
	_ =	sdelay $0x1  }
0x429: {  	v3 =	vadd.f32 v3, v4;
	v4 =	vmul.f32 v6, v7;
	_ =	sdelay $0x1  }
0x42a: {  	v3 =	vadd.f32 v4, v3  }
0x42b: {  	v4 =	vld [tilespmem:s17+$0x10280]  }
0x42c: {  	[tilespmem:s17+$0x10200] =	vst v3;
	v3 =	vld [tilespmem:s17+$0x280]  }
0x42d: {  	v5 =	vld [tilespmem:$0x18580]  }
0x42e: {  	v6 =	vld [tilespmem:$0x19580]  }
0x42f: {  	v7 =	vld [tilespmem:s17+$0x8280];
	_ =	sdelay $0x2  }
0x430: {  	v3 =	vmul.f32 v3, v5;
	_ =	sdelay $0x1  }
0x431: {  	v3 =	vadd.f32 v3, v4;
	v4 =	vmul.f32 v7, v6;
	_ =	sdelay $0x1  }
0x432: {  	v3 =	vadd.f32 v4, v3  }
0x433: {  	v4 =	vld [tilespmem:s17+$0x10300]  }
0x434: {  	[tilespmem:s17+$0x10280] =	vst v3;
	v3 =	vld [tilespmem:s17+$0x300]  }
0x435: {  	v5 =	vld [tilespmem:$0x18600]  }
0x436: {  	v6 =	vld [tilespmem:s17+$0x8300]  }
0x437: {  	v7 =	vld [tilespmem:$0x19600];
	_ =	sdelay $0x2  }
0x438: {  	v3 =	vmul.f32 v3, v5;
	_ =	sdelay $0x1  }
0x439: {  	v3 =	vadd.f32 v3, v4;
	v4 =	vmul.f32 v6, v7;
	_ =	sdelay $0x1  }
0x43a: {  	v3 =	vadd.f32 v4, v3;
	_ =	sdelay $0x1  }
0x43b: {  	s5 =	sor.u32 s25, s23;
	[tilespmem:s17+$0x10300] =	vst v3  }
0x43c: {  	s12 =	sor.u32 $0x380, s5;
	v3 =	vld [tilespmem:$0x19680]  }
0x43d: {  	v4 =	vld [tilespmem:s12+$0x8000]  }
0x43e: {  	v5 =	vld [tilespmem:$0x18680]  }
0x43f: {  	v6 =	vld [tilespmem:s12+$0x0];
	_ =	sdelay $0x1  }
0x440: {  	v7 =	vld [tilespmem:s12+$0x10000];
	_ =	sdelay $0x2  }
0x441: {  	v3 =	vmul.f32 v4, v3;
	v5 =	vmul.f32 v6, v5;
	_ =	sdelay $0x1  }
0x442: {  	v4 =	vadd.f32 v5, v7;
	_ =	sdelay $0x1  }
0x443: {  	v3 =	vadd.f32 v3, v4;
	_ =	sdelay $0x1  }
0x444: {  	[tilespmem:s12+$0x10000] =	vst v3  }
0x445: {  	v3 =	vld [tilespmem:$0x19700]  }
0x446: {  	v4 =	vld [tilespmem:s17+$0x2000]  }
0x447: {  	v5 =	vld [tilespmem:$0x18700]  }
0x448: {  	v6 =	vld [tilespmem:s17+$0xA000]  }
0x449: {  	v7 =	vld [tilespmem:s17+$0x12000];
	_ =	sdelay $0x2  }
0x44a: {  	v4 =	vmul.f32 v4, v5  }
0x44b: {  	v3 =	vmul.f32 v6, v3  }
0x44c: {  	v4 =	vadd.f32 v4, v7;
	_ =	sdelay $0x1  }
0x44d: {  	v3 =	vadd.f32 v3, v4  }
0x44e: {  	v4 =	vld [tilespmem:s17+$0xA080]  }
0x44f: {  	[tilespmem:s17+$0x12000] =	vst v3;
	v3 =	vld [tilespmem:s17+$0x2080]  }
0x450: {  	v5 =	vld [tilespmem:$0x18780]  }
0x451: {  	v6 =	vld [tilespmem:$0x19780]  }
0x452: {  	v7 =	vld [tilespmem:s17+$0x12080];
	_ =	sdelay $0x2  }
0x453: {  	v3 =	vmul.f32 v3, v5;
	_ =	sdelay $0x1  }
0x454: {  	v4 =	vmul.f32 v4, v6;
	v3 =	vadd.f32 v3, v7;
	_ =	sdelay $0x1  }
0x455: {  	v3 =	vadd.f32 v4, v3  }
0x456: {  	v4 =	vld [tilespmem:s17+$0xA100]  }
0x457: {  	[tilespmem:s17+$0x12080] =	vst v3;
	v3 =	vld [tilespmem:s17+$0x2100]  }
0x458: {  	v5 =	vld [tilespmem:$0x18800]  }
0x459: {  	v6 =	vld [tilespmem:$0x19800]  }
0x45a: {  	v7 =	vld [tilespmem:s17+$0x12100];
	_ =	sdelay $0x2  }
0x45b: {  	v3 =	vmul.f32 v3, v5;
	_ =	sdelay $0x1  }
0x45c: {  	v4 =	vmul.f32 v4, v6;
	v3 =	vadd.f32 v3, v7;
	_ =	sdelay $0x1  }
0x45d: {  	v3 =	vadd.f32 v4, v3  }
0x45e: {  	v4 =	vld [tilespmem:s17+$0xA180]  }
0x45f: {  	[tilespmem:s17+$0x12100] =	vst v3;
	v3 =	vld [tilespmem:s17+$0x2180]  }
0x460: {  	v5 =	vld [tilespmem:$0x18880]  }
0x461: {  	v6 =	vld [tilespmem:$0x19880]  }
0x462: {  	v7 =	vld [tilespmem:s17+$0x12180];
	_ =	sdelay $0x2  }
0x463: {  	v3 =	vmul.f32 v3, v5;
	_ =	sdelay $0x1  }
0x464: {  	v4 =	vmul.f32 v4, v6;
	v3 =	vadd.f32 v3, v7;
	_ =	sdelay $0x1  }
0x465: {  	v4 =	vadd.f32 v4, v3  }
.Ltmp2:
0x466: {  	v3 =	vld [tilespmem:s17+$0xA200];
	(pc) =	sbr.rel @p0 .LBB2_6-.Ltmp2, $4  }
0x467: {  	[tilespmem:s17+$0x12180] =	vst v4;
	v4 =	vld [tilespmem:s17+$0x2200]  }
0x468: {  	v6 =	vld [tilespmem:$0x18900]  }
0x469: {  	v5 =	vld [tilespmem:$0x19900]  }
0x46a: {  	v7 =	vld [tilespmem:s17+$0x12200]  }
0x46b: {  	_ =	sdelay $0x1  }
0x46c: {  	v4 =	vmul.f32 v4, v6;
	_ =	sdelay $0x1  }
0x46d: {  	v3 =	vmul.f32 v3, v5;
	v4 =	vadd.f32 v4, v7;
	_ =	sdelay $0x1  }
0x46e: {  	v3 =	vadd.f32 v3, v4  }
0x46f: {  	v7 =	vld [tilespmem:s17+$0x12280]  }
0x470: {  	[tilespmem:s17+$0x12200] =	vst v3;
	v3 =	vld [tilespmem:s17+$0x2280]  }
0x471: {  	v5 =	vld [tilespmem:$0x18980]  }
0x472: {  	v4 =	vld [tilespmem:s17+$0xA280]  }
0x473: {  	v6 =	vld [tilespmem:$0x19980];
	_ =	sdelay $0x2  }
0x474: {  	v3 =	vmul.f32 v3, v5;
	_ =	sdelay $0x1  }
0x475: {  	v4 =	vmul.f32 v4, v6;
	v3 =	vadd.f32 v3, v7;
	_ =	sdelay $0x1  }
0x476: {  	v3 =	vadd.f32 v4, v3  }
0x477: {  	v7 =	vld [tilespmem:s17+$0x12300]  }
0x478: {  	[tilespmem:s17+$0x12280] =	vst v3;
	v3 =	vld [tilespmem:s17+$0x2300]  }
0x479: {  	v5 =	vld [tilespmem:$0x18A00]  }
0x47a: {  	v4 =	vld [tilespmem:s17+$0xA300]  }
0x47b: {  	v6 =	vld [tilespmem:$0x19A00];
	_ =	sdelay $0x2  }
0x47c: {  	v3 =	vmul.f32 v3, v5;
	_ =	sdelay $0x1  }
0x47d: {  	v4 =	vmul.f32 v4, v6;
	v3 =	vadd.f32 v3, v7;
	_ =	sdelay $0x1  }
0x47e: {  	v3 =	vadd.f32 v4, v3;
	_ =	sdelay $0x1  }
0x47f: {  	s5 =	sor.u32 $0x2380, s5;
	[tilespmem:s17+$0x12300] =	vst v3  }
0x480: {  	v3 =	vld [tilespmem:s5+$0x8000]  }
0x481: {  	v4 =	vld [tilespmem:$0x18A80]  }
0x482: {  	v5 =	vld [tilespmem:s5+$0x0]  }
0x483: {  	v6 =	vld [tilespmem:$0x19A80]  }
0x484: {  	v7 =	vld [tilespmem:s5+$0x10000];
	_ =	sdelay $0x2  }
0x485: {  	v4 =	vmul.f32 v5, v4;
	_ =	sdelay $0x1  }
0x486: {  	v3 =	vmul.f32 v3, v6;
	v4 =	vadd.f32 v4, v7;
	_ =	sdelay $0x1  }
0x487: {  	v3 =	vadd.f32 v3, v4;
	_ =	sdelay $0x1  }
0x488: {  	s23 =	simm.s32 $0x0;
	s18 =	rddreg [dreg:$0x19];
	[tilespmem:s5+$0x10000] =	vst v3  }
0x489: {  	[hbm4b:s18+s23] =	stream.linear.scatter [tilespmem:s6], [sflag:$0x7], $0x4000, $0x38;
	[tilespmem:$0x1A300] =	vst v63  }
0x48a: {  	_ =	swait.ge [sflag:s3], $0x4000  }
0x48b: {  	[sflag:s3] =	ssyncset.done $0x0  }
0x48c: {  	[sflag:s3] =	ssyncadd.s32 $0xFFFFC000  }
0x48d: {  	_ =	swait.ge [sflag:s21], $0x4000  }
0x48e: {  	[sflag:s21] =	ssyncset.done $0x0  }
0x48f: {  	[sflag:s21] =	ssyncadd.s32 $0xFFFFC000  }
0x490: {  	_ =	swait.ge [sflag:s9], $0x4000  }
0x491: {  	[sflag:s9] =	ssyncset.done $0x0  }
0x492: {  	[sflag:s9] =	ssyncadd.s32 $0xFFFFC000  }
0x493: {  	_ =	swait.ge [sflag:s22], $0x4000  }
0x494: {  	s24 =	sand.u32 $0x70, s23;
	s12 =	sand.u32 $0x1C00, s23;
	[sflag:s22] =	ssyncset.done $0x0  }
0x495: {  	s17 =	sor.u32 s24, s12;
	[sflag:s22] =	ssyncadd.s32 $0xFFFFC000  }
0x496: {  	v3 =	vld [tilespmem:s17+$0x4000]  }
0x497: {  	v4 =	vld [tilespmem:s17+$0xC000]  }
0x498: {  	v5 =	vld [tilespmem:$0x18B00]  }
0x499: {  	v6 =	vld [tilespmem:s17+$0x14000]  }
0x49a: {  	v7 =	vld [tilespmem:$0x19B00];
	_ =	sdelay $0x2  }
0x49b: {  	v3 =	vmul.f32 v3, v5;
	_ =	sdelay $0x1  }
0x49c: {  	v4 =	vmul.f32 v4, v7;
	v3 =	vadd.f32 v3, v6;
	_ =	sdelay $0x1  }
0x49d: {  	v3 =	vadd.f32 v4, v3  }
0x49e: {  	v6 =	vld [tilespmem:s17+$0xC080]  }
0x49f: {  	[tilespmem:s17+$0x14000] =	vst v3;
	v3 =	vld [tilespmem:s17+$0x4080]  }
0x4a0: {  	v5 =	vld [tilespmem:$0x18B80]  }
0x4a1: {  	v4 =	vld [tilespmem:s17+$0x14080]  }
0x4a2: {  	v7 =	vld [tilespmem:$0x19B80];
	_ =	sdelay $0x2  }
0x4a3: {  	v3 =	vmul.f32 v3, v5;
	_ =	sdelay $0x1  }
0x4a4: {  	v3 =	vadd.f32 v3, v4;
	v4 =	vmul.f32 v6, v7;
	_ =	sdelay $0x1  }
0x4a5: {  	v3 =	vadd.f32 v4, v3  }
0x4a6: {  	v6 =	vld [tilespmem:s17+$0xC100]  }
0x4a7: {  	[tilespmem:s17+$0x14080] =	vst v3;
	v3 =	vld [tilespmem:s17+$0x4100]  }
0x4a8: {  	v5 =	vld [tilespmem:$0x18C00]  }
0x4a9: {  	v4 =	vld [tilespmem:s17+$0x14100]  }
0x4aa: {  	v7 =	vld [tilespmem:$0x19C00];
	_ =	sdelay $0x2  }
0x4ab: {  	v3 =	vmul.f32 v3, v5;
	_ =	sdelay $0x1  }
0x4ac: {  	v3 =	vadd.f32 v3, v4;
	v4 =	vmul.f32 v6, v7;
	_ =	sdelay $0x1  }
0x4ad: {  	v3 =	vadd.f32 v4, v3  }
0x4ae: {  	v6 =	vld [tilespmem:s17+$0xC180]  }
0x4af: {  	[tilespmem:s17+$0x14100] =	vst v3;
	v3 =	vld [tilespmem:s17+$0x4180]  }
0x4b0: {  	v5 =	vld [tilespmem:$0x18C80]  }
0x4b1: {  	v4 =	vld [tilespmem:s17+$0x14180]  }
0x4b2: {  	v7 =	vld [tilespmem:$0x19C80];
	_ =	sdelay $0x2  }
0x4b3: {  	v3 =	vmul.f32 v3, v5;
	_ =	sdelay $0x1  }
0x4b4: {  	v3 =	vadd.f32 v3, v4;
	v4 =	vmul.f32 v6, v7;
	_ =	sdelay $0x1  }
0x4b5: {  	v3 =	vadd.f32 v4, v3  }
0x4b6: {  	v6 =	vld [tilespmem:s17+$0xC200]  }
0x4b7: {  	[tilespmem:s17+$0x14180] =	vst v3;
	v3 =	vld [tilespmem:s17+$0x4200]  }
0x4b8: {  	v5 =	vld [tilespmem:$0x18D00]  }
0x4b9: {  	v4 =	vld [tilespmem:s17+$0x14200]  }
0x4ba: {  	v7 =	vld [tilespmem:$0x19D00];
	_ =	sdelay $0x2  }
0x4bb: {  	v3 =	vmul.f32 v3, v5;
	_ =	sdelay $0x1  }
0x4bc: {  	v3 =	vadd.f32 v3, v4;
	v4 =	vmul.f32 v6, v7;
	_ =	sdelay $0x1  }
0x4bd: {  	v3 =	vadd.f32 v4, v3  }
0x4be: {  	v7 =	vld [tilespmem:s17+$0xC280]  }
0x4bf: {  	[tilespmem:s17+$0x14200] =	vst v3;
	v3 =	vld [tilespmem:s17+$0x4280]  }
0x4c0: {  	v5 =	vld [tilespmem:$0x18D80]  }
0x4c1: {  	v4 =	vld [tilespmem:s17+$0x14280]  }
0x4c2: {  	v6 =	vld [tilespmem:$0x19D80];
	_ =	sdelay $0x2  }
0x4c3: {  	v3 =	vmul.f32 v3, v5;
	_ =	sdelay $0x1  }
0x4c4: {  	v3 =	vadd.f32 v3, v4;
	v4 =	vmul.f32 v7, v6;
	_ =	sdelay $0x1  }
0x4c5: {  	v3 =	vadd.f32 v4, v3  }
0x4c6: {  	v6 =	vld [tilespmem:s17+$0xC300]  }
0x4c7: {  	[tilespmem:s17+$0x14280] =	vst v3;
	v3 =	vld [tilespmem:s17+$0x4300]  }
0x4c8: {  	v5 =	vld [tilespmem:$0x18E00]  }
0x4c9: {  	v4 =	vld [tilespmem:s17+$0x14300]  }
0x4ca: {  	v7 =	vld [tilespmem:$0x19E00];
	_ =	sdelay $0x2  }
0x4cb: {  	v3 =	vmul.f32 v3, v5;
	_ =	sdelay $0x1  }
0x4cc: {  	v3 =	vadd.f32 v3, v4;
	v4 =	vmul.f32 v6, v7;
	_ =	sdelay $0x1  }
0x4cd: {  	v3 =	vadd.f32 v4, v3;
	_ =	sdelay $0x1  }
0x4ce: {  	[tilespmem:s17+$0x14300] =	vst v3  }
0x4cf: {  	s5 =	sor.u32 s23, s23;
	v3 =	vld [tilespmem:$0x19E80]  }
0x4d0: {  	s25 =	sor.u32 $0x380, s5;
	v4 =	vld [tilespmem:$0x18E80]  }
0x4d1: {  	v5 =	vld [tilespmem:s25+$0x4000]  }
0x4d2: {  	v6 =	vld [tilespmem:s25+$0xC000]  }
0x4d3: {  	v7 =	vld [tilespmem:s25+$0x14000];
	_ =	sdelay $0x2  }
0x4d4: {  	v4 =	vmul.f32 v5, v4;
	_ =	sdelay $0x1  }
0x4d5: {  	v3 =	vmul.f32 v6, v3;
	v4 =	vadd.f32 v4, v7;
	_ =	sdelay $0x1  }
0x4d6: {  	v3 =	vadd.f32 v3, v4;
	_ =	sdelay $0x1  }
0x4d7: {  	[tilespmem:s25+$0x14000] =	vst v3  }
0x4d8: {  	v3 =	vld [tilespmem:$0x19F00]  }
0x4d9: {  	v4 =	vld [tilespmem:s17+$0x6000]  }
0x4da: {  	v5 =	vld [tilespmem:$0x18F00]  }
0x4db: {  	v6 =	vld [tilespmem:s17+$0xE000]  }
0x4dc: {  	v7 =	vld [tilespmem:s17+$0x16000];
	_ =	sdelay $0x2  }
0x4dd: {  	v4 =	vmul.f32 v4, v5;
	_ =	sdelay $0x1  }
0x4de: {  	v3 =	vmul.f32 v6, v3;
	v4 =	vadd.f32 v4, v7;
	_ =	sdelay $0x1  }
0x4df: {  	v3 =	vadd.f32 v3, v4  }
0x4e0: {  	v7 =	vld [tilespmem:s17+$0x16080]  }
0x4e1: {  	[tilespmem:s17+$0x16000] =	vst v3;
	v3 =	vld [tilespmem:s17+$0x6080]  }
0x4e2: {  	v5 =	vld [tilespmem:$0x18F80]  }
0x4e3: {  	v4 =	vld [tilespmem:s17+$0xE080]  }
0x4e4: {  	v6 =	vld [tilespmem:$0x19F80];
	_ =	sdelay $0x2  }
0x4e5: {  	v3 =	vmul.f32 v3, v5;
	_ =	sdelay $0x1  }
0x4e6: {  	v4 =	vmul.f32 v4, v6;
	v3 =	vadd.f32 v3, v7;
	_ =	sdelay $0x1  }
0x4e7: {  	v3 =	vadd.f32 v4, v3  }
0x4e8: {  	v7 =	vld [tilespmem:s17+$0x16100]  }
0x4e9: {  	[tilespmem:s17+$0x16080] =	vst v3;
	v3 =	vld [tilespmem:s17+$0x6100]  }
0x4ea: {  	v5 =	vld [tilespmem:$0x19000]  }
0x4eb: {  	v4 =	vld [tilespmem:s17+$0xE100]  }
0x4ec: {  	v6 =	vld [tilespmem:$0x1A000];
	_ =	sdelay $0x2  }
0x4ed: {  	v3 =	vmul.f32 v3, v5;
	_ =	sdelay $0x1  }
0x4ee: {  	v4 =	vmul.f32 v4, v6;
	v3 =	vadd.f32 v3, v7;
	_ =	sdelay $0x1  }
0x4ef: {  	v3 =	vadd.f32 v4, v3  }
0x4f0: {  	v7 =	vld [tilespmem:s17+$0x16180]  }
0x4f1: {  	[tilespmem:s17+$0x16100] =	vst v3;
	v3 =	vld [tilespmem:s17+$0x6180]  }
0x4f2: {  	v5 =	vld [tilespmem:$0x19080]  }
0x4f3: {  	v4 =	vld [tilespmem:s17+$0xE180]  }
0x4f4: {  	v6 =	vld [tilespmem:$0x1A080];
	_ =	sdelay $0x2  }
0x4f5: {  	v3 =	vmul.f32 v3, v5;
	_ =	sdelay $0x1  }
0x4f6: {  	v4 =	vmul.f32 v4, v6;
	v3 =	vadd.f32 v3, v7;
	_ =	sdelay $0x1  }
0x4f7: {  	v7 =	vld [tilespmem:s17+$0x16200];
	v4 =	vadd.f32 v4, v3  }
0x4f8: {  	v3 =	vld [tilespmem:s17+$0xE200]  }
0x4f9: {  	[tilespmem:s17+$0x16180] =	vst v4;
	v4 =	vld [tilespmem:s17+$0x6200]  }
0x4fa: {  	v6 =	vld [tilespmem:$0x19100]  }
0x4fb: {  	s24 =	simm.s32 $0x10;
	v5 =	vld [tilespmem:$0x1A100]  }
.LBB2_8:
0x4fc: {  	p0 =	sne.s32 s24, $0x3F0  }
0x4fd: {  	s23 =	sadd.s32 $0x80, s23;
	s25 =	smov.u32 s24;
	s24 =	sadd.s32 $0x10, s24  }
0x4fe: {  	_ = 	snop  }
0x4ff: {  	v4 =	vmul.f32 v4, v6;
	_ =	sdelay $0x1  }
0x500: {  	v3 =	vmul.f32 v3, v5;
	v4 =	vadd.f32 v4, v7;
	_ =	sdelay $0x1  }
0x501: {  	v3 =	vadd.f32 v3, v4  }
0x502: {  	v4 =	vld [tilespmem:s17+$0xE280]  }
0x503: {  	s12 =	sand.u32 $0x70, s25;
	s18 =	sand.u32 $0x1C00, s23;
	[tilespmem:s17+$0x16200] =	vst v3;
	v3 =	vld [tilespmem:s17+$0x6280]  }
0x504: {  	s12 =	sor.u32 s12, s18;
	v5 =	vld [tilespmem:$0x19180]  }
0x505: {  	v6 =	vld [tilespmem:$0x1A180]  }
0x506: {  	v7 =	vld [tilespmem:s17+$0x16280];
	_ =	sdelay $0x2  }
0x507: {  	v3 =	vmul.f32 v3, v5;
	_ =	sdelay $0x1  }
0x508: {  	v4 =	vmul.f32 v4, v6;
	v3 =	vadd.f32 v3, v7;
	_ =	sdelay $0x1  }
0x509: {  	v3 =	vadd.f32 v4, v3  }
0x50a: {  	v4 =	vld [tilespmem:s17+$0xE300]  }
0x50b: {  	[tilespmem:s17+$0x16280] =	vst v3;
	v3 =	vld [tilespmem:s17+$0x6300]  }
0x50c: {  	v5 =	vld [tilespmem:$0x19200]  }
0x50d: {  	v6 =	vld [tilespmem:$0x1A200]  }
0x50e: {  	v7 =	vld [tilespmem:s17+$0x16300];
	_ =	sdelay $0x2  }
0x50f: {  	v3 =	vmul.f32 v3, v5;
	_ =	sdelay $0x1  }
0x510: {  	v4 =	vmul.f32 v4, v6;
	v3 =	vadd.f32 v3, v7;
	_ =	sdelay $0x1  }
0x511: {  	v3 =	vadd.f32 v4, v3;
	_ =	sdelay $0x1  }
0x512: {  	s5 =	sor.u32 $0x2380, s5;
	[tilespmem:s17+$0x16300] =	vst v3;
	s17 =	smov.u32 s12  }
0x513: {  	v3 =	vld [tilespmem:s5+$0xC000]  }
0x514: {  	v4 =	vld [tilespmem:$0x19280]  }
0x515: {  	v5 =	vld [tilespmem:s5+$0x4000]  }
0x516: {  	v6 =	vld [tilespmem:$0x1A280]  }
0x517: {  	v7 =	vld [tilespmem:s5+$0x14000];
	_ =	sdelay $0x2  }
0x518: {  	v4 =	vmul.f32 v5, v4  }
0x519: {  	v3 =	vmul.f32 v3, v6  }
0x51a: {  	v4 =	vadd.f32 v4, v7;
	_ =	sdelay $0x1  }
0x51b: {  	v3 =	vadd.f32 v3, v4;
	_ =	sdelay $0x1  }
0x51c: {  	[tilespmem:s5+$0x14000] =	vst v3  }
0x51d: {  	v3 =	vld [tilespmem:s17+$0x4000]  }
0x51e: {  	v4 =	vld [tilespmem:s17+$0xC000]  }
0x51f: {  	v5 =	vld [tilespmem:$0x18B00]  }
0x520: {  	v6 =	vld [tilespmem:s17+$0x14000]  }
0x521: {  	v7 =	vld [tilespmem:$0x19B00];
	_ =	sdelay $0x2  }
0x522: {  	v3 =	vmul.f32 v3, v5;
	_ =	sdelay $0x1  }
0x523: {  	v3 =	vadd.f32 v3, v6;
	v4 =	vmul.f32 v4, v7;
	_ =	sdelay $0x1  }
0x524: {  	v3 =	vadd.f32 v4, v3  }
0x525: {  	v4 =	vld [tilespmem:s17+$0x14080]  }
0x526: {  	[tilespmem:s17+$0x14000] =	vst v3;
	v3 =	vld [tilespmem:s17+$0x4080]  }
0x527: {  	v5 =	vld [tilespmem:$0x18B80]  }
0x528: {  	v6 =	vld [tilespmem:s17+$0xC080]  }
0x529: {  	v7 =	vld [tilespmem:$0x19B80];
	_ =	sdelay $0x2  }
0x52a: {  	v3 =	vmul.f32 v3, v5;
	_ =	sdelay $0x1  }
0x52b: {  	v3 =	vadd.f32 v3, v4;
	v4 =	vmul.f32 v6, v7;
	_ =	sdelay $0x1  }
0x52c: {  	v3 =	vadd.f32 v4, v3  }
0x52d: {  	v4 =	vld [tilespmem:s17+$0x14100]  }
0x52e: {  	[tilespmem:s17+$0x14080] =	vst v3;
	v3 =	vld [tilespmem:s17+$0x4100]  }
0x52f: {  	v5 =	vld [tilespmem:$0x18C00]  }
0x530: {  	v6 =	vld [tilespmem:s17+$0xC100]  }
0x531: {  	v7 =	vld [tilespmem:$0x19C00];
	_ =	sdelay $0x2  }
0x532: {  	v3 =	vmul.f32 v3, v5;
	_ =	sdelay $0x1  }
0x533: {  	v3 =	vadd.f32 v3, v4;
	v4 =	vmul.f32 v6, v7;
	_ =	sdelay $0x1  }
0x534: {  	v3 =	vadd.f32 v4, v3  }
0x535: {  	v4 =	vld [tilespmem:s17+$0x14180]  }
0x536: {  	[tilespmem:s17+$0x14100] =	vst v3;
	v3 =	vld [tilespmem:s17+$0x4180]  }
0x537: {  	v5 =	vld [tilespmem:$0x18C80]  }
0x538: {  	v6 =	vld [tilespmem:s17+$0xC180]  }
0x539: {  	v7 =	vld [tilespmem:$0x19C80];
	_ =	sdelay $0x2  }
0x53a: {  	v3 =	vmul.f32 v3, v5;
	_ =	sdelay $0x1  }
0x53b: {  	v3 =	vadd.f32 v3, v4;
	v4 =	vmul.f32 v6, v7;
	_ =	sdelay $0x1  }
0x53c: {  	v3 =	vadd.f32 v4, v3  }
0x53d: {  	v4 =	vld [tilespmem:s17+$0x14200]  }
0x53e: {  	[tilespmem:s17+$0x14180] =	vst v3;
	v3 =	vld [tilespmem:s17+$0x4200]  }
0x53f: {  	v5 =	vld [tilespmem:$0x18D00]  }
0x540: {  	v6 =	vld [tilespmem:s17+$0xC200]  }
0x541: {  	v7 =	vld [tilespmem:$0x19D00];
	_ =	sdelay $0x2  }
0x542: {  	v3 =	vmul.f32 v3, v5;
	_ =	sdelay $0x1  }
0x543: {  	v3 =	vadd.f32 v3, v4;
	v4 =	vmul.f32 v6, v7;
	_ =	sdelay $0x1  }
0x544: {  	v3 =	vadd.f32 v4, v3  }
0x545: {  	v4 =	vld [tilespmem:s17+$0x14280]  }
0x546: {  	[tilespmem:s17+$0x14200] =	vst v3;
	v3 =	vld [tilespmem:s17+$0x4280]  }
0x547: {  	v5 =	vld [tilespmem:$0x18D80]  }
0x548: {  	v6 =	vld [tilespmem:$0x19D80]  }
0x549: {  	v7 =	vld [tilespmem:s17+$0xC280];
	_ =	sdelay $0x2  }
0x54a: {  	v3 =	vmul.f32 v3, v5;
	_ =	sdelay $0x1  }
0x54b: {  	v3 =	vadd.f32 v3, v4;
	v4 =	vmul.f32 v7, v6;
	_ =	sdelay $0x1  }
0x54c: {  	v3 =	vadd.f32 v4, v3  }
0x54d: {  	v4 =	vld [tilespmem:s17+$0x14300]  }
0x54e: {  	[tilespmem:s17+$0x14280] =	vst v3;
	v3 =	vld [tilespmem:s17+$0x4300]  }
0x54f: {  	v5 =	vld [tilespmem:$0x18E00]  }
0x550: {  	v6 =	vld [tilespmem:s17+$0xC300]  }
0x551: {  	v7 =	vld [tilespmem:$0x19E00];
	_ =	sdelay $0x2  }
0x552: {  	v3 =	vmul.f32 v3, v5;
	_ =	sdelay $0x1  }
0x553: {  	v3 =	vadd.f32 v3, v4;
	v4 =	vmul.f32 v6, v7;
	_ =	sdelay $0x1  }
0x554: {  	v3 =	vadd.f32 v4, v3;
	_ =	sdelay $0x1  }
0x555: {  	s5 =	sor.u32 s25, s23;
	[tilespmem:s17+$0x14300] =	vst v3  }
0x556: {  	s12 =	sor.u32 $0x380, s5;
	v3 =	vld [tilespmem:$0x19E80]  }
0x557: {  	v4 =	vld [tilespmem:s12+$0xC000]  }
0x558: {  	v5 =	vld [tilespmem:$0x18E80]  }
0x559: {  	v6 =	vld [tilespmem:s12+$0x4000];
	_ =	sdelay $0x1  }
0x55a: {  	v7 =	vld [tilespmem:s12+$0x14000];
	_ =	sdelay $0x2  }
0x55b: {  	v3 =	vmul.f32 v4, v3;
	v5 =	vmul.f32 v6, v5;
	_ =	sdelay $0x1  }
0x55c: {  	v4 =	vadd.f32 v5, v7;
	_ =	sdelay $0x1  }
0x55d: {  	v3 =	vadd.f32 v3, v4;
	_ =	sdelay $0x1  }
0x55e: {  	[tilespmem:s12+$0x14000] =	vst v3  }
0x55f: {  	v3 =	vld [tilespmem:$0x19F00]  }
0x560: {  	v4 =	vld [tilespmem:s17+$0x6000]  }
0x561: {  	v5 =	vld [tilespmem:$0x18F00]  }
0x562: {  	v6 =	vld [tilespmem:s17+$0xE000]  }
0x563: {  	v7 =	vld [tilespmem:s17+$0x16000];
	_ =	sdelay $0x2  }
0x564: {  	v4 =	vmul.f32 v4, v5  }
0x565: {  	v3 =	vmul.f32 v6, v3  }
0x566: {  	v4 =	vadd.f32 v4, v7;
	_ =	sdelay $0x1  }
0x567: {  	v3 =	vadd.f32 v3, v4  }
0x568: {  	v4 =	vld [tilespmem:s17+$0xE080]  }
0x569: {  	[tilespmem:s17+$0x16000] =	vst v3;
	v3 =	vld [tilespmem:s17+$0x6080]  }
0x56a: {  	v5 =	vld [tilespmem:$0x18F80]  }
0x56b: {  	v6 =	vld [tilespmem:$0x19F80]  }
0x56c: {  	v7 =	vld [tilespmem:s17+$0x16080];
	_ =	sdelay $0x2  }
0x56d: {  	v3 =	vmul.f32 v3, v5;
	_ =	sdelay $0x1  }
0x56e: {  	v4 =	vmul.f32 v4, v6;
	v3 =	vadd.f32 v3, v7;
	_ =	sdelay $0x1  }
0x56f: {  	v3 =	vadd.f32 v4, v3  }
0x570: {  	v4 =	vld [tilespmem:s17+$0xE100]  }
0x571: {  	[tilespmem:s17+$0x16080] =	vst v3;
	v3 =	vld [tilespmem:s17+$0x6100]  }
0x572: {  	v5 =	vld [tilespmem:$0x19000]  }
0x573: {  	v6 =	vld [tilespmem:$0x1A000]  }
0x574: {  	v7 =	vld [tilespmem:s17+$0x16100];
	_ =	sdelay $0x2  }
0x575: {  	v3 =	vmul.f32 v3, v5;
	_ =	sdelay $0x1  }
0x576: {  	v4 =	vmul.f32 v4, v6;
	v3 =	vadd.f32 v3, v7;
	_ =	sdelay $0x1  }
0x577: {  	v3 =	vadd.f32 v4, v3  }
0x578: {  	v4 =	vld [tilespmem:s17+$0xE180]  }
0x579: {  	[tilespmem:s17+$0x16100] =	vst v3;
	v3 =	vld [tilespmem:s17+$0x6180]  }
0x57a: {  	v5 =	vld [tilespmem:$0x19080]  }
0x57b: {  	v6 =	vld [tilespmem:$0x1A080]  }
0x57c: {  	v7 =	vld [tilespmem:s17+$0x16180];
	_ =	sdelay $0x2  }
0x57d: {  	v3 =	vmul.f32 v3, v5;
	_ =	sdelay $0x1  }
0x57e: {  	v4 =	vmul.f32 v4, v6;
	v3 =	vadd.f32 v3, v7;
	_ =	sdelay $0x1  }
0x57f: {  	v4 =	vadd.f32 v4, v3  }
.Ltmp3:
0x580: {  	v3 =	vld [tilespmem:s17+$0xE200];
	(pc) =	sbr.rel @p0 .LBB2_8-.Ltmp3, $4  }
0x581: {  	[tilespmem:s17+$0x16180] =	vst v4;
	v4 =	vld [tilespmem:s17+$0x6200]  }
0x582: {  	v6 =	vld [tilespmem:$0x19100]  }
0x583: {  	v5 =	vld [tilespmem:$0x1A100]  }
0x584: {  	v7 =	vld [tilespmem:s17+$0x16200]  }
0x585: {  	_ =	sdelay $0x1  }
0x586: {  	v4 =	vmul.f32 v4, v6;
	_ =	sdelay $0x1  }
0x587: {  	v3 =	vmul.f32 v3, v5;
	v4 =	vadd.f32 v4, v7;
	_ =	sdelay $0x1  }
0x588: {  	v3 =	vadd.f32 v3, v4  }
0x589: {  	v52 =	vld [tilespmem:s17+$0xE280]  }
0x58a: {  	[tilespmem:s17+$0x16200] =	vst v3;
	v3 =	vld [tilespmem:s17+$0x6280]  }
0x58b: {  	v53 =	vld [tilespmem:$0x19180]  }
0x58c: {  	v55 =	vld [tilespmem:s17+$0x16280]  }
0x58d: {  	v54 =	vld [tilespmem:$0x1A180];
	_ =	sdelay $0x2  }
0x58e: {  	v3 =	vmul.f32 v3, v53;
	_ =	sdelay $0x1  }
0x58f: {  	v4 =	vmul.f32 v52, v54;
	v3 =	vadd.f32 v3, v55;
	_ =	sdelay $0x1  }
0x590: {  	v3 =	vadd.f32 v4, v3  }
0x591: {  	v56 =	vld [tilespmem:s17+$0xE300]  }
0x592: {  	[tilespmem:s17+$0x16280] =	vst v3;
	v3 =	vld [tilespmem:s17+$0x6300]  }
0x593: {  	v57 =	vld [tilespmem:$0x19200]  }
0x594: {  	v59 =	vld [tilespmem:s17+$0x16300]  }
0x595: {  	v58 =	vld [tilespmem:$0x1A200];
	_ =	sdelay $0x2  }
0x596: {  	v3 =	vmul.f32 v3, v57;
	_ =	sdelay $0x1  }
0x597: {  	v4 =	vmul.f32 v56, v58;
	v3 =	vadd.f32 v3, v59;
	_ =	sdelay $0x1  }
0x598: {  	v3 =	vadd.f32 v4, v3;
	_ =	sdelay $0x1  }
0x599: {  	s5 =	sor.u32 $0x2380, s5;
	[tilespmem:s17+$0x16300] =	vst v3  }
0x59a: {  	v3 =	vld [tilespmem:s5+$0xC000]  }
0x59b: {  	v60 =	vld [tilespmem:$0x19280]  }
0x59c: {  	v61 =	vld [tilespmem:s5+$0x4000]  }
0x59d: {  	v62 =	vld [tilespmem:$0x1A280]  }
0x59e: {  	v63 =	vld [tilespmem:s5+$0x14000];
	_ =	sdelay $0x2  }
0x59f: {  	v4 =	vmul.f32 v61, v60;
	_ =	sdelay $0x1  }
0x5a0: {  	v3 =	vmul.f32 v3, v62;
	v4 =	vadd.f32 v4, v63;
	_ =	sdelay $0x1  }
0x5a1: {  	s11 =	sadd.s32 $0x1, s11;
	v3 =	vadd.f32 v3, v4  }
0x5a2: {  	p0 =	sne.s32 s11, s0  }
.Ltmp4:
0x5a3: {  	[tilespmem:s5+$0x14000] =	vst v3;
	(pc) =	sbr.rel @p0 .LBB2_1-.Ltmp4, $4  }
0x5a4: {  	[hbm4b:s29+s1] =	stream.linear.scatter [tilespmem:s20], [sflag:$0x7], $0x4000, $0x38;
	[tilespmem:$0x1A300] =	vst v63  }
0x5a5: {  	_ =	swait.ge [sflag:s3], $0x4000  }
0x5a6: {  	[sflag:s3] =	ssyncset.done $0x0  }
0x5a7: {  	[sflag:s3] =	ssyncadd.s32 $0xFFFFC000  }
0x5a8: {  	_ =	sfence.sel $0x180000  }
0x5a9: {  	[bflag:$0x0] =	sbarrier.arrive $0xFFFF  }
0x5aa: {  	_ =	strace $0x9000004A  }
0x5ab: {  	s0 =	stileid.u32;
	[bflag:$0x2] =	sbarrier.arrive $0xFFFF  }
0x5ac: {  	p0 =	sne.s32 s0, $0x0;
	s0 =	rddreg [dreg:$0x2]  }
0x5ad: {  	s0 =	sadd.s32 @!p0 $0x100000, s0  }
0x5ae: {  	[sflag:s0] =	ssyncadd.tile.s32 @!p0 $0x1;
	_ =	shalt  }
.Lfunc_end2:
_tile_overlayer_lowered:
.L_overlay_start_2:
0x5af: {  	(tag) =	ssettag $0x2  }
0x5b0: {  	s0 =	rddreg [dreg:$0x0];
	s2 =	stileid.u32  }
0x5b1: {  	s1 =	rddreg [dreg:$0x1];
	p0 =	sne.s32 s2, $0x0  }
0x5b2: {  	s3 =	rddreg [dreg:$0x2];
	[bflag:$0x3] =	sbarrier.arrive $0xFFFF;
	s2 =	simm.s32 @!p0 $0x1C07  }
0x5b3: {  	[timem:s3], [sflag:s2] =	dma.local @!p0 [hbm:s0], s1  }
0x5b4: {  	s0 =	simm.s32 @!p0 $0x7  }
0x5b5: {  	_ =	swait.ge @!p0 [sflag:s0], s1  }
0x5b6: {  	s1 =	ssub.s32 @!p0 $0x0, s1;
	[sflag:s0] =	ssyncset.done @!p0 $0x0  }
0x5b7: {  	[sflag:s0] =	ssyncadd.s32 @!p0 s1  }
0x5b8: {  	[bflag:$0x3] =	sbarrier.arrive $0xFFFF  }
0x5b9: {  	_ =	shalt  }

// kernel: kernel.7.cloned.1.call-start
scs
__scs_entry_jumppad:
0x0: {  	(pc) =	sbr.rel $0x88, $3  }
0x1: {  	(tag) =	ssettag $0x0;
	lr =	simm.s32 $0x1  }
0x2: {  	[smem:$0x3F99] =	sst lr;
	_ =	strace $0xD0000000  }
0x3: {  	_ = 	snop  }
0x4: {  	_ = 	snop  }
0x5: {  	_ = 	snop  }
0x6: {  	_ = 	snop  }
0x7: {  	_ = 	snop  }
__scs_overlays_trampoline_lowered:
0x8: {  	[smem:$0x3FA8] =	sst s0  }
0x9: {  	[smem:$0x3FA9] =	sst s1  }
0xa: {  	[smem:$0x3FAA] =	sst s2  }
0xb: {  	[smem:$0x3FAB] =	sst s3  }
0xc: {  	[smem:$0x3FAC] =	sst s4  }
0xd: {  	[smem:$0x3FAD] =	sst s5  }
0xe: {  	[smem:$0x3FAE] =	sst s6  }
0xf: {  	[smem:$0x3FAF] =	sst s7  }
0x10: {  	[smem:$0x3FB0] =	sst s8  }
0x11: {  	[smem:$0x3FB1] =	sst s9;
	s0 =	simm.s32 @!p0 $0x0  }
0x12: {  	s1 =	sld [smem:$0x3F97];
	s0 =	simm.s32 @p0 $0x1  }
0x13: {  	[smem:$0x3FB2] =	sst s0;
	s0 =	simm.s32 @!p1 $0x0  }
0x14: {  	s2 =	sld [smem:$0x3F96];
	s0 =	simm.s32 @p1 $0x1  }
0x15: {  	[smem:$0x3FB3] =	sst s0;
	s0 =	simm.s32 @!p2 $0x0  }
0x16: {  	s3 =	sld [smem:$0x3FDB];
	s0 =	simm.s32 @p2 $0x1  }
0x17: {  	s4 =	simm.s32 $0x1BF5;
	[smem:$0x3FB5] =	sst s0  }
0x18: {  	s0 =	sld [smem:$0x3F98];
	_ =	swait.ge [sflag:s4], $0x0  }
0x19: {  	s7 =	sld [smem:$0x3F99]  }
0x1a: {  	s8 =	sadd.s32 $0xFFFFE003, lr  }
0x1b: {  	s9 =	sadd.s32 $0xFFFFFEF7, lr;
	s5 =	simm.s32 $0xFFFFFFFF;
	p2 =	slt.u32 s8, $0xFFFFF086  }
0x1c: {  	p1 =	slt.u32 s9, $0xF7A;
	s5 =	simm.s32 @!p2 $0x0  }
0x1d: {  	s5 =	simm.s32 @p1 $0x1;
	p0 =	seq.s32 s7, s2  }
0x1e: {  	s7 =	smul.u32 @!p0 $0xF7A, s2;
	p2 =	seq.s32 @!p0 s5, $0x0  }
0x1f: {  	s9 =	smul.u32 $0xF7A, s1;
	s8 =	simm.s32 @!p0 $0x1BF5;
	p2 =	por !p2, p0  }
0x20: {  	[sflag:s8] =	ssyncset.s32 @!p0 $0xFFFFF086;
	s6 =	sadd.s32 @!p0 s3, s7;
	s7 =	simm.s32 @!p0 $0x108  }
0x21: {  	s3 =	sadd.s32 s3, s9;
	s6 =	sadd.s32 @!p0 $0x88, s6;
	s7 =	simm.s32 @p2 $0x1082  }
0x22: {  	[simem:s7], [sflag:s8] =	dma.local @!p0 [hbm:s6], $0xF7A  }
0x23: {  	s9 =	sor.u32 $0xD0000000, s2;
	s6 =	simm.s32 $0x108;
	_ =	swait.ge @!p0 [sflag:s8], $0x0  }
0x24: {  	s3 =	sadd.s32 $0x88, s3;
	s6 =	simm.s32 @!p1 $0x1082;
	[sflag:s4] =	ssyncset.s32 $0xFFFFF086  }
0x25: {  	[simem:s6], [sflag:s4] =	dma.local [hbm:s3], $0xF7A  }
0x26: {  	[smem:$0x3F99] =	sst s1;
	(tag) =	ssettag s2;
	_ =	strace s9  }
0x27: {  	s1 =	sld [smem:$0x3FA9]  }
0x28: {  	s2 =	sld [smem:$0x3FAA]  }
0x29: {  	s4 =	sld [smem:$0x3FAC]  }
0x2a: {  	p0 =	seq.s32 s5, $0x0;
	s5 =	sld [smem:$0x3FAD]  }
0x2b: {  	s6 =	sld [smem:$0x3FAE]  }
0x2c: {  	s7 =	sld [smem:$0x3FAF]  }
0x2d: {  	s3 =	simm.s32 $0x108;
	s8 =	sld [smem:$0x3FB0]  }
0x2e: {  	s3 =	simm.s32 @!p0 $0x1082;
	s9 =	sld [smem:$0x3FB1]  }
0x2f: {  	lr =	sadd.s32 s0, s3;
	s0 =	sld [smem:$0x3FA8]  }
0x30: {  	s3 =	sld [smem:$0x3FAB]  }
0x31: {  	[smem:$0x3FB4] =	sst s10  }
0x32: {  	s10 =	sld [smem:$0x3FB2];
	_ =	sdelay $0x3  }
0x33: {  	p0 =	seq.s32 s10, $0x1;
	s10 =	sld [smem:$0x3FB4];
	_ =	sdelay $0x3  }
0x34: {  	[smem:$0x3FB4] =	sst s10  }
0x35: {  	s10 =	sld [smem:$0x3FB3];
	_ =	sdelay $0x3  }
0x36: {  	p1 =	seq.s32 s10, $0x1;
	s10 =	sld [smem:$0x3FB4];
	_ =	sdelay $0x3  }
0x37: {  	[smem:$0x3FB4] =	sst s10  }
0x38: {  	s10 =	sld [smem:$0x3FB5]  }
0x39: {  	_ = 	snop;
	(pc) =	sbr.ind lr, $3  }
0x3a: {  	_ = 	snop  }
0x3b: {  	_ = 	snop  }
0x3c: {  	p2 =	seq.s32 s10, $0x1;
	s10 =	sld [smem:$0x3FB4]  }
0x3d: {  	_ =	shalt  }
0x3e: {  	_ =	shalt  }
0x3f: {  	_ =	shalt  }
0x40: {  	_ =	shalt  }
0x41: {  	_ =	shalt  }
0x42: {  	_ =	shalt  }
0x43: {  	_ =	shalt  }
0x44: {  	_ =	shalt  }
0x45: {  	_ =	shalt  }
0x46: {  	_ =	shalt  }
0x47: {  	_ =	shalt  }
0x48: {  	_ =	shalt  }
0x49: {  	_ =	shalt  }
0x4a: {  	_ =	shalt  }
0x4b: {  	_ =	shalt  }
0x4c: {  	_ =	shalt  }
0x4d: {  	_ =	shalt  }
0x4e: {  	_ =	shalt  }
0x4f: {  	_ =	shalt  }
0x50: {  	_ =	shalt  }
0x51: {  	_ =	shalt  }
0x52: {  	_ =	shalt  }
0x53: {  	_ =	shalt  }
0x54: {  	_ =	shalt  }
0x55: {  	_ =	shalt  }
0x56: {  	_ =	shalt  }
0x57: {  	_ =	shalt  }
0x58: {  	_ =	shalt  }
0x59: {  	_ =	shalt  }
0x5a: {  	_ =	shalt  }
0x5b: {  	_ =	shalt  }
0x5c: {  	_ =	shalt  }
0x5d: {  	_ =	shalt  }
0x5e: {  	_ =	shalt  }
0x5f: {  	_ =	shalt  }
0x60: {  	_ =	shalt  }
0x61: {  	_ =	shalt  }
0x62: {  	_ =	shalt  }
0x63: {  	_ =	shalt  }
0x64: {  	_ =	shalt  }
0x65: {  	_ =	shalt  }
0x66: {  	_ =	shalt  }
0x67: {  	_ =	shalt  }
0x68: {  	_ =	shalt  }
0x69: {  	_ =	shalt  }
0x6a: {  	_ =	shalt  }
0x6b: {  	_ =	shalt  }
0x6c: {  	_ =	shalt  }
0x6d: {  	_ =	shalt  }
0x6e: {  	_ =	shalt  }
0x6f: {  	_ =	shalt  }
0x70: {  	_ =	shalt  }
0x71: {  	_ =	shalt  }
0x72: {  	_ =	shalt  }
0x73: {  	_ =	shalt  }
0x74: {  	_ =	shalt  }
0x75: {  	_ =	shalt  }
0x76: {  	_ =	shalt  }
0x77: {  	_ =	shalt  }
0x78: {  	_ =	shalt  }
0x79: {  	_ =	shalt  }
0x7a: {  	_ =	shalt  }
0x7b: {  	_ =	shalt  }
0x7c: {  	_ =	shalt  }
0x7d: {  	_ =	shalt  }
0x7e: {  	_ =	shalt  }
0x7f: {  	_ =	shalt  }
0x80: {  	_ =	shalt  }
0x81: {  	_ =	shalt  }
0x82: {  	_ =	shalt  }
0x83: {  	_ =	shalt  }
0x84: {  	_ =	shalt  }
0x85: {  	_ =	shalt  }
0x86: {  	_ =	shalt  }
0x87: {  	_ =	shalt  }
.Lfunc_end0:
.L_simem_size_0:
called_computation_lowered:
.L_overlay_start_0:
0x88: {  	s2 =	sld [smem:$0x3FD9]  }
0x89: {  	s3 =	sld [smem:$0x3FFE];
	_ =	sdelay $0x1  }
0x8a: {  	s1 =	srdreg.scid  }
0x8b: {  	s0 =	sand.u32 $0x1, s1  }
0x8c: {  	s17 =	sshll.u32 s0, $0xA;
	s2 =	sadd.s32 s3, s2  }
0x8d: {  	s2 =	sadd.s32 s2, s17  }
0x8e: {  	[smem:$0x3FC0] =	sst s2  }
0x8f: {  	_ = 	snop  }
0x90: {  	s2 =	sld [smem:$0x3FC9];
	(tm) =	ssettm $0x1  }
0x91: {  	s18 =	sld [smem:$0x3FFB];
	_ =	sdelay $0x3  }
0x92: {  	_ =	strace s18  }
0x93: {  	s3 =	sld [smem:$0x3FFC];
	_ =	sdelay $0x3  }
0x94: {  	_ =	strace s3  }
0x95: {  	s3 =	sld [smem:$0x3FFD];
	_ =	sdelay $0x3  }
0x96: {  	_ =	strace s3  }
0x97: {  	_ =	strace $0x8FFFFFFF  }
0x98: {  	s19 =	sld [smem:$0x3FDB];
	_ =	sdelay $0x1  }
0x99: {  	s4 =	simm.s32 $_scs_section_size  }
0x9a: {  	s5 =	simm.s32 $_size__tile_overlayer_lowered;
	s6 =	simm.s32 $_tile_overlayer_lowered  }
0x9b: {  	s22 =	simm.s32 $0x1BFF;
	s21 =	sshll.u32 s6, $0x1;
	s3 =	sadd.s32 s4, s19  }
0x9c: {  	s7 =	simm.s32 $0x0;
	s20 =	sshll.u32 s5, $0x1;
	s5 =	sadd.s32 s21, s3  }
0x9d: {  	[timem:s7], [sflag:s22] =	dma.local [hbm:s5], s20  }
0x9e: {  	_ =	swait.ge [sflag:s22], s20  }
0x9f: {  	s4 =	ssub.s32 $0x0, s20;
	[sflag:s22] =	ssyncset.done $0x0  }
0xa0: {  	[sflag:s22] =	ssyncadd.s32 s4;
	_ =	sdelay $0x1  }
0xa1: {  	s23 =	simm.s32 $0x1B8B  }
0xa2: {  	_ =	swait.ge [sflag:s23], $0x1  }
0xa3: {  	[sflag:s23] =	ssyncset.done $0x0  }
0xa4: {  	s25 =	simm.s32 $0x1B8E;
	s24 =	sld [smem:$0x3FFE];
	[sflag:s23] =	ssyncadd.s32 $0xFFFFFFFF  }
0xa5: {  	s26 =	simm.s32 $execute0_lowered;
	[smem:$0x3FD2] =	sst s25  }
0xa6: {  	s5 =	sshll.u32 s26, $0x1;
	_ =	strace $0x80000046;
	[dreg:$0x1] =	wrdreg $0xFFFFFFFF  }
0xa7: {  	s28 =	simm.s32 $_size_execute0_lowered;
	s3 =	sadd.s32 s3, s5;
	[dreg:$0x0] =	wrdreg $0x0  }
0xa8: {  	s5 =	sshll.u32 s28, $0x1;
	[dreg:$0x2] =	wrdreg s3  }
0xa9: {  	[dreg:$0x3] =	wrdreg s5  }
0xaa: {  	[dreg:$0x4] =	wrdreg $0xC0  }
0xab: {  	_ =	task [dreg:s7], $0x5FFFF  }
0xac: {  	[dreg:$0x1] =	wrdreg $0xFFFFFFFF  }
0xad: {  	[dreg:$0x0] =	wrdreg $0x60  }
0xae: {  	[dreg:$0x2] =	wrdreg s2  }
0xaf: {  	[dreg:$0x3] =	wrdreg s24  }
0xb0: {  	[dreg:$0x4] =	wrdreg $0x9  }
0xb1: {  	_ =	task.clear_ibuf [dreg:s7], $0x5FFFF;
	_ =	strace $0x90000046  }
0xb2: {  	s29 =	simm.s32 $0x9;
	_ =	strace $0x80000048  }
0xb3: {  	_ =	swait.ge [sflag:s29], $0x1  }
0xb4: {  	[sflag:s29] =	ssyncadd.s32 $0xFFFFFFFF  }
0xb5: {  	_ =	strace $0x90000048  }
0xb6: {  	_ =	sfence  }
0xb7: {  	s30 =	sld [smem:$0x0];
	_ =	sdelay $0x2  }
0xb8: {  	s31 =	sshll.u32 s1, $0xD;
	s1 =	sshrl.u32 s1, $0x2  }
0xb9: {  	s3 =	sand.u32 $0x4000, s31;
	s1 =	sadd.s32 s1, s30  }
0xba: {  	s0 =	sor.u32 s3, s0;
	s1 =	sshll.u32 s1, $0x11  }
0xbb: {  	s0 =	sor.u32 s1, s0  }
0xbc: {  	s0 =	sadd.s32 $0x8F2B, s0  }
0xbd: {  	[sflag:s0] =	ssyncadd.remote.s32 $0x1  }
0xbe: {  	_ =	sfence.sel $0xFFFF  }
0xbf: {  	[dreg:$0x0] =	wrdreg $0xFFFFFFFF;
	(pc) =	sbr.abs _section_cstart, $3  }
0xc0: {  	[dreg:$0x1] =	wrdreg $0xFFFFFFFF  }
0xc1: {  	_ =	task.clear_ibuf [dreg:s7], $0x2FFFF;
	_ =	strace $0x9FFFFFFF  }
0xc2: {  	(tm) =	ssettm $0x7FFFFFFF  }
0xc3: {  	_ =	shalt  }
tec
execute0_lowered:
.L_overlay_start_1:
0x0: {  	(tag) =	ssettag $0x1  }
0x1: {  	s0 =	rddreg [dreg:$0x0]  }
0x2: {  	s1 =	rddreg [dreg:$0x1];
	s2 =	srdreg.scid  }
0x3: {  	s6 =	stileid.u32;
	s8 =	simm.s32 $0x3;
	s28 =	simm.s32 $0x4800  }
0x4: {  	s29 =	simm.s32 $0x5000;
	s30 =	simm.s32 $0x5800;
	s31 =	simm.s32 $0x6000  }
0x5: {  	s9 =	simm.s32 $0x7800;
	s10 =	simm.s32 $0x8000;
	s11 =	simm.s32 $0x8800  }
0x6: {  	s12 =	simm.s32 $0x9000;
	s13 =	simm.s32 $0x9800;
	s14 =	simm.s32 $0xA000  }
0x7: {  	s15 =	simm.s32 $0xA800;
	s16 =	simm.s32 $0xB000;
	s17 =	simm.s32 $0xB800  }
0x8: {  	s18 =	simm.s32 $0xC000;
	s3 =	sand.u32 $0x1, s2;
	s2 =	simm.s32 $0x0  }
0x9: {  	s5 =	sshll.u32 s6, $0x7;
	s6 =	sshll.u32 s6, $0xE;
	s4 =	sshll.u32 s3, $0x3  }
0xa: {  	s7 =	sshll.u32 s3, $0xD;
	[smem:$0x7FF] =	sst s2;
	s22 =	ssub.s32 $0x2, s3  }
0xb: {  	s3 =	sadd.s32 $0x19200, s1;
	s4 =	sor.u32 s4, s5;
	s21 =	sor.u32 s7, s6  }
0xc: {  	_ =	strace $0x80000047;
	s24 =	sshrl.u32 s22, $0x1;
	s5 =	sadd.s32 $0x19400, s1  }
0xd: {  	s6 =	sadd.s32 $0x19500, s1;
	s4 =	sadd.s32 s4, s1;
	s0 =	sadd.s32 s0, s21  }
0xe: {  	s26 =	ssub.s32 s22, s24;
	s21 =	simm.s32 $0x1800;
	s22 =	simm.s32 $0x2000  }
0xf: {  	s24 =	simm.s32 $0x3000;
	[dreg:$0x3] =	wrdreg s0;
	s23 =	sadd.s32 $0x1200, s4  }
0x10: {  	v2 =	vlaneseq.u32;
	s25 =	sadd.s32 $0x1210, s4;
	s4 =	sadd.s32 $0x19300, s1;
	s7 =	smax.u32 s26, $0x1  }
0x11: {  	vm0 =	vmmov $0xffff;
	v1 =	vshrl.u32 v2, $0x3;
	s26 =	simm.s32 $0x4000;
	s1 =	simm.s32 $0x7000;
	[dreg:$0x4] =	wrdreg s23  }
0x12: {  	v0 =	vand.u32 $0x7, v2;
	v2 =	vor.u32 $0x8, v2;
	v1 =	vmul.u32 $0x8, v1;
	[dreg:$0x5] =	wrdreg s25;
	s23 =	simm.s32 $0x2800;
	s25 =	simm.s32 $0x3800  }
.LBB2_1:
0x13: {  	s19 =	rddreg [dreg:$0x3]  }
0x14: {  	[tilespmem:s2], [sflag:$0x3] =	stream.linear.gather [hbm4b:s19+s2], $0x10000, $0x38;
	[tilespmem:$0x10180] =	vst v63  }
0x15: {  	_ =	swait.ge [sflag:s8], $0x10000  }
0x16: {  	[sflag:s8] =	ssyncset.done $0x0  }
0x17: {  	s20 =	simm.s32 $0x10000;
	s0 =	rddreg [dreg:$0x4];
	[sflag:s8] =	ssyncadd.s32 $0xFFFF0000  }
0x18: {  	[tilespmem:s20], [sflag:$0x3] =	stream.linear.gather [hbm4b:s0+s2], $0x40, $0x38;
	[tilespmem:$0x10180] =	vst v63  }
0x19: {  	_ =	swait.ge [sflag:s8], $0x40  }
0x1a: {  	[sflag:s8] =	ssyncset.done $0x0  }
0x1b: {  	[sflag:s8] =	ssyncadd.s32 $0xFFFFFFC0  }
0x1c: {  	v3 =	vld [tilespmem:$0x10000]  }
0x1d: {  	v4 =	vld [tilespmem:$0x10010]  }
0x1e: {  	v6 =	vld [tilespmem:$0x10030]  }
0x1f: {  	v5 =	vld [tilespmem:$0x10020];
	_ =	sdelay $0x1  }
0x20: {  	v3 =	vtrunc.f32 v3  }
0x21: {  	v4 =	vtrunc.f32 v4;
	v3 =	vcvt.f32.s32 v3  }
0x22: {  	v49 =	vtrunc.f32 v6;
	v4 =	vcvt.f32.s32 v4  }
0x23: {  	v5 =	vtrunc.f32 v5;
	v50 =	vcvt.f32.s32 v49;
	[tilespmem:$0x10080] =	vst v3  }
0x24: {  	v3 =	vcvt.f32.s32 v5;
	[tilespmem:$0x10090] =	vst v4  }
0x25: {  	[tilespmem:$0x100B0] =	vst v50  }
0x26: {  	s0 =	rddreg [dreg:$0x5];
	[tilespmem:$0x100A0] =	vst v3  }
0x27: {  	[tilespmem:s20], [sflag:$0x3] =	stream.linear.gather [hbm4b:s0+s2], $0x40, $0x38;
	[tilespmem:$0x10180] =	vst v63  }
0x28: {  	_ =	swait.ge [sflag:s8], $0x40  }
0x29: {  	[sflag:s8] =	ssyncset.done $0x0  }
0x2a: {  	[sflag:s8] =	ssyncadd.s32 $0xFFFFFFC0  }
0x2b: {  	v3 =	vld [tilespmem:$0x10080];
	_ =	sdelay $0x2  }
0x2c: {  	v51 =	vld [tilespmem:$0x10000]  }
0x2d: {  	v52 =	vld [tilespmem:$0x10010]  }
0x2e: {  	v53 =	vld [tilespmem:$0x10020];
	v7 =	vshll.u32 v3, $0x3  }
0x2f: {  	v8 =	vld [tilespmem:$0x10030];
	v3 =	vand.u32 $0x7, v3;
	v7 =	vand.u32 $0xFFFFFFC0, v7  }
0x30: {  	v3 =	vor.u32 v3, v7  }
0x31: {  	v4 =	vtrunc.f32 v51;
	v7 =	vperm.xlane v3, v0  }
0x32: {  	v5 =	vtrunc.f32 v52;
	v4 =	vcvt.f32.s32 v4  }
0x33: {  	v6 =	vtrunc.f32 v53;
	v5 =	vcvt.f32.s32 v5;
	v7 =	vadd.s32 v1, v7  }
0x34: {  	v55 =	vtrunc.f32 v8;
	v54 =	vcvt.f32.s32 v6;
	[tilespmem:$0x10100] =	vst v4  }
0x35: {  	v56 =	vcvt.f32.s32 v55;
	[tilespmem:$0x10110] =	vst v5  }
0x36: {  	[tilespmem:$0x10120] =	vst v54  }
0x37: {  	[tilespmem:$0x10130] =	vst v56  }
0x38: {  	[hbm4b:s3+s2] =	stream.indirect_vreg.scatter [tilespmem:s2], [sflag:$0x1], $0x80, v7, vm0, $0xb8;
	[tilespmem:$0x10180] =	vst v63  }
0x39: {  	s19 =	simm.s32 $0x800;
	v3 =	vperm.xlane v3, v2  }
0x3a: {  	[hbm4b:s4+s2] =	stream.indirect_vreg.scatter [tilespmem:s19], [sflag:$0x1], $0x80, v7, vm0, $0xb8;
	[tilespmem:$0x10180] =	vst v63  }
0x3b: {  	s20 =	simm.s32 $0x1000;
	v3 =	vadd.s32 v1, v3  }
0x3c: {  	[hbm4b:s5+s2] =	stream.indirect_vreg.scatter [tilespmem:s20], [sflag:$0x1], $0x80, v7, vm0, $0xb8;
	[tilespmem:$0x10180] =	vst v63  }
0x3d: {  	_ = 	snop  }
0x3e: {  	[hbm4b:s6+s2] =	stream.indirect_vreg.scatter [tilespmem:s21], [sflag:$0x1], $0x80, v7, vm0, $0xb8;
	[tilespmem:$0x10180] =	vst v63  }
0x3f: {  	_ = 	snop  }
0x40: {  	[hbm4b:s3+s2] =	stream.indirect_vreg.scatter [tilespmem:s22], [sflag:$0x1], $0x80, v3, vm0, $0xb8;
	[tilespmem:$0x10180] =	vst v63  }
0x41: {  	_ = 	snop  }
0x42: {  	[hbm4b:s4+s2] =	stream.indirect_vreg.scatter [tilespmem:s23], [sflag:$0x1], $0x80, v3, vm0, $0xb8;
	[tilespmem:$0x10180] =	vst v63  }
0x43: {  	_ = 	snop  }
0x44: {  	[hbm4b:s5+s2] =	stream.indirect_vreg.scatter [tilespmem:s24], [sflag:$0x1], $0x80, v3, vm0, $0xb8;
	[tilespmem:$0x10180] =	vst v63  }
0x45: {  	_ = 	snop  }
0x46: {  	[hbm4b:s6+s2] =	stream.indirect_vreg.scatter [tilespmem:s25], [sflag:$0x1], $0x80, v3, vm0, $0xb8;
	[tilespmem:$0x10180] =	vst v63  }
0x47: {  	v3 =	vld [tilespmem:$0x10090];
	_ =	sdelay $0x4  }
0x48: {  	v57 =	vshll.u32 v3, $0x3  }
0x49: {  	v3 =	vand.u32 $0x7, v3;
	v4 =	vand.u32 $0xFFFFFFC0, v57  }
0x4a: {  	v3 =	vor.u32 v3, v4  }
0x4b: {  	v4 =	vperm.xlane v3, v0;
	_ =	sdelay $0x1  }
0x4c: {  	v4 =	vadd.s32 v1, v4;
	_ =	sdelay $0x4  }
0x4d: {  	[hbm4b:s3+s2] =	stream.indirect_vreg.scatter [tilespmem:s26], [sflag:$0x1], $0x80, v4, vm0, $0xb8;
	[tilespmem:$0x10180] =	vst v63  }
0x4e: {  	v3 =	vperm.xlane v3, v2  }
0x4f: {  	[hbm4b:s4+s2] =	stream.indirect_vreg.scatter [tilespmem:s28], [sflag:$0x1], $0x80, v4, vm0, $0xb8;
	[tilespmem:$0x10180] =	vst v63  }
0x50: {  	v3 =	vadd.s32 v1, v3  }
0x51: {  	[hbm4b:s5+s2] =	stream.indirect_vreg.scatter [tilespmem:s29], [sflag:$0x1], $0x80, v4, vm0, $0xb8;
	[tilespmem:$0x10180] =	vst v63  }
0x52: {  	_ = 	snop  }
0x53: {  	[hbm4b:s6+s2] =	stream.indirect_vreg.scatter [tilespmem:s30], [sflag:$0x1], $0x80, v4, vm0, $0xb8;
	[tilespmem:$0x10180] =	vst v63  }
0x54: {  	_ = 	snop  }
0x55: {  	[hbm4b:s3+s2] =	stream.indirect_vreg.scatter [tilespmem:s31], [sflag:$0x1], $0x80, v3, vm0, $0xb8;
	[tilespmem:$0x10180] =	vst v63  }
0x56: {  	s0 =	simm.s32 $0x6800  }
0x57: {  	[hbm4b:s4+s2] =	stream.indirect_vreg.scatter [tilespmem:s0], [sflag:$0x1], $0x80, v3, vm0, $0xb8;
	[tilespmem:$0x10180] =	vst v63  }
0x58: {  	_ = 	snop  }
0x59: {  	[hbm4b:s5+s2] =	stream.indirect_vreg.scatter [tilespmem:s1], [sflag:$0x1], $0x80, v3, vm0, $0xb8;
	[tilespmem:$0x10180] =	vst v63  }
0x5a: {  	_ = 	snop  }
0x5b: {  	[hbm4b:s6+s2] =	stream.indirect_vreg.scatter [tilespmem:s9], [sflag:$0x1], $0x80, v3, vm0, $0xb8;
	[tilespmem:$0x10180] =	vst v63  }
0x5c: {  	v3 =	vld [tilespmem:$0x100A0];
	_ =	sdelay $0x4  }
0x5d: {  	v58 =	vshll.u32 v3, $0x3  }
0x5e: {  	v3 =	vand.u32 $0x7, v3;
	v4 =	vand.u32 $0xFFFFFFC0, v58  }
0x5f: {  	v3 =	vor.u32 v3, v4  }
0x60: {  	v4 =	vperm.xlane v3, v0;
	_ =	sdelay $0x1  }
0x61: {  	v4 =	vadd.s32 v1, v4;
	_ =	sdelay $0x4  }
0x62: {  	[hbm4b:s3+s2] =	stream.indirect_vreg.scatter [tilespmem:s10], [sflag:$0x1], $0x80, v4, vm0, $0xb8;
	[tilespmem:$0x10180] =	vst v63  }
0x63: {  	v3 =	vperm.xlane v3, v2  }
0x64: {  	[hbm4b:s4+s2] =	stream.indirect_vreg.scatter [tilespmem:s11], [sflag:$0x1], $0x80, v4, vm0, $0xb8;
	[tilespmem:$0x10180] =	vst v63  }
0x65: {  	v3 =	vadd.s32 v1, v3  }
0x66: {  	[hbm4b:s5+s2] =	stream.indirect_vreg.scatter [tilespmem:s12], [sflag:$0x1], $0x80, v4, vm0, $0xb8;
	[tilespmem:$0x10180] =	vst v63  }
0x67: {  	_ = 	snop  }
0x68: {  	[hbm4b:s6+s2] =	stream.indirect_vreg.scatter [tilespmem:s13], [sflag:$0x1], $0x80, v4, vm0, $0xb8;
	[tilespmem:$0x10180] =	vst v63  }
0x69: {  	_ = 	snop  }
0x6a: {  	[hbm4b:s3+s2] =	stream.indirect_vreg.scatter [tilespmem:s14], [sflag:$0x1], $0x80, v3, vm0, $0xb8;
	[tilespmem:$0x10180] =	vst v63  }
0x6b: {  	_ = 	snop  }
0x6c: {  	[hbm4b:s4+s2] =	stream.indirect_vreg.scatter [tilespmem:s15], [sflag:$0x1], $0x80, v3, vm0, $0xb8;
	[tilespmem:$0x10180] =	vst v63  }
0x6d: {  	_ = 	snop  }
0x6e: {  	[hbm4b:s5+s2] =	stream.indirect_vreg.scatter [tilespmem:s16], [sflag:$0x1], $0x80, v3, vm0, $0xb8;
	[tilespmem:$0x10180] =	vst v63  }
0x6f: {  	_ = 	snop  }
0x70: {  	[hbm4b:s6+s2] =	stream.indirect_vreg.scatter [tilespmem:s17], [sflag:$0x1], $0x80, v3, vm0, $0xb8;
	[tilespmem:$0x10180] =	vst v63  }
0x71: {  	v3 =	vld [tilespmem:$0x100B0];
	_ =	sdelay $0x4  }
0x72: {  	v59 =	vshll.u32 v3, $0x3  }
0x73: {  	v3 =	vand.u32 $0x7, v3;
	v4 =	vand.u32 $0xFFFFFFC0, v59  }
0x74: {  	v3 =	vor.u32 v3, v4  }
0x75: {  	v4 =	vperm.xlane v3, v0;
	_ =	sdelay $0x1  }
0x76: {  	v4 =	vadd.s32 v1, v4;
	_ =	sdelay $0x4  }
0x77: {  	[hbm4b:s3+s2] =	stream.indirect_vreg.scatter [tilespmem:s18], [sflag:$0x1], $0x80, v4, vm0, $0xb8;
	[tilespmem:$0x10180] =	vst v63  }
0x78: {  	s0 =	simm.s32 $0xC800;
	v3 =	vperm.xlane v3, v2  }
0x79: {  	[hbm4b:s4+s2] =	stream.indirect_vreg.scatter [tilespmem:s0], [sflag:$0x1], $0x80, v4, vm0, $0xb8;
	[tilespmem:$0x10180] =	vst v63  }
0x7a: {  	v3 =	vadd.s32 v1, v3;
	s0 =	simm.s32 $0xD000  }
0x7b: {  	[hbm4b:s5+s2] =	stream.indirect_vreg.scatter [tilespmem:s0], [sflag:$0x1], $0x80, v4, vm0, $0xb8;
	[tilespmem:$0x10180] =	vst v63  }
0x7c: {  	s0 =	simm.s32 $0xD800  }
0x7d: {  	[hbm4b:s6+s2] =	stream.indirect_vreg.scatter [tilespmem:s0], [sflag:$0x1], $0x80, v4, vm0, $0xb8;
	[tilespmem:$0x10180] =	vst v63  }
0x7e: {  	s0 =	simm.s32 $0xE000  }
0x7f: {  	[hbm4b:s3+s2] =	stream.indirect_vreg.scatter [tilespmem:s0], [sflag:$0x1], $0x80, v3, vm0, $0xb8;
	[tilespmem:$0x10180] =	vst v63  }
0x80: {  	s0 =	simm.s32 $0xE800  }
0x81: {  	[hbm4b:s4+s2] =	stream.indirect_vreg.scatter [tilespmem:s0], [sflag:$0x1], $0x80, v3, vm0, $0xb8;
	[tilespmem:$0x10180] =	vst v63  }
0x82: {  	s0 =	simm.s32 $0xF000  }
0x83: {  	[hbm4b:s5+s2] =	stream.indirect_vreg.scatter [tilespmem:s0], [sflag:$0x1], $0x80, v3, vm0, $0xb8;
	[tilespmem:$0x10180] =	vst v63  }
0x84: {  	s0 =	simm.s32 $0xF800  }
0x85: {  	[hbm4b:s6+s2] =	stream.indirect_vreg.scatter [tilespmem:s0], [sflag:$0x1], $0x80, v3, vm0, $0xb8;
	[tilespmem:$0x10180] =	vst v63  }
0x86: {  	v3 =	vld [tilespmem:$0x10100];
	_ =	sdelay $0x4  }
0x87: {  	v60 =	vshll.u32 v3, $0x3  }
0x88: {  	v3 =	vand.u32 $0x7, v3;
	v4 =	vand.u32 $0xFFFFFFC0, v60  }
0x89: {  	v3 =	vor.u32 v3, v4  }
0x8a: {  	v4 =	vperm.xlane v3, v0;
	_ =	sdelay $0x1  }
0x8b: {  	v4 =	vadd.s32 v1, v4;
	_ =	sdelay $0x4  }
0x8c: {  	[hbm4b:s3+s2] =	stream.indirect_vreg.scatter [tilespmem:s2], [sflag:$0x2], $0x80, v4, vm0, $0xb8;
	[tilespmem:$0x10180] =	vst v63  }
0x8d: {  	v3 =	vperm.xlane v3, v2  }
0x8e: {  	[hbm4b:s4+s2] =	stream.indirect_vreg.scatter [tilespmem:s19], [sflag:$0x2], $0x80, v4, vm0, $0xb8;
	[tilespmem:$0x10180] =	vst v63  }
0x8f: {  	v3 =	vadd.s32 v1, v3  }
0x90: {  	[hbm4b:s5+s2] =	stream.indirect_vreg.scatter [tilespmem:s20], [sflag:$0x2], $0x80, v4, vm0, $0xb8;
	[tilespmem:$0x10180] =	vst v63  }
0x91: {  	_ = 	snop  }
0x92: {  	[hbm4b:s6+s2] =	stream.indirect_vreg.scatter [tilespmem:s21], [sflag:$0x2], $0x80, v4, vm0, $0xb8;
	[tilespmem:$0x10180] =	vst v63  }
0x93: {  	_ = 	snop  }
0x94: {  	[hbm4b:s3+s2] =	stream.indirect_vreg.scatter [tilespmem:s22], [sflag:$0x2], $0x80, v3, vm0, $0xb8;
	[tilespmem:$0x10180] =	vst v63  }
0x95: {  	_ = 	snop  }
0x96: {  	[hbm4b:s4+s2] =	stream.indirect_vreg.scatter [tilespmem:s23], [sflag:$0x2], $0x80, v3, vm0, $0xb8;
	[tilespmem:$0x10180] =	vst v63  }
0x97: {  	_ = 	snop  }
0x98: {  	[hbm4b:s5+s2] =	stream.indirect_vreg.scatter [tilespmem:s24], [sflag:$0x2], $0x80, v3, vm0, $0xb8;
	[tilespmem:$0x10180] =	vst v63  }
0x99: {  	_ = 	snop  }
0x9a: {  	[hbm4b:s6+s2] =	stream.indirect_vreg.scatter [tilespmem:s25], [sflag:$0x2], $0x80, v3, vm0, $0xb8;
	[tilespmem:$0x10180] =	vst v63  }
0x9b: {  	v3 =	vld [tilespmem:$0x10110];
	_ =	sdelay $0x4  }
0x9c: {  	v61 =	vshll.u32 v3, $0x3  }
0x9d: {  	v3 =	vand.u32 $0x7, v3;
	v4 =	vand.u32 $0xFFFFFFC0, v61  }
0x9e: {  	v3 =	vor.u32 v3, v4  }
0x9f: {  	v4 =	vperm.xlane v3, v0;
	_ =	sdelay $0x1  }
0xa0: {  	v4 =	vadd.s32 v1, v4;
	_ =	sdelay $0x4  }
0xa1: {  	[hbm4b:s3+s2] =	stream.indirect_vreg.scatter [tilespmem:s26], [sflag:$0x2], $0x80, v4, vm0, $0xb8;
	[tilespmem:$0x10180] =	vst v63  }
0xa2: {  	v3 =	vperm.xlane v3, v2  }
0xa3: {  	[hbm4b:s4+s2] =	stream.indirect_vreg.scatter [tilespmem:s28], [sflag:$0x2], $0x80, v4, vm0, $0xb8;
	[tilespmem:$0x10180] =	vst v63  }
0xa4: {  	v3 =	vadd.s32 v1, v3  }
0xa5: {  	[hbm4b:s5+s2] =	stream.indirect_vreg.scatter [tilespmem:s29], [sflag:$0x2], $0x80, v4, vm0, $0xb8;
	[tilespmem:$0x10180] =	vst v63  }
0xa6: {  	_ = 	snop  }
0xa7: {  	[hbm4b:s6+s2] =	stream.indirect_vreg.scatter [tilespmem:s30], [sflag:$0x2], $0x80, v4, vm0, $0xb8;
	[tilespmem:$0x10180] =	vst v63  }
0xa8: {  	_ = 	snop  }
0xa9: {  	[hbm4b:s3+s2] =	stream.indirect_vreg.scatter [tilespmem:s31], [sflag:$0x2], $0x80, v3, vm0, $0xb8;
	[tilespmem:$0x10180] =	vst v63  }
0xaa: {  	s19 =	simm.s32 $0x6800  }
0xab: {  	[hbm4b:s4+s2] =	stream.indirect_vreg.scatter [tilespmem:s19], [sflag:$0x2], $0x80, v3, vm0, $0xb8;
	[tilespmem:$0x10180] =	vst v63  }
0xac: {  	_ = 	snop  }
0xad: {  	[hbm4b:s5+s2] =	stream.indirect_vreg.scatter [tilespmem:s1], [sflag:$0x2], $0x80, v3, vm0, $0xb8;
	[tilespmem:$0x10180] =	vst v63  }
0xae: {  	_ = 	snop  }
0xaf: {  	[hbm4b:s6+s2] =	stream.indirect_vreg.scatter [tilespmem:s9], [sflag:$0x2], $0x80, v3, vm0, $0xb8;
	[tilespmem:$0x10180] =	vst v63  }
0xb0: {  	v3 =	vld [tilespmem:$0x10120];
	_ =	sdelay $0x4  }
0xb1: {  	v62 =	vshll.u32 v3, $0x3  }
0xb2: {  	v3 =	vand.u32 $0x7, v3;
	v4 =	vand.u32 $0xFFFFFFC0, v62  }
0xb3: {  	v3 =	vor.u32 v3, v4  }
0xb4: {  	v4 =	vperm.xlane v3, v0;
	_ =	sdelay $0x1  }
0xb5: {  	v4 =	vadd.s32 v1, v4;
	_ =	sdelay $0x4  }
0xb6: {  	[hbm4b:s3+s2] =	stream.indirect_vreg.scatter [tilespmem:s10], [sflag:$0x2], $0x80, v4, vm0, $0xb8;
	[tilespmem:$0x10180] =	vst v63  }
0xb7: {  	v3 =	vperm.xlane v3, v2  }
0xb8: {  	[hbm4b:s4+s2] =	stream.indirect_vreg.scatter [tilespmem:s11], [sflag:$0x2], $0x80, v4, vm0, $0xb8;
	[tilespmem:$0x10180] =	vst v63  }
0xb9: {  	v3 =	vadd.s32 v1, v3  }
0xba: {  	[hbm4b:s5+s2] =	stream.indirect_vreg.scatter [tilespmem:s12], [sflag:$0x2], $0x80, v4, vm0, $0xb8;
	[tilespmem:$0x10180] =	vst v63  }
0xbb: {  	_ = 	snop  }
0xbc: {  	[hbm4b:s6+s2] =	stream.indirect_vreg.scatter [tilespmem:s13], [sflag:$0x2], $0x80, v4, vm0, $0xb8;
	[tilespmem:$0x10180] =	vst v63  }
0xbd: {  	_ = 	snop  }
0xbe: {  	[hbm4b:s3+s2] =	stream.indirect_vreg.scatter [tilespmem:s14], [sflag:$0x2], $0x80, v3, vm0, $0xb8;
	[tilespmem:$0x10180] =	vst v63  }
0xbf: {  	_ = 	snop  }
0xc0: {  	[hbm4b:s4+s2] =	stream.indirect_vreg.scatter [tilespmem:s15], [sflag:$0x2], $0x80, v3, vm0, $0xb8;
	[tilespmem:$0x10180] =	vst v63  }
0xc1: {  	_ = 	snop  }
0xc2: {  	[hbm4b:s5+s2] =	stream.indirect_vreg.scatter [tilespmem:s16], [sflag:$0x2], $0x80, v3, vm0, $0xb8;
	[tilespmem:$0x10180] =	vst v63  }
0xc3: {  	_ = 	snop  }
0xc4: {  	[hbm4b:s6+s2] =	stream.indirect_vreg.scatter [tilespmem:s17], [sflag:$0x2], $0x80, v3, vm0, $0xb8;
	[tilespmem:$0x10180] =	vst v63  }
0xc5: {  	v3 =	vld [tilespmem:$0x10130];
	_ =	sdelay $0x4  }
0xc6: {  	v63 =	vshll.u32 v3, $0x3  }
0xc7: {  	v3 =	vand.u32 $0x7, v3;
	v4 =	vand.u32 $0xFFFFFFC0, v63  }
0xc8: {  	v3 =	vor.u32 v3, v4  }
0xc9: {  	v4 =	vperm.xlane v3, v0;
	_ =	sdelay $0x1  }
0xca: {  	v4 =	vadd.s32 v1, v4;
	_ =	sdelay $0x4  }
0xcb: {  	[hbm4b:s3+s2] =	stream.indirect_vreg.scatter [tilespmem:s18], [sflag:$0x2], $0x80, v4, vm0, $0xb8;
	[tilespmem:$0x10180] =	vst v63  }
0xcc: {  	s20 =	simm.s32 $0xC800;
	v3 =	vperm.xlane v3, v2  }
0xcd: {  	[hbm4b:s4+s2] =	stream.indirect_vreg.scatter [tilespmem:s20], [sflag:$0x2], $0x80, v4, vm0, $0xb8;
	[tilespmem:$0x10180] =	vst v63  }
0xce: {  	s19 =	simm.s32 $0xD000;
	v3 =	vadd.s32 v1, v3  }
0xcf: {  	[hbm4b:s5+s2] =	stream.indirect_vreg.scatter [tilespmem:s19], [sflag:$0x2], $0x80, v4, vm0, $0xb8;
	[tilespmem:$0x10180] =	vst v63  }
0xd0: {  	s20 =	simm.s32 $0xD800  }
0xd1: {  	[hbm4b:s6+s2] =	stream.indirect_vreg.scatter [tilespmem:s20], [sflag:$0x2], $0x80, v4, vm0, $0xb8;
	[tilespmem:$0x10180] =	vst v63  }
0xd2: {  	s19 =	simm.s32 $0xE000  }
0xd3: {  	[hbm4b:s3+s2] =	stream.indirect_vreg.scatter [tilespmem:s19], [sflag:$0x2], $0x80, v3, vm0, $0xb8;
	[tilespmem:$0x10180] =	vst v63  }
0xd4: {  	s20 =	simm.s32 $0xE800  }
0xd5: {  	[hbm4b:s4+s2] =	stream.indirect_vreg.scatter [tilespmem:s20], [sflag:$0x2], $0x80, v3, vm0, $0xb8;
	[tilespmem:$0x10180] =	vst v63  }
0xd6: {  	s19 =	simm.s32 $0xF000  }
0xd7: {  	[hbm4b:s5+s2] =	stream.indirect_vreg.scatter [tilespmem:s19], [sflag:$0x2], $0x80, v3, vm0, $0xb8;
	[tilespmem:$0x10180] =	vst v63  }
0xd8: {  	s20 =	simm.s32 $0xF800;
	s19 =	simm.s32 $0x1  }
0xd9: {  	[hbm4b:s6+s2] =	stream.indirect_vreg.scatter [tilespmem:s20], [sflag:$0x2], $0x80, v3, vm0, $0xb8;
	[tilespmem:$0x10180] =	vst v63  }
0xda: {  	p0 =	sne.s32 s7, $0x1;
	_ =	swait.ge [sflag:s19], $0x10000  }
.Ltmp0:
0xdb: {  	[sflag:s19] =	ssyncset.done $0x0;
	(pc) =	sbr.rel @p0 .LBB2_1-.Ltmp0, $4  }
0xdc: {  	s20 =	simm.s32 $0x2;
	[sflag:s19] =	ssyncadd.s32 $0xFFFF0000  }
0xdd: {  	_ =	swait.ge [sflag:s20], $0x10000  }
0xde: {  	[sflag:s20] =	ssyncset.done $0x0  }
0xdf: {  	s7 =	sadd.s32 $0xFFFFFFFF, s7;
	[sflag:s20] =	ssyncadd.s32 $0xFFFF0000  }
0xe0: {  	_ =	sfence.sel $0x180000  }
0xe1: {  	[bflag:$0x0] =	sbarrier.arrive $0xFFFF  }
0xe2: {  	_ =	strace $0x90000047  }
0xe3: {  	s0 =	stileid.u32;
	[bflag:$0x2] =	sbarrier.arrive $0xFFFF  }
0xe4: {  	p0 =	sne.s32 s0, $0x0;
	s0 =	rddreg [dreg:$0x2]  }
0xe5: {  	s0 =	sadd.s32 @!p0 $0x100000, s0  }
0xe6: {  	[sflag:s0] =	ssyncadd.tile.s32 @!p0 $0x1;
	_ =	shalt  }
.Lfunc_end2:
_tile_overlayer_lowered:
.L_overlay_start_2:
0xe7: {  	(tag) =	ssettag $0x2  }
0xe8: {  	s0 =	rddreg [dreg:$0x0];
	s2 =	stileid.u32  }
0xe9: {  	s1 =	rddreg [dreg:$0x1];
	p0 =	sne.s32 s2, $0x0  }
0xea: {  	s3 =	rddreg [dreg:$0x2];
	[bflag:$0x3] =	sbarrier.arrive $0xFFFF;
	s2 =	simm.s32 @!p0 $0x1C03  }
0xeb: {  	[timem:s3], [sflag:s2] =	dma.local @!p0 [hbm:s0], s1  }
0xec: {  	s0 =	simm.s32 @!p0 $0x3  }
0xed: {  	_ =	swait.ge @!p0 [sflag:s0], s1  }
0xee: {  	s1 =	ssub.s32 @!p0 $0x0, s1;
	[sflag:s0] =	ssyncset.done @!p0 $0x0  }
0xef: {  	[sflag:s0] =	ssyncadd.s32 @!p0 s1  }
0xf0: {  	[bflag:$0x3] =	sbarrier.arrive $0xFFFF  }
0xf1: {  	_ =	shalt  }

</sc_bundles>
